<compile_context>
chip_gen: v7x
topology: tpu7x:2x2x1
jax: 0.10.2.dev20260603
libtpu: 0.0.44.dev20260713+nightly
codegen_flags: <defaults>
</compile_context>

<pallas_src>
import functools

import jax
import jax.numpy as jnp
from jax import lax
from jax.experimental import pallas as pl
from jax.experimental.pallas import tpu as pltpu
from jax.experimental.pallas import tpu_sc as plsc

EPS = 1e-5
N = 10000
E = 320000
H = 128
NPAD = 10240
NC = 2
NS = 16
NW = NC * NS
L = 16

EA_CHUNK = E // NW
EA_BATCHES = EA_CHUNK // L
HH = H // 2
CB = 128
CC_BATCH_PAIRS = 80
CC_CHUNK = 2 * CC_BATCH_PAIRS * CB
EPADC = NS * CC_CHUNK
HR = NPAD // 2
ACCR = HR + 128

_mesh = plsc.VectorSubcoreMesh(core_axis_name="c", subcore_axis_name="s")
_sc_params = pltpu.CompilerParams(needs_layout_passes=False,
                                  use_tc_tiling_on_sc=False)


@functools.partial(
    pl.kernel,
    out_type=[jax.ShapeDtypeStruct((NW, NPAD), jnp.float32) for _ in range(5)],
    mesh=_mesh,
    compiler_params=_sc_params,
    scratch_types=[
        pltpu.VMEM((EA_CHUNK,), jnp.int32),
        pltpu.VMEM((EA_CHUNK,), jnp.int32),
        pltpu.VMEM((EA_CHUNK,), jnp.float32),
        pltpu.VMEM((NPAD,), jnp.float32),
        pltpu.VMEM((NPAD,), jnp.float32),
        pltpu.VMEM((NPAD,), jnp.float32),
        pltpu.VMEM((NPAD,), jnp.float32),
        pltpu.VMEM((NPAD,), jnp.float32),
    ],
)
def _sc_edge_scan(src_hbm, dst_hbm, attr_hbm,
                  deg_out, mde_out, mda_out, mse_out, msa_out,
                  src_v, dst_v, attr_v, deg_v, mde_v, mda_v, mse_v, msa_v):
    c = lax.axis_index("c")
    s = lax.axis_index("s")
    tid = s * NC + c

    pltpu.sync_copy(src_hbm.at[tid], src_v)
    pltpu.sync_copy(dst_hbm.at[tid], dst_v)
    pltpu.sync_copy(attr_hbm.at[tid], attr_v)

    zeros16 = jnp.zeros((L,), jnp.float32)
    neg16 = jnp.full((L,), -1.0, jnp.float32)

    def init_fn(i, carry):
        sl = pl.ds(i * L, L)
        deg_v[sl] = zeros16
        mde_v[sl] = neg16
        mda_v[sl] = neg16
        mse_v[sl] = neg16
        msa_v[sl] = neg16
        return carry

    lax.fori_loop(0, NPAD // L, init_fn, 0)

    iota_f = jnp.arange(L, dtype=jnp.int32).astype(jnp.float32)
    base_f = (tid * EA_CHUNK).astype(jnp.float32)

    def winner_update(tab_e, tab_a, idx16, e16, a16):
        def cond(m32):
            return jnp.sum(m32) > 0

        def body(m32):
            plsc.store_scatter(tab_e, [idx16], e16, mask=m32 != 0)
            chk = plsc.load_gather(tab_e, [idx16])
            return (chk < e16).astype(jnp.int32)

        lax.while_loop(cond, body, jnp.ones((L,), jnp.int32))
        chk = plsc.load_gather(tab_e, [idx16])
        plsc.store_scatter(tab_a, [idx16], a16, mask=chk == e16)

    def batch_fn(b, carry):
        sl = pl.ds(b * L, L)
        d16 = dst_v[sl]
        s16 = src_v[sl]
        a16 = attr_v[sl]
        e16 = iota_f + (base_f + (b * L).astype(jnp.float32))
        plsc.addupdate_scatter(deg_v, [d16], a16)
        winner_update(mde_v, mda_v, d16, e16, a16)
        winner_update(mse_v, msa_v, s16, e16, a16)
        return carry

    lax.fori_loop(0, EA_BATCHES, batch_fn, 0)

    pltpu.sync_copy(deg_v, deg_out.at[tid])
    pltpu.sync_copy(mde_v, mde_out.at[tid])
    pltpu.sync_copy(mda_v, mda_out.at[tid])
    pltpu.sync_copy(mse_v, mse_out.at[tid])
    pltpu.sync_copy(msa_v, msa_out.at[tid])


@functools.partial(
    pl.kernel,
    out_type=[jax.ShapeDtypeStruct((NPAD, HH), jnp.float32) for _ in range(2)]
    + [jax.ShapeDtypeStruct((NC, NS, CC_CHUNK, HH), jnp.float32)],
    mesh=_mesh,
    compiler_params=_sc_params,
    scratch_types=[
        pltpu.VMEM((2 * CC_BATCH_PAIRS, CB), jnp.int32),
        pltpu.VMEM((2 * CC_BATCH_PAIRS, CB), jnp.int32),
        pltpu.VMEM((2 * CC_BATCH_PAIRS, CB), jnp.float32),
        pltpu.VMEM((CB, HH), jnp.float32),
        pltpu.VMEM((CB, HH), jnp.float32),
        pltpu.VMEM((CB, HH), jnp.float32),
        pltpu.VMEM((CB, HH), jnp.float32),
        pltpu.VMEM((CB,), jnp.int32),
        pltpu.VMEM((CB,), jnp.int32),
        pltpu.VMEM((CB,), jnp.int32),
        pltpu.VMEM((CB,), jnp.int32),
        pltpu.VMEM_SHARED((ACCR, HH), jnp.float32),
        pltpu.SemaphoreType.DMA,
        pltpu.SemaphoreType.DMA,
        pltpu.SemaphoreType.DMA,
        pltpu.SemaphoreType.DMA,
        pltpu.SemaphoreType.DMA,
        pltpu.SemaphoreType.DMA,
        pltpu.SemaphoreType.DMA,
        pltpu.SemaphoreType.DMA,
    ],
)
def _sc_conv_agg(g_hbm, src_hbm, dst_hbm, attr_hbm, zeros_hbm,
                 out_a, out_b, spill,
                 src_v, dst_v, attr_v, g0_v, g1_v, s0_v, s1_v,
                 di0_v, di1_v, di2_v, di3_v, acc,
                 gsem0a, gsem0b, gsem1a, gsem1b,
                 ssem0, ssem1, spsem0, spsem1):
    c = lax.axis_index("c")
    s = lax.axis_index("s")
    gc = g_hbm.at[c]
    def gather_start(j, g_ref, sema, semb):
        pltpu.async_copy(gc.at[src_v.at[j]], g_ref, sema)

    def gather_wait(j, g_ref, sema, semb):
        pltpu.make_async_copy(gc.at[src_v.at[j]], g_ref, sema).wait()

    pltpu.sync_copy(src_hbm.at[s], src_v)
    pltpu.sync_copy(dst_hbm.at[s], dst_v)
    pltpu.sync_copy(attr_hbm.at[s], attr_v)

    def scale(j, g_ref, s_ref):
        def grp_fn(r, carry):
            a16 = attr_v[j, pl.ds(r * L, L)]
            for l in range(L):
                a = a16[l]
                row = r * L + l
                for k in range(HH // L):
                    sl = pl.ds(k * L, L)
                    s_ref[row, sl] = g_ref[row, sl] * a
            return carry
        lax.fori_loop(0, CB // L, grp_fn, 0)

    def stage_dst(j, base, di_v):
        for k in range(CB // L):
            sl = pl.ds(k * L, L)
            loc = dst_v[j, sl] - base
            m = (loc >= 0) & (loc < HR)
            di_v[sl] = jnp.where(m, loc, HR)

    myspill = spill.at[c, s]

    def zero_and_barrier():
        zr = pl.ds(s * (ACCR // NS), ACCR // NS)
        pltpu.sync_copy(zeros_hbm.at[zr], acc.at[zr])
        plsc.subcore_barrier()

    def drain(base):
        plsc.subcore_barrier()
        dr = HR // NS
        acc_rows = pl.ds(s * dr, dr)
        out_rows = pl.ds(base + s * dr, dr)

        @pl.when(c == 0)
        def _():
            pltpu.sync_copy(acc.at[acc_rows], out_a.at[out_rows])

        @pl.when(c == 1)
        def _():
            pltpu.sync_copy(acc.at[acc_rows], out_b.at[out_rows])

        plsc.subcore_barrier()

    zero_and_barrier()
    gather_start(0, g0_v, gsem0a, gsem0b)

    def pair0_fn(i, carry2):
        j0 = 2 * i
        j1 = 2 * i + 1
        gather_start(j1, g1_v, gsem1a, gsem1b)
        gather_wait(j0, g0_v, gsem0a, gsem0b)

        @pl.when(i > 0)
        def _():
            pltpu.make_async_copy(s0_v, acc.at[di0_v], ssem0).wait()
            pltpu.make_async_copy(s0_v, myspill.at[pl.ds((j0 - 2) * CB, CB)],
                                  spsem0).wait()

        scale(j0, g0_v, s0_v)
        stage_dst(j0, 0, di0_v)
        pltpu.async_copy(s0_v, acc.at[di0_v], ssem0, add=True)
        pltpu.async_copy(s0_v, myspill.at[pl.ds(j0 * CB, CB)], spsem0)

        @pl.when(i < CC_BATCH_PAIRS - 1)
        def _():
            gather_start(j0 + 2, g0_v, gsem0a, gsem0b)

        gather_wait(j1, g1_v, gsem1a, gsem1b)

        @pl.when(i > 0)
        def _():
            pltpu.make_async_copy(s1_v, acc.at[di1_v], ssem1).wait()
            pltpu.make_async_copy(s1_v, myspill.at[pl.ds((j1 - 2) * CB, CB)],
                                  spsem1).wait()

        scale(j1, g1_v, s1_v)
        stage_dst(j1, 0, di1_v)
        pltpu.async_copy(s1_v, acc.at[di1_v], ssem1, add=True)
        pltpu.async_copy(s1_v, myspill.at[pl.ds(j1 * CB, CB)], spsem1)
        return carry2

    lax.fori_loop(0, CC_BATCH_PAIRS, pair0_fn, 0)
    last0 = 2 * CC_BATCH_PAIRS - 2
    last1 = 2 * CC_BATCH_PAIRS - 1
    pltpu.make_async_copy(s0_v, acc.at[di0_v], ssem0).wait()
    pltpu.make_async_copy(s0_v, myspill.at[pl.ds(last0 * CB, CB)],
                          spsem0).wait()
    pltpu.make_async_copy(s1_v, acc.at[di1_v], ssem1).wait()
    pltpu.make_async_copy(s1_v, myspill.at[pl.ds(last1 * CB, CB)],
                          spsem1).wait()
    drain(0)

    zero_and_barrier()
    rbufs = (s0_v, s1_v, g0_v, g1_v)
    rsems = (gsem0a, gsem0b, gsem1a, gsem1b)
    wsems = (ssem0, ssem1, spsem0, spsem1)
    dibufs = (di0_v, di1_v, di2_v, di3_v)
    NR = (2 * CC_BATCH_PAIRS) // 4

    for q in range(4):
        pltpu.async_copy(myspill.at[pl.ds(q * CB, CB)], rbufs[q], rsems[q])

    def ring_fn(i, carry2):
        j = 4 * i
        @pl.when(i > 0)
        def _():
            for q in range(4):
                pltpu.make_async_copy(rbufs[q], acc.at[dibufs[q]],
                                      wsems[q]).wait()
                pltpu.async_copy(myspill.at[pl.ds((j + q) * CB, CB)],
                                 rbufs[q], rsems[q])

        for q in range(4):
            pltpu.make_async_copy(myspill.at[pl.ds((j + q) * CB, CB)],
                                  rbufs[q], rsems[q]).wait()
            stage_dst(j + q, HR, dibufs[q])
            pltpu.async_copy(rbufs[q], acc.at[dibufs[q]], wsems[q], add=True)
        return carry2

    lax.fori_loop(0, NR, ring_fn, 0)
    for q in range(4):
        pltpu.make_async_copy(rbufs[q], acc.at[dibufs[q]], wsems[q]).wait()
    drain(HR)


NBLK = NPAD // 256


def _tc_combine_body(deg_ref, mde_ref, mda_ref, mse_ref, msa_ref,
                     dinv_ref, adst_ref, asrc_ref):
    deg = 1.0 + jnp.sum(deg_ref[:, :], axis=0, keepdims=True)
    dinv_ref[0, :, :] = jax.lax.rsqrt(deg)

    def sel(e_ref, a_ref):
        best_e = e_ref[0:1, :]
        best_a = a_ref[0:1, :]
        for i in range(1, NW):
            m = e_ref[i:i + 1, :] > best_e
            best_e = jnp.where(m, e_ref[i:i + 1, :], best_e)
            best_a = jnp.where(m, a_ref[i:i + 1, :], best_a)
        return best_a

    adst_ref[0, :, :] = sel(mde_ref, mda_ref)
    asrc_ref[0, :, :] = sel(mse_ref, msa_ref)


def _tc_combine(deg_p, mde_p, mda_p, mse_p, msa_p):
    part = pl.BlockSpec((NW, 256), lambda i: (0, i))
    vec = pl.BlockSpec((1, 1, 256), lambda i: (i, 0, 0))
    return pl.pallas_call(
        _tc_combine_body,
        grid=(NBLK,),
        in_specs=[part] * 5,
        out_specs=[vec] * 3,
        out_shape=[jax.ShapeDtypeStruct((NBLK, 1, 256), jnp.float32)] * 3,
    )(deg_p, mde_p, mda_p, mse_p, msa_p)


def _tc_front_body(x_ref, wl_ref, bl_ref, we_ref, be_ref, wg_ref,
                   adst_ref, asrc_ref, dinv_ref, hw_ref, g_ref):
    h = jnp.dot(x_ref[:, :], wl_ref[:, :],
                preferred_element_type=jnp.float32) + bl_ref[:, :]
    adst = adst_ref[:, :]
    asrc = asrc_ref[:, :]
    upd_d = jax.nn.relu(h + adst * we_ref[:, :] + be_ref[:, :])
    upd_s = jax.nn.relu(h + asrc * we_ref[:, :] + be_ref[:, :])
    h = jnp.where(adst >= 0, upd_d, jnp.where(asrc >= 0, upd_s, h))
    hw = jnp.dot(h, wg_ref[:, :], preferred_element_type=jnp.float32)
    hw_ref[:, :] = hw
    g = dinv_ref[:, :] * hw
    g_ref[0, :, :] = g[:, :HH]
    g_ref[1, :, :] = g[:, HH:]


def _tc_front(x_p, W_lin, b_lin, W_edge, b_edge, W_g0, adst_c, asrc_c, dinv_c):
    rows = pl.BlockSpec((256, H), lambda i: (i, 0))
    full = pl.BlockSpec((H, H), lambda i: (0, 0))
    vec = pl.BlockSpec((1, H), lambda i: (0, 0))
    col = pl.BlockSpec((256, 1), lambda i: (i, 0))
    gspec = pl.BlockSpec((2, 256, HH), lambda i: (0, i, 0))
    return pl.pallas_call(
        _tc_front_body,
        grid=(NBLK,),
        in_specs=[rows, full, vec, vec, vec, full, col, col, col],
        out_specs=[rows, gspec],
        out_shape=[jax.ShapeDtypeStruct((NPAD, H), jnp.float32),
                   jax.ShapeDtypeStruct((2, NPAD, HH), jnp.float32)],
    )(x_p, W_lin, b_lin, W_edge, b_edge, W_g0, adst_c, asrc_c, dinv_c)


def _tc_prebn_body(sa_ref, sb_ref, hw_ref, dinv_ref, b_ref,
                   pre_ref, sum_ref, ssq_ref):
    i = pl.program_id(0)
    dinv = dinv_ref[:, :]
    s = jnp.concatenate([sa_ref[:, :], sb_ref[:, :]], axis=1)
    pre = dinv * (s + dinv * hw_ref[:, :]) + b_ref[:, :]
    pre_ref[:, :] = pre
    rows = 256 * i + jax.lax.broadcasted_iota(jnp.int32, (256, 1), 0)
    prem = jnp.where(rows < N, pre, 0.0)
    sum_ref[0, :, :] = jnp.sum(prem, axis=0, keepdims=True)
    ssq_ref[0, :, :] = jnp.sum(prem * prem, axis=0, keepdims=True)


def _tc_prebn(s_a, s_b, hw, dinv_c, b):
    rows = pl.BlockSpec((256, H), lambda i: (i, 0))
    hrows = pl.BlockSpec((256, HH), lambda i: (i, 0))
    col = pl.BlockSpec((256, 1), lambda i: (i, 0))
    vec = pl.BlockSpec((1, H), lambda i: (0, 0))
    stat = pl.BlockSpec((1, 1, H), lambda i: (i, 0, 0))
    return pl.pallas_call(
        _tc_prebn_body,
        grid=(NBLK,),
        in_specs=[hrows, hrows, rows, col, vec],
        out_specs=[rows, stat, stat],
        out_shape=[jax.ShapeDtypeStruct((NPAD, H), jnp.float32),
                   jax.ShapeDtypeStruct((NBLK, 1, H), jnp.float32),
                   jax.ShapeDtypeStruct((NBLK, 1, H), jnp.float32)],
    )(s_a, s_b, hw, dinv_c, b)


def _tc_bnmm_body(pre_ref, sum_ref, ssq_ref, gam_ref, bet_ref, wg_ref,
                  dinv_ref, flag_ref, h0_ref, hw_ref, g_ref):
    m = jnp.sum(sum_ref[:, :], axis=0, keepdims=True) / N
    ex2 = jnp.sum(ssq_ref[:, :], axis=0, keepdims=True) / N
    v = ex2 - m * m
    h0 = gam_ref[:, :] * (pre_ref[:, :] - m) * jax.lax.rsqrt(v + EPS) + bet_ref[:, :]
    h0 = jnp.where(flag_ref[:, :] > 0, jax.nn.relu(h0), h0)
    h0_ref[:, :] = h0
    hw = jnp.dot(h0, wg_ref[:, :], preferred_element_type=jnp.float32)
    hw_ref[:, :] = hw
    g = dinv_ref[:, :] * hw
    g_ref[0, :, :] = g[:, :HH]
    g_ref[1, :, :] = g[:, HH:]


def _tc_bnmm(pre, sums, ssqs, gamma, beta, W_g1, dinv_c, flag):
    rows = pl.BlockSpec((256, H), lambda i: (i, 0))
    stats = pl.BlockSpec((NBLK, H), lambda i: (0, 0))
    vec = pl.BlockSpec((1, H), lambda i: (0, 0))
    full = pl.BlockSpec((H, H), lambda i: (0, 0))
    col = pl.BlockSpec((256, 1), lambda i: (i, 0))
    gspec = pl.BlockSpec((2, 256, HH), lambda i: (0, i, 0))
    return pl.pallas_call(
        _tc_bnmm_body,
        grid=(NBLK,),
        in_specs=[rows, stats, stats, vec, vec, full, col, vec],
        out_specs=[rows, rows, gspec],
        out_shape=[jax.ShapeDtypeStruct((NPAD, H), jnp.float32),
                   jax.ShapeDtypeStruct((NPAD, H), jnp.float32),
                   jax.ShapeDtypeStruct((2, NPAD, HH), jnp.float32)],
    )(pre, sums, ssqs, gamma, beta, W_g1, dinv_c, flag)


def _tc_final_body(h0_ref, pre_ref, sum_ref, ssq_ref, gam_ref, bet_ref,
                   out_ref):
    m = jnp.sum(sum_ref[:, :], axis=0, keepdims=True) / N
    ex2 = jnp.sum(ssq_ref[:, :], axis=0, keepdims=True) / N
    v = ex2 - m * m
    h1 = gam_ref[:, :] * (pre_ref[:, :] - m) * jax.lax.rsqrt(v + EPS) + bet_ref[:, :]
    out_ref[:, :H] = h0_ref[:, :]
    out_ref[:, H:] = h1


def _tc_final(h0, pre1, sums1, ssqs1, gamma, beta):
    rows = pl.BlockSpec((256, H), lambda i: (i, 0))
    orows = pl.BlockSpec((256, 2 * H), lambda i: (i, 0))
    stats = pl.BlockSpec((NBLK, H), lambda i: (0, 0))
    vec = pl.BlockSpec((1, H), lambda i: (0, 0))
    return pl.pallas_call(
        _tc_final_body,
        grid=(NBLK,),
        in_specs=[rows, rows, stats, stats, vec, vec],
        out_specs=orows,
        out_shape=jax.ShapeDtypeStruct((NPAD, 2 * H), jnp.float32),
    )(h0, pre1, sums1, ssqs1, gamma, beta)


def kernel(x, edge_index, edge_attr, W_lin, b_lin, W_edge, b_edge,
           W_g0, b_g0, gamma0, beta0, W_g1, b_g1, gamma1, beta1):
    src = edge_index[0]
    dst = edge_index[1]

    srcA = src.reshape(NW, EA_CHUNK)
    dstA = dst.reshape(NW, EA_CHUNK)
    attrA = edge_attr.reshape(NW, EA_CHUNK)
    deg_p, mde_p, mda_p, mse_p, msa_p = _sc_edge_scan(srcA, dstA, attrA)

    dinv2d, adst2d, asrc2d = _tc_combine(deg_p, mde_p, mda_p, mse_p, msa_p)
    dinv_c = dinv2d.reshape(NPAD, 1)
    adst_c = adst2d.reshape(NPAD, 1)
    asrc_c = asrc2d.reshape(NPAD, 1)

    padn = EPADC - E
    srcC = jnp.pad(src, (0, padn)).reshape(NS, 2 * CC_BATCH_PAIRS, CB)
    dstC = jnp.pad(dst, (0, padn)).reshape(NS, 2 * CC_BATCH_PAIRS, CB)
    attrC = jnp.pad(edge_attr, (0, padn)).reshape(NS, 2 * CC_BATCH_PAIRS, CB)
    zeros = jnp.zeros((NPAD, HH), jnp.float32)

    x_p = jnp.pad(x, ((0, NPAD - N), (0, 0)))
    b_lin2 = b_lin.reshape(1, H)
    b_edge2 = b_edge.reshape(1, H)
    we2 = W_edge.reshape(1, H)

    hw0, g0 = _tc_front(x_p, W_lin, b_lin2, we2, b_edge2, W_g0,
                        adst_c, asrc_c, dinv_c)

    n_layers = 2 + edge_index[0, 0] // jnp.int32(2**30)
    bs = jnp.stack([b_g0.reshape(1, H), b_g1.reshape(1, H)])
    gams = jnp.stack([gamma0.reshape(1, H), gamma1.reshape(1, H)])
    bets = jnp.stack([beta0.reshape(1, H), beta1.reshape(1, H)])
    flags = jnp.stack([jnp.ones((1, H), jnp.float32),
                       jnp.zeros((1, H), jnp.float32)])

    def layer_step(k, carry):
        hw, g2, hs = carry
        b_k = lax.dynamic_index_in_dim(bs, k, 0, keepdims=False)
        gam_k = lax.dynamic_index_in_dim(gams, k, 0, keepdims=False)
        bet_k = lax.dynamic_index_in_dim(bets, k, 0, keepdims=False)
        flag_k = lax.dynamic_index_in_dim(flags, k, 0, keepdims=False)
        s_a, s_b, _ = _sc_conv_agg(g2, srcC, dstC, attrC, zeros)
        pre, sums, ssqs = _tc_prebn(s_a, s_b, hw, dinv_c, b_k)
        h_k, hw_n, g_n = _tc_bnmm(pre, sums.reshape(NBLK, H),
                                  ssqs.reshape(NBLK, H), gam_k, bet_k, W_g1,
                                  dinv_c, flag_k)
        hs = lax.dynamic_update_index_in_dim(hs, h_k, k, 0)
        return (hw_n, g_n, hs)

    hs0 = jnp.zeros((2, NPAD, H), jnp.float32)
    _, _, hs = lax.fori_loop(0, n_layers, layer_step, (hw0, g0, hs0))
    out = jnp.concatenate([hs[0], hs[1]], axis=1)
    return out[:N]

# --- scband reference (transcript-rebuilt; emitter-appended) ---
"""Pipeline reference for scband-gnn-backbone-60026462929462 (READ-ONLY COPY).

The authoritative reference and input builder live on the scoring server;
editing this copy changes nothing except your own understanding.
"""

import jax, jax.numpy as jnp
import numpy as np

N = 10000
E = 320000
D_IN = 128
H = 128
EPS = 1e-5


def setup_inputs(seed: int = 0) -> dict:
    key = jax.random.key(seed)
    ks = jax.random.split(key, 16)
    x = jax.random.normal(ks[0], (N, D_IN), dtype=jnp.float32)
    edge_index = jax.random.randint(ks[1], (2, E), 0, N)
    edge_attr = jax.random.uniform(ks[2], (E,), dtype=jnp.float32)
    W_lin = jax.random.normal(ks[3], (D_IN, H), dtype=jnp.float32) * 0.05
    b_lin = jnp.zeros((H,), dtype=jnp.float32)
    W_edge = jax.random.normal(ks[4], (1, H), dtype=jnp.float32) * 0.05
    b_edge = jnp.zeros((H,), dtype=jnp.float32)
    W_g0 = jax.random.normal(ks[5], (H, H), dtype=jnp.float32) * 0.05
    b_g0 = jnp.zeros((H,), dtype=jnp.float32)
    gamma0 = jnp.ones((H,), dtype=jnp.float32)
    beta0 = jnp.zeros((H,), dtype=jnp.float32)
    W_g1 = jax.random.normal(ks[6], (H, H), dtype=jnp.float32) * 0.05
    b_g1 = jnp.zeros((H,), dtype=jnp.float32)
    gamma1 = jnp.ones((H,), dtype=jnp.float32)
    beta1 = jnp.zeros((H,), dtype=jnp.float32)
    return {"x": x, "edge_index": edge_index, "edge_attr": edge_attr,
            "W_lin": W_lin, "b_lin": b_lin, "W_edge": W_edge, "b_edge": b_edge,
            "W_g0": W_g0, "b_g0": b_g0, "gamma0": gamma0, "beta0": beta0,
            "W_g1": W_g1, "b_g1": b_g1, "gamma1": gamma1, "beta1": beta1}


def gcn_conv(h, edge_index, edge_weight, W, b):
    n = h.shape[0]
    src = edge_index[0]
    dst = edge_index[1]
    loop = jnp.arange(n)
    src = jnp.concatenate([src, loop])
    dst = jnp.concatenate([dst, loop])
    ew = jnp.concatenate([edge_weight, jnp.ones((n,), dtype=h.dtype)])
    deg = jax.ops.segment_sum(ew, dst, num_segments=n)
    dinv = jnp.where(deg > 0, jax.lax.rsqrt(deg), 0.0)
    norm = dinv[src] * ew * dinv[dst]
    hw = h @ W
    msg = norm[:, None] * hw[src]
    out = jax.ops.segment_sum(msg, dst, num_segments=n) + b
    return out


def batch_norm(h, gamma, beta):
    m = jnp.mean(h, axis=0)
    v = jnp.var(h, axis=0)
    return gamma * (h - m) * jax.lax.rsqrt(v + EPS) + beta


def reference(x, edge_index, edge_attr, W_lin, b_lin, W_edge, b_edge,
              W_g0, b_g0, gamma0, beta0, W_g1, b_g1, gamma1, beta1):
    # lin_layer path (x.shape[1] != 1)
    h = x @ W_lin + b_lin
    # agg_edge: edge_encoder on edge_attr.unsqueeze(1)
    ee = edge_attr[:, None] @ W_edge + b_edge  # [E, H]
    src = edge_index[0]
    dst = edge_index[1]
    new_h = h.at[src].set(jax.nn.relu(h[src] + ee))
    new_h = new_h.at[dst].set(jax.nn.relu(h[dst] + ee))
    h = new_h
    # layer 0
    h = gcn_conv(h, edge_index, edge_attr, W_g0, b_g0)
    h = batch_norm(h, gamma0, beta0)
    h = jax.nn.relu(h)  # not last layer; dropout omitted (deterministic eval)
    h0 = h
    # layer 1 (last)
    h = gcn_conv(h, edge_index, edge_attr, W_g1, b_g1)
    h = batch_norm(h, gamma1, beta1)
    h1 = h  # dropout omitted
    return jnp.concatenate([h0, h1], axis=1)

if __name__ == "__main__":
    import jax
    _d = setup_inputs()
    print(jax.jit(kernel)(*tuple(_d.values())))

</pallas_src>

<mosaic_0001>
#map = affine_map<(d0, d1) -> (0, 0)>
module attributes {stable_mosaic.version = 14 : i64} {
  func.func @_sc_edge_scan(%arg0: i32, %arg1: i32, %arg2: memref<32x10000xi32, #tpu.memory_space<hbm>>, %arg3: memref<32x10000xi32, #tpu.memory_space<hbm>>, %arg4: memref<32x10000xf32, #tpu.memory_space<hbm>>, %arg5: memref<32x10240xf32, #tpu.memory_space<hbm>>, %arg6: memref<32x10240xf32, #tpu.memory_space<hbm>>, %arg7: memref<32x10240xf32, #tpu.memory_space<hbm>>, %arg8: memref<32x10240xf32, #tpu.memory_space<hbm>>, %arg9: memref<32x10240xf32, #tpu.memory_space<hbm>>, %arg10: memref<10000xi32, #tpu.memory_space<vmem>>, %arg11: memref<10000xi32, #tpu.memory_space<vmem>>, %arg12: memref<10000xf32, #tpu.memory_space<vmem>>, %arg13: memref<10240xf32, #tpu.memory_space<vmem>>, %arg14: memref<10240xf32, #tpu.memory_space<vmem>>, %arg15: memref<10240xf32, #tpu.memory_space<vmem>>, %arg16: memref<10240xf32, #tpu.memory_space<vmem>>, %arg17: memref<10240xf32, #tpu.memory_space<vmem>>) attributes {dimension_semantics = [#tpu.dimension_semantics<core_parallel>, #tpu.dimension_semantics<subcore_parallel>], iteration_bounds = array<i64: 2, 16>, scalar_prefetch = 0 : i64, scratch_operands = 8 : i64, tpu.core_type = #tpu.core_type<sc_vector_subcore>, window_params = [{transform_indices = #map}, {transform_indices = #map}, {transform_indices = #map}, {transform_indices = #map}, {transform_indices = #map}, {transform_indices = #map}, {transform_indices = #map}, {transform_indices = #map}]} {
    %mul3A = arith.constant 2 : i32
    %mul3A_0 = arith.muli %arg1, %mul3A : i32
    %add3A = arith.addi %mul3A_0, %arg0 : i32
    "tpu.region"() ({
      %run_scoped3A = tpu.sem_alloc : memref<!tpu.dma_semaphore, #tpu.memory_space<semaphore_mem>>
      %dma_start3A = arith.constant 0 : i32
      %dma_start3A_18 = tpu.memref_slice %arg2[%add3A, %dma_start3A] : memref<32x10000xi32, #tpu.memory_space<hbm>> -> memref<1x10000xi32, #tpu.memory_space<hbm>>
      %dma_start3A_19 = tpu.memref_squeeze %dma_start3A_18 : memref<1x10000xi32, #tpu.memory_space<hbm>> -> memref<10000xi32, #tpu.memory_space<hbm>>
      %dma_start3A_20 = arith.constant 0 : i32
      %dma_start3A_21 = tpu.memref_slice %arg2[%add3A, %dma_start3A_20] : memref<32x10000xi32, #tpu.memory_space<hbm>> -> memref<1x10000xi32, #tpu.memory_space<hbm>>
      %dma_start3A_22 = tpu.memref_squeeze %dma_start3A_21 : memref<1x10000xi32, #tpu.memory_space<hbm>> -> memref<10000xi32, #tpu.memory_space<hbm>>
      tpu.enqueue_dma source(%dma_start3A_22 : memref<10000xi32, #tpu.memory_space<hbm>>) target(%arg10 : memref<10000xi32, #tpu.memory_space<vmem>>) target_semaphore(%run_scoped3A : memref<!tpu.dma_semaphore, #tpu.memory_space<semaphore_mem>>)
      %dma_wait3A = arith.constant 0 : i32
      %dma_wait3A_23 = tpu.memref_slice %arg2[%add3A, %dma_wait3A] : memref<32x10000xi32, #tpu.memory_space<hbm>> -> memref<1x10000xi32, #tpu.memory_space<hbm>>
      %dma_wait3A_24 = tpu.memref_squeeze %dma_wait3A_23 : memref<1x10000xi32, #tpu.memory_space<hbm>> -> memref<10000xi32, #tpu.memory_space<hbm>>
      %dma_wait3A_25 = arith.constant 0 : i32
      %dma_wait3A_26 = tpu.memref_slice %arg2[%add3A, %dma_wait3A_25] : memref<32x10000xi32, #tpu.memory_space<hbm>> -> memref<1x10000xi32, #tpu.memory_space<hbm>>
      %dma_wait3A_27 = tpu.memref_squeeze %dma_wait3A_26 : memref<1x10000xi32, #tpu.memory_space<hbm>> -> memref<10000xi32, #tpu.memory_space<hbm>>
      tpu.wait_dma2 semaphore(%run_scoped3A : memref<!tpu.dma_semaphore, #tpu.memory_space<semaphore_mem>>) src(%dma_wait3A_27 : memref<10000xi32, #tpu.memory_space<hbm>>) dst(%arg10 : memref<10000xi32, #tpu.memory_space<vmem>>)
      tpu.yield
    }) : () -> ()
    "tpu.region"() ({
      %run_scoped3A = tpu.sem_alloc : memref<!tpu.dma_semaphore, #tpu.memory_space<semaphore_mem>>
      %dma_start3A = arith.constant 0 : i32
      %dma_start3A_18 = tpu.memref_slice %arg3[%add3A, %dma_start3A] : memref<32x10000xi32, #tpu.memory_space<hbm>> -> memref<1x10000xi32, #tpu.memory_space<hbm>>
      %dma_start3A_19 = tpu.memref_squeeze %dma_start3A_18 : memref<1x10000xi32, #tpu.memory_space<hbm>> -> memref<10000xi32, #tpu.memory_space<hbm>>
      %dma_start3A_20 = arith.constant 0 : i32
      %dma_start3A_21 = tpu.memref_slice %arg3[%add3A, %dma_start3A_20] : memref<32x10000xi32, #tpu.memory_space<hbm>> -> memref<1x10000xi32, #tpu.memory_space<hbm>>
      %dma_start3A_22 = tpu.memref_squeeze %dma_start3A_21 : memref<1x10000xi32, #tpu.memory_space<hbm>> -> memref<10000xi32, #tpu.memory_space<hbm>>
      tpu.enqueue_dma source(%dma_start3A_22 : memref<10000xi32, #tpu.memory_space<hbm>>) target(%arg11 : memref<10000xi32, #tpu.memory_space<vmem>>) target_semaphore(%run_scoped3A : memref<!tpu.dma_semaphore, #tpu.memory_space<semaphore_mem>>)
      %dma_wait3A = arith.constant 0 : i32
      %dma_wait3A_23 = tpu.memref_slice %arg3[%add3A, %dma_wait3A] : memref<32x10000xi32, #tpu.memory_space<hbm>> -> memref<1x10000xi32, #tpu.memory_space<hbm>>
      %dma_wait3A_24 = tpu.memref_squeeze %dma_wait3A_23 : memref<1x10000xi32, #tpu.memory_space<hbm>> -> memref<10000xi32, #tpu.memory_space<hbm>>
      %dma_wait3A_25 = arith.constant 0 : i32
      %dma_wait3A_26 = tpu.memref_slice %arg3[%add3A, %dma_wait3A_25] : memref<32x10000xi32, #tpu.memory_space<hbm>> -> memref<1x10000xi32, #tpu.memory_space<hbm>>
      %dma_wait3A_27 = tpu.memref_squeeze %dma_wait3A_26 : memref<1x10000xi32, #tpu.memory_space<hbm>> -> memref<10000xi32, #tpu.memory_space<hbm>>
      tpu.wait_dma2 semaphore(%run_scoped3A : memref<!tpu.dma_semaphore, #tpu.memory_space<semaphore_mem>>) src(%dma_wait3A_27 : memref<10000xi32, #tpu.memory_space<hbm>>) dst(%arg11 : memref<10000xi32, #tpu.memory_space<vmem>>)
      tpu.yield
    }) : () -> ()
    "tpu.region"() ({
      %run_scoped3A = tpu.sem_alloc : memref<!tpu.dma_semaphore, #tpu.memory_space<semaphore_mem>>
      %dma_start3A = arith.constant 0 : i32
      %dma_start3A_18 = tpu.memref_slice %arg4[%add3A, %dma_start3A] : memref<32x10000xf32, #tpu.memory_space<hbm>> -> memref<1x10000xf32, #tpu.memory_space<hbm>>
      %dma_start3A_19 = tpu.memref_squeeze %dma_start3A_18 : memref<1x10000xf32, #tpu.memory_space<hbm>> -> memref<10000xf32, #tpu.memory_space<hbm>>
      %dma_start3A_20 = arith.constant 0 : i32
      %dma_start3A_21 = tpu.memref_slice %arg4[%add3A, %dma_start3A_20] : memref<32x10000xf32, #tpu.memory_space<hbm>> -> memref<1x10000xf32, #tpu.memory_space<hbm>>
      %dma_start3A_22 = tpu.memref_squeeze %dma_start3A_21 : memref<1x10000xf32, #tpu.memory_space<hbm>> -> memref<10000xf32, #tpu.memory_space<hbm>>
      tpu.enqueue_dma source(%dma_start3A_22 : memref<10000xf32, #tpu.memory_space<hbm>>) target(%arg12 : memref<10000xf32, #tpu.memory_space<vmem>>) target_semaphore(%run_scoped3A : memref<!tpu.dma_semaphore, #tpu.memory_space<semaphore_mem>>)
      %dma_wait3A = arith.constant 0 : i32
      %dma_wait3A_23 = tpu.memref_slice %arg4[%add3A, %dma_wait3A] : memref<32x10000xf32, #tpu.memory_space<hbm>> -> memref<1x10000xf32, #tpu.memory_space<hbm>>
      %dma_wait3A_24 = tpu.memref_squeeze %dma_wait3A_23 : memref<1x10000xf32, #tpu.memory_space<hbm>> -> memref<10000xf32, #tpu.memory_space<hbm>>
      %dma_wait3A_25 = arith.constant 0 : i32
      %dma_wait3A_26 = tpu.memref_slice %arg4[%add3A, %dma_wait3A_25] : memref<32x10000xf32, #tpu.memory_space<hbm>> -> memref<1x10000xf32, #tpu.memory_space<hbm>>
      %dma_wait3A_27 = tpu.memref_squeeze %dma_wait3A_26 : memref<1x10000xf32, #tpu.memory_space<hbm>> -> memref<10000xf32, #tpu.memory_space<hbm>>
      tpu.wait_dma2 semaphore(%run_scoped3A : memref<!tpu.dma_semaphore, #tpu.memory_space<semaphore_mem>>) src(%dma_wait3A_27 : memref<10000xf32, #tpu.memory_space<hbm>>) dst(%arg12 : memref<10000xf32, #tpu.memory_space<vmem>>)
      tpu.yield
    }) : () -> ()
    %broadcast_in_dim3A = arith.constant 0.000000e+00 : f32
    %broadcast_in_dim3A_1 = vector.broadcast %broadcast_in_dim3A : f32 to vector<16xf32>
    %broadcast_in_dim3A_2 = arith.constant -1.000000e+00 : f32
    %broadcast_in_dim3A_3 = vector.broadcast %broadcast_in_dim3A_2 : f32 to vector<16xf32>
    %scan3A = arith.constant 0 : i32
    %scan3A_4 = arith.constant 0 : i32
    %scan3A_5 = arith.constant 640 : i32
    %scan3A_6 = arith.addi %scan3A_4, %scan3A_5 : i32
    %scan3A_7 = arith.constant 1 : i32
    scf.for %scan3A_18 = %scan3A_4 to %scan3A_6 step %scan3A_7  : i32 {
      %mul3A_19 = arith.constant 16 : i32
      %mul3A_20 = arith.muli %scan3A_18, %mul3A_19 : i32
      %swap3A = arith.index_cast %mul3A_20 : i32 to index
      %swap3A_21 = tpu.vector_load %arg13[%swap3A] {strides = array<i32>} : memref<10240xf32, #tpu.memory_space<vmem>>, vector<16xf32>,
      tpu.vector_store %arg13[%swap3A], %broadcast_in_dim3A_1 {strides = array<i32>} : memref<10240xf32, #tpu.memory_space<vmem>>, vector<16xf32>,
      %swap3A_22 = arith.index_cast %mul3A_20 : i32 to index
      %swap3A_23 = tpu.vector_load %arg14[%swap3A_22] {strides = array<i32>} : memref<10240xf32, #tpu.memory_space<vmem>>, vector<16xf32>,
      tpu.vector_store %arg14[%swap3A_22], %broadcast_in_dim3A_3 {strides = array<i32>} : memref<10240xf32, #tpu.memory_space<vmem>>, vector<16xf32>,
      %swap3A_24 = arith.index_cast %mul3A_20 : i32 to index
      %swap3A_25 = tpu.vector_load %arg15[%swap3A_24] {strides = array<i32>} : memref<10240xf32, #tpu.memory_space<vmem>>, vector<16xf32>,
      tpu.vector_store %arg15[%swap3A_24], %broadcast_in_dim3A_3 {strides = array<i32>} : memref<10240xf32, #tpu.memory_space<vmem>>, vector<16xf32>,
      %swap3A_26 = arith.index_cast %mul3A_20 : i32 to index
      %swap3A_27 = tpu.vector_load %arg16[%swap3A_26] {strides = array<i32>} : memref<10240xf32, #tpu.memory_space<vmem>>, vector<16xf32>,
      tpu.vector_store %arg16[%swap3A_26], %broadcast_in_dim3A_3 {strides = array<i32>} : memref<10240xf32, #tpu.memory_space<vmem>>, vector<16xf32>,
      %swap3A_28 = arith.index_cast %mul3A_20 : i32 to index
      %swap3A_29 = tpu.vector_load %arg17[%swap3A_28] {strides = array<i32>} : memref<10240xf32, #tpu.memory_space<vmem>>, vector<16xf32>,
      tpu.vector_store %arg17[%swap3A_28], %broadcast_in_dim3A_3 {strides = array<i32>} : memref<10240xf32, #tpu.memory_space<vmem>>, vector<16xf32>,
    }
    %scan3A_8 = arith.constant 640 : i32
    %iota3A = tpu.iota {dimensions = array<i32: 0>} : vector<16xi32>
    %convert_element_type3A = arith.sitofp %iota3A : vector<16xi32> to vector<16xf32>
    %mul3A_9 = arith.constant 10000 : i32
    %mul3A_10 = arith.muli %add3A, %mul3A_9 : i32
    %convert_element_type3A_11 = arith.sitofp %mul3A_10 : i32 to f32
    %scan3A_12 = arith.constant 0 : i32
    %scan3A_13 = arith.constant 0 : i32
    %scan3A_14 = arith.constant 625 : i32
    %scan3A_15 = arith.addi %scan3A_13, %scan3A_14 : i32
    %scan3A_16 = arith.constant 1 : i32
    scf.for %scan3A_18 = %scan3A_13 to %scan3A_15 step %scan3A_16  : i32 {
      %mul3A_19 = arith.constant 16 : i32
      %mul3A_20 = arith.muli %scan3A_18, %mul3A_19 : i32
      %get3A = arith.index_cast %mul3A_20 : i32 to index
      %get3A_21 = tpu.vector_load %arg11[%get3A] {strides = array<i32>} : memref<10000xi32, #tpu.memory_space<vmem>>, vector<16xi32>,
      %get3A_22 = arith.index_cast %mul3A_20 : i32 to index
      %get3A_23 = tpu.vector_load %arg10[%get3A_22] {strides = array<i32>} : memref<10000xi32, #tpu.memory_space<vmem>>, vector<16xi32>,
      %get3A_24 = arith.index_cast %mul3A_20 : i32 to index
      %get3A_25 = tpu.vector_load %arg12[%get3A_24] {strides = array<i32>} : memref<10000xf32, #tpu.memory_space<vmem>>, vector<16xf32>,
      %mul3A_26 = arith.constant 16 : i32
      %mul3A_27 = arith.muli %scan3A_18, %mul3A_26 : i32
      %convert_element_type3A_28 = arith.sitofp %mul3A_27 : i32 to f32
      %add3A_29 = arith.addf %convert_element_type3A_11, %convert_element_type3A_28 : f32
      %add3A_30 = vector.broadcast %add3A_29 : f32 to vector<16xf32>
      %add3A_31 = arith.addf %convert_element_type3A, %add3A_30 : vector<16xf32>
      tpu.vector_store_idx %arg13[%get3A_21], %get3A_25 {add = true} : memref<10240xf32, #tpu.memory_space<vmem>>[vector<16xi32>], vector<16xf32>,
      %broadcast_in_dim3A_32 = arith.constant 1 : i32
      %broadcast_in_dim3A_33 = vector.broadcast %broadcast_in_dim3A_32 : i32 to vector<16xi32>
      %while3A = scf.while (%while3A_39 = %broadcast_in_dim3A_33) : (vector<16xi32>) -> vector<16xi32> {
        %reduce_sum3A = arith.constant true
        %reduce_sum3A_40 = vector.broadcast %reduce_sum3A : i1 to vector<16xi1>
        %reduce_sum3A_41 = tpu.scan <sum>, %while3A_39 masked %reduce_sum3A_40 : vector<16xi32>, vector<16xi1> -> vector<16xi32>
        %reduce_sum3A_42 = vector.extract %reduce_sum3A_41[15] : i32 from vector<16xi32>
        %gt3A = arith.constant 0 : i32
        %gt3A_43 = arith.cmpi sgt, %reduce_sum3A_42, %gt3A : i32
        scf.condition(%gt3A_43) %while3A_39 : vector<16xi32>
      } do {
      ^bb0(%while3A_39: vector<16xi32>):
        %ne3A = arith.constant 0 : i32
        %ne3A_40 = vector.broadcast %ne3A : i32 to vector<16xi32>
        %ne3A_41 = arith.cmpi ne, %while3A_39, %ne3A_40 : vector<16xi32>
        tpu.vector_store_idx %arg14[%get3A_21], %add3A_31 masked %ne3A_41 : memref<10240xf32, #tpu.memory_space<vmem>>[vector<16xi32>], vector<16xf32>, vector<16xi1>
        %gather3A_42 = tpu.vector_load_idx %arg14[%get3A_21] : memref<10240xf32, #tpu.memory_space<vmem>>[vector<16xi32>], vector<16xf32>,
        %lt3A = arith.cmpf olt, %gather3A_42, %add3A_31 : vector<16xf32>
        %convert_element_type3A_43 = arith.extui %lt3A : vector<16xi1> to vector<16xi32>
        scf.yield %convert_element_type3A_43 : vector<16xi32>
      }
      %gather3A = tpu.vector_load_idx %arg14[%get3A_21] : memref<10240xf32, #tpu.memory_space<vmem>>[vector<16xi32>], vector<16xf32>,
      %eq3A = arith.cmpf oeq, %gather3A, %add3A_31 : vector<16xf32>
      tpu.vector_store_idx %arg15[%get3A_21], %get3A_25 masked %eq3A : memref<10240xf32, #tpu.memory_space<vmem>>[vector<16xi32>], vector<16xf32>, vector<16xi1>
      %broadcast_in_dim3A_34 = arith.constant 1 : i32
      %broadcast_in_dim3A_35 = vector.broadcast %broadcast_in_dim3A_34 : i32 to vector<16xi32>
      %while3A_36 = scf.while (%while3A_39 = %broadcast_in_dim3A_35) : (vector<16xi32>) -> vector<16xi32> {
        %reduce_sum3A = arith.constant true
        %reduce_sum3A_40 = vector.broadcast %reduce_sum3A : i1 to vector<16xi1>
        %reduce_sum3A_41 = tpu.scan <sum>, %while3A_39 masked %reduce_sum3A_40 : vector<16xi32>, vector<16xi1> -> vector<16xi32>
        %reduce_sum3A_42 = vector.extract %reduce_sum3A_41[15] : i32 from vector<16xi32>
        %gt3A = arith.constant 0 : i32
        %gt3A_43 = arith.cmpi sgt, %reduce_sum3A_42, %gt3A : i32
        scf.condition(%gt3A_43) %while3A_39 : vector<16xi32>
      } do {
      ^bb0(%while3A_39: vector<16xi32>):
        %ne3A = arith.constant 0 : i32
        %ne3A_40 = vector.broadcast %ne3A : i32 to vector<16xi32>
        %ne3A_41 = arith.cmpi ne, %while3A_39, %ne3A_40 : vector<16xi32>
        tpu.vector_store_idx %arg16[%get3A_23], %add3A_31 masked %ne3A_41 : memref<10240xf32, #tpu.memory_space<vmem>>[vector<16xi32>], vector<16xf32>, vector<16xi1>
        %gather3A_42 = tpu.vector_load_idx %arg16[%get3A_23] : memref<10240xf32, #tpu.memory_space<vmem>>[vector<16xi32>], vector<16xf32>,
        %lt3A = arith.cmpf olt, %gather3A_42, %add3A_31 : vector<16xf32>
        %convert_element_type3A_43 = arith.extui %lt3A : vector<16xi1> to vector<16xi32>
        scf.yield %convert_element_type3A_43 : vector<16xi32>
      }
      %gather3A_37 = tpu.vector_load_idx %arg16[%get3A_23] : memref<10240xf32, #tpu.memory_space<vmem>>[vector<16xi32>], vector<16xf32>,
      %eq3A_38 = arith.cmpf oeq, %gather3A_37, %add3A_31 : vector<16xf32>
      tpu.vector_store_idx %arg17[%get3A_23], %get3A_25 masked %eq3A_38 : memref<10240xf32, #tpu.memory_space<vmem>>[vector<16xi32>], vector<16xf32>, vector<16xi1>
    }
    %scan3A_17 = arith.constant 625 : i32
    "tpu.region"() ({
      %run_scoped3A = tpu.sem_alloc : memref<!tpu.dma_semaphore, #tpu.memory_space<semaphore_mem>>
      %dma_start3A = arith.constant 0 : i32
      %dma_start3A_18 = tpu.memref_slice %arg5[%add3A, %dma_start3A] : memref<32x10240xf32, #tpu.memory_space<hbm>> -> memref<1x10240xf32, #tpu.memory_space<hbm>>
      %dma_start3A_19 = tpu.memref_squeeze %dma_start3A_18 : memref<1x10240xf32, #tpu.memory_space<hbm>> -> memref<10240xf32, #tpu.memory_space<hbm>>
      %dma_start3A_20 = arith.constant 0 : i32
      %dma_start3A_21 = tpu.memref_slice %arg5[%add3A, %dma_start3A_20] : memref<32x10240xf32, #tpu.memory_space<hbm>> -> memref<1x10240xf32, #tpu.memory_space<hbm>>
      %dma_start3A_22 = tpu.memref_squeeze %dma_start3A_21 : memref<1x10240xf32, #tpu.memory_space<hbm>> -> memref<10240xf32, #tpu.memory_space<hbm>>
      tpu.enqueue_dma source(%arg13 : memref<10240xf32, #tpu.memory_space<vmem>>) target(%dma_start3A_22 : memref<10240xf32, #tpu.memory_space<hbm>>) target_semaphore(%run_scoped3A : memref<!tpu.dma_semaphore, #tpu.memory_space<semaphore_mem>>)
      %dma_wait3A = arith.constant 0 : i32
      %dma_wait3A_23 = tpu.memref_slice %arg5[%add3A, %dma_wait3A] : memref<32x10240xf32, #tpu.memory_space<hbm>> -> memref<1x10240xf32, #tpu.memory_space<hbm>>
      %dma_wait3A_24 = tpu.memref_squeeze %dma_wait3A_23 : memref<1x10240xf32, #tpu.memory_space<hbm>> -> memref<10240xf32, #tpu.memory_space<hbm>>
      %dma_wait3A_25 = arith.constant 0 : i32
      %dma_wait3A_26 = tpu.memref_slice %arg5[%add3A, %dma_wait3A_25] : memref<32x10240xf32, #tpu.memory_space<hbm>> -> memref<1x10240xf32, #tpu.memory_space<hbm>>
      %dma_wait3A_27 = tpu.memref_squeeze %dma_wait3A_26 : memref<1x10240xf32, #tpu.memory_space<hbm>> -> memref<10240xf32, #tpu.memory_space<hbm>>
      tpu.wait_dma2 semaphore(%run_scoped3A : memref<!tpu.dma_semaphore, #tpu.memory_space<semaphore_mem>>) src(%arg13 : memref<10240xf32, #tpu.memory_space<vmem>>) dst(%dma_wait3A_27 : memref<10240xf32, #tpu.memory_space<hbm>>)
      tpu.yield
    }) : () -> ()
    "tpu.region"() ({
      %run_scoped3A = tpu.sem_alloc : memref<!tpu.dma_semaphore, #tpu.memory_space<semaphore_mem>>
      %dma_start3A = arith.constant 0 : i32
      %dma_start3A_18 = tpu.memref_slice %arg6[%add3A, %dma_start3A] : memref<32x10240xf32, #tpu.memory_space<hbm>> -> memref<1x10240xf32, #tpu.memory_space<hbm>>
      %dma_start3A_19 = tpu.memref_squeeze %dma_start3A_18 : memref<1x10240xf32, #tpu.memory_space<hbm>> -> memref<10240xf32, #tpu.memory_space<hbm>>
      %dma_start3A_20 = arith.constant 0 : i32
      %dma_start3A_21 = tpu.memref_slice %arg6[%add3A, %dma_start3A_20] : memref<32x10240xf32, #tpu.memory_space<hbm>> -> memref<1x10240xf32, #tpu.memory_space<hbm>>
      %dma_start3A_22 = tpu.memref_squeeze %dma_start3A_21 : memref<1x10240xf32, #tpu.memory_space<hbm>> -> memref<10240xf32, #tpu.memory_space<hbm>>
      tpu.enqueue_dma source(%arg14 : memref<10240xf32, #tpu.memory_space<vmem>>) target(%dma_start3A_22 : memref<10240xf32, #tpu.memory_space<hbm>>) target_semaphore(%run_scoped3A : memref<!tpu.dma_semaphore, #tpu.memory_space<semaphore_mem>>)
      %dma_wait3A = arith.constant 0 : i32
      %dma_wait3A_23 = tpu.memref_slice %arg6[%add3A, %dma_wait3A] : memref<32x10240xf32, #tpu.memory_space<hbm>> -> memref<1x10240xf32, #tpu.memory_space<hbm>>
      %dma_wait3A_24 = tpu.memref_squeeze %dma_wait3A_23 : memref<1x10240xf32, #tpu.memory_space<hbm>> -> memref<10240xf32, #tpu.memory_space<hbm>>
      %dma_wait3A_25 = arith.constant 0 : i32
      %dma_wait3A_26 = tpu.memref_slice %arg6[%add3A, %dma_wait3A_25] : memref<32x10240xf32, #tpu.memory_space<hbm>> -> memref<1x10240xf32, #tpu.memory_space<hbm>>
      %dma_wait3A_27 = tpu.memref_squeeze %dma_wait3A_26 : memref<1x10240xf32, #tpu.memory_space<hbm>> -> memref<10240xf32, #tpu.memory_space<hbm>>
      tpu.wait_dma2 semaphore(%run_scoped3A : memref<!tpu.dma_semaphore, #tpu.memory_space<semaphore_mem>>) src(%arg14 : memref<10240xf32, #tpu.memory_space<vmem>>) dst(%dma_wait3A_27 : memref<10240xf32, #tpu.memory_space<hbm>>)
      tpu.yield
    }) : () -> ()
    "tpu.region"() ({
      %run_scoped3A = tpu.sem_alloc : memref<!tpu.dma_semaphore, #tpu.memory_space<semaphore_mem>>
      %dma_start3A = arith.constant 0 : i32
      %dma_start3A_18 = tpu.memref_slice %arg7[%add3A, %dma_start3A] : memref<32x10240xf32, #tpu.memory_space<hbm>> -> memref<1x10240xf32, #tpu.memory_space<hbm>>
      %dma_start3A_19 = tpu.memref_squeeze %dma_start3A_18 : memref<1x10240xf32, #tpu.memory_space<hbm>> -> memref<10240xf32, #tpu.memory_space<hbm>>
      %dma_start3A_20 = arith.constant 0 : i32
      %dma_start3A_21 = tpu.memref_slice %arg7[%add3A, %dma_start3A_20] : memref<32x10240xf32, #tpu.memory_space<hbm>> -> memref<1x10240xf32, #tpu.memory_space<hbm>>
      %dma_start3A_22 = tpu.memref_squeeze %dma_start3A_21 : memref<1x10240xf32, #tpu.memory_space<hbm>> -> memref<10240xf32, #tpu.memory_space<hbm>>
      tpu.enqueue_dma source(%arg15 : memref<10240xf32, #tpu.memory_space<vmem>>) target(%dma_start3A_22 : memref<10240xf32, #tpu.memory_space<hbm>>) target_semaphore(%run_scoped3A : memref<!tpu.dma_semaphore, #tpu.memory_space<semaphore_mem>>)
      %dma_wait3A = arith.constant 0 : i32
      %dma_wait3A_23 = tpu.memref_slice %arg7[%add3A, %dma_wait3A] : memref<32x10240xf32, #tpu.memory_space<hbm>> -> memref<1x10240xf32, #tpu.memory_space<hbm>>
      %dma_wait3A_24 = tpu.memref_squeeze %dma_wait3A_23 : memref<1x10240xf32, #tpu.memory_space<hbm>> -> memref<10240xf32, #tpu.memory_space<hbm>>
      %dma_wait3A_25 = arith.constant 0 : i32
      %dma_wait3A_26 = tpu.memref_slice %arg7[%add3A, %dma_wait3A_25] : memref<32x10240xf32, #tpu.memory_space<hbm>> -> memref<1x10240xf32, #tpu.memory_space<hbm>>
      %dma_wait3A_27 = tpu.memref_squeeze %dma_wait3A_26 : memref<1x10240xf32, #tpu.memory_space<hbm>> -> memref<10240xf32, #tpu.memory_space<hbm>>
      tpu.wait_dma2 semaphore(%run_scoped3A : memref<!tpu.dma_semaphore, #tpu.memory_space<semaphore_mem>>) src(%arg15 : memref<10240xf32, #tpu.memory_space<vmem>>) dst(%dma_wait3A_27 : memref<10240xf32, #tpu.memory_space<hbm>>)
      tpu.yield
    }) : () -> ()
    "tpu.region"() ({
      %run_scoped3A = tpu.sem_alloc : memref<!tpu.dma_semaphore, #tpu.memory_space<semaphore_mem>>
      %dma_start3A = arith.constant 0 : i32
      %dma_start3A_18 = tpu.memref_slice %arg8[%add3A, %dma_start3A] : memref<32x10240xf32, #tpu.memory_space<hbm>> -> memref<1x10240xf32, #tpu.memory_space<hbm>>
      %dma_start3A_19 = tpu.memref_squeeze %dma_start3A_18 : memref<1x10240xf32, #tpu.memory_space<hbm>> -> memref<10240xf32, #tpu.memory_space<hbm>>
      %dma_start3A_20 = arith.constant 0 : i32
      %dma_start3A_21 = tpu.memref_slice %arg8[%add3A, %dma_start3A_20] : memref<32x10240xf32, #tpu.memory_space<hbm>> -> memref<1x10240xf32, #tpu.memory_space<hbm>>
      %dma_start3A_22 = tpu.memref_squeeze %dma_start3A_21 : memref<1x10240xf32, #tpu.memory_space<hbm>> -> memref<10240xf32, #tpu.memory_space<hbm>>
      tpu.enqueue_dma source(%arg16 : memref<10240xf32, #tpu.memory_space<vmem>>) target(%dma_start3A_22 : memref<10240xf32, #tpu.memory_space<hbm>>) target_semaphore(%run_scoped3A : memref<!tpu.dma_semaphore, #tpu.memory_space<semaphore_mem>>)
      %dma_wait3A = arith.constant 0 : i32
      %dma_wait3A_23 = tpu.memref_slice %arg8[%add3A, %dma_wait3A] : memref<32x10240xf32, #tpu.memory_space<hbm>> -> memref<1x10240xf32, #tpu.memory_space<hbm>>
      %dma_wait3A_24 = tpu.memref_squeeze %dma_wait3A_23 : memref<1x10240xf32, #tpu.memory_space<hbm>> -> memref<10240xf32, #tpu.memory_space<hbm>>
      %dma_wait3A_25 = arith.constant 0 : i32
      %dma_wait3A_26 = tpu.memref_slice %arg8[%add3A, %dma_wait3A_25] : memref<32x10240xf32, #tpu.memory_space<hbm>> -> memref<1x10240xf32, #tpu.memory_space<hbm>>
      %dma_wait3A_27 = tpu.memref_squeeze %dma_wait3A_26 : memref<1x10240xf32, #tpu.memory_space<hbm>> -> memref<10240xf32, #tpu.memory_space<hbm>>
      tpu.wait_dma2 semaphore(%run_scoped3A : memref<!tpu.dma_semaphore, #tpu.memory_space<semaphore_mem>>) src(%arg16 : memref<10240xf32, #tpu.memory_space<vmem>>) dst(%dma_wait3A_27 : memref<10240xf32, #tpu.memory_space<hbm>>)
      tpu.yield
    }) : () -> ()
    "tpu.region"() ({
      %run_scoped3A = tpu.sem_alloc : memref<!tpu.dma_semaphore, #tpu.memory_space<semaphore_mem>>
      %dma_start3A = arith.constant 0 : i32
      %dma_start3A_18 = tpu.memref_slice %arg9[%add3A, %dma_start3A] : memref<32x10240xf32, #tpu.memory_space<hbm>> -> memref<1x10240xf32, #tpu.memory_space<hbm>>
      %dma_start3A_19 = tpu.memref_squeeze %dma_start3A_18 : memref<1x10240xf32, #tpu.memory_space<hbm>> -> memref<10240xf32, #tpu.memory_space<hbm>>
      %dma_start3A_20 = arith.constant 0 : i32
      %dma_start3A_21 = tpu.memref_slice %arg9[%add3A, %dma_start3A_20] : memref<32x10240xf32, #tpu.memory_space<hbm>> -> memref<1x10240xf32, #tpu.memory_space<hbm>>
      %dma_start3A_22 = tpu.memref_squeeze %dma_start3A_21 : memref<1x10240xf32, #tpu.memory_space<hbm>> -> memref<10240xf32, #tpu.memory_space<hbm>>
      tpu.enqueue_dma source(%arg17 : memref<10240xf32, #tpu.memory_space<vmem>>) target(%dma_start3A_22 : memref<10240xf32, #tpu.memory_space<hbm>>) target_semaphore(%run_scoped3A : memref<!tpu.dma_semaphore, #tpu.memory_space<semaphore_mem>>)
      %dma_wait3A = arith.constant 0 : i32
      %dma_wait3A_23 = tpu.memref_slice %arg9[%add3A, %dma_wait3A] : memref<32x10240xf32, #tpu.memory_space<hbm>> -> memref<1x10240xf32, #tpu.memory_space<hbm>>
      %dma_wait3A_24 = tpu.memref_squeeze %dma_wait3A_23 : memref<1x10240xf32, #tpu.memory_space<hbm>> -> memref<10240xf32, #tpu.memory_space<hbm>>
      %dma_wait3A_25 = arith.constant 0 : i32
      %dma_wait3A_26 = tpu.memref_slice %arg9[%add3A, %dma_wait3A_25] : memref<32x10240xf32, #tpu.memory_space<hbm>> -> memref<1x10240xf32, #tpu.memory_space<hbm>>
      %dma_wait3A_27 = tpu.memref_squeeze %dma_wait3A_26 : memref<1x10240xf32, #tpu.memory_space<hbm>> -> memref<10240xf32, #tpu.memory_space<hbm>>
      tpu.wait_dma2 semaphore(%run_scoped3A : memref<!tpu.dma_semaphore, #tpu.memory_space<semaphore_mem>>) src(%arg17 : memref<10240xf32, #tpu.memory_space<vmem>>) dst(%dma_wait3A_27 : memref<10240xf32, #tpu.memory_space<hbm>>)
      tpu.yield
    }) : () -> ()
    return
  }
}

#map = affine_map<(d0, d1) -> (0, 0, 0)>
#map1 = affine_map<(d0, d1) -> (0, 0)>
#map2 = affine_map<(d0, d1) -> (0, 0, 0, 0)>
module attributes {stable_mosaic.version = 14 : i64} {
  func.func @_sc_conv_agg(%arg0: i32, %arg1: i32, %arg2: memref<2x10240x64xf32, #tpu.memory_space<hbm>>, %arg3: memref<16x160x128xi32, #tpu.memory_space<hbm>>, %arg4: memref<16x160x128xi32, #tpu.memory_space<hbm>>, %arg5: memref<16x160x128xf32, #tpu.memory_space<hbm>>, %arg6: memref<10240x64xf32, #tpu.memory_space<hbm>>, %arg7: memref<10240x64xf32, #tpu.memory_space<hbm>>, %arg8: memref<10240x64xf32, #tpu.memory_space<hbm>>, %arg9: memref<2x16x20480x64xf32, #tpu.memory_space<hbm>>, %arg10: memref<160x128xi32, #tpu.memory_space<vmem>>, %arg11: memref<160x128xi32, #tpu.memory_space<vmem>>, %arg12: memref<160x128xf32, #tpu.memory_space<vmem>>, %arg13: memref<128x64xf32, #tpu.memory_space<vmem>>, %arg14: memref<128x64xf32, #tpu.memory_space<vmem>>, %arg15: memref<128x64xf32, #tpu.memory_space<vmem>>, %arg16: memref<128x64xf32, #tpu.memory_space<vmem>>, %arg17: memref<128xi32, #tpu.memory_space<vmem>>, %arg18: memref<128xi32, #tpu.memory_space<vmem>>, %arg19: memref<128xi32, #tpu.memory_space<vmem>>, %arg20: memref<128xi32, #tpu.memory_space<vmem>>, %arg21: memref<5248x64xf32, #tpu.memory_space<vmem_shared>>, %arg22: memref<!tpu.dma_semaphore, #tpu.memory_space<semaphore_mem>>, %arg23: memref<!tpu.dma_semaphore, #tpu.memory_space<semaphore_mem>>, %arg24: memref<!tpu.dma_semaphore, #tpu.memory_space<semaphore_mem>>, %arg25: memref<!tpu.dma_semaphore, #tpu.memory_space<semaphore_mem>>, %arg26: memref<!tpu.dma_semaphore, #tpu.memory_space<semaphore_mem>>, %arg27: memref<!tpu.dma_semaphore, #tpu.memory_space<semaphore_mem>>, %arg28: memref<!tpu.dma_semaphore, #tpu.memory_space<semaphore_mem>>, %arg29: memref<!tpu.dma_semaphore, #tpu.memory_space<semaphore_mem>>) attributes {dimension_semantics = [#tpu.dimension_semantics<core_parallel>, #tpu.dimension_semantics<subcore_parallel>], iteration_bounds = array<i64: 2, 16>, scalar_prefetch = 0 : i64, scratch_operands = 20 : i64, tpu.core_type = #tpu.core_type<sc_vector_subcore>, window_params = [{transform_indices = #map}, {transform_indices = #map}, {transform_indices = #map}, {transform_indices = #map}, {transform_indices = #map1}, {transform_indices = #map1}, {transform_indices = #map1}, {transform_indices = #map2}]} {
    "tpu.region"() ({
      %run_scoped3A = tpu.sem_alloc : memref<!tpu.dma_semaphore, #tpu.memory_space<semaphore_mem>>
      %dma_start3A_158 = arith.constant 0 : i32
      %dma_start3A_159 = arith.constant 0 : i32
      %dma_start3A_160 = tpu.memref_slice %arg3[%arg1, %dma_start3A_158, %dma_start3A_159] : memref<16x160x128xi32, #tpu.memory_space<hbm>> -> memref<1x160x128xi32, #tpu.memory_space<hbm>>
      %dma_start3A_161 = tpu.memref_squeeze %dma_start3A_160 : memref<1x160x128xi32, #tpu.memory_space<hbm>> -> memref<160x128xi32, #tpu.memory_space<hbm>>
      %dma_start3A_162 = arith.constant 0 : i32
      %dma_start3A_163 = arith.constant 0 : i32
      %dma_start3A_164 = tpu.memref_slice %arg3[%arg1, %dma_start3A_162, %dma_start3A_163] : memref<16x160x128xi32, #tpu.memory_space<hbm>> -> memref<1x160x128xi32, #tpu.memory_space<hbm>>
      %dma_start3A_165 = tpu.memref_squeeze %dma_start3A_164 : memref<1x160x128xi32, #tpu.memory_space<hbm>> -> memref<160x128xi32, #tpu.memory_space<hbm>>
      tpu.enqueue_dma source(%dma_start3A_165 : memref<160x128xi32, #tpu.memory_space<hbm>>) target(%arg10 : memref<160x128xi32, #tpu.memory_space<vmem>>) target_semaphore(%run_scoped3A : memref<!tpu.dma_semaphore, #tpu.memory_space<semaphore_mem>>)
      %dma_wait3A_166 = arith.constant 0 : i32
      %dma_wait3A_167 = arith.constant 0 : i32
      %dma_wait3A_168 = tpu.memref_slice %arg3[%arg1, %dma_wait3A_166, %dma_wait3A_167] : memref<16x160x128xi32, #tpu.memory_space<hbm>> -> memref<1x160x128xi32, #tpu.memory_space<hbm>>
      %dma_wait3A_169 = tpu.memref_squeeze %dma_wait3A_168 : memref<1x160x128xi32, #tpu.memory_space<hbm>> -> memref<160x128xi32, #tpu.memory_space<hbm>>
      %dma_wait3A_170 = arith.constant 0 : i32
      %dma_wait3A_171 = arith.constant 0 : i32
      %dma_wait3A_172 = tpu.memref_slice %arg3[%arg1, %dma_wait3A_170, %dma_wait3A_171] : memref<16x160x128xi32, #tpu.memory_space<hbm>> -> memref<1x160x128xi32, #tpu.memory_space<hbm>>
      %dma_wait3A_173 = tpu.memref_squeeze %dma_wait3A_172 : memref<1x160x128xi32, #tpu.memory_space<hbm>> -> memref<160x128xi32, #tpu.memory_space<hbm>>
      tpu.wait_dma2 semaphore(%run_scoped3A : memref<!tpu.dma_semaphore, #tpu.memory_space<semaphore_mem>>) src(%dma_wait3A_173 : memref<160x128xi32, #tpu.memory_space<hbm>>) dst(%arg10 : memref<160x128xi32, #tpu.memory_space<vmem>>)
      tpu.yield
    }) : () -> ()
    "tpu.region"() ({
      %run_scoped3A = tpu.sem_alloc : memref<!tpu.dma_semaphore, #tpu.memory_space<semaphore_mem>>
      %dma_start3A_158 = arith.constant 0 : i32
      %dma_start3A_159 = arith.constant 0 : i32
      %dma_start3A_160 = tpu.memref_slice %arg4[%arg1, %dma_start3A_158, %dma_start3A_159] : memref<16x160x128xi32, #tpu.memory_space<hbm>> -> memref<1x160x128xi32, #tpu.memory_space<hbm>>
      %dma_start3A_161 = tpu.memref_squeeze %dma_start3A_160 : memref<1x160x128xi32, #tpu.memory_space<hbm>> -> memref<160x128xi32, #tpu.memory_space<hbm>>
      %dma_start3A_162 = arith.constant 0 : i32
      %dma_start3A_163 = arith.constant 0 : i32
      %dma_start3A_164 = tpu.memref_slice %arg4[%arg1, %dma_start3A_162, %dma_start3A_163] : memref<16x160x128xi32, #tpu.memory_space<hbm>> -> memref<1x160x128xi32, #tpu.memory_space<hbm>>
      %dma_start3A_165 = tpu.memref_squeeze %dma_start3A_164 : memref<1x160x128xi32, #tpu.memory_space<hbm>> -> memref<160x128xi32, #tpu.memory_space<hbm>>
      tpu.enqueue_dma source(%dma_start3A_165 : memref<160x128xi32, #tpu.memory_space<hbm>>) target(%arg11 : memref<160x128xi32, #tpu.memory_space<vmem>>) target_semaphore(%run_scoped3A : memref<!tpu.dma_semaphore, #tpu.memory_space<semaphore_mem>>)
      %dma_wait3A_166 = arith.constant 0 : i32
      %dma_wait3A_167 = arith.constant 0 : i32
      %dma_wait3A_168 = tpu.memref_slice %arg4[%arg1, %dma_wait3A_166, %dma_wait3A_167] : memref<16x160x128xi32, #tpu.memory_space<hbm>> -> memref<1x160x128xi32, #tpu.memory_space<hbm>>
      %dma_wait3A_169 = tpu.memref_squeeze %dma_wait3A_168 : memref<1x160x128xi32, #tpu.memory_space<hbm>> -> memref<160x128xi32, #tpu.memory_space<hbm>>
      %dma_wait3A_170 = arith.constant 0 : i32
      %dma_wait3A_171 = arith.constant 0 : i32
      %dma_wait3A_172 = tpu.memref_slice %arg4[%arg1, %dma_wait3A_170, %dma_wait3A_171] : memref<16x160x128xi32, #tpu.memory_space<hbm>> -> memref<1x160x128xi32, #tpu.memory_space<hbm>>
      %dma_wait3A_173 = tpu.memref_squeeze %dma_wait3A_172 : memref<1x160x128xi32, #tpu.memory_space<hbm>> -> memref<160x128xi32, #tpu.memory_space<hbm>>
      tpu.wait_dma2 semaphore(%run_scoped3A : memref<!tpu.dma_semaphore, #tpu.memory_space<semaphore_mem>>) src(%dma_wait3A_173 : memref<160x128xi32, #tpu.memory_space<hbm>>) dst(%arg11 : memref<160x128xi32, #tpu.memory_space<vmem>>)
      tpu.yield
    }) : () -> ()
    "tpu.region"() ({
      %run_scoped3A = tpu.sem_alloc : memref<!tpu.dma_semaphore, #tpu.memory_space<semaphore_mem>>
      %dma_start3A_158 = arith.constant 0 : i32
      %dma_start3A_159 = arith.constant 0 : i32
      %dma_start3A_160 = tpu.memref_slice %arg5[%arg1, %dma_start3A_158, %dma_start3A_159] : memref<16x160x128xf32, #tpu.memory_space<hbm>> -> memref<1x160x128xf32, #tpu.memory_space<hbm>>
      %dma_start3A_161 = tpu.memref_squeeze %dma_start3A_160 : memref<1x160x128xf32, #tpu.memory_space<hbm>> -> memref<160x128xf32, #tpu.memory_space<hbm>>
      %dma_start3A_162 = arith.constant 0 : i32
      %dma_start3A_163 = arith.constant 0 : i32
      %dma_start3A_164 = tpu.memref_slice %arg5[%arg1, %dma_start3A_162, %dma_start3A_163] : memref<16x160x128xf32, #tpu.memory_space<hbm>> -> memref<1x160x128xf32, #tpu.memory_space<hbm>>
      %dma_start3A_165 = tpu.memref_squeeze %dma_start3A_164 : memref<1x160x128xf32, #tpu.memory_space<hbm>> -> memref<160x128xf32, #tpu.memory_space<hbm>>
      tpu.enqueue_dma source(%dma_start3A_165 : memref<160x128xf32, #tpu.memory_space<hbm>>) target(%arg12 : memref<160x128xf32, #tpu.memory_space<vmem>>) target_semaphore(%run_scoped3A : memref<!tpu.dma_semaphore, #tpu.memory_space<semaphore_mem>>)
      %dma_wait3A_166 = arith.constant 0 : i32
      %dma_wait3A_167 = arith.constant 0 : i32
      %dma_wait3A_168 = tpu.memref_slice %arg5[%arg1, %dma_wait3A_166, %dma_wait3A_167] : memref<16x160x128xf32, #tpu.memory_space<hbm>> -> memref<1x160x128xf32, #tpu.memory_space<hbm>>
      %dma_wait3A_169 = tpu.memref_squeeze %dma_wait3A_168 : memref<1x160x128xf32, #tpu.memory_space<hbm>> -> memref<160x128xf32, #tpu.memory_space<hbm>>
      %dma_wait3A_170 = arith.constant 0 : i32
      %dma_wait3A_171 = arith.constant 0 : i32
      %dma_wait3A_172 = tpu.memref_slice %arg5[%arg1, %dma_wait3A_170, %dma_wait3A_171] : memref<16x160x128xf32, #tpu.memory_space<hbm>> -> memref<1x160x128xf32, #tpu.memory_space<hbm>>
      %dma_wait3A_173 = tpu.memref_squeeze %dma_wait3A_172 : memref<1x160x128xf32, #tpu.memory_space<hbm>> -> memref<160x128xf32, #tpu.memory_space<hbm>>
      tpu.wait_dma2 semaphore(%run_scoped3A : memref<!tpu.dma_semaphore, #tpu.memory_space<semaphore_mem>>) src(%dma_wait3A_173 : memref<160x128xf32, #tpu.memory_space<hbm>>) dst(%arg12 : memref<160x128xf32, #tpu.memory_space<vmem>>)
      tpu.yield
    }) : () -> ()
    %mul3A = arith.constant 328 : i32
    %mul3A_0 = arith.muli %arg1, %mul3A : i32
    "tpu.region"() ({
      %run_scoped3A = tpu.sem_alloc : memref<!tpu.dma_semaphore, #tpu.memory_space<semaphore_mem>>
      %dma_start3A_158 = arith.constant 0 : i32
      %dma_start3A_159 = tpu.memref_slice %arg21[%mul3A_0, %dma_start3A_158] : memref<5248x64xf32, #tpu.memory_space<vmem_shared>> -> memref<328x64xf32, #tpu.memory_space<vmem_shared>>
      %dma_start3A_160 = arith.constant 0 : i32
      %dma_start3A_161 = tpu.memref_slice %arg6[%mul3A_0, %dma_start3A_160] : memref<10240x64xf32, #tpu.memory_space<hbm>> -> memref<328x64xf32, #tpu.memory_space<hbm>>
      tpu.enqueue_dma source(%dma_start3A_161 : memref<328x64xf32, #tpu.memory_space<hbm>>) target(%dma_start3A_159 : memref<328x64xf32, #tpu.memory_space<vmem_shared>>) target_semaphore(%run_scoped3A : memref<!tpu.dma_semaphore, #tpu.memory_space<semaphore_mem>>)
      %dma_wait3A_162 = arith.constant 0 : i32
      %dma_wait3A_163 = tpu.memref_slice %arg21[%mul3A_0, %dma_wait3A_162] : memref<5248x64xf32, #tpu.memory_space<vmem_shared>> -> memref<328x64xf32, #tpu.memory_space<vmem_shared>>
      %dma_wait3A_164 = arith.constant 0 : i32
      %dma_wait3A_165 = tpu.memref_slice %arg6[%mul3A_0, %dma_wait3A_164] : memref<10240x64xf32, #tpu.memory_space<hbm>> -> memref<328x64xf32, #tpu.memory_space<hbm>>
      tpu.wait_dma2 semaphore(%run_scoped3A : memref<!tpu.dma_semaphore, #tpu.memory_space<semaphore_mem>>) src(%dma_wait3A_165 : memref<328x64xf32, #tpu.memory_space<hbm>>) dst(%dma_wait3A_163 : memref<328x64xf32, #tpu.memory_space<vmem_shared>>)
      tpu.yield
    }) : () -> ()
    %barrier3A = arith.constant 0 : index
    tpu.barrier barrier_id(%barrier3A)
    %dma_start3A = arith.constant 0 : i32
    %dma_start3A_1 = arith.constant 0 : i32
    %dma_start3A_2 = tpu.memref_slice %arg10[%dma_start3A, %dma_start3A_1] : memref<160x128xi32, #tpu.memory_space<vmem>> -> memref<1x128xi32, #tpu.memory_space<vmem>>
    %dma_start3A_3 = tpu.memref_squeeze %dma_start3A_2 : memref<1x128xi32, #tpu.memory_space<vmem>> -> memref<128xi32, #tpu.memory_space<vmem>>
    %dma_start3A_4 = arith.constant 0 : i32
    %dma_start3A_5 = arith.constant 0 : i32
    %dma_start3A_6 = tpu.memref_slice %arg2[%arg0, %dma_start3A_4, %dma_start3A_5] : memref<2x10240x64xf32, #tpu.memory_space<hbm>> -> memref<1x10240x64xf32, #tpu.memory_space<hbm>>
    %dma_start3A_7 = tpu.memref_squeeze %dma_start3A_6 : memref<1x10240x64xf32, #tpu.memory_space<hbm>> -> memref<10240x64xf32, #tpu.memory_space<hbm>>
    %dma_start3A_8 = arith.constant 0 : i32
    %dma_start3A_9 = arith.constant 0 : i32
    %dma_start3A_10 = tpu.memref_slice %dma_start3A_7[%dma_start3A_8, %dma_start3A_9] : memref<10240x64xf32, #tpu.memory_space<hbm>> -> memref<10240x64xf32, #tpu.memory_space<hbm>>
    tpu.enqueue_indirect_dma source(%dma_start3A_10 : memref<10240x64xf32, #tpu.memory_space<hbm>>) target(%arg13 : memref<128x64xf32, #tpu.memory_space<vmem>>) offsets(%dma_start3A_3 : memref<128xi32, #tpu.memory_space<vmem>>) semaphore(%arg22 : memref<!tpu.dma_semaphore, #tpu.memory_space<semaphore_mem>>)
    %scan3A = arith.constant 0 : i32
    %scan3A_11 = arith.constant 0 : i32
    %scan3A_12 = arith.constant 80 : i32
    %scan3A_13 = arith.addi %scan3A_11, %scan3A_12 : i32
    %scan3A_14 = arith.constant 1 : i32
    scf.for %scan3A_158 = %scan3A_11 to %scan3A_13 step %scan3A_14  : i32 {
      %mul3A_159 = arith.constant 2 : i32
      %mul3A_160 = arith.muli %mul3A_159, %scan3A_158 : i32
      %mul3A_161 = arith.constant 2 : i32
      %mul3A_162 = arith.muli %mul3A_161, %scan3A_158 : i32
      %add3A_163 = arith.constant 1 : i32
      %add3A_164 = arith.addi %mul3A_162, %add3A_163 : i32
      %dma_start3A_165 = arith.constant 0 : i32
      %dma_start3A_166 = tpu.memref_slice %arg10[%add3A_164, %dma_start3A_165] : memref<160x128xi32, #tpu.memory_space<vmem>> -> memref<1x128xi32, #tpu.memory_space<vmem>>
      %dma_start3A_167 = tpu.memref_squeeze %dma_start3A_166 : memref<1x128xi32, #tpu.memory_space<vmem>> -> memref<128xi32, #tpu.memory_space<vmem>>
      %dma_start3A_168 = arith.constant 0 : i32
      %dma_start3A_169 = arith.constant 0 : i32
      %dma_start3A_170 = tpu.memref_slice %arg2[%arg0, %dma_start3A_168, %dma_start3A_169] : memref<2x10240x64xf32, #tpu.memory_space<hbm>> -> memref<1x10240x64xf32, #tpu.memory_space<hbm>>
      %dma_start3A_171 = tpu.memref_squeeze %dma_start3A_170 : memref<1x10240x64xf32, #tpu.memory_space<hbm>> -> memref<10240x64xf32, #tpu.memory_space<hbm>>
      %dma_start3A_172 = arith.constant 0 : i32
      %dma_start3A_173 = arith.constant 0 : i32
      %dma_start3A_174 = tpu.memref_slice %dma_start3A_171[%dma_start3A_172, %dma_start3A_173] : memref<10240x64xf32, #tpu.memory_space<hbm>> -> memref<10240x64xf32, #tpu.memory_space<hbm>>
      tpu.enqueue_indirect_dma source(%dma_start3A_174 : memref<10240x64xf32, #tpu.memory_space<hbm>>) target(%arg14 : memref<128x64xf32, #tpu.memory_space<vmem>>) offsets(%dma_start3A_167 : memref<128xi32, #tpu.memory_space<vmem>>) semaphore(%arg24 : memref<!tpu.dma_semaphore, #tpu.memory_space<semaphore_mem>>)
      %dma_wait3A_175 = arith.constant 0 : i32
      %dma_wait3A_176 = tpu.memref_slice %arg10[%mul3A_160, %dma_wait3A_175] : memref<160x128xi32, #tpu.memory_space<vmem>> -> memref<1x128xi32, #tpu.memory_space<vmem>>
      %dma_wait3A_177 = tpu.memref_squeeze %dma_wait3A_176 : memref<1x128xi32, #tpu.memory_space<vmem>> -> memref<128xi32, #tpu.memory_space<vmem>>
      %dma_wait3A_178 = arith.constant 0 : i32
      %dma_wait3A_179 = arith.constant 0 : i32
      %dma_wait3A_180 = tpu.memref_slice %arg2[%arg0, %dma_wait3A_178, %dma_wait3A_179] : memref<2x10240x64xf32, #tpu.memory_space<hbm>> -> memref<1x10240x64xf32, #tpu.memory_space<hbm>>
      %dma_wait3A_181 = tpu.memref_squeeze %dma_wait3A_180 : memref<1x10240x64xf32, #tpu.memory_space<hbm>> -> memref<10240x64xf32, #tpu.memory_space<hbm>>
      %dma_wait3A_182 = arith.constant 0 : i32
      %dma_wait3A_183 = arith.constant 0 : i32
      %dma_wait3A_184 = tpu.memref_slice %dma_wait3A_181[%dma_wait3A_182, %dma_wait3A_183] : memref<10240x64xf32, #tpu.memory_space<hbm>> -> memref<10240x64xf32, #tpu.memory_space<hbm>>
      tpu.wait_indirect_dma semaphore(%arg22 : memref<!tpu.dma_semaphore, #tpu.memory_space<semaphore_mem>>) src(%dma_wait3A_184 : memref<10240x64xf32, #tpu.memory_space<hbm>>) dst(%arg13 : memref<128x64xf32, #tpu.memory_space<vmem>>)
      %gt3A = arith.constant 0 : i32
      %gt3A_185 = arith.cmpi sgt, %scan3A_158, %gt3A : i32
      %convert_element_type3A_186 = arith.extui %gt3A_185 : i1 to i32
      %cond3A_187 = arith.constant 0 : i32
      %cond3A_188 = arith.cmpi ne, %convert_element_type3A_186, %cond3A_187 : i32
      scf.if %cond3A_188 {
        %dma_wait3A_534 = arith.constant 0 : i32
        %dma_wait3A_535 = arith.constant 0 : i32
        %dma_wait3A_536 = tpu.memref_slice %arg21[%dma_wait3A_534, %dma_wait3A_535] : memref<5248x64xf32, #tpu.memory_space<vmem_shared>> -> memref<5248x64xf32, #tpu.memory_space<vmem_shared>>
        tpu.wait_indirect_dma semaphore(%arg26 : memref<!tpu.dma_semaphore, #tpu.memory_space<semaphore_mem>>) src(%arg15 : memref<128x64xf32, #tpu.memory_space<vmem>>) dst(%dma_wait3A_536 : memref<5248x64xf32, #tpu.memory_space<vmem_shared>>)
        %sub3A_537 = arith.constant 2 : i32
        %sub3A_538 = arith.subi %mul3A_160, %sub3A_537 : i32
        %mul3A_539 = arith.constant 128 : i32
        %mul3A_540 = arith.muli %sub3A_538, %mul3A_539 : i32
        %dma_wait3A_541 = arith.constant 0 : i32
        %dma_wait3A_542 = arith.constant 0 : i32
        %dma_wait3A_543 = tpu.memref_slice %arg9[%arg0, %arg1, %dma_wait3A_541, %dma_wait3A_542] : memref<2x16x20480x64xf32, #tpu.memory_space<hbm>> -> memref<1x1x20480x64xf32, #tpu.memory_space<hbm>>
        %dma_wait3A_544 = tpu.memref_squeeze %dma_wait3A_543 : memref<1x1x20480x64xf32, #tpu.memory_space<hbm>> -> memref<20480x64xf32, #tpu.memory_space<hbm>>
        %dma_wait3A_545 = arith.constant 0 : i32
        %dma_wait3A_546 = tpu.memref_slice %dma_wait3A_544[%mul3A_540, %dma_wait3A_545] : memref<20480x64xf32, #tpu.memory_space<hbm>> -> memref<128x64xf32, #tpu.memory_space<hbm>>
        %dma_wait3A_547 = arith.constant 0 : i32
        %dma_wait3A_548 = arith.constant 0 : i32
        %dma_wait3A_549 = tpu.memref_slice %arg9[%arg0, %arg1, %dma_wait3A_547, %dma_wait3A_548] : memref<2x16x20480x64xf32, #tpu.memory_space<hbm>> -> memref<1x1x20480x64xf32, #tpu.memory_space<hbm>>
        %dma_wait3A_550 = tpu.memref_squeeze %dma_wait3A_549 : memref<1x1x20480x64xf32, #tpu.memory_space<hbm>> -> memref<20480x64xf32, #tpu.memory_space<hbm>>
        %dma_wait3A_551 = arith.constant 0 : i32
        %dma_wait3A_552 = tpu.memref_slice %dma_wait3A_550[%mul3A_540, %dma_wait3A_551] : memref<20480x64xf32, #tpu.memory_space<hbm>> -> memref<128x64xf32, #tpu.memory_space<hbm>>
        tpu.wait_dma2 semaphore(%arg28 : memref<!tpu.dma_semaphore, #tpu.memory_space<semaphore_mem>>) src(%arg15 : memref<128x64xf32, #tpu.memory_space<vmem>>) dst(%dma_wait3A_552 : memref<128x64xf32, #tpu.memory_space<hbm>>)
      } else {
      }
      %scan3A_189 = arith.constant 0 : i32
      %scan3A_190 = arith.constant 0 : i32
      %scan3A_191 = arith.constant 8 : i32
      %scan3A_192 = arith.addi %scan3A_190, %scan3A_191 : i32
      %scan3A_193 = arith.constant 1 : i32
      scf.for %scan3A_534 = %scan3A_190 to %scan3A_192 step %scan3A_193  : i32 {
        %mul3A_535 = arith.constant 16 : i32
        %mul3A_536 = arith.muli %scan3A_534, %mul3A_535 : i32
        %get3A_537 = arith.index_cast %mul3A_160 : i32 to index
        %get3A_538 = arith.index_cast %mul3A_536 : i32 to index
        %get3A_539 = tpu.vector_load %arg12[%get3A_537, %get3A_538] {strides = array<i32>} : memref<160x128xf32, #tpu.memory_space<vmem>>, vector<16xf32>,
        %slice3A = vector.extract_strided_slice %get3A_539 {offsets = [0], sizes = [1], strides = [1]} : vector<16xf32> to vector<1xf32>
        %squeeze3A = vector.extract %slice3A[0] : f32 from vector<1xf32>
        %mul3A_540 = arith.constant 16 : i32
        %mul3A_541 = arith.muli %scan3A_534, %mul3A_540 : i32
        %add3A_542 = arith.constant 0 : i32
        %add3A_543 = arith.addi %mul3A_541, %add3A_542 : i32
        %get3A_544 = arith.index_cast %add3A_543 : i32 to index
        %get3A_545 = arith.constant 0 : index
        %get3A_546 = tpu.vector_load %arg13[%get3A_544, %get3A_545] {strides = array<i32>} : memref<128x64xf32, #tpu.memory_space<vmem>>, vector<16xf32>,
        %mul3A_547 = vector.broadcast %squeeze3A : f32 to vector<16xf32>
        %mul3A_548 = arith.mulf %get3A_546, %mul3A_547 : vector<16xf32>
        %swap3A_549 = arith.index_cast %add3A_543 : i32 to index
        %swap3A_550 = arith.constant 0 : index
        %swap3A_551 = tpu.vector_load %arg15[%swap3A_549, %swap3A_550] {strides = array<i32>} : memref<128x64xf32, #tpu.memory_space<vmem>>, vector<16xf32>,
        tpu.vector_store %arg15[%swap3A_549, %swap3A_550], %mul3A_548 {strides = array<i32>} : memref<128x64xf32, #tpu.memory_space<vmem>>, vector<16xf32>,
        %get3A_552 = arith.index_cast %add3A_543 : i32 to index
        %get3A_553 = arith.constant 16 : index
        %get3A_554 = tpu.vector_load %arg13[%get3A_552, %get3A_553] {strides = array<i32>} : memref<128x64xf32, #tpu.memory_space<vmem>>, vector<16xf32>,
        %mul3A_555 = vector.broadcast %squeeze3A : f32 to vector<16xf32>
        %mul3A_556 = arith.mulf %get3A_554, %mul3A_555 : vector<16xf32>
        %swap3A_557 = arith.index_cast %add3A_543 : i32 to index
        %swap3A_558 = arith.constant 16 : index
        %swap3A_559 = tpu.vector_load %arg15[%swap3A_557, %swap3A_558] {strides = array<i32>} : memref<128x64xf32, #tpu.memory_space<vmem>>, vector<16xf32>,
        tpu.vector_store %arg15[%swap3A_557, %swap3A_558], %mul3A_556 {strides = array<i32>} : memref<128x64xf32, #tpu.memory_space<vmem>>, vector<16xf32>,
        %get3A_560 = arith.index_cast %add3A_543 : i32 to index
        %get3A_561 = arith.constant 32 : index
        %get3A_562 = tpu.vector_load %arg13[%get3A_560, %get3A_561] {strides = array<i32>} : memref<128x64xf32, #tpu.memory_space<vmem>>, vector<16xf32>,
        %mul3A_563 = vector.broadcast %squeeze3A : f32 to vector<16xf32>
        %mul3A_564 = arith.mulf %get3A_562, %mul3A_563 : vector<16xf32>
        %swap3A_565 = arith.index_cast %add3A_543 : i32 to index
        %swap3A_566 = arith.constant 32 : index
        %swap3A_567 = tpu.vector_load %arg15[%swap3A_565, %swap3A_566] {strides = array<i32>} : memref<128x64xf32, #tpu.memory_space<vmem>>, vector<16xf32>,
        tpu.vector_store %arg15[%swap3A_565, %swap3A_566], %mul3A_564 {strides = array<i32>} : memref<128x64xf32, #tpu.memory_space<vmem>>, vector<16xf32>,
        %get3A_568 = arith.index_cast %add3A_543 : i32 to index
        %get3A_569 = arith.constant 48 : index
        %get3A_570 = tpu.vector_load %arg13[%get3A_568, %get3A_569] {strides = array<i32>} : memref<128x64xf32, #tpu.memory_space<vmem>>, vector<16xf32>,
        %mul3A_571 = vector.broadcast %squeeze3A : f32 to vector<16xf32>
        %mul3A_572 = arith.mulf %get3A_570, %mul3A_571 : vector<16xf32>
        %swap3A_573 = arith.index_cast %add3A_543 : i32 to index
        %swap3A_574 = arith.constant 48 : index
        %swap3A_575 = tpu.vector_load %arg15[%swap3A_573, %swap3A_574] {strides = array<i32>} : memref<128x64xf32, #tpu.memory_space<vmem>>, vector<16xf32>,
        tpu.vector_store %arg15[%swap3A_573, %swap3A_574], %mul3A_572 {strides = array<i32>} : memref<128x64xf32, #tpu.memory_space<vmem>>, vector<16xf32>,
        %slice3A_576 = vector.extract_strided_slice %get3A_539 {offsets = [1], sizes = [1], strides = [1]} : vector<16xf32> to vector<1xf32>
        %squeeze3A_577 = vector.extract %slice3A_576[0] : f32 from vector<1xf32>
        %mul3A_578 = arith.constant 16 : i32
        %mul3A_579 = arith.muli %scan3A_534, %mul3A_578 : i32
        %add3A_580 = arith.constant 1 : i32
        %add3A_581 = arith.addi %mul3A_579, %add3A_580 : i32
        %get3A_582 = arith.index_cast %add3A_581 : i32 to index
        %get3A_583 = arith.constant 0 : index
        %get3A_584 = tpu.vector_load %arg13[%get3A_582, %get3A_583] {strides = array<i32>} : memref<128x64xf32, #tpu.memory_space<vmem>>, vector<16xf32>,
        %mul3A_585 = vector.broadcast %squeeze3A_577 : f32 to vector<16xf32>
        %mul3A_586 = arith.mulf %get3A_584, %mul3A_585 : vector<16xf32>
        %swap3A_587 = arith.index_cast %add3A_581 : i32 to index
        %swap3A_588 = arith.constant 0 : index
        %swap3A_589 = tpu.vector_load %arg15[%swap3A_587, %swap3A_588] {strides = array<i32>} : memref<128x64xf32, #tpu.memory_space<vmem>>, vector<16xf32>,
        tpu.vector_store %arg15[%swap3A_587, %swap3A_588], %mul3A_586 {strides = array<i32>} : memref<128x64xf32, #tpu.memory_space<vmem>>, vector<16xf32>,
        %get3A_590 = arith.index_cast %add3A_581 : i32 to index
        %get3A_591 = arith.constant 16 : index
        %get3A_592 = tpu.vector_load %arg13[%get3A_590, %get3A_591] {strides = array<i32>} : memref<128x64xf32, #tpu.memory_space<vmem>>, vector<16xf32>,
        %mul3A_593 = vector.broadcast %squeeze3A_577 : f32 to vector<16xf32>
        %mul3A_594 = arith.mulf %get3A_592, %mul3A_593 : vector<16xf32>
        %swap3A_595 = arith.index_cast %add3A_581 : i32 to index
        %swap3A_596 = arith.constant 16 : index
        %swap3A_597 = tpu.vector_load %arg15[%swap3A_595, %swap3A_596] {strides = array<i32>} : memref<128x64xf32, #tpu.memory_space<vmem>>, vector<16xf32>,
        tpu.vector_store %arg15[%swap3A_595, %swap3A_596], %mul3A_594 {strides = array<i32>} : memref<128x64xf32, #tpu.memory_space<vmem>>, vector<16xf32>,
        %get3A_598 = arith.index_cast %add3A_581 : i32 to index
        %get3A_599 = arith.constant 32 : index
        %get3A_600 = tpu.vector_load %arg13[%get3A_598, %get3A_599] {strides = array<i32>} : memref<128x64xf32, #tpu.memory_space<vmem>>, vector<16xf32>,
        %mul3A_601 = vector.broadcast %squeeze3A_577 : f32 to vector<16xf32>
        %mul3A_602 = arith.mulf %get3A_600, %mul3A_601 : vector<16xf32>
        %swap3A_603 = arith.index_cast %add3A_581 : i32 to index
        %swap3A_604 = arith.constant 32 : index
        %swap3A_605 = tpu.vector_load %arg15[%swap3A_603, %swap3A_604] {strides = array<i32>} : memref<128x64xf32, #tpu.memory_space<vmem>>, vector<16xf32>,
        tpu.vector_store %arg15[%swap3A_603, %swap3A_604], %mul3A_602 {strides = array<i32>} : memref<128x64xf32, #tpu.memory_space<vmem>>, vector<16xf32>,
        %get3A_606 = arith.index_cast %add3A_581 : i32 to index
        %get3A_607 = arith.constant 48 : index
        %get3A_608 = tpu.vector_load %arg13[%get3A_606, %get3A_607] {strides = array<i32>} : memref<128x64xf32, #tpu.memory_space<vmem>>, vector<16xf32>,
        %mul3A_609 = vector.broadcast %squeeze3A_577 : f32 to vector<16xf32>
        %mul3A_610 = arith.mulf %get3A_608, %mul3A_609 : vector<16xf32>
        %swap3A_611 = arith.index_cast %add3A_581 : i32 to index
        %swap3A_612 = arith.constant 48 : index
        %swap3A_613 = tpu.vector_load %arg15[%swap3A_611, %swap3A_612] {strides = array<i32>} : memref<128x64xf32, #tpu.memory_space<vmem>>, vector<16xf32>,
        tpu.vector_store %arg15[%swap3A_611, %swap3A_612], %mul3A_610 {strides = array<i32>} : memref<128x64xf32, #tpu.memory_space<vmem>>, vector<16xf32>,
        %slice3A_614 = vector.extract_strided_slice %get3A_539 {offsets = [2], sizes = [1], strides = [1]} : vector<16xf32> to vector<1xf32>
        %squeeze3A_615 = vector.extract %slice3A_614[0] : f32 from vector<1xf32>
        %mul3A_616 = arith.constant 16 : i32
        %mul3A_617 = arith.muli %scan3A_534, %mul3A_616 : i32
        %add3A_618 = arith.constant 2 : i32
        %add3A_619 = arith.addi %mul3A_617, %add3A_618 : i32
        %get3A_620 = arith.index_cast %add3A_619 : i32 to index
        %get3A_621 = arith.constant 0 : index
        %get3A_622 = tpu.vector_load %arg13[%get3A_620, %get3A_621] {strides = array<i32>} : memref<128x64xf32, #tpu.memory_space<vmem>>, vector<16xf32>,
        %mul3A_623 = vector.broadcast %squeeze3A_615 : f32 to vector<16xf32>
        %mul3A_624 = arith.mulf %get3A_622, %mul3A_623 : vector<16xf32>
        %swap3A_625 = arith.index_cast %add3A_619 : i32 to index
        %swap3A_626 = arith.constant 0 : index
        %swap3A_627 = tpu.vector_load %arg15[%swap3A_625, %swap3A_626] {strides = array<i32>} : memref<128x64xf32, #tpu.memory_space<vmem>>, vector<16xf32>,
        tpu.vector_store %arg15[%swap3A_625, %swap3A_626], %mul3A_624 {strides = array<i32>} : memref<128x64xf32, #tpu.memory_space<vmem>>, vector<16xf32>,
        %get3A_628 = arith.index_cast %add3A_619 : i32 to index
        %get3A_629 = arith.constant 16 : index
        %get3A_630 = tpu.vector_load %arg13[%get3A_628, %get3A_629] {strides = array<i32>} : memref<128x64xf32, #tpu.memory_space<vmem>>, vector<16xf32>,
        %mul3A_631 = vector.broadcast %squeeze3A_615 : f32 to vector<16xf32>
        %mul3A_632 = arith.mulf %get3A_630, %mul3A_631 : vector<16xf32>
        %swap3A_633 = arith.index_cast %add3A_619 : i32 to index
        %swap3A_634 = arith.constant 16 : index
        %swap3A_635 = tpu.vector_load %arg15[%swap3A_633, %swap3A_634] {strides = array<i32>} : memref<128x64xf32, #tpu.memory_space<vmem>>, vector<16xf32>,
        tpu.vector_store %arg15[%swap3A_633, %swap3A_634], %mul3A_632 {strides = array<i32>} : memref<128x64xf32, #tpu.memory_space<vmem>>, vector<16xf32>,
        %get3A_636 = arith.index_cast %add3A_619 : i32 to index
        %get3A_637 = arith.constant 32 : index
        %get3A_638 = tpu.vector_load %arg13[%get3A_636, %get3A_637] {strides = array<i32>} : memref<128x64xf32, #tpu.memory_space<vmem>>, vector<16xf32>,
        %mul3A_639 = vector.broadcast %squeeze3A_615 : f32 to vector<16xf32>
        %mul3A_640 = arith.mulf %get3A_638, %mul3A_639 : vector<16xf32>
        %swap3A_641 = arith.index_cast %add3A_619 : i32 to index
        %swap3A_642 = arith.constant 32 : index
        %swap3A_643 = tpu.vector_load %arg15[%swap3A_641, %swap3A_642] {strides = array<i32>} : memref<128x64xf32, #tpu.memory_space<vmem>>, vector<16xf32>,
        tpu.vector_store %arg15[%swap3A_641, %swap3A_642], %mul3A_640 {strides = array<i32>} : memref<128x64xf32, #tpu.memory_space<vmem>>, vector<16xf32>,
        %get3A_644 = arith.index_cast %add3A_619 : i32 to index
        %get3A_645 = arith.constant 48 : index
        %get3A_646 = tpu.vector_load %arg13[%get3A_644, %get3A_645] {strides = array<i32>} : memref<128x64xf32, #tpu.memory_space<vmem>>, vector<16xf32>,
        %mul3A_647 = vector.broadcast %squeeze3A_615 : f32 to vector<16xf32>
        %mul3A_648 = arith.mulf %get3A_646, %mul3A_647 : vector<16xf32>
        %swap3A_649 = arith.index_cast %add3A_619 : i32 to index
        %swap3A_650 = arith.constant 48 : index
        %swap3A_651 = tpu.vector_load %arg15[%swap3A_649, %swap3A_650] {strides = array<i32>} : memref<128x64xf32, #tpu.memory_space<vmem>>, vector<16xf32>,
        tpu.vector_store %arg15[%swap3A_649, %swap3A_650], %mul3A_648 {strides = array<i32>} : memref<128x64xf32, #tpu.memory_space<vmem>>, vector<16xf32>,
        %slice3A_652 = vector.extract_strided_slice %get3A_539 {offsets = [3], sizes = [1], strides = [1]} : vector<16xf32> to vector<1xf32>
        %squeeze3A_653 = vector.extract %slice3A_652[0] : f32 from vector<1xf32>
        %mul3A_654 = arith.constant 16 : i32
        %mul3A_655 = arith.muli %scan3A_534, %mul3A_654 : i32
        %add3A_656 = arith.constant 3 : i32
        %add3A_657 = arith.addi %mul3A_655, %add3A_656 : i32
        %get3A_658 = arith.index_cast %add3A_657 : i32 to index
        %get3A_659 = arith.constant 0 : index
        %get3A_660 = tpu.vector_load %arg13[%get3A_658, %get3A_659] {strides = array<i32>} : memref<128x64xf32, #tpu.memory_space<vmem>>, vector<16xf32>,
        %mul3A_661 = vector.broadcast %squeeze3A_653 : f32 to vector<16xf32>
        %mul3A_662 = arith.mulf %get3A_660, %mul3A_661 : vector<16xf32>
        %swap3A_663 = arith.index_cast %add3A_657 : i32 to index
        %swap3A_664 = arith.constant 0 : index
        %swap3A_665 = tpu.vector_load %arg15[%swap3A_663, %swap3A_664] {strides = array<i32>} : memref<128x64xf32, #tpu.memory_space<vmem>>, vector<16xf32>,
        tpu.vector_store %arg15[%swap3A_663, %swap3A_664], %mul3A_662 {strides = array<i32>} : memref<128x64xf32, #tpu.memory_space<vmem>>, vector<16xf32>,
        %get3A_666 = arith.index_cast %add3A_657 : i32 to index
        %get3A_667 = arith.constant 16 : index
        %get3A_668 = tpu.vector_load %arg13[%get3A_666, %get3A_667] {strides = array<i32>} : memref<128x64xf32, #tpu.memory_space<vmem>>, vector<16xf32>,
        %mul3A_669 = vector.broadcast %squeeze3A_653 : f32 to vector<16xf32>
        %mul3A_670 = arith.mulf %get3A_668, %mul3A_669 : vector<16xf32>
        %swap3A_671 = arith.index_cast %add3A_657 : i32 to index
        %swap3A_672 = arith.constant 16 : index
        %swap3A_673 = tpu.vector_load %arg15[%swap3A_671, %swap3A_672] {strides = array<i32>} : memref<128x64xf32, #tpu.memory_space<vmem>>, vector<16xf32>,
        tpu.vector_store %arg15[%swap3A_671, %swap3A_672], %mul3A_670 {strides = array<i32>} : memref<128x64xf32, #tpu.memory_space<vmem>>, vector<16xf32>,
        %get3A_674 = arith.index_cast %add3A_657 : i32 to index
        %get3A_675 = arith.constant 32 : index
        %get3A_676 = tpu.vector_load %arg13[%get3A_674, %get3A_675] {strides = array<i32>} : memref<128x64xf32, #tpu.memory_space<vmem>>, vector<16xf32>,
        %mul3A_677 = vector.broadcast %squeeze3A_653 : f32 to vector<16xf32>
        %mul3A_678 = arith.mulf %get3A_676, %mul3A_677 : vector<16xf32>
        %swap3A_679 = arith.index_cast %add3A_657 : i32 to index
        %swap3A_680 = arith.constant 32 : index
        %swap3A_681 = tpu.vector_load %arg15[%swap3A_679, %swap3A_680] {strides = array<i32>} : memref<128x64xf32, #tpu.memory_space<vmem>>, vector<16xf32>,
        tpu.vector_store %arg15[%swap3A_679, %swap3A_680], %mul3A_678 {strides = array<i32>} : memref<128x64xf32, #tpu.memory_space<vmem>>, vector<16xf32>,
        %get3A_682 = arith.index_cast %add3A_657 : i32 to index
        %get3A_683 = arith.constant 48 : index
        %get3A_684 = tpu.vector_load %arg13[%get3A_682, %get3A_683] {strides = array<i32>} : memref<128x64xf32, #tpu.memory_space<vmem>>, vector<16xf32>,
        %mul3A_685 = vector.broadcast %squeeze3A_653 : f32 to vector<16xf32>
        %mul3A_686 = arith.mulf %get3A_684, %mul3A_685 : vector<16xf32>
        %swap3A_687 = arith.index_cast %add3A_657 : i32 to index
        %swap3A_688 = arith.constant 48 : index
        %swap3A_689 = tpu.vector_load %arg15[%swap3A_687, %swap3A_688] {strides = array<i32>} : memref<128x64xf32, #tpu.memory_space<vmem>>, vector<16xf32>,
        tpu.vector_store %arg15[%swap3A_687, %swap3A_688], %mul3A_686 {strides = array<i32>} : memref<128x64xf32, #tpu.memory_space<vmem>>, vector<16xf32>,
        %slice3A_690 = vector.extract_strided_slice %get3A_539 {offsets = [4], sizes = [1], strides = [1]} : vector<16xf32> to vector<1xf32>
        %squeeze3A_691 = vector.extract %slice3A_690[0] : f32 from vector<1xf32>
        %mul3A_692 = arith.constant 16 : i32
        %mul3A_693 = arith.muli %scan3A_534, %mul3A_692 : i32
        %add3A_694 = arith.constant 4 : i32
        %add3A_695 = arith.addi %mul3A_693, %add3A_694 : i32
        %get3A_696 = arith.index_cast %add3A_695 : i32 to index
        %get3A_697 = arith.constant 0 : index
        %get3A_698 = tpu.vector_load %arg13[%get3A_696, %get3A_697] {strides = array<i32>} : memref<128x64xf32, #tpu.memory_space<vmem>>, vector<16xf32>,
        %mul3A_699 = vector.broadcast %squeeze3A_691 : f32 to vector<16xf32>
        %mul3A_700 = arith.mulf %get3A_698, %mul3A_699 : vector<16xf32>
        %swap3A_701 = arith.index_cast %add3A_695 : i32 to index
        %swap3A_702 = arith.constant 0 : index
        %swap3A_703 = tpu.vector_load %arg15[%swap3A_701, %swap3A_702] {strides = array<i32>} : memref<128x64xf32, #tpu.memory_space<vmem>>, vector<16xf32>,
        tpu.vector_store %arg15[%swap3A_701, %swap3A_702], %mul3A_700 {strides = array<i32>} : memref<128x64xf32, #tpu.memory_space<vmem>>, vector<16xf32>,
        %get3A_704 = arith.index_cast %add3A_695 : i32 to index
        %get3A_705 = arith.constant 16 : index
        %get3A_706 = tpu.vector_load %arg13[%get3A_704, %get3A_705] {strides = array<i32>} : memref<128x64xf32, #tpu.memory_space<vmem>>, vector<16xf32>,
        %mul3A_707 = vector.broadcast %squeeze3A_691 : f32 to vector<16xf32>
        %mul3A_708 = arith.mulf %get3A_706, %mul3A_707 : vector<16xf32>
        %swap3A_709 = arith.index_cast %add3A_695 : i32 to index
        %swap3A_710 = arith.constant 16 : index
        %swap3A_711 = tpu.vector_load %arg15[%swap3A_709, %swap3A_710] {strides = array<i32>} : memref<128x64xf32, #tpu.memory_space<vmem>>, vector<16xf32>,
        tpu.vector_store %arg15[%swap3A_709, %swap3A_710], %mul3A_708 {strides = array<i32>} : memref<128x64xf32, #tpu.memory_space<vmem>>, vector<16xf32>,
        %get3A_712 = arith.index_cast %add3A_695 : i32 to index
        %get3A_713 = arith.constant 32 : index
        %get3A_714 = tpu.vector_load %arg13[%get3A_712, %get3A_713] {strides = array<i32>} : memref<128x64xf32, #tpu.memory_space<vmem>>, vector<16xf32>,
        %mul3A_715 = vector.broadcast %squeeze3A_691 : f32 to vector<16xf32>
        %mul3A_716 = arith.mulf %get3A_714, %mul3A_715 : vector<16xf32>
        %swap3A_717 = arith.index_cast %add3A_695 : i32 to index
        %swap3A_718 = arith.constant 32 : index
        %swap3A_719 = tpu.vector_load %arg15[%swap3A_717, %swap3A_718] {strides = array<i32>} : memref<128x64xf32, #tpu.memory_space<vmem>>, vector<16xf32>,
        tpu.vector_store %arg15[%swap3A_717, %swap3A_718], %mul3A_716 {strides = array<i32>} : memref<128x64xf32, #tpu.memory_space<vmem>>, vector<16xf32>,
        %get3A_720 = arith.index_cast %add3A_695 : i32 to index
        %get3A_721 = arith.constant 48 : index
        %get3A_722 = tpu.vector_load %arg13[%get3A_720, %get3A_721] {strides = array<i32>} : memref<128x64xf32, #tpu.memory_space<vmem>>, vector<16xf32>,
        %mul3A_723 = vector.broadcast %squeeze3A_691 : f32 to vector<16xf32>
        %mul3A_724 = arith.mulf %get3A_722, %mul3A_723 : vector<16xf32>
        %swap3A_725 = arith.index_cast %add3A_695 : i32 to index
        %swap3A_726 = arith.constant 48 : index
        %swap3A_727 = tpu.vector_load %arg15[%swap3A_725, %swap3A_726] {strides = array<i32>} : memref<128x64xf32, #tpu.memory_space<vmem>>, vector<16xf32>,
        tpu.vector_store %arg15[%swap3A_725, %swap3A_726], %mul3A_724 {strides = array<i32>} : memref<128x64xf32, #tpu.memory_space<vmem>>, vector<16xf32>,
        %slice3A_728 = vector.extract_strided_slice %get3A_539 {offsets = [5], sizes = [1], strides = [1]} : vector<16xf32> to vector<1xf32>
        %squeeze3A_729 = vector.extract %slice3A_728[0] : f32 from vector<1xf32>
        %mul3A_730 = arith.constant 16 : i32
        %mul3A_731 = arith.muli %scan3A_534, %mul3A_730 : i32
        %add3A_732 = arith.constant 5 : i32
        %add3A_733 = arith.addi %mul3A_731, %add3A_732 : i32
        %get3A_734 = arith.index_cast %add3A_733 : i32 to index
        %get3A_735 = arith.constant 0 : index
        %get3A_736 = tpu.vector_load %arg13[%get3A_734, %get3A_735] {strides = array<i32>} : memref<128x64xf32, #tpu.memory_space<vmem>>, vector<16xf32>,
        %mul3A_737 = vector.broadcast %squeeze3A_729 : f32 to vector<16xf32>
        %mul3A_738 = arith.mulf %get3A_736, %mul3A_737 : vector<16xf32>
        %swap3A_739 = arith.index_cast %add3A_733 : i32 to index
        %swap3A_740 = arith.constant 0 : index
        %swap3A_741 = tpu.vector_load %arg15[%swap3A_739, %swap3A_740] {strides = array<i32>} : memref<128x64xf32, #tpu.memory_space<vmem>>, vector<16xf32>,
        tpu.vector_store %arg15[%swap3A_739, %swap3A_740], %mul3A_738 {strides = array<i32>} : memref<128x64xf32, #tpu.memory_space<vmem>>, vector<16xf32>,
        %get3A_742 = arith.index_cast %add3A_733 : i32 to index
        %get3A_743 = arith.constant 16 : index
        %get3A_744 = tpu.vector_load %arg13[%get3A_742, %get3A_743] {strides = array<i32>} : memref<128x64xf32, #tpu.memory_space<vmem>>, vector<16xf32>,
        %mul3A_745 = vector.broadcast %squeeze3A_729 : f32 to vector<16xf32>
        %mul3A_746 = arith.mulf %get3A_744, %mul3A_745 : vector<16xf32>
        %swap3A_747 = arith.index_cast %add3A_733 : i32 to index
        %swap3A_748 = arith.constant 16 : index
        %swap3A_749 = tpu.vector_load %arg15[%swap3A_747, %swap3A_748] {strides = array<i32>} : memref<128x64xf32, #tpu.memory_space<vmem>>, vector<16xf32>,
        tpu.vector_store %arg15[%swap3A_747, %swap3A_748], %mul3A_746 {strides = array<i32>} : memref<128x64xf32, #tpu.memory_space<vmem>>, vector<16xf32>,
        %get3A_750 = arith.index_cast %add3A_733 : i32 to index
        %get3A_751 = arith.constant 32 : index
        %get3A_752 = tpu.vector_load %arg13[%get3A_750, %get3A_751] {strides = array<i32>} : memref<128x64xf32, #tpu.memory_space<vmem>>, vector<16xf32>,
        %mul3A_753 = vector.broadcast %squeeze3A_729 : f32 to vector<16xf32>
        %mul3A_754 = arith.mulf %get3A_752, %mul3A_753 : vector<16xf32>
        %swap3A_755 = arith.index_cast %add3A_733 : i32 to index
        %swap3A_756 = arith.constant 32 : index
        %swap3A_757 = tpu.vector_load %arg15[%swap3A_755, %swap3A_756] {strides = array<i32>} : memref<128x64xf32, #tpu.memory_space<vmem>>, vector<16xf32>,
        tpu.vector_store %arg15[%swap3A_755, %swap3A_756], %mul3A_754 {strides = array<i32>} : memref<128x64xf32, #tpu.memory_space<vmem>>, vector<16xf32>,
        %get3A_758 = arith.index_cast %add3A_733 : i32 to index
        %get3A_759 = arith.constant 48 : index
        %get3A_760 = tpu.vector_load %arg13[%get3A_758, %get3A_759] {strides = array<i32>} : memref<128x64xf32, #tpu.memory_space<vmem>>, vector<16xf32>,
        %mul3A_761 = vector.broadcast %squeeze3A_729 : f32 to vector<16xf32>
        %mul3A_762 = arith.mulf %get3A_760, %mul3A_761 : vector<16xf32>
        %swap3A_763 = arith.index_cast %add3A_733 : i32 to index
        %swap3A_764 = arith.constant 48 : index
        %swap3A_765 = tpu.vector_load %arg15[%swap3A_763, %swap3A_764] {strides = array<i32>} : memref<128x64xf32, #tpu.memory_space<vmem>>, vector<16xf32>,
        tpu.vector_store %arg15[%swap3A_763, %swap3A_764], %mul3A_762 {strides = array<i32>} : memref<128x64xf32, #tpu.memory_space<vmem>>, vector<16xf32>,
        %slice3A_766 = vector.extract_strided_slice %get3A_539 {offsets = [6], sizes = [1], strides = [1]} : vector<16xf32> to vector<1xf32>
        %squeeze3A_767 = vector.extract %slice3A_766[0] : f32 from vector<1xf32>
        %mul3A_768 = arith.constant 16 : i32
        %mul3A_769 = arith.muli %scan3A_534, %mul3A_768 : i32
        %add3A_770 = arith.constant 6 : i32
        %add3A_771 = arith.addi %mul3A_769, %add3A_770 : i32
        %get3A_772 = arith.index_cast %add3A_771 : i32 to index
        %get3A_773 = arith.constant 0 : index
        %get3A_774 = tpu.vector_load %arg13[%get3A_772, %get3A_773] {strides = array<i32>} : memref<128x64xf32, #tpu.memory_space<vmem>>, vector<16xf32>,
        %mul3A_775 = vector.broadcast %squeeze3A_767 : f32 to vector<16xf32>
        %mul3A_776 = arith.mulf %get3A_774, %mul3A_775 : vector<16xf32>
        %swap3A_777 = arith.index_cast %add3A_771 : i32 to index
        %swap3A_778 = arith.constant 0 : index
        %swap3A_779 = tpu.vector_load %arg15[%swap3A_777, %swap3A_778] {strides = array<i32>} : memref<128x64xf32, #tpu.memory_space<vmem>>, vector<16xf32>,
        tpu.vector_store %arg15[%swap3A_777, %swap3A_778], %mul3A_776 {strides = array<i32>} : memref<128x64xf32, #tpu.memory_space<vmem>>, vector<16xf32>,
        %get3A_780 = arith.index_cast %add3A_771 : i32 to index
        %get3A_781 = arith.constant 16 : index
        %get3A_782 = tpu.vector_load %arg13[%get3A_780, %get3A_781] {strides = array<i32>} : memref<128x64xf32, #tpu.memory_space<vmem>>, vector<16xf32>,
        %mul3A_783 = vector.broadcast %squeeze3A_767 : f32 to vector<16xf32>
        %mul3A_784 = arith.mulf %get3A_782, %mul3A_783 : vector<16xf32>
        %swap3A_785 = arith.index_cast %add3A_771 : i32 to index
        %swap3A_786 = arith.constant 16 : index
        %swap3A_787 = tpu.vector_load %arg15[%swap3A_785, %swap3A_786] {strides = array<i32>} : memref<128x64xf32, #tpu.memory_space<vmem>>, vector<16xf32>,
        tpu.vector_store %arg15[%swap3A_785, %swap3A_786], %mul3A_784 {strides = array<i32>} : memref<128x64xf32, #tpu.memory_space<vmem>>, vector<16xf32>,
        %get3A_788 = arith.index_cast %add3A_771 : i32 to index
        %get3A_789 = arith.constant 32 : index
        %get3A_790 = tpu.vector_load %arg13[%get3A_788, %get3A_789] {strides = array<i32>} : memref<128x64xf32, #tpu.memory_space<vmem>>, vector<16xf32>,
        %mul3A_791 = vector.broadcast %squeeze3A_767 : f32 to vector<16xf32>
        %mul3A_792 = arith.mulf %get3A_790, %mul3A_791 : vector<16xf32>
        %swap3A_793 = arith.index_cast %add3A_771 : i32 to index
        %swap3A_794 = arith.constant 32 : index
        %swap3A_795 = tpu.vector_load %arg15[%swap3A_793, %swap3A_794] {strides = array<i32>} : memref<128x64xf32, #tpu.memory_space<vmem>>, vector<16xf32>,
        tpu.vector_store %arg15[%swap3A_793, %swap3A_794], %mul3A_792 {strides = array<i32>} : memref<128x64xf32, #tpu.memory_space<vmem>>, vector<16xf32>,
        %get3A_796 = arith.index_cast %add3A_771 : i32 to index
        %get3A_797 = arith.constant 48 : index
        %get3A_798 = tpu.vector_load %arg13[%get3A_796, %get3A_797] {strides = array<i32>} : memref<128x64xf32, #tpu.memory_space<vmem>>, vector<16xf32>,
        %mul3A_799 = vector.broadcast %squeeze3A_767 : f32 to vector<16xf32>
        %mul3A_800 = arith.mulf %get3A_798, %mul3A_799 : vector<16xf32>
        %swap3A_801 = arith.index_cast %add3A_771 : i32 to index
        %swap3A_802 = arith.constant 48 : index
        %swap3A_803 = tpu.vector_load %arg15[%swap3A_801, %swap3A_802] {strides = array<i32>} : memref<128x64xf32, #tpu.memory_space<vmem>>, vector<16xf32>,
        tpu.vector_store %arg15[%swap3A_801, %swap3A_802], %mul3A_800 {strides = array<i32>} : memref<128x64xf32, #tpu.memory_space<vmem>>, vector<16xf32>,
        %slice3A_804 = vector.extract_strided_slice %get3A_539 {offsets = [7], sizes = [1], strides = [1]} : vector<16xf32> to vector<1xf32>
        %squeeze3A_805 = vector.extract %slice3A_804[0] : f32 from vector<1xf32>
        %mul3A_806 = arith.constant 16 : i32
        %mul3A_807 = arith.muli %scan3A_534, %mul3A_806 : i32
        %add3A_808 = arith.constant 7 : i32
        %add3A_809 = arith.addi %mul3A_807, %add3A_808 : i32
        %get3A_810 = arith.index_cast %add3A_809 : i32 to index
        %get3A_811 = arith.constant 0 : index
        %get3A_812 = tpu.vector_load %arg13[%get3A_810, %get3A_811] {strides = array<i32>} : memref<128x64xf32, #tpu.memory_space<vmem>>, vector<16xf32>,
        %mul3A_813 = vector.broadcast %squeeze3A_805 : f32 to vector<16xf32>
        %mul3A_814 = arith.mulf %get3A_812, %mul3A_813 : vector<16xf32>
        %swap3A_815 = arith.index_cast %add3A_809 : i32 to index
        %swap3A_816 = arith.constant 0 : index
        %swap3A_817 = tpu.vector_load %arg15[%swap3A_815, %swap3A_816] {strides = array<i32>} : memref<128x64xf32, #tpu.memory_space<vmem>>, vector<16xf32>,
        tpu.vector_store %arg15[%swap3A_815, %swap3A_816], %mul3A_814 {strides = array<i32>} : memref<128x64xf32, #tpu.memory_space<vmem>>, vector<16xf32>,
        %get3A_818 = arith.index_cast %add3A_809 : i32 to index
        %get3A_819 = arith.constant 16 : index
        %get3A_820 = tpu.vector_load %arg13[%get3A_818, %get3A_819] {strides = array<i32>} : memref<128x64xf32, #tpu.memory_space<vmem>>, vector<16xf32>,
        %mul3A_821 = vector.broadcast %squeeze3A_805 : f32 to vector<16xf32>
        %mul3A_822 = arith.mulf %get3A_820, %mul3A_821 : vector<16xf32>
        %swap3A_823 = arith.index_cast %add3A_809 : i32 to index
        %swap3A_824 = arith.constant 16 : index
        %swap3A_825 = tpu.vector_load %arg15[%swap3A_823, %swap3A_824] {strides = array<i32>} : memref<128x64xf32, #tpu.memory_space<vmem>>, vector<16xf32>,
        tpu.vector_store %arg15[%swap3A_823, %swap3A_824], %mul3A_822 {strides = array<i32>} : memref<128x64xf32, #tpu.memory_space<vmem>>, vector<16xf32>,
        %get3A_826 = arith.index_cast %add3A_809 : i32 to index
        %get3A_827 = arith.constant 32 : index
        %get3A_828 = tpu.vector_load %arg13[%get3A_826, %get3A_827] {strides = array<i32>} : memref<128x64xf32, #tpu.memory_space<vmem>>, vector<16xf32>,
        %mul3A_829 = vector.broadcast %squeeze3A_805 : f32 to vector<16xf32>
        %mul3A_830 = arith.mulf %get3A_828, %mul3A_829 : vector<16xf32>
        %swap3A_831 = arith.index_cast %add3A_809 : i32 to index
        %swap3A_832 = arith.constant 32 : index
        %swap3A_833 = tpu.vector_load %arg15[%swap3A_831, %swap3A_832] {strides = array<i32>} : memref<128x64xf32, #tpu.memory_space<vmem>>, vector<16xf32>,
        tpu.vector_store %arg15[%swap3A_831, %swap3A_832], %mul3A_830 {strides = array<i32>} : memref<128x64xf32, #tpu.memory_space<vmem>>, vector<16xf32>,
        %get3A_834 = arith.index_cast %add3A_809 : i32 to index
        %get3A_835 = arith.constant 48 : index
        %get3A_836 = tpu.vector_load %arg13[%get3A_834, %get3A_835] {strides = array<i32>} : memref<128x64xf32, #tpu.memory_space<vmem>>, vector<16xf32>,
        %mul3A_837 = vector.broadcast %squeeze3A_805 : f32 to vector<16xf32>
        %mul3A_838 = arith.mulf %get3A_836, %mul3A_837 : vector<16xf32>
        %swap3A_839 = arith.index_cast %add3A_809 : i32 to index
        %swap3A_840 = arith.constant 48 : index
        %swap3A_841 = tpu.vector_load %arg15[%swap3A_839, %swap3A_840] {strides = array<i32>} : memref<128x64xf32, #tpu.memory_space<vmem>>, vector<16xf32>,
        tpu.vector_store %arg15[%swap3A_839, %swap3A_840], %mul3A_838 {strides = array<i32>} : memref<128x64xf32, #tpu.memory_space<vmem>>, vector<16xf32>,
        %slice3A_842 = vector.extract_strided_slice %get3A_539 {offsets = [8], sizes = [1], strides = [1]} : vector<16xf32> to vector<1xf32>
        %squeeze3A_843 = vector.extract %slice3A_842[0] : f32 from vector<1xf32>
        %mul3A_844 = arith.constant 16 : i32
        %mul3A_845 = arith.muli %scan3A_534, %mul3A_844 : i32
        %add3A_846 = arith.constant 8 : i32
        %add3A_847 = arith.addi %mul3A_845, %add3A_846 : i32
        %get3A_848 = arith.index_cast %add3A_847 : i32 to index
        %get3A_849 = arith.constant 0 : index
        %get3A_850 = tpu.vector_load %arg13[%get3A_848, %get3A_849] {strides = array<i32>} : memref<128x64xf32, #tpu.memory_space<vmem>>, vector<16xf32>,
        %mul3A_851 = vector.broadcast %squeeze3A_843 : f32 to vector<16xf32>
        %mul3A_852 = arith.mulf %get3A_850, %mul3A_851 : vector<16xf32>
        %swap3A_853 = arith.index_cast %add3A_847 : i32 to index
        %swap3A_854 = arith.constant 0 : index
        %swap3A_855 = tpu.vector_load %arg15[%swap3A_853, %swap3A_854] {strides = array<i32>} : memref<128x64xf32, #tpu.memory_space<vmem>>, vector<16xf32>,
        tpu.vector_store %arg15[%swap3A_853, %swap3A_854], %mul3A_852 {strides = array<i32>} : memref<128x64xf32, #tpu.memory_space<vmem>>, vector<16xf32>,
        %get3A_856 = arith.index_cast %add3A_847 : i32 to index
        %get3A_857 = arith.constant 16 : index
        %get3A_858 = tpu.vector_load %arg13[%get3A_856, %get3A_857] {strides = array<i32>} : memref<128x64xf32, #tpu.memory_space<vmem>>, vector<16xf32>,
        %mul3A_859 = vector.broadcast %squeeze3A_843 : f32 to vector<16xf32>
        %mul3A_860 = arith.mulf %get3A_858, %mul3A_859 : vector<16xf32>
        %swap3A_861 = arith.index_cast %add3A_847 : i32 to index
        %swap3A_862 = arith.constant 16 : index
        %swap3A_863 = tpu.vector_load %arg15[%swap3A_861, %swap3A_862] {strides = array<i32>} : memref<128x64xf32, #tpu.memory_space<vmem>>, vector<16xf32>,
        tpu.vector_store %arg15[%swap3A_861, %swap3A_862], %mul3A_860 {strides = array<i32>} : memref<128x64xf32, #tpu.memory_space<vmem>>, vector<16xf32>,
        %get3A_864 = arith.index_cast %add3A_847 : i32 to index
        %get3A_865 = arith.constant 32 : index
        %get3A_866 = tpu.vector_load %arg13[%get3A_864, %get3A_865] {strides = array<i32>} : memref<128x64xf32, #tpu.memory_space<vmem>>, vector<16xf32>,
        %mul3A_867 = vector.broadcast %squeeze3A_843 : f32 to vector<16xf32>
        %mul3A_868 = arith.mulf %get3A_866, %mul3A_867 : vector<16xf32>
        %swap3A_869 = arith.index_cast %add3A_847 : i32 to index
        %swap3A_870 = arith.constant 32 : index
        %swap3A_871 = tpu.vector_load %arg15[%swap3A_869, %swap3A_870] {strides = array<i32>} : memref<128x64xf32, #tpu.memory_space<vmem>>, vector<16xf32>,
        tpu.vector_store %arg15[%swap3A_869, %swap3A_870], %mul3A_868 {strides = array<i32>} : memref<128x64xf32, #tpu.memory_space<vmem>>, vector<16xf32>,
        %get3A_872 = arith.index_cast %add3A_847 : i32 to index
        %get3A_873 = arith.constant 48 : index
        %get3A_874 = tpu.vector_load %arg13[%get3A_872, %get3A_873] {strides = array<i32>} : memref<128x64xf32, #tpu.memory_space<vmem>>, vector<16xf32>,
        %mul3A_875 = vector.broadcast %squeeze3A_843 : f32 to vector<16xf32>
        %mul3A_876 = arith.mulf %get3A_874, %mul3A_875 : vector<16xf32>
        %swap3A_877 = arith.index_cast %add3A_847 : i32 to index
        %swap3A_878 = arith.constant 48 : index
        %swap3A_879 = tpu.vector_load %arg15[%swap3A_877, %swap3A_878] {strides = array<i32>} : memref<128x64xf32, #tpu.memory_space<vmem>>, vector<16xf32>,
        tpu.vector_store %arg15[%swap3A_877, %swap3A_878], %mul3A_876 {strides = array<i32>} : memref<128x64xf32, #tpu.memory_space<vmem>>, vector<16xf32>,
        %slice3A_880 = vector.extract_strided_slice %get3A_539 {offsets = [9], sizes = [1], strides = [1]} : vector<16xf32> to vector<1xf32>
        %squeeze3A_881 = vector.extract %slice3A_880[0] : f32 from vector<1xf32>
        %mul3A_882 = arith.constant 16 : i32
        %mul3A_883 = arith.muli %scan3A_534, %mul3A_882 : i32
        %add3A_884 = arith.constant 9 : i32
        %add3A_885 = arith.addi %mul3A_883, %add3A_884 : i32
        %get3A_886 = arith.index_cast %add3A_885 : i32 to index
        %get3A_887 = arith.constant 0 : index
        %get3A_888 = tpu.vector_load %arg13[%get3A_886, %get3A_887] {strides = array<i32>} : memref<128x64xf32, #tpu.memory_space<vmem>>, vector<16xf32>,
        %mul3A_889 = vector.broadcast %squeeze3A_881 : f32 to vector<16xf32>
        %mul3A_890 = arith.mulf %get3A_888, %mul3A_889 : vector<16xf32>
        %swap3A_891 = arith.index_cast %add3A_885 : i32 to index
        %swap3A_892 = arith.constant 0 : index
        %swap3A_893 = tpu.vector_load %arg15[%swap3A_891, %swap3A_892] {strides = array<i32>} : memref<128x64xf32, #tpu.memory_space<vmem>>, vector<16xf32>,
        tpu.vector_store %arg15[%swap3A_891, %swap3A_892], %mul3A_890 {strides = array<i32>} : memref<128x64xf32, #tpu.memory_space<vmem>>, vector<16xf32>,
        %get3A_894 = arith.index_cast %add3A_885 : i32 to index
        %get3A_895 = arith.constant 16 : index
        %get3A_896 = tpu.vector_load %arg13[%get3A_894, %get3A_895] {strides = array<i32>} : memref<128x64xf32, #tpu.memory_space<vmem>>, vector<16xf32>,
        %mul3A_897 = vector.broadcast %squeeze3A_881 : f32 to vector<16xf32>
        %mul3A_898 = arith.mulf %get3A_896, %mul3A_897 : vector<16xf32>
        %swap3A_899 = arith.index_cast %add3A_885 : i32 to index
        %swap3A_900 = arith.constant 16 : index
        %swap3A_901 = tpu.vector_load %arg15[%swap3A_899, %swap3A_900] {strides = array<i32>} : memref<128x64xf32, #tpu.memory_space<vmem>>, vector<16xf32>,
        tpu.vector_store %arg15[%swap3A_899, %swap3A_900], %mul3A_898 {strides = array<i32>} : memref<128x64xf32, #tpu.memory_space<vmem>>, vector<16xf32>,
        %get3A_902 = arith.index_cast %add3A_885 : i32 to index
        %get3A_903 = arith.constant 32 : index
        %get3A_904 = tpu.vector_load %arg13[%get3A_902, %get3A_903] {strides = array<i32>} : memref<128x64xf32, #tpu.memory_space<vmem>>, vector<16xf32>,
        %mul3A_905 = vector.broadcast %squeeze3A_881 : f32 to vector<16xf32>
        %mul3A_906 = arith.mulf %get3A_904, %mul3A_905 : vector<16xf32>
        %swap3A_907 = arith.index_cast %add3A_885 : i32 to index
        %swap3A_908 = arith.constant 32 : index
        %swap3A_909 = tpu.vector_load %arg15[%swap3A_907, %swap3A_908] {strides = array<i32>} : memref<128x64xf32, #tpu.memory_space<vmem>>, vector<16xf32>,
        tpu.vector_store %arg15[%swap3A_907, %swap3A_908], %mul3A_906 {strides = array<i32>} : memref<128x64xf32, #tpu.memory_space<vmem>>, vector<16xf32>,
        %get3A_910 = arith.index_cast %add3A_885 : i32 to index
        %get3A_911 = arith.constant 48 : index
        %get3A_912 = tpu.vector_load %arg13[%get3A_910, %get3A_911] {strides = array<i32>} : memref<128x64xf32, #tpu.memory_space<vmem>>, vector<16xf32>,
        %mul3A_913 = vector.broadcast %squeeze3A_881 : f32 to vector<16xf32>
        %mul3A_914 = arith.mulf %get3A_912, %mul3A_913 : vector<16xf32>
        %swap3A_915 = arith.index_cast %add3A_885 : i32 to index
        %swap3A_916 = arith.constant 48 : index
        %swap3A_917 = tpu.vector_load %arg15[%swap3A_915, %swap3A_916] {strides = array<i32>} : memref<128x64xf32, #tpu.memory_space<vmem>>, vector<16xf32>,
        tpu.vector_store %arg15[%swap3A_915, %swap3A_916], %mul3A_914 {strides = array<i32>} : memref<128x64xf32, #tpu.memory_space<vmem>>, vector<16xf32>,
        %slice3A_918 = vector.extract_strided_slice %get3A_539 {offsets = [10], sizes = [1], strides = [1]} : vector<16xf32> to vector<1xf32>
        %squeeze3A_919 = vector.extract %slice3A_918[0] : f32 from vector<1xf32>
        %mul3A_920 = arith.constant 16 : i32
        %mul3A_921 = arith.muli %scan3A_534, %mul3A_920 : i32
        %add3A_922 = arith.constant 10 : i32
        %add3A_923 = arith.addi %mul3A_921, %add3A_922 : i32
        %get3A_924 = arith.index_cast %add3A_923 : i32 to index
        %get3A_925 = arith.constant 0 : index
        %get3A_926 = tpu.vector_load %arg13[%get3A_924, %get3A_925] {strides = array<i32>} : memref<128x64xf32, #tpu.memory_space<vmem>>, vector<16xf32>,
        %mul3A_927 = vector.broadcast %squeeze3A_919 : f32 to vector<16xf32>
        %mul3A_928 = arith.mulf %get3A_926, %mul3A_927 : vector<16xf32>
        %swap3A_929 = arith.index_cast %add3A_923 : i32 to index
        %swap3A_930 = arith.constant 0 : index
        %swap3A_931 = tpu.vector_load %arg15[%swap3A_929, %swap3A_930] {strides = array<i32>} : memref<128x64xf32, #tpu.memory_space<vmem>>, vector<16xf32>,
        tpu.vector_store %arg15[%swap3A_929, %swap3A_930], %mul3A_928 {strides = array<i32>} : memref<128x64xf32, #tpu.memory_space<vmem>>, vector<16xf32>,
        %get3A_932 = arith.index_cast %add3A_923 : i32 to index
        %get3A_933 = arith.constant 16 : index
        %get3A_934 = tpu.vector_load %arg13[%get3A_932, %get3A_933] {strides = array<i32>} : memref<128x64xf32, #tpu.memory_space<vmem>>, vector<16xf32>,
        %mul3A_935 = vector.broadcast %squeeze3A_919 : f32 to vector<16xf32>
        %mul3A_936 = arith.mulf %get3A_934, %mul3A_935 : vector<16xf32>
        %swap3A_937 = arith.index_cast %add3A_923 : i32 to index
        %swap3A_938 = arith.constant 16 : index
        %swap3A_939 = tpu.vector_load %arg15[%swap3A_937, %swap3A_938] {strides = array<i32>} : memref<128x64xf32, #tpu.memory_space<vmem>>, vector<16xf32>,
        tpu.vector_store %arg15[%swap3A_937, %swap3A_938], %mul3A_936 {strides = array<i32>} : memref<128x64xf32, #tpu.memory_space<vmem>>, vector<16xf32>,
        %get3A_940 = arith.index_cast %add3A_923 : i32 to index
        %get3A_941 = arith.constant 32 : index
        %get3A_942 = tpu.vector_load %arg13[%get3A_940, %get3A_941] {strides = array<i32>} : memref<128x64xf32, #tpu.memory_space<vmem>>, vector<16xf32>,
        %mul3A_943 = vector.broadcast %squeeze3A_919 : f32 to vector<16xf32>
        %mul3A_944 = arith.mulf %get3A_942, %mul3A_943 : vector<16xf32>
        %swap3A_945 = arith.index_cast %add3A_923 : i32 to index
        %swap3A_946 = arith.constant 32 : index
        %swap3A_947 = tpu.vector_load %arg15[%swap3A_945, %swap3A_946] {strides = array<i32>} : memref<128x64xf32, #tpu.memory_space<vmem>>, vector<16xf32>,
        tpu.vector_store %arg15[%swap3A_945, %swap3A_946], %mul3A_944 {strides = array<i32>} : memref<128x64xf32, #tpu.memory_space<vmem>>, vector<16xf32>,
        %get3A_948 = arith.index_cast %add3A_923 : i32 to index
        %get3A_949 = arith.constant 48 : index
        %get3A_950 = tpu.vector_load %arg13[%get3A_948, %get3A_949] {strides = array<i32>} : memref<128x64xf32, #tpu.memory_space<vmem>>, vector<16xf32>,
        %mul3A_951 = vector.broadcast %squeeze3A_919 : f32 to vector<16xf32>
        %mul3A_952 = arith.mulf %get3A_950, %mul3A_951 : vector<16xf32>
        %swap3A_953 = arith.index_cast %add3A_923 : i32 to index
        %swap3A_954 = arith.constant 48 : index
        %swap3A_955 = tpu.vector_load %arg15[%swap3A_953, %swap3A_954] {strides = array<i32>} : memref<128x64xf32, #tpu.memory_space<vmem>>, vector<16xf32>,
        tpu.vector_store %arg15[%swap3A_953, %swap3A_954], %mul3A_952 {strides = array<i32>} : memref<128x64xf32, #tpu.memory_space<vmem>>, vector<16xf32>,
        %slice3A_956 = vector.extract_strided_slice %get3A_539 {offsets = [11], sizes = [1], strides = [1]} : vector<16xf32> to vector<1xf32>
        %squeeze3A_957 = vector.extract %slice3A_956[0] : f32 from vector<1xf32>
        %mul3A_958 = arith.constant 16 : i32
        %mul3A_959 = arith.muli %scan3A_534, %mul3A_958 : i32
        %add3A_960 = arith.constant 11 : i32
        %add3A_961 = arith.addi %mul3A_959, %add3A_960 : i32
        %get3A_962 = arith.index_cast %add3A_961 : i32 to index
        %get3A_963 = arith.constant 0 : index
        %get3A_964 = tpu.vector_load %arg13[%get3A_962, %get3A_963] {strides = array<i32>} : memref<128x64xf32, #tpu.memory_space<vmem>>, vector<16xf32>,
        %mul3A_965 = vector.broadcast %squeeze3A_957 : f32 to vector<16xf32>
        %mul3A_966 = arith.mulf %get3A_964, %mul3A_965 : vector<16xf32>
        %swap3A_967 = arith.index_cast %add3A_961 : i32 to index
        %swap3A_968 = arith.constant 0 : index
        %swap3A_969 = tpu.vector_load %arg15[%swap3A_967, %swap3A_968] {strides = array<i32>} : memref<128x64xf32, #tpu.memory_space<vmem>>, vector<16xf32>,
        tpu.vector_store %arg15[%swap3A_967, %swap3A_968], %mul3A_966 {strides = array<i32>} : memref<128x64xf32, #tpu.memory_space<vmem>>, vector<16xf32>,
        %get3A_970 = arith.index_cast %add3A_961 : i32 to index
        %get3A_971 = arith.constant 16 : index
        %get3A_972 = tpu.vector_load %arg13[%get3A_970, %get3A_971] {strides = array<i32>} : memref<128x64xf32, #tpu.memory_space<vmem>>, vector<16xf32>,
        %mul3A_973 = vector.broadcast %squeeze3A_957 : f32 to vector<16xf32>
        %mul3A_974 = arith.mulf %get3A_972, %mul3A_973 : vector<16xf32>
        %swap3A_975 = arith.index_cast %add3A_961 : i32 to index
        %swap3A_976 = arith.constant 16 : index
        %swap3A_977 = tpu.vector_load %arg15[%swap3A_975, %swap3A_976] {strides = array<i32>} : memref<128x64xf32, #tpu.memory_space<vmem>>, vector<16xf32>,
        tpu.vector_store %arg15[%swap3A_975, %swap3A_976], %mul3A_974 {strides = array<i32>} : memref<128x64xf32, #tpu.memory_space<vmem>>, vector<16xf32>,
        %get3A_978 = arith.index_cast %add3A_961 : i32 to index
        %get3A_979 = arith.constant 32 : index
        %get3A_980 = tpu.vector_load %arg13[%get3A_978, %get3A_979] {strides = array<i32>} : memref<128x64xf32, #tpu.memory_space<vmem>>, vector<16xf32>,
        %mul3A_981 = vector.broadcast %squeeze3A_957 : f32 to vector<16xf32>
        %mul3A_982 = arith.mulf %get3A_980, %mul3A_981 : vector<16xf32>
        %swap3A_983 = arith.index_cast %add3A_961 : i32 to index
        %swap3A_984 = arith.constant 32 : index
        %swap3A_985 = tpu.vector_load %arg15[%swap3A_983, %swap3A_984] {strides = array<i32>} : memref<128x64xf32, #tpu.memory_space<vmem>>, vector<16xf32>,
        tpu.vector_store %arg15[%swap3A_983, %swap3A_984], %mul3A_982 {strides = array<i32>} : memref<128x64xf32, #tpu.memory_space<vmem>>, vector<16xf32>,
        %get3A_986 = arith.index_cast %add3A_961 : i32 to index
        %get3A_987 = arith.constant 48 : index
        %get3A_988 = tpu.vector_load %arg13[%get3A_986, %get3A_987] {strides = array<i32>} : memref<128x64xf32, #tpu.memory_space<vmem>>, vector<16xf32>,
        %mul3A_989 = vector.broadcast %squeeze3A_957 : f32 to vector<16xf32>
        %mul3A_990 = arith.mulf %get3A_988, %mul3A_989 : vector<16xf32>
        %swap3A_991 = arith.index_cast %add3A_961 : i32 to index
        %swap3A_992 = arith.constant 48 : index
        %swap3A_993 = tpu.vector_load %arg15[%swap3A_991, %swap3A_992] {strides = array<i32>} : memref<128x64xf32, #tpu.memory_space<vmem>>, vector<16xf32>,
        tpu.vector_store %arg15[%swap3A_991, %swap3A_992], %mul3A_990 {strides = array<i32>} : memref<128x64xf32, #tpu.memory_space<vmem>>, vector<16xf32>,
        %slice3A_994 = vector.extract_strided_slice %get3A_539 {offsets = [12], sizes = [1], strides = [1]} : vector<16xf32> to vector<1xf32>
        %squeeze3A_995 = vector.extract %slice3A_994[0] : f32 from vector<1xf32>
        %mul3A_996 = arith.constant 16 : i32
        %mul3A_997 = arith.muli %scan3A_534, %mul3A_996 : i32
        %add3A_998 = arith.constant 12 : i32
        %add3A_999 = arith.addi %mul3A_997, %add3A_998 : i32
        %get3A_1000 = arith.index_cast %add3A_999 : i32 to index
        %get3A_1001 = arith.constant 0 : index
        %get3A_1002 = tpu.vector_load %arg13[%get3A_1000, %get3A_1001] {strides = array<i32>} : memref<128x64xf32, #tpu.memory_space<vmem>>, vector<16xf32>,
        %mul3A_1003 = vector.broadcast %squeeze3A_995 : f32 to vector<16xf32>
        %mul3A_1004 = arith.mulf %get3A_1002, %mul3A_1003 : vector<16xf32>
        %swap3A_1005 = arith.index_cast %add3A_999 : i32 to index
        %swap3A_1006 = arith.constant 0 : index
        %swap3A_1007 = tpu.vector_load %arg15[%swap3A_1005, %swap3A_1006] {strides = array<i32>} : memref<128x64xf32, #tpu.memory_space<vmem>>, vector<16xf32>,
        tpu.vector_store %arg15[%swap3A_1005, %swap3A_1006], %mul3A_1004 {strides = array<i32>} : memref<128x64xf32, #tpu.memory_space<vmem>>, vector<16xf32>,
        %get3A_1008 = arith.index_cast %add3A_999 : i32 to index
        %get3A_1009 = arith.constant 16 : index
        %get3A_1010 = tpu.vector_load %arg13[%get3A_1008, %get3A_1009] {strides = array<i32>} : memref<128x64xf32, #tpu.memory_space<vmem>>, vector<16xf32>,
        %mul3A_1011 = vector.broadcast %squeeze3A_995 : f32 to vector<16xf32>
        %mul3A_1012 = arith.mulf %get3A_1010, %mul3A_1011 : vector<16xf32>
        %swap3A_1013 = arith.index_cast %add3A_999 : i32 to index
        %swap3A_1014 = arith.constant 16 : index
        %swap3A_1015 = tpu.vector_load %arg15[%swap3A_1013, %swap3A_1014] {strides = array<i32>} : memref<128x64xf32, #tpu.memory_space<vmem>>, vector<16xf32>,
        tpu.vector_store %arg15[%swap3A_1013, %swap3A_1014], %mul3A_1012 {strides = array<i32>} : memref<128x64xf32, #tpu.memory_space<vmem>>, vector<16xf32>,
        %get3A_1016 = arith.index_cast %add3A_999 : i32 to index
        %get3A_1017 = arith.constant 32 : index
        %get3A_1018 = tpu.vector_load %arg13[%get3A_1016, %get3A_1017] {strides = array<i32>} : memref<128x64xf32, #tpu.memory_space<vmem>>, vector<16xf32>,
        %mul3A_1019 = vector.broadcast %squeeze3A_995 : f32 to vector<16xf32>
        %mul3A_1020 = arith.mulf %get3A_1018, %mul3A_1019 : vector<16xf32>
        %swap3A_1021 = arith.index_cast %add3A_999 : i32 to index
        %swap3A_1022 = arith.constant 32 : index
        %swap3A_1023 = tpu.vector_load %arg15[%swap3A_1021, %swap3A_1022] {strides = array<i32>} : memref<128x64xf32, #tpu.memory_space<vmem>>, vector<16xf32>,
        tpu.vector_store %arg15[%swap3A_1021, %swap3A_1022], %mul3A_1020 {strides = array<i32>} : memref<128x64xf32, #tpu.memory_space<vmem>>, vector<16xf32>,
        %get3A_1024 = arith.index_cast %add3A_999 : i32 to index
        %get3A_1025 = arith.constant 48 : index
        %get3A_1026 = tpu.vector_load %arg13[%get3A_1024, %get3A_1025] {strides = array<i32>} : memref<128x64xf32, #tpu.memory_space<vmem>>, vector<16xf32>,
        %mul3A_1027 = vector.broadcast %squeeze3A_995 : f32 to vector<16xf32>
        %mul3A_1028 = arith.mulf %get3A_1026, %mul3A_1027 : vector<16xf32>
        %swap3A_1029 = arith.index_cast %add3A_999 : i32 to index
        %swap3A_1030 = arith.constant 48 : index
        %swap3A_1031 = tpu.vector_load %arg15[%swap3A_1029, %swap3A_1030] {strides = array<i32>} : memref<128x64xf32, #tpu.memory_space<vmem>>, vector<16xf32>,
        tpu.vector_store %arg15[%swap3A_1029, %swap3A_1030], %mul3A_1028 {strides = array<i32>} : memref<128x64xf32, #tpu.memory_space<vmem>>, vector<16xf32>,
        %slice3A_1032 = vector.extract_strided_slice %get3A_539 {offsets = [13], sizes = [1], strides = [1]} : vector<16xf32> to vector<1xf32>
        %squeeze3A_1033 = vector.extract %slice3A_1032[0] : f32 from vector<1xf32>
        %mul3A_1034 = arith.constant 16 : i32
        %mul3A_1035 = arith.muli %scan3A_534, %mul3A_1034 : i32
        %add3A_1036 = arith.constant 13 : i32
        %add3A_1037 = arith.addi %mul3A_1035, %add3A_1036 : i32
        %get3A_1038 = arith.index_cast %add3A_1037 : i32 to index
        %get3A_1039 = arith.constant 0 : index
        %get3A_1040 = tpu.vector_load %arg13[%get3A_1038, %get3A_1039] {strides = array<i32>} : memref<128x64xf32, #tpu.memory_space<vmem>>, vector<16xf32>,
        %mul3A_1041 = vector.broadcast %squeeze3A_1033 : f32 to vector<16xf32>
        %mul3A_1042 = arith.mulf %get3A_1040, %mul3A_1041 : vector<16xf32>
        %swap3A_1043 = arith.index_cast %add3A_1037 : i32 to index
        %swap3A_1044 = arith.constant 0 : index
        %swap3A_1045 = tpu.vector_load %arg15[%swap3A_1043, %swap3A_1044] {strides = array<i32>} : memref<128x64xf32, #tpu.memory_space<vmem>>, vector<16xf32>,
        tpu.vector_store %arg15[%swap3A_1043, %swap3A_1044], %mul3A_1042 {strides = array<i32>} : memref<128x64xf32, #tpu.memory_space<vmem>>, vector<16xf32>,
        %get3A_1046 = arith.index_cast %add3A_1037 : i32 to index
        %get3A_1047 = arith.constant 16 : index
        %get3A_1048 = tpu.vector_load %arg13[%get3A_1046, %get3A_1047] {strides = array<i32>} : memref<128x64xf32, #tpu.memory_space<vmem>>, vector<16xf32>,
        %mul3A_1049 = vector.broadcast %squeeze3A_1033 : f32 to vector<16xf32>
        %mul3A_1050 = arith.mulf %get3A_1048, %mul3A_1049 : vector<16xf32>
        %swap3A_1051 = arith.index_cast %add3A_1037 : i32 to index
        %swap3A_1052 = arith.constant 16 : index
        %swap3A_1053 = tpu.vector_load %arg15[%swap3A_1051, %swap3A_1052] {strides = array<i32>} : memref<128x64xf32, #tpu.memory_space<vmem>>, vector<16xf32>,
        tpu.vector_store %arg15[%swap3A_1051, %swap3A_1052], %mul3A_1050 {strides = array<i32>} : memref<128x64xf32, #tpu.memory_space<vmem>>, vector<16xf32>,
        %get3A_1054 = arith.index_cast %add3A_1037 : i32 to index
        %get3A_1055 = arith.constant 32 : index
        %get3A_1056 = tpu.vector_load %arg13[%get3A_1054, %get3A_1055] {strides = array<i32>} : memref<128x64xf32, #tpu.memory_space<vmem>>, vector<16xf32>,
        %mul3A_1057 = vector.broadcast %squeeze3A_1033 : f32 to vector<16xf32>
        %mul3A_1058 = arith.mulf %get3A_1056, %mul3A_1057 : vector<16xf32>
        %swap3A_1059 = arith.index_cast %add3A_1037 : i32 to index
        %swap3A_1060 = arith.constant 32 : index
        %swap3A_1061 = tpu.vector_load %arg15[%swap3A_1059, %swap3A_1060] {strides = array<i32>} : memref<128x64xf32, #tpu.memory_space<vmem>>, vector<16xf32>,
        tpu.vector_store %arg15[%swap3A_1059, %swap3A_1060], %mul3A_1058 {strides = array<i32>} : memref<128x64xf32, #tpu.memory_space<vmem>>, vector<16xf32>,
        %get3A_1062 = arith.index_cast %add3A_1037 : i32 to index
        %get3A_1063 = arith.constant 48 : index
        %get3A_1064 = tpu.vector_load %arg13[%get3A_1062, %get3A_1063] {strides = array<i32>} : memref<128x64xf32, #tpu.memory_space<vmem>>, vector<16xf32>,
        %mul3A_1065 = vector.broadcast %squeeze3A_1033 : f32 to vector<16xf32>
        %mul3A_1066 = arith.mulf %get3A_1064, %mul3A_1065 : vector<16xf32>
        %swap3A_1067 = arith.index_cast %add3A_1037 : i32 to index
        %swap3A_1068 = arith.constant 48 : index
        %swap3A_1069 = tpu.vector_load %arg15[%swap3A_1067, %swap3A_1068] {strides = array<i32>} : memref<128x64xf32, #tpu.memory_space<vmem>>, vector<16xf32>,
        tpu.vector_store %arg15[%swap3A_1067, %swap3A_1068], %mul3A_1066 {strides = array<i32>} : memref<128x64xf32, #tpu.memory_space<vmem>>, vector<16xf32>,
        %slice3A_1070 = vector.extract_strided_slice %get3A_539 {offsets = [14], sizes = [1], strides = [1]} : vector<16xf32> to vector<1xf32>
        %squeeze3A_1071 = vector.extract %slice3A_1070[0] : f32 from vector<1xf32>
        %mul3A_1072 = arith.constant 16 : i32
        %mul3A_1073 = arith.muli %scan3A_534, %mul3A_1072 : i32
        %add3A_1074 = arith.constant 14 : i32
        %add3A_1075 = arith.addi %mul3A_1073, %add3A_1074 : i32
        %get3A_1076 = arith.index_cast %add3A_1075 : i32 to index
        %get3A_1077 = arith.constant 0 : index
        %get3A_1078 = tpu.vector_load %arg13[%get3A_1076, %get3A_1077] {strides = array<i32>} : memref<128x64xf32, #tpu.memory_space<vmem>>, vector<16xf32>,
        %mul3A_1079 = vector.broadcast %squeeze3A_1071 : f32 to vector<16xf32>
        %mul3A_1080 = arith.mulf %get3A_1078, %mul3A_1079 : vector<16xf32>
        %swap3A_1081 = arith.index_cast %add3A_1075 : i32 to index
        %swap3A_1082 = arith.constant 0 : index
        %swap3A_1083 = tpu.vector_load %arg15[%swap3A_1081, %swap3A_1082] {strides = array<i32>} : memref<128x64xf32, #tpu.memory_space<vmem>>, vector<16xf32>,
        tpu.vector_store %arg15[%swap3A_1081, %swap3A_1082], %mul3A_1080 {strides = array<i32>} : memref<128x64xf32, #tpu.memory_space<vmem>>, vector<16xf32>,
        %get3A_1084 = arith.index_cast %add3A_1075 : i32 to index
        %get3A_1085 = arith.constant 16 : index
        %get3A_1086 = tpu.vector_load %arg13[%get3A_1084, %get3A_1085] {strides = array<i32>} : memref<128x64xf32, #tpu.memory_space<vmem>>, vector<16xf32>,
        %mul3A_1087 = vector.broadcast %squeeze3A_1071 : f32 to vector<16xf32>
        %mul3A_1088 = arith.mulf %get3A_1086, %mul3A_1087 : vector<16xf32>
        %swap3A_1089 = arith.index_cast %add3A_1075 : i32 to index
        %swap3A_1090 = arith.constant 16 : index
        %swap3A_1091 = tpu.vector_load %arg15[%swap3A_1089, %swap3A_1090] {strides = array<i32>} : memref<128x64xf32, #tpu.memory_space<vmem>>, vector<16xf32>,
        tpu.vector_store %arg15[%swap3A_1089, %swap3A_1090], %mul3A_1088 {strides = array<i32>} : memref<128x64xf32, #tpu.memory_space<vmem>>, vector<16xf32>,
        %get3A_1092 = arith.index_cast %add3A_1075 : i32 to index
        %get3A_1093 = arith.constant 32 : index
        %get3A_1094 = tpu.vector_load %arg13[%get3A_1092, %get3A_1093] {strides = array<i32>} : memref<128x64xf32, #tpu.memory_space<vmem>>, vector<16xf32>,
        %mul3A_1095 = vector.broadcast %squeeze3A_1071 : f32 to vector<16xf32>
        %mul3A_1096 = arith.mulf %get3A_1094, %mul3A_1095 : vector<16xf32>
        %swap3A_1097 = arith.index_cast %add3A_1075 : i32 to index
        %swap3A_1098 = arith.constant 32 : index
        %swap3A_1099 = tpu.vector_load %arg15[%swap3A_1097, %swap3A_1098] {strides = array<i32>} : memref<128x64xf32, #tpu.memory_space<vmem>>, vector<16xf32>,
        tpu.vector_store %arg15[%swap3A_1097, %swap3A_1098], %mul3A_1096 {strides = array<i32>} : memref<128x64xf32, #tpu.memory_space<vmem>>, vector<16xf32>,
        %get3A_1100 = arith.index_cast %add3A_1075 : i32 to index
        %get3A_1101 = arith.constant 48 : index
        %get3A_1102 = tpu.vector_load %arg13[%get3A_1100, %get3A_1101] {strides = array<i32>} : memref<128x64xf32, #tpu.memory_space<vmem>>, vector<16xf32>,
        %mul3A_1103 = vector.broadcast %squeeze3A_1071 : f32 to vector<16xf32>
        %mul3A_1104 = arith.mulf %get3A_1102, %mul3A_1103 : vector<16xf32>
        %swap3A_1105 = arith.index_cast %add3A_1075 : i32 to index
        %swap3A_1106 = arith.constant 48 : index
        %swap3A_1107 = tpu.vector_load %arg15[%swap3A_1105, %swap3A_1106] {strides = array<i32>} : memref<128x64xf32, #tpu.memory_space<vmem>>, vector<16xf32>,
        tpu.vector_store %arg15[%swap3A_1105, %swap3A_1106], %mul3A_1104 {strides = array<i32>} : memref<128x64xf32, #tpu.memory_space<vmem>>, vector<16xf32>,
        %slice3A_1108 = vector.extract_strided_slice %get3A_539 {offsets = [15], sizes = [1], strides = [1]} : vector<16xf32> to vector<1xf32>
        %squeeze3A_1109 = vector.extract %slice3A_1108[0] : f32 from vector<1xf32>
        %mul3A_1110 = arith.constant 16 : i32
        %mul3A_1111 = arith.muli %scan3A_534, %mul3A_1110 : i32
        %add3A_1112 = arith.constant 15 : i32
        %add3A_1113 = arith.addi %mul3A_1111, %add3A_1112 : i32
        %get3A_1114 = arith.index_cast %add3A_1113 : i32 to index
        %get3A_1115 = arith.constant 0 : index
        %get3A_1116 = tpu.vector_load %arg13[%get3A_1114, %get3A_1115] {strides = array<i32>} : memref<128x64xf32, #tpu.memory_space<vmem>>, vector<16xf32>,
        %mul3A_1117 = vector.broadcast %squeeze3A_1109 : f32 to vector<16xf32>
        %mul3A_1118 = arith.mulf %get3A_1116, %mul3A_1117 : vector<16xf32>
        %swap3A_1119 = arith.index_cast %add3A_1113 : i32 to index
        %swap3A_1120 = arith.constant 0 : index
        %swap3A_1121 = tpu.vector_load %arg15[%swap3A_1119, %swap3A_1120] {strides = array<i32>} : memref<128x64xf32, #tpu.memory_space<vmem>>, vector<16xf32>,
        tpu.vector_store %arg15[%swap3A_1119, %swap3A_1120], %mul3A_1118 {strides = array<i32>} : memref<128x64xf32, #tpu.memory_space<vmem>>, vector<16xf32>,
        %get3A_1122 = arith.index_cast %add3A_1113 : i32 to index
        %get3A_1123 = arith.constant 16 : index
        %get3A_1124 = tpu.vector_load %arg13[%get3A_1122, %get3A_1123] {strides = array<i32>} : memref<128x64xf32, #tpu.memory_space<vmem>>, vector<16xf32>,
        %mul3A_1125 = vector.broadcast %squeeze3A_1109 : f32 to vector<16xf32>
        %mul3A_1126 = arith.mulf %get3A_1124, %mul3A_1125 : vector<16xf32>
        %swap3A_1127 = arith.index_cast %add3A_1113 : i32 to index
        %swap3A_1128 = arith.constant 16 : index
        %swap3A_1129 = tpu.vector_load %arg15[%swap3A_1127, %swap3A_1128] {strides = array<i32>} : memref<128x64xf32, #tpu.memory_space<vmem>>, vector<16xf32>,
        tpu.vector_store %arg15[%swap3A_1127, %swap3A_1128], %mul3A_1126 {strides = array<i32>} : memref<128x64xf32, #tpu.memory_space<vmem>>, vector<16xf32>,
        %get3A_1130 = arith.index_cast %add3A_1113 : i32 to index
        %get3A_1131 = arith.constant 32 : index
        %get3A_1132 = tpu.vector_load %arg13[%get3A_1130, %get3A_1131] {strides = array<i32>} : memref<128x64xf32, #tpu.memory_space<vmem>>, vector<16xf32>,
        %mul3A_1133 = vector.broadcast %squeeze3A_1109 : f32 to vector<16xf32>
        %mul3A_1134 = arith.mulf %get3A_1132, %mul3A_1133 : vector<16xf32>
        %swap3A_1135 = arith.index_cast %add3A_1113 : i32 to index
        %swap3A_1136 = arith.constant 32 : index
        %swap3A_1137 = tpu.vector_load %arg15[%swap3A_1135, %swap3A_1136] {strides = array<i32>} : memref<128x64xf32, #tpu.memory_space<vmem>>, vector<16xf32>,
        tpu.vector_store %arg15[%swap3A_1135, %swap3A_1136], %mul3A_1134 {strides = array<i32>} : memref<128x64xf32, #tpu.memory_space<vmem>>, vector<16xf32>,
        %get3A_1138 = arith.index_cast %add3A_1113 : i32 to index
        %get3A_1139 = arith.constant 48 : index
        %get3A_1140 = tpu.vector_load %arg13[%get3A_1138, %get3A_1139] {strides = array<i32>} : memref<128x64xf32, #tpu.memory_space<vmem>>, vector<16xf32>,
        %mul3A_1141 = vector.broadcast %squeeze3A_1109 : f32 to vector<16xf32>
        %mul3A_1142 = arith.mulf %get3A_1140, %mul3A_1141 : vector<16xf32>
        %swap3A_1143 = arith.index_cast %add3A_1113 : i32 to index
        %swap3A_1144 = arith.constant 48 : index
        %swap3A_1145 = tpu.vector_load %arg15[%swap3A_1143, %swap3A_1144] {strides = array<i32>} : memref<128x64xf32, #tpu.memory_space<vmem>>, vector<16xf32>,
        tpu.vector_store %arg15[%swap3A_1143, %swap3A_1144], %mul3A_1142 {strides = array<i32>} : memref<128x64xf32, #tpu.memory_space<vmem>>, vector<16xf32>,
      }
      %scan3A_194 = arith.constant 8 : i32
      %get3A = arith.index_cast %mul3A_160 : i32 to index
      %get3A_195 = arith.constant 0 : index
      %get3A_196 = tpu.vector_load %arg11[%get3A, %get3A_195] {strides = array<i32>} : memref<160x128xi32, #tpu.memory_space<vmem>>, vector<16xi32>,
      %sub3A = arith.constant 0 : i32
      %sub3A_197 = vector.broadcast %sub3A : i32 to vector<16xi32>
      %sub3A_198 = arith.subi %get3A_196, %sub3A_197 : vector<16xi32>
      %ge3A = arith.constant 0 : i32
      %ge3A_199 = vector.broadcast %ge3A : i32 to vector<16xi32>
      %ge3A_200 = arith.cmpi sge, %sub3A_198, %ge3A_199 : vector<16xi32>
      %lt3A = arith.constant 5120 : i32
      %lt3A_201 = vector.broadcast %lt3A : i32 to vector<16xi32>
      %lt3A_202 = arith.cmpi slt, %sub3A_198, %lt3A_201 : vector<16xi32>
      %and3A = arith.andi %ge3A_200, %lt3A_202 : vector<16xi1>
      %jit3A = arith.constant 5120 : i32
      %broadcast_in_dim3A = vector.broadcast %jit3A : i32 to vector<16xi32>
      %select_n3A = arith.select %and3A, %sub3A_198, %broadcast_in_dim3A : vector<16xi1>, vector<16xi32>
      %swap3A = arith.constant 0 : index
      %swap3A_203 = tpu.vector_load %arg17[%swap3A] {strides = array<i32>} : memref<128xi32, #tpu.memory_space<vmem>>, vector<16xi32>,
      tpu.vector_store %arg17[%swap3A], %select_n3A {strides = array<i32>} : memref<128xi32, #tpu.memory_space<vmem>>, vector<16xi32>,
      %get3A_204 = arith.index_cast %mul3A_160 : i32 to index
      %get3A_205 = arith.constant 16 : index
      %get3A_206 = tpu.vector_load %arg11[%get3A_204, %get3A_205] {strides = array<i32>} : memref<160x128xi32, #tpu.memory_space<vmem>>, vector<16xi32>,
      %sub3A_207 = arith.constant 0 : i32
      %sub3A_208 = vector.broadcast %sub3A_207 : i32 to vector<16xi32>
      %sub3A_209 = arith.subi %get3A_206, %sub3A_208 : vector<16xi32>
      %ge3A_210 = arith.constant 0 : i32
      %ge3A_211 = vector.broadcast %ge3A_210 : i32 to vector<16xi32>
      %ge3A_212 = arith.cmpi sge, %sub3A_209, %ge3A_211 : vector<16xi32>
      %lt3A_213 = arith.constant 5120 : i32
      %lt3A_214 = vector.broadcast %lt3A_213 : i32 to vector<16xi32>
      %lt3A_215 = arith.cmpi slt, %sub3A_209, %lt3A_214 : vector<16xi32>
      %and3A_216 = arith.andi %ge3A_212, %lt3A_215 : vector<16xi1>
      %jit3A_217 = arith.constant 5120 : i32
      %broadcast_in_dim3A_218 = vector.broadcast %jit3A_217 : i32 to vector<16xi32>
      %select_n3A_219 = arith.select %and3A_216, %sub3A_209, %broadcast_in_dim3A_218 : vector<16xi1>, vector<16xi32>
      %swap3A_220 = arith.constant 16 : index
      %swap3A_221 = tpu.vector_load %arg17[%swap3A_220] {strides = array<i32>} : memref<128xi32, #tpu.memory_space<vmem>>, vector<16xi32>,
      tpu.vector_store %arg17[%swap3A_220], %select_n3A_219 {strides = array<i32>} : memref<128xi32, #tpu.memory_space<vmem>>, vector<16xi32>,
      %get3A_222 = arith.index_cast %mul3A_160 : i32 to index
      %get3A_223 = arith.constant 32 : index
      %get3A_224 = tpu.vector_load %arg11[%get3A_222, %get3A_223] {strides = array<i32>} : memref<160x128xi32, #tpu.memory_space<vmem>>, vector<16xi32>,
      %sub3A_225 = arith.constant 0 : i32
      %sub3A_226 = vector.broadcast %sub3A_225 : i32 to vector<16xi32>
      %sub3A_227 = arith.subi %get3A_224, %sub3A_226 : vector<16xi32>
      %ge3A_228 = arith.constant 0 : i32
      %ge3A_229 = vector.broadcast %ge3A_228 : i32 to vector<16xi32>
      %ge3A_230 = arith.cmpi sge, %sub3A_227, %ge3A_229 : vector<16xi32>
      %lt3A_231 = arith.constant 5120 : i32
      %lt3A_232 = vector.broadcast %lt3A_231 : i32 to vector<16xi32>
      %lt3A_233 = arith.cmpi slt, %sub3A_227, %lt3A_232 : vector<16xi32>
      %and3A_234 = arith.andi %ge3A_230, %lt3A_233 : vector<16xi1>
      %jit3A_235 = arith.constant 5120 : i32
      %broadcast_in_dim3A_236 = vector.broadcast %jit3A_235 : i32 to vector<16xi32>
      %select_n3A_237 = arith.select %and3A_234, %sub3A_227, %broadcast_in_dim3A_236 : vector<16xi1>, vector<16xi32>
      %swap3A_238 = arith.constant 32 : index
      %swap3A_239 = tpu.vector_load %arg17[%swap3A_238] {strides = array<i32>} : memref<128xi32, #tpu.memory_space<vmem>>, vector<16xi32>,
      tpu.vector_store %arg17[%swap3A_238], %select_n3A_237 {strides = array<i32>} : memref<128xi32, #tpu.memory_space<vmem>>, vector<16xi32>,
      %get3A_240 = arith.index_cast %mul3A_160 : i32 to index
      %get3A_241 = arith.constant 48 : index
      %get3A_242 = tpu.vector_load %arg11[%get3A_240, %get3A_241] {strides = array<i32>} : memref<160x128xi32, #tpu.memory_space<vmem>>, vector<16xi32>,
      %sub3A_243 = arith.constant 0 : i32
      %sub3A_244 = vector.broadcast %sub3A_243 : i32 to vector<16xi32>
      %sub3A_245 = arith.subi %get3A_242, %sub3A_244 : vector<16xi32>
      %ge3A_246 = arith.constant 0 : i32
      %ge3A_247 = vector.broadcast %ge3A_246 : i32 to vector<16xi32>
      %ge3A_248 = arith.cmpi sge, %sub3A_245, %ge3A_247 : vector<16xi32>
      %lt3A_249 = arith.constant 5120 : i32
      %lt3A_250 = vector.broadcast %lt3A_249 : i32 to vector<16xi32>
      %lt3A_251 = arith.cmpi slt, %sub3A_245, %lt3A_250 : vector<16xi32>
      %and3A_252 = arith.andi %ge3A_248, %lt3A_251 : vector<16xi1>
      %jit3A_253 = arith.constant 5120 : i32
      %broadcast_in_dim3A_254 = vector.broadcast %jit3A_253 : i32 to vector<16xi32>
      %select_n3A_255 = arith.select %and3A_252, %sub3A_245, %broadcast_in_dim3A_254 : vector<16xi1>, vector<16xi32>
      %swap3A_256 = arith.constant 48 : index
      %swap3A_257 = tpu.vector_load %arg17[%swap3A_256] {strides = array<i32>} : memref<128xi32, #tpu.memory_space<vmem>>, vector<16xi32>,
      tpu.vector_store %arg17[%swap3A_256], %select_n3A_255 {strides = array<i32>} : memref<128xi32, #tpu.memory_space<vmem>>, vector<16xi32>,
      %get3A_258 = arith.index_cast %mul3A_160 : i32 to index
      %get3A_259 = arith.constant 64 : index
      %get3A_260 = tpu.vector_load %arg11[%get3A_258, %get3A_259] {strides = array<i32>} : memref<160x128xi32, #tpu.memory_space<vmem>>, vector<16xi32>,
      %sub3A_261 = arith.constant 0 : i32
      %sub3A_262 = vector.broadcast %sub3A_261 : i32 to vector<16xi32>
      %sub3A_263 = arith.subi %get3A_260, %sub3A_262 : vector<16xi32>
      %ge3A_264 = arith.constant 0 : i32
      %ge3A_265 = vector.broadcast %ge3A_264 : i32 to vector<16xi32>
      %ge3A_266 = arith.cmpi sge, %sub3A_263, %ge3A_265 : vector<16xi32>
      %lt3A_267 = arith.constant 5120 : i32
      %lt3A_268 = vector.broadcast %lt3A_267 : i32 to vector<16xi32>
      %lt3A_269 = arith.cmpi slt, %sub3A_263, %lt3A_268 : vector<16xi32>
      %and3A_270 = arith.andi %ge3A_266, %lt3A_269 : vector<16xi1>
      %jit3A_271 = arith.constant 5120 : i32
      %broadcast_in_dim3A_272 = vector.broadcast %jit3A_271 : i32 to vector<16xi32>
      %select_n3A_273 = arith.select %and3A_270, %sub3A_263, %broadcast_in_dim3A_272 : vector<16xi1>, vector<16xi32>
      %swap3A_274 = arith.constant 64 : index
      %swap3A_275 = tpu.vector_load %arg17[%swap3A_274] {strides = array<i32>} : memref<128xi32, #tpu.memory_space<vmem>>, vector<16xi32>,
      tpu.vector_store %arg17[%swap3A_274], %select_n3A_273 {strides = array<i32>} : memref<128xi32, #tpu.memory_space<vmem>>, vector<16xi32>,
      %get3A_276 = arith.index_cast %mul3A_160 : i32 to index
      %get3A_277 = arith.constant 80 : index
      %get3A_278 = tpu.vector_load %arg11[%get3A_276, %get3A_277] {strides = array<i32>} : memref<160x128xi32, #tpu.memory_space<vmem>>, vector<16xi32>,
      %sub3A_279 = arith.constant 0 : i32
      %sub3A_280 = vector.broadcast %sub3A_279 : i32 to vector<16xi32>
      %sub3A_281 = arith.subi %get3A_278, %sub3A_280 : vector<16xi32>
      %ge3A_282 = arith.constant 0 : i32
      %ge3A_283 = vector.broadcast %ge3A_282 : i32 to vector<16xi32>
      %ge3A_284 = arith.cmpi sge, %sub3A_281, %ge3A_283 : vector<16xi32>
      %lt3A_285 = arith.constant 5120 : i32
      %lt3A_286 = vector.broadcast %lt3A_285 : i32 to vector<16xi32>
      %lt3A_287 = arith.cmpi slt, %sub3A_281, %lt3A_286 : vector<16xi32>
      %and3A_288 = arith.andi %ge3A_284, %lt3A_287 : vector<16xi1>
      %jit3A_289 = arith.constant 5120 : i32
      %broadcast_in_dim3A_290 = vector.broadcast %jit3A_289 : i32 to vector<16xi32>
      %select_n3A_291 = arith.select %and3A_288, %sub3A_281, %broadcast_in_dim3A_290 : vector<16xi1>, vector<16xi32>
      %swap3A_292 = arith.constant 80 : index
      %swap3A_293 = tpu.vector_load %arg17[%swap3A_292] {strides = array<i32>} : memref<128xi32, #tpu.memory_space<vmem>>, vector<16xi32>,
      tpu.vector_store %arg17[%swap3A_292], %select_n3A_291 {strides = array<i32>} : memref<128xi32, #tpu.memory_space<vmem>>, vector<16xi32>,
      %get3A_294 = arith.index_cast %mul3A_160 : i32 to index
      %get3A_295 = arith.constant 96 : index
      %get3A_296 = tpu.vector_load %arg11[%get3A_294, %get3A_295] {strides = array<i32>} : memref<160x128xi32, #tpu.memory_space<vmem>>, vector<16xi32>,
      %sub3A_297 = arith.constant 0 : i32
      %sub3A_298 = vector.broadcast %sub3A_297 : i32 to vector<16xi32>
      %sub3A_299 = arith.subi %get3A_296, %sub3A_298 : vector<16xi32>
      %ge3A_300 = arith.constant 0 : i32
      %ge3A_301 = vector.broadcast %ge3A_300 : i32 to vector<16xi32>
      %ge3A_302 = arith.cmpi sge, %sub3A_299, %ge3A_301 : vector<16xi32>
      %lt3A_303 = arith.constant 5120 : i32
      %lt3A_304 = vector.broadcast %lt3A_303 : i32 to vector<16xi32>
      %lt3A_305 = arith.cmpi slt, %sub3A_299, %lt3A_304 : vector<16xi32>
      %and3A_306 = arith.andi %ge3A_302, %lt3A_305 : vector<16xi1>
      %jit3A_307 = arith.constant 5120 : i32
      %broadcast_in_dim3A_308 = vector.broadcast %jit3A_307 : i32 to vector<16xi32>
      %select_n3A_309 = arith.select %and3A_306, %sub3A_299, %broadcast_in_dim3A_308 : vector<16xi1>, vector<16xi32>
      %swap3A_310 = arith.constant 96 : index
      %swap3A_311 = tpu.vector_load %arg17[%swap3A_310] {strides = array<i32>} : memref<128xi32, #tpu.memory_space<vmem>>, vector<16xi32>,
      tpu.vector_store %arg17[%swap3A_310], %select_n3A_309 {strides = array<i32>} : memref<128xi32, #tpu.memory_space<vmem>>, vector<16xi32>,
      %get3A_312 = arith.index_cast %mul3A_160 : i32 to index
      %get3A_313 = arith.constant 112 : index
      %get3A_314 = tpu.vector_load %arg11[%get3A_312, %get3A_313] {strides = array<i32>} : memref<160x128xi32, #tpu.memory_space<vmem>>, vector<16xi32>,
      %sub3A_315 = arith.constant 0 : i32
      %sub3A_316 = vector.broadcast %sub3A_315 : i32 to vector<16xi32>
      %sub3A_317 = arith.subi %get3A_314, %sub3A_316 : vector<16xi32>
      %ge3A_318 = arith.constant 0 : i32
      %ge3A_319 = vector.broadcast %ge3A_318 : i32 to vector<16xi32>
      %ge3A_320 = arith.cmpi sge, %sub3A_317, %ge3A_319 : vector<16xi32>
      %lt3A_321 = arith.constant 5120 : i32
      %lt3A_322 = vector.broadcast %lt3A_321 : i32 to vector<16xi32>
      %lt3A_323 = arith.cmpi slt, %sub3A_317, %lt3A_322 : vector<16xi32>
      %and3A_324 = arith.andi %ge3A_320, %lt3A_323 : vector<16xi1>
      %jit3A_325 = arith.constant 5120 : i32
      %broadcast_in_dim3A_326 = vector.broadcast %jit3A_325 : i32 to vector<16xi32>
      %select_n3A_327 = arith.select %and3A_324, %sub3A_317, %broadcast_in_dim3A_326 : vector<16xi1>, vector<16xi32>
      %swap3A_328 = arith.constant 112 : index
      %swap3A_329 = tpu.vector_load %arg17[%swap3A_328] {strides = array<i32>} : memref<128xi32, #tpu.memory_space<vmem>>, vector<16xi32>,
      tpu.vector_store %arg17[%swap3A_328], %select_n3A_327 {strides = array<i32>} : memref<128xi32, #tpu.memory_space<vmem>>, vector<16xi32>,
      %dma_start3A_330 = arith.constant 0 : i32
      %dma_start3A_331 = arith.constant 0 : i32
      %dma_start3A_332 = tpu.memref_slice %arg21[%dma_start3A_330, %dma_start3A_331] : memref<5248x64xf32, #tpu.memory_space<vmem_shared>> -> memref<5248x64xf32, #tpu.memory_space<vmem_shared>>
      tpu.enqueue_indirect_dma source(%arg15 : memref<128x64xf32, #tpu.memory_space<vmem>>) target(%dma_start3A_332 : memref<5248x64xf32, #tpu.memory_space<vmem_shared>>) offsets(%arg17 : memref<128xi32, #tpu.memory_space<vmem>>) semaphore(%arg26 : memref<!tpu.dma_semaphore, #tpu.memory_space<semaphore_mem>>) {add = true}
      %mul3A_333 = arith.constant 128 : i32
      %mul3A_334 = arith.muli %mul3A_160, %mul3A_333 : i32
      %dma_start3A_335 = arith.constant 0 : i32
      %dma_start3A_336 = arith.constant 0 : i32
      %dma_start3A_337 = tpu.memref_slice %arg9[%arg0, %arg1, %dma_start3A_335, %dma_start3A_336] : memref<2x16x20480x64xf32, #tpu.memory_space<hbm>> -> memref<1x1x20480x64xf32, #tpu.memory_space<hbm>>
      %dma_start3A_338 = tpu.memref_squeeze %dma_start3A_337 : memref<1x1x20480x64xf32, #tpu.memory_space<hbm>> -> memref<20480x64xf32, #tpu.memory_space<hbm>>
      %dma_start3A_339 = arith.constant 0 : i32
      %dma_start3A_340 = tpu.memref_slice %dma_start3A_338[%mul3A_334, %dma_start3A_339] : memref<20480x64xf32, #tpu.memory_space<hbm>> -> memref<128x64xf32, #tpu.memory_space<hbm>>
      %dma_start3A_341 = arith.constant 0 : i32
      %dma_start3A_342 = arith.constant 0 : i32
      %dma_start3A_343 = tpu.memref_slice %arg9[%arg0, %arg1, %dma_start3A_341, %dma_start3A_342] : memref<2x16x20480x64xf32, #tpu.memory_space<hbm>> -> memref<1x1x20480x64xf32, #tpu.memory_space<hbm>>
      %dma_start3A_344 = tpu.memref_squeeze %dma_start3A_343 : memref<1x1x20480x64xf32, #tpu.memory_space<hbm>> -> memref<20480x64xf32, #tpu.memory_space<hbm>>
      %dma_start3A_345 = arith.constant 0 : i32
      %dma_start3A_346 = tpu.memref_slice %dma_start3A_344[%mul3A_334, %dma_start3A_345] : memref<20480x64xf32, #tpu.memory_space<hbm>> -> memref<128x64xf32, #tpu.memory_space<hbm>>
      tpu.enqueue_dma source(%arg15 : memref<128x64xf32, #tpu.memory_space<vmem>>) target(%dma_start3A_346 : memref<128x64xf32, #tpu.memory_space<hbm>>) target_semaphore(%arg28 : memref<!tpu.dma_semaphore, #tpu.memory_space<semaphore_mem>>)
      %lt3A_347 = arith.constant 79 : i32
      %lt3A_348 = arith.cmpi slt, %scan3A_158, %lt3A_347 : i32
      %convert_element_type3A_349 = arith.extui %lt3A_348 : i1 to i32
      %cond3A_350 = arith.constant 0 : i32
      %cond3A_351 = arith.cmpi ne, %convert_element_type3A_349, %cond3A_350 : i32
      scf.if %cond3A_351 {
        %add3A_534 = arith.constant 2 : i32
        %add3A_535 = arith.addi %mul3A_160, %add3A_534 : i32
        %dma_start3A_536 = arith.constant 0 : i32
        %dma_start3A_537 = tpu.memref_slice %arg10[%add3A_535, %dma_start3A_536] : memref<160x128xi32, #tpu.memory_space<vmem>> -> memref<1x128xi32, #tpu.memory_space<vmem>>
        %dma_start3A_538 = tpu.memref_squeeze %dma_start3A_537 : memref<1x128xi32, #tpu.memory_space<vmem>> -> memref<128xi32, #tpu.memory_space<vmem>>
        %dma_start3A_539 = arith.constant 0 : i32
        %dma_start3A_540 = arith.constant 0 : i32
        %dma_start3A_541 = tpu.memref_slice %arg2[%arg0, %dma_start3A_539, %dma_start3A_540] : memref<2x10240x64xf32, #tpu.memory_space<hbm>> -> memref<1x10240x64xf32, #tpu.memory_space<hbm>>
        %dma_start3A_542 = tpu.memref_squeeze %dma_start3A_541 : memref<1x10240x64xf32, #tpu.memory_space<hbm>> -> memref<10240x64xf32, #tpu.memory_space<hbm>>
        %dma_start3A_543 = arith.constant 0 : i32
        %dma_start3A_544 = arith.constant 0 : i32
        %dma_start3A_545 = tpu.memref_slice %dma_start3A_542[%dma_start3A_543, %dma_start3A_544] : memref<10240x64xf32, #tpu.memory_space<hbm>> -> memref<10240x64xf32, #tpu.memory_space<hbm>>
        tpu.enqueue_indirect_dma source(%dma_start3A_545 : memref<10240x64xf32, #tpu.memory_space<hbm>>) target(%arg13 : memref<128x64xf32, #tpu.memory_space<vmem>>) offsets(%dma_start3A_538 : memref<128xi32, #tpu.memory_space<vmem>>) semaphore(%arg22 : memref<!tpu.dma_semaphore, #tpu.memory_space<semaphore_mem>>)
      } else {
      }
      %dma_wait3A_352 = arith.constant 0 : i32
      %dma_wait3A_353 = tpu.memref_slice %arg10[%add3A_164, %dma_wait3A_352] : memref<160x128xi32, #tpu.memory_space<vmem>> -> memref<1x128xi32, #tpu.memory_space<vmem>>
      %dma_wait3A_354 = tpu.memref_squeeze %dma_wait3A_353 : memref<1x128xi32, #tpu.memory_space<vmem>> -> memref<128xi32, #tpu.memory_space<vmem>>
      %dma_wait3A_355 = arith.constant 0 : i32
      %dma_wait3A_356 = arith.constant 0 : i32
      %dma_wait3A_357 = tpu.memref_slice %arg2[%arg0, %dma_wait3A_355, %dma_wait3A_356] : memref<2x10240x64xf32, #tpu.memory_space<hbm>> -> memref<1x10240x64xf32, #tpu.memory_space<hbm>>
      %dma_wait3A_358 = tpu.memref_squeeze %dma_wait3A_357 : memref<1x10240x64xf32, #tpu.memory_space<hbm>> -> memref<10240x64xf32, #tpu.memory_space<hbm>>
      %dma_wait3A_359 = arith.constant 0 : i32
      %dma_wait3A_360 = arith.constant 0 : i32
      %dma_wait3A_361 = tpu.memref_slice %dma_wait3A_358[%dma_wait3A_359, %dma_wait3A_360] : memref<10240x64xf32, #tpu.memory_space<hbm>> -> memref<10240x64xf32, #tpu.memory_space<hbm>>
      tpu.wait_indirect_dma semaphore(%arg24 : memref<!tpu.dma_semaphore, #tpu.memory_space<semaphore_mem>>) src(%dma_wait3A_361 : memref<10240x64xf32, #tpu.memory_space<hbm>>) dst(%arg14 : memref<128x64xf32, #tpu.memory_space<vmem>>)
      %gt3A_362 = arith.constant 0 : i32
      %gt3A_363 = arith.cmpi sgt, %scan3A_158, %gt3A_362 : i32
      %convert_element_type3A_364 = arith.extui %gt3A_363 : i1 to i32
      %cond3A_365 = arith.constant 0 : i32
      %cond3A_366 = arith.cmpi ne, %convert_element_type3A_364, %cond3A_365 : i32
      scf.if %cond3A_366 {
        %dma_wait3A_534 = arith.constant 0 : i32
        %dma_wait3A_535 = arith.constant 0 : i32
        %dma_wait3A_536 = tpu.memref_slice %arg21[%dma_wait3A_534, %dma_wait3A_535] : memref<5248x64xf32, #tpu.memory_space<vmem_shared>> -> memref<5248x64xf32, #tpu.memory_space<vmem_shared>>
        tpu.wait_indirect_dma semaphore(%arg27 : memref<!tpu.dma_semaphore, #tpu.memory_space<semaphore_mem>>) src(%arg16 : memref<128x64xf32, #tpu.memory_space<vmem>>) dst(%dma_wait3A_536 : memref<5248x64xf32, #tpu.memory_space<vmem_shared>>)
        %sub3A_537 = arith.constant 2 : i32
        %sub3A_538 = arith.subi %add3A_164, %sub3A_537 : i32
        %mul3A_539 = arith.constant 128 : i32
        %mul3A_540 = arith.muli %sub3A_538, %mul3A_539 : i32
        %dma_wait3A_541 = arith.constant 0 : i32
        %dma_wait3A_542 = arith.constant 0 : i32
        %dma_wait3A_543 = tpu.memref_slice %arg9[%arg0, %arg1, %dma_wait3A_541, %dma_wait3A_542] : memref<2x16x20480x64xf32, #tpu.memory_space<hbm>> -> memref<1x1x20480x64xf32, #tpu.memory_space<hbm>>
        %dma_wait3A_544 = tpu.memref_squeeze %dma_wait3A_543 : memref<1x1x20480x64xf32, #tpu.memory_space<hbm>> -> memref<20480x64xf32, #tpu.memory_space<hbm>>
        %dma_wait3A_545 = arith.constant 0 : i32
        %dma_wait3A_546 = tpu.memref_slice %dma_wait3A_544[%mul3A_540, %dma_wait3A_545] : memref<20480x64xf32, #tpu.memory_space<hbm>> -> memref<128x64xf32, #tpu.memory_space<hbm>>
        %dma_wait3A_547 = arith.constant 0 : i32
        %dma_wait3A_548 = arith.constant 0 : i32
        %dma_wait3A_549 = tpu.memref_slice %arg9[%arg0, %arg1, %dma_wait3A_547, %dma_wait3A_548] : memref<2x16x20480x64xf32, #tpu.memory_space<hbm>> -> memref<1x1x20480x64xf32, #tpu.memory_space<hbm>>
        %dma_wait3A_550 = tpu.memref_squeeze %dma_wait3A_549 : memref<1x1x20480x64xf32, #tpu.memory_space<hbm>> -> memref<20480x64xf32, #tpu.memory_space<hbm>>
        %dma_wait3A_551 = arith.constant 0 : i32
        %dma_wait3A_552 = tpu.memref_slice %dma_wait3A_550[%mul3A_540, %dma_wait3A_551] : memref<20480x64xf32, #tpu.memory_space<hbm>> -> memref<128x64xf32, #tpu.memory_space<hbm>>
        tpu.wait_dma2 semaphore(%arg29 : memref<!tpu.dma_semaphore, #tpu.memory_space<semaphore_mem>>) src(%arg16 : memref<128x64xf32, #tpu.memory_space<vmem>>) dst(%dma_wait3A_552 : memref<128x64xf32, #tpu.memory_space<hbm>>)
      } else {
      }
      %scan3A_367 = arith.constant 0 : i32
      %scan3A_368 = arith.constant 0 : i32
      %scan3A_369 = arith.constant 8 : i32
      %scan3A_370 = arith.addi %scan3A_368, %scan3A_369 : i32
      %scan3A_371 = arith.constant 1 : i32
      scf.for %scan3A_534 = %scan3A_368 to %scan3A_370 step %scan3A_371  : i32 {
        %mul3A_535 = arith.constant 16 : i32
        %mul3A_536 = arith.muli %scan3A_534, %mul3A_535 : i32
        %get3A_537 = arith.index_cast %add3A_164 : i32 to index
        %get3A_538 = arith.index_cast %mul3A_536 : i32 to index
        %get3A_539 = tpu.vector_load %arg12[%get3A_537, %get3A_538] {strides = array<i32>} : memref<160x128xf32, #tpu.memory_space<vmem>>, vector<16xf32>,
        %slice3A = vector.extract_strided_slice %get3A_539 {offsets = [0], sizes = [1], strides = [1]} : vector<16xf32> to vector<1xf32>
        %squeeze3A = vector.extract %slice3A[0] : f32 from vector<1xf32>
        %mul3A_540 = arith.constant 16 : i32
        %mul3A_541 = arith.muli %scan3A_534, %mul3A_540 : i32
        %add3A_542 = arith.constant 0 : i32
        %add3A_543 = arith.addi %mul3A_541, %add3A_542 : i32
        %get3A_544 = arith.index_cast %add3A_543 : i32 to index
        %get3A_545 = arith.constant 0 : index
        %get3A_546 = tpu.vector_load %arg14[%get3A_544, %get3A_545] {strides = array<i32>} : memref<128x64xf32, #tpu.memory_space<vmem>>, vector<16xf32>,
        %mul3A_547 = vector.broadcast %squeeze3A : f32 to vector<16xf32>
        %mul3A_548 = arith.mulf %get3A_546, %mul3A_547 : vector<16xf32>
        %swap3A_549 = arith.index_cast %add3A_543 : i32 to index
        %swap3A_550 = arith.constant 0 : index
        %swap3A_551 = tpu.vector_load %arg16[%swap3A_549, %swap3A_550] {strides = array<i32>} : memref<128x64xf32, #tpu.memory_space<vmem>>, vector<16xf32>,
        tpu.vector_store %arg16[%swap3A_549, %swap3A_550], %mul3A_548 {strides = array<i32>} : memref<128x64xf32, #tpu.memory_space<vmem>>, vector<16xf32>,
        %get3A_552 = arith.index_cast %add3A_543 : i32 to index
        %get3A_553 = arith.constant 16 : index
        %get3A_554 = tpu.vector_load %arg14[%get3A_552, %get3A_553] {strides = array<i32>} : memref<128x64xf32, #tpu.memory_space<vmem>>, vector<16xf32>,
        %mul3A_555 = vector.broadcast %squeeze3A : f32 to vector<16xf32>
        %mul3A_556 = arith.mulf %get3A_554, %mul3A_555 : vector<16xf32>
        %swap3A_557 = arith.index_cast %add3A_543 : i32 to index
        %swap3A_558 = arith.constant 16 : index
        %swap3A_559 = tpu.vector_load %arg16[%swap3A_557, %swap3A_558] {strides = array<i32>} : memref<128x64xf32, #tpu.memory_space<vmem>>, vector<16xf32>,
        tpu.vector_store %arg16[%swap3A_557, %swap3A_558], %mul3A_556 {strides = array<i32>} : memref<128x64xf32, #tpu.memory_space<vmem>>, vector<16xf32>,
        %get3A_560 = arith.index_cast %add3A_543 : i32 to index
        %get3A_561 = arith.constant 32 : index
        %get3A_562 = tpu.vector_load %arg14[%get3A_560, %get3A_561] {strides = array<i32>} : memref<128x64xf32, #tpu.memory_space<vmem>>, vector<16xf32>,
        %mul3A_563 = vector.broadcast %squeeze3A : f32 to vector<16xf32>
        %mul3A_564 = arith.mulf %get3A_562, %mul3A_563 : vector<16xf32>
        %swap3A_565 = arith.index_cast %add3A_543 : i32 to index
        %swap3A_566 = arith.constant 32 : index
        %swap3A_567 = tpu.vector_load %arg16[%swap3A_565, %swap3A_566] {strides = array<i32>} : memref<128x64xf32, #tpu.memory_space<vmem>>, vector<16xf32>,
        tpu.vector_store %arg16[%swap3A_565, %swap3A_566], %mul3A_564 {strides = array<i32>} : memref<128x64xf32, #tpu.memory_space<vmem>>, vector<16xf32>,
        %get3A_568 = arith.index_cast %add3A_543 : i32 to index
        %get3A_569 = arith.constant 48 : index
        %get3A_570 = tpu.vector_load %arg14[%get3A_568, %get3A_569] {strides = array<i32>} : memref<128x64xf32, #tpu.memory_space<vmem>>, vector<16xf32>,
        %mul3A_571 = vector.broadcast %squeeze3A : f32 to vector<16xf32>
        %mul3A_572 = arith.mulf %get3A_570, %mul3A_571 : vector<16xf32>
        %swap3A_573 = arith.index_cast %add3A_543 : i32 to index
        %swap3A_574 = arith.constant 48 : index
        %swap3A_575 = tpu.vector_load %arg16[%swap3A_573, %swap3A_574] {strides = array<i32>} : memref<128x64xf32, #tpu.memory_space<vmem>>, vector<16xf32>,
        tpu.vector_store %arg16[%swap3A_573, %swap3A_574], %mul3A_572 {strides = array<i32>} : memref<128x64xf32, #tpu.memory_space<vmem>>, vector<16xf32>,
        %slice3A_576 = vector.extract_strided_slice %get3A_539 {offsets = [1], sizes = [1], strides = [1]} : vector<16xf32> to vector<1xf32>
        %squeeze3A_577 = vector.extract %slice3A_576[0] : f32 from vector<1xf32>
        %mul3A_578 = arith.constant 16 : i32
        %mul3A_579 = arith.muli %scan3A_534, %mul3A_578 : i32
        %add3A_580 = arith.constant 1 : i32
        %add3A_581 = arith.addi %mul3A_579, %add3A_580 : i32
        %get3A_582 = arith.index_cast %add3A_581 : i32 to index
        %get3A_583 = arith.constant 0 : index
        %get3A_584 = tpu.vector_load %arg14[%get3A_582, %get3A_583] {strides = array<i32>} : memref<128x64xf32, #tpu.memory_space<vmem>>, vector<16xf32>,
        %mul3A_585 = vector.broadcast %squeeze3A_577 : f32 to vector<16xf32>
        %mul3A_586 = arith.mulf %get3A_584, %mul3A_585 : vector<16xf32>
        %swap3A_587 = arith.index_cast %add3A_581 : i32 to index
        %swap3A_588 = arith.constant 0 : index
        %swap3A_589 = tpu.vector_load %arg16[%swap3A_587, %swap3A_588] {strides = array<i32>} : memref<128x64xf32, #tpu.memory_space<vmem>>, vector<16xf32>,
        tpu.vector_store %arg16[%swap3A_587, %swap3A_588], %mul3A_586 {strides = array<i32>} : memref<128x64xf32, #tpu.memory_space<vmem>>, vector<16xf32>,
        %get3A_590 = arith.index_cast %add3A_581 : i32 to index
        %get3A_591 = arith.constant 16 : index
        %get3A_592 = tpu.vector_load %arg14[%get3A_590, %get3A_591] {strides = array<i32>} : memref<128x64xf32, #tpu.memory_space<vmem>>, vector<16xf32>,
        %mul3A_593 = vector.broadcast %squeeze3A_577 : f32 to vector<16xf32>
        %mul3A_594 = arith.mulf %get3A_592, %mul3A_593 : vector<16xf32>
        %swap3A_595 = arith.index_cast %add3A_581 : i32 to index
        %swap3A_596 = arith.constant 16 : index
        %swap3A_597 = tpu.vector_load %arg16[%swap3A_595, %swap3A_596] {strides = array<i32>} : memref<128x64xf32, #tpu.memory_space<vmem>>, vector<16xf32>,
        tpu.vector_store %arg16[%swap3A_595, %swap3A_596], %mul3A_594 {strides = array<i32>} : memref<128x64xf32, #tpu.memory_space<vmem>>, vector<16xf32>,
        %get3A_598 = arith.index_cast %add3A_581 : i32 to index
        %get3A_599 = arith.constant 32 : index
        %get3A_600 = tpu.vector_load %arg14[%get3A_598, %get3A_599] {strides = array<i32>} : memref<128x64xf32, #tpu.memory_space<vmem>>, vector<16xf32>,
        %mul3A_601 = vector.broadcast %squeeze3A_577 : f32 to vector<16xf32>
        %mul3A_602 = arith.mulf %get3A_600, %mul3A_601 : vector<16xf32>
        %swap3A_603 = arith.index_cast %add3A_581 : i32 to index
        %swap3A_604 = arith.constant 32 : index
        %swap3A_605 = tpu.vector_load %arg16[%swap3A_603, %swap3A_604] {strides = array<i32>} : memref<128x64xf32, #tpu.memory_space<vmem>>, vector<16xf32>,
        tpu.vector_store %arg16[%swap3A_603, %swap3A_604], %mul3A_602 {strides = array<i32>} : memref<128x64xf32, #tpu.memory_space<vmem>>, vector<16xf32>,
        %get3A_606 = arith.index_cast %add3A_581 : i32 to index
        %get3A_607 = arith.constant 48 : index
        %get3A_608 = tpu.vector_load %arg14[%get3A_606, %get3A_607] {strides = array<i32>} : memref<128x64xf32, #tpu.memory_space<vmem>>, vector<16xf32>,
        %mul3A_609 = vector.broadcast %squeeze3A_577 : f32 to vector<16xf32>
        %mul3A_610 = arith.mulf %get3A_608, %mul3A_609 : vector<16xf32>
        %swap3A_611 = arith.index_cast %add3A_581 : i32 to index
        %swap3A_612 = arith.constant 48 : index
        %swap3A_613 = tpu.vector_load %arg16[%swap3A_611, %swap3A_612] {strides = array<i32>} : memref<128x64xf32, #tpu.memory_space<vmem>>, vector<16xf32>,
        tpu.vector_store %arg16[%swap3A_611, %swap3A_612], %mul3A_610 {strides = array<i32>} : memref<128x64xf32, #tpu.memory_space<vmem>>, vector<16xf32>,
        %slice3A_614 = vector.extract_strided_slice %get3A_539 {offsets = [2], sizes = [1], strides = [1]} : vector<16xf32> to vector<1xf32>
        %squeeze3A_615 = vector.extract %slice3A_614[0] : f32 from vector<1xf32>
        %mul3A_616 = arith.constant 16 : i32
        %mul3A_617 = arith.muli %scan3A_534, %mul3A_616 : i32
        %add3A_618 = arith.constant 2 : i32
        %add3A_619 = arith.addi %mul3A_617, %add3A_618 : i32
        %get3A_620 = arith.index_cast %add3A_619 : i32 to index
        %get3A_621 = arith.constant 0 : index
        %get3A_622 = tpu.vector_load %arg14[%get3A_620, %get3A_621] {strides = array<i32>} : memref<128x64xf32, #tpu.memory_space<vmem>>, vector<16xf32>,
        %mul3A_623 = vector.broadcast %squeeze3A_615 : f32 to vector<16xf32>
        %mul3A_624 = arith.mulf %get3A_622, %mul3A_623 : vector<16xf32>
        %swap3A_625 = arith.index_cast %add3A_619 : i32 to index
        %swap3A_626 = arith.constant 0 : index
        %swap3A_627 = tpu.vector_load %arg16[%swap3A_625, %swap3A_626] {strides = array<i32>} : memref<128x64xf32, #tpu.memory_space<vmem>>, vector<16xf32>,
        tpu.vector_store %arg16[%swap3A_625, %swap3A_626], %mul3A_624 {strides = array<i32>} : memref<128x64xf32, #tpu.memory_space<vmem>>, vector<16xf32>,
        %get3A_628 = arith.index_cast %add3A_619 : i32 to index
        %get3A_629 = arith.constant 16 : index
        %get3A_630 = tpu.vector_load %arg14[%get3A_628, %get3A_629] {strides = array<i32>} : memref<128x64xf32, #tpu.memory_space<vmem>>, vector<16xf32>,
        %mul3A_631 = vector.broadcast %squeeze3A_615 : f32 to vector<16xf32>
        %mul3A_632 = arith.mulf %get3A_630, %mul3A_631 : vector<16xf32>
        %swap3A_633 = arith.index_cast %add3A_619 : i32 to index
        %swap3A_634 = arith.constant 16 : index
        %swap3A_635 = tpu.vector_load %arg16[%swap3A_633, %swap3A_634] {strides = array<i32>} : memref<128x64xf32, #tpu.memory_space<vmem>>, vector<16xf32>,
        tpu.vector_store %arg16[%swap3A_633, %swap3A_634], %mul3A_632 {strides = array<i32>} : memref<128x64xf32, #tpu.memory_space<vmem>>, vector<16xf32>,
        %get3A_636 = arith.index_cast %add3A_619 : i32 to index
        %get3A_637 = arith.constant 32 : index
        %get3A_638 = tpu.vector_load %arg14[%get3A_636, %get3A_637] {strides = array<i32>} : memref<128x64xf32, #tpu.memory_space<vmem>>, vector<16xf32>,
        %mul3A_639 = vector.broadcast %squeeze3A_615 : f32 to vector<16xf32>
        %mul3A_640 = arith.mulf %get3A_638, %mul3A_639 : vector<16xf32>
        %swap3A_641 = arith.index_cast %add3A_619 : i32 to index
        %swap3A_642 = arith.constant 32 : index
        %swap3A_643 = tpu.vector_load %arg16[%swap3A_641, %swap3A_642] {strides = array<i32>} : memref<128x64xf32, #tpu.memory_space<vmem>>, vector<16xf32>,
        tpu.vector_store %arg16[%swap3A_641, %swap3A_642], %mul3A_640 {strides = array<i32>} : memref<128x64xf32, #tpu.memory_space<vmem>>, vector<16xf32>,
        %get3A_644 = arith.index_cast %add3A_619 : i32 to index
        %get3A_645 = arith.constant 48 : index
        %get3A_646 = tpu.vector_load %arg14[%get3A_644, %get3A_645] {strides = array<i32>} : memref<128x64xf32, #tpu.memory_space<vmem>>, vector<16xf32>,
        %mul3A_647 = vector.broadcast %squeeze3A_615 : f32 to vector<16xf32>
        %mul3A_648 = arith.mulf %get3A_646, %mul3A_647 : vector<16xf32>
        %swap3A_649 = arith.index_cast %add3A_619 : i32 to index
        %swap3A_650 = arith.constant 48 : index
        %swap3A_651 = tpu.vector_load %arg16[%swap3A_649, %swap3A_650] {strides = array<i32>} : memref<128x64xf32, #tpu.memory_space<vmem>>, vector<16xf32>,
        tpu.vector_store %arg16[%swap3A_649, %swap3A_650], %mul3A_648 {strides = array<i32>} : memref<128x64xf32, #tpu.memory_space<vmem>>, vector<16xf32>,
        %slice3A_652 = vector.extract_strided_slice %get3A_539 {offsets = [3], sizes = [1], strides = [1]} : vector<16xf32> to vector<1xf32>
        %squeeze3A_653 = vector.extract %slice3A_652[0] : f32 from vector<1xf32>
        %mul3A_654 = arith.constant 16 : i32
        %mul3A_655 = arith.muli %scan3A_534, %mul3A_654 : i32
        %add3A_656 = arith.constant 3 : i32
        %add3A_657 = arith.addi %mul3A_655, %add3A_656 : i32
        %get3A_658 = arith.index_cast %add3A_657 : i32 to index
        %get3A_659 = arith.constant 0 : index
        %get3A_660 = tpu.vector_load %arg14[%get3A_658, %get3A_659] {strides = array<i32>} : memref<128x64xf32, #tpu.memory_space<vmem>>, vector<16xf32>,
        %mul3A_661 = vector.broadcast %squeeze3A_653 : f32 to vector<16xf32>
        %mul3A_662 = arith.mulf %get3A_660, %mul3A_661 : vector<16xf32>
        %swap3A_663 = arith.index_cast %add3A_657 : i32 to index
        %swap3A_664 = arith.constant 0 : index
        %swap3A_665 = tpu.vector_load %arg16[%swap3A_663, %swap3A_664] {strides = array<i32>} : memref<128x64xf32, #tpu.memory_space<vmem>>, vector<16xf32>,
        tpu.vector_store %arg16[%swap3A_663, %swap3A_664], %mul3A_662 {strides = array<i32>} : memref<128x64xf32, #tpu.memory_space<vmem>>, vector<16xf32>,
        %get3A_666 = arith.index_cast %add3A_657 : i32 to index
        %get3A_667 = arith.constant 16 : index
        %get3A_668 = tpu.vector_load %arg14[%get3A_666, %get3A_667] {strides = array<i32>} : memref<128x64xf32, #tpu.memory_space<vmem>>, vector<16xf32>,
        %mul3A_669 = vector.broadcast %squeeze3A_653 : f32 to vector<16xf32>
        %mul3A_670 = arith.mulf %get3A_668, %mul3A_669 : vector<16xf32>
        %swap3A_671 = arith.index_cast %add3A_657 : i32 to index
        %swap3A_672 = arith.constant 16 : index
        %swap3A_673 = tpu.vector_load %arg16[%swap3A_671, %swap3A_672] {strides = array<i32>} : memref<128x64xf32, #tpu.memory_space<vmem>>, vector<16xf32>,
        tpu.vector_store %arg16[%swap3A_671, %swap3A_672], %mul3A_670 {strides = array<i32>} : memref<128x64xf32, #tpu.memory_space<vmem>>, vector<16xf32>,
        %get3A_674 = arith.index_cast %add3A_657 : i32 to index
        %get3A_675 = arith.constant 32 : index
        %get3A_676 = tpu.vector_load %arg14[%get3A_674, %get3A_675] {strides = array<i32>} : memref<128x64xf32, #tpu.memory_space<vmem>>, vector<16xf32>,
        %mul3A_677 = vector.broadcast %squeeze3A_653 : f32 to vector<16xf32>
        %mul3A_678 = arith.mulf %get3A_676, %mul3A_677 : vector<16xf32>
        %swap3A_679 = arith.index_cast %add3A_657 : i32 to index
        %swap3A_680 = arith.constant 32 : index
        %swap3A_681 = tpu.vector_load %arg16[%swap3A_679, %swap3A_680] {strides = array<i32>} : memref<128x64xf32, #tpu.memory_space<vmem>>, vector<16xf32>,
        tpu.vector_store %arg16[%swap3A_679, %swap3A_680], %mul3A_678 {strides = array<i32>} : memref<128x64xf32, #tpu.memory_space<vmem>>, vector<16xf32>,
        %get3A_682 = arith.index_cast %add3A_657 : i32 to index
        %get3A_683 = arith.constant 48 : index
        %get3A_684 = tpu.vector_load %arg14[%get3A_682, %get3A_683] {strides = array<i32>} : memref<128x64xf32, #tpu.memory_space<vmem>>, vector<16xf32>,
        %mul3A_685 = vector.broadcast %squeeze3A_653 : f32 to vector<16xf32>
        %mul3A_686 = arith.mulf %get3A_684, %mul3A_685 : vector<16xf32>
        %swap3A_687 = arith.index_cast %add3A_657 : i32 to index
        %swap3A_688 = arith.constant 48 : index
        %swap3A_689 = tpu.vector_load %arg16[%swap3A_687, %swap3A_688] {strides = array<i32>} : memref<128x64xf32, #tpu.memory_space<vmem>>, vector<16xf32>,
        tpu.vector_store %arg16[%swap3A_687, %swap3A_688], %mul3A_686 {strides = array<i32>} : memref<128x64xf32, #tpu.memory_space<vmem>>, vector<16xf32>,
        %slice3A_690 = vector.extract_strided_slice %get3A_539 {offsets = [4], sizes = [1], strides = [1]} : vector<16xf32> to vector<1xf32>
        %squeeze3A_691 = vector.extract %slice3A_690[0] : f32 from vector<1xf32>
        %mul3A_692 = arith.constant 16 : i32
        %mul3A_693 = arith.muli %scan3A_534, %mul3A_692 : i32
        %add3A_694 = arith.constant 4 : i32
        %add3A_695 = arith.addi %mul3A_693, %add3A_694 : i32
        %get3A_696 = arith.index_cast %add3A_695 : i32 to index
        %get3A_697 = arith.constant 0 : index
        %get3A_698 = tpu.vector_load %arg14[%get3A_696, %get3A_697] {strides = array<i32>} : memref<128x64xf32, #tpu.memory_space<vmem>>, vector<16xf32>,
        %mul3A_699 = vector.broadcast %squeeze3A_691 : f32 to vector<16xf32>
        %mul3A_700 = arith.mulf %get3A_698, %mul3A_699 : vector<16xf32>
        %swap3A_701 = arith.index_cast %add3A_695 : i32 to index
        %swap3A_702 = arith.constant 0 : index
        %swap3A_703 = tpu.vector_load %arg16[%swap3A_701, %swap3A_702] {strides = array<i32>} : memref<128x64xf32, #tpu.memory_space<vmem>>, vector<16xf32>,
        tpu.vector_store %arg16[%swap3A_701, %swap3A_702], %mul3A_700 {strides = array<i32>} : memref<128x64xf32, #tpu.memory_space<vmem>>, vector<16xf32>,
        %get3A_704 = arith.index_cast %add3A_695 : i32 to index
        %get3A_705 = arith.constant 16 : index
        %get3A_706 = tpu.vector_load %arg14[%get3A_704, %get3A_705] {strides = array<i32>} : memref<128x64xf32, #tpu.memory_space<vmem>>, vector<16xf32>,
        %mul3A_707 = vector.broadcast %squeeze3A_691 : f32 to vector<16xf32>
        %mul3A_708 = arith.mulf %get3A_706, %mul3A_707 : vector<16xf32>
        %swap3A_709 = arith.index_cast %add3A_695 : i32 to index
        %swap3A_710 = arith.constant 16 : index
        %swap3A_711 = tpu.vector_load %arg16[%swap3A_709, %swap3A_710] {strides = array<i32>} : memref<128x64xf32, #tpu.memory_space<vmem>>, vector<16xf32>,
        tpu.vector_store %arg16[%swap3A_709, %swap3A_710], %mul3A_708 {strides = array<i32>} : memref<128x64xf32, #tpu.memory_space<vmem>>, vector<16xf32>,
        %get3A_712 = arith.index_cast %add3A_695 : i32 to index
        %get3A_713 = arith.constant 32 : index
        %get3A_714 = tpu.vector_load %arg14[%get3A_712, %get3A_713] {strides = array<i32>} : memref<128x64xf32, #tpu.memory_space<vmem>>, vector<16xf32>,
        %mul3A_715 = vector.broadcast %squeeze3A_691 : f32 to vector<16xf32>
        %mul3A_716 = arith.mulf %get3A_714, %mul3A_715 : vector<16xf32>
        %swap3A_717 = arith.index_cast %add3A_695 : i32 to index
        %swap3A_718 = arith.constant 32 : index
        %swap3A_719 = tpu.vector_load %arg16[%swap3A_717, %swap3A_718] {strides = array<i32>} : memref<128x64xf32, #tpu.memory_space<vmem>>, vector<16xf32>,
        tpu.vector_store %arg16[%swap3A_717, %swap3A_718], %mul3A_716 {strides = array<i32>} : memref<128x64xf32, #tpu.memory_space<vmem>>, vector<16xf32>,
        %get3A_720 = arith.index_cast %add3A_695 : i32 to index
        %get3A_721 = arith.constant 48 : index
        %get3A_722 = tpu.vector_load %arg14[%get3A_720, %get3A_721] {strides = array<i32>} : memref<128x64xf32, #tpu.memory_space<vmem>>, vector<16xf32>,
        %mul3A_723 = vector.broadcast %squeeze3A_691 : f32 to vector<16xf32>
        %mul3A_724 = arith.mulf %get3A_722, %mul3A_723 : vector<16xf32>
        %swap3A_725 = arith.index_cast %add3A_695 : i32 to index
        %swap3A_726 = arith.constant 48 : index
        %swap3A_727 = tpu.vector_load %arg16[%swap3A_725, %swap3A_726] {strides = array<i32>} : memref<128x64xf32, #tpu.memory_space<vmem>>, vector<16xf32>,
        tpu.vector_store %arg16[%swap3A_725, %swap3A_726], %mul3A_724 {strides = array<i32>} : memref<128x64xf32, #tpu.memory_space<vmem>>, vector<16xf32>,
        %slice3A_728 = vector.extract_strided_slice %get3A_539 {offsets = [5], sizes = [1], strides = [1]} : vector<16xf32> to vector<1xf32>
        %squeeze3A_729 = vector.extract %slice3A_728[0] : f32 from vector<1xf32>
        %mul3A_730 = arith.constant 16 : i32
        %mul3A_731 = arith.muli %scan3A_534, %mul3A_730 : i32
        %add3A_732 = arith.constant 5 : i32
        %add3A_733 = arith.addi %mul3A_731, %add3A_732 : i32
        %get3A_734 = arith.index_cast %add3A_733 : i32 to index
        %get3A_735 = arith.constant 0 : index
        %get3A_736 = tpu.vector_load %arg14[%get3A_734, %get3A_735] {strides = array<i32>} : memref<128x64xf32, #tpu.memory_space<vmem>>, vector<16xf32>,
        %mul3A_737 = vector.broadcast %squeeze3A_729 : f32 to vector<16xf32>
        %mul3A_738 = arith.mulf %get3A_736, %mul3A_737 : vector<16xf32>
        %swap3A_739 = arith.index_cast %add3A_733 : i32 to index
        %swap3A_740 = arith.constant 0 : index
        %swap3A_741 = tpu.vector_load %arg16[%swap3A_739, %swap3A_740] {strides = array<i32>} : memref<128x64xf32, #tpu.memory_space<vmem>>, vector<16xf32>,
        tpu.vector_store %arg16[%swap3A_739, %swap3A_740], %mul3A_738 {strides = array<i32>} : memref<128x64xf32, #tpu.memory_space<vmem>>, vector<16xf32>,
        %get3A_742 = arith.index_cast %add3A_733 : i32 to index
        %get3A_743 = arith.constant 16 : index
        %get3A_744 = tpu.vector_load %arg14[%get3A_742, %get3A_743] {strides = array<i32>} : memref<128x64xf32, #tpu.memory_space<vmem>>, vector<16xf32>,
        %mul3A_745 = vector.broadcast %squeeze3A_729 : f32 to vector<16xf32>
        %mul3A_746 = arith.mulf %get3A_744, %mul3A_745 : vector<16xf32>
        %swap3A_747 = arith.index_cast %add3A_733 : i32 to index
        %swap3A_748 = arith.constant 16 : index
        %swap3A_749 = tpu.vector_load %arg16[%swap3A_747, %swap3A_748] {strides = array<i32>} : memref<128x64xf32, #tpu.memory_space<vmem>>, vector<16xf32>,
        tpu.vector_store %arg16[%swap3A_747, %swap3A_748], %mul3A_746 {strides = array<i32>} : memref<128x64xf32, #tpu.memory_space<vmem>>, vector<16xf32>,
        %get3A_750 = arith.index_cast %add3A_733 : i32 to index
        %get3A_751 = arith.constant 32 : index
        %get3A_752 = tpu.vector_load %arg14[%get3A_750, %get3A_751] {strides = array<i32>} : memref<128x64xf32, #tpu.memory_space<vmem>>, vector<16xf32>,
        %mul3A_753 = vector.broadcast %squeeze3A_729 : f32 to vector<16xf32>
        %mul3A_754 = arith.mulf %get3A_752, %mul3A_753 : vector<16xf32>
        %swap3A_755 = arith.index_cast %add3A_733 : i32 to index
        %swap3A_756 = arith.constant 32 : index
        %swap3A_757 = tpu.vector_load %arg16[%swap3A_755, %swap3A_756] {strides = array<i32>} : memref<128x64xf32, #tpu.memory_space<vmem>>, vector<16xf32>,
        tpu.vector_store %arg16[%swap3A_755, %swap3A_756], %mul3A_754 {strides = array<i32>} : memref<128x64xf32, #tpu.memory_space<vmem>>, vector<16xf32>,
        %get3A_758 = arith.index_cast %add3A_733 : i32 to index
        %get3A_759 = arith.constant 48 : index
        %get3A_760 = tpu.vector_load %arg14[%get3A_758, %get3A_759] {strides = array<i32>} : memref<128x64xf32, #tpu.memory_space<vmem>>, vector<16xf32>,
        %mul3A_761 = vector.broadcast %squeeze3A_729 : f32 to vector<16xf32>
        %mul3A_762 = arith.mulf %get3A_760, %mul3A_761 : vector<16xf32>
        %swap3A_763 = arith.index_cast %add3A_733 : i32 to index
        %swap3A_764 = arith.constant 48 : index
        %swap3A_765 = tpu.vector_load %arg16[%swap3A_763, %swap3A_764] {strides = array<i32>} : memref<128x64xf32, #tpu.memory_space<vmem>>, vector<16xf32>,
        tpu.vector_store %arg16[%swap3A_763, %swap3A_764], %mul3A_762 {strides = array<i32>} : memref<128x64xf32, #tpu.memory_space<vmem>>, vector<16xf32>,
        %slice3A_766 = vector.extract_strided_slice %get3A_539 {offsets = [6], sizes = [1], strides = [1]} : vector<16xf32> to vector<1xf32>
        %squeeze3A_767 = vector.extract %slice3A_766[0] : f32 from vector<1xf32>
        %mul3A_768 = arith.constant 16 : i32
        %mul3A_769 = arith.muli %scan3A_534, %mul3A_768 : i32
        %add3A_770 = arith.constant 6 : i32
        %add3A_771 = arith.addi %mul3A_769, %add3A_770 : i32
        %get3A_772 = arith.index_cast %add3A_771 : i32 to index
        %get3A_773 = arith.constant 0 : index
        %get3A_774 = tpu.vector_load %arg14[%get3A_772, %get3A_773] {strides = array<i32>} : memref<128x64xf32, #tpu.memory_space<vmem>>, vector<16xf32>,
        %mul3A_775 = vector.broadcast %squeeze3A_767 : f32 to vector<16xf32>
        %mul3A_776 = arith.mulf %get3A_774, %mul3A_775 : vector<16xf32>
        %swap3A_777 = arith.index_cast %add3A_771 : i32 to index
        %swap3A_778 = arith.constant 0 : index
        %swap3A_779 = tpu.vector_load %arg16[%swap3A_777, %swap3A_778] {strides = array<i32>} : memref<128x64xf32, #tpu.memory_space<vmem>>, vector<16xf32>,
        tpu.vector_store %arg16[%swap3A_777, %swap3A_778], %mul3A_776 {strides = array<i32>} : memref<128x64xf32, #tpu.memory_space<vmem>>, vector<16xf32>,
        %get3A_780 = arith.index_cast %add3A_771 : i32 to index
        %get3A_781 = arith.constant 16 : index
        %get3A_782 = tpu.vector_load %arg14[%get3A_780, %get3A_781] {strides = array<i32>} : memref<128x64xf32, #tpu.memory_space<vmem>>, vector<16xf32>,
        %mul3A_783 = vector.broadcast %squeeze3A_767 : f32 to vector<16xf32>
        %mul3A_784 = arith.mulf %get3A_782, %mul3A_783 : vector<16xf32>
        %swap3A_785 = arith.index_cast %add3A_771 : i32 to index
        %swap3A_786 = arith.constant 16 : index
        %swap3A_787 = tpu.vector_load %arg16[%swap3A_785, %swap3A_786] {strides = array<i32>} : memref<128x64xf32, #tpu.memory_space<vmem>>, vector<16xf32>,
        tpu.vector_store %arg16[%swap3A_785, %swap3A_786], %mul3A_784 {strides = array<i32>} : memref<128x64xf32, #tpu.memory_space<vmem>>, vector<16xf32>,
        %get3A_788 = arith.index_cast %add3A_771 : i32 to index
        %get3A_789 = arith.constant 32 : index
        %get3A_790 = tpu.vector_load %arg14[%get3A_788, %get3A_789] {strides = array<i32>} : memref<128x64xf32, #tpu.memory_space<vmem>>, vector<16xf32>,
        %mul3A_791 = vector.broadcast %squeeze3A_767 : f32 to vector<16xf32>
        %mul3A_792 = arith.mulf %get3A_790, %mul3A_791 : vector<16xf32>
        %swap3A_793 = arith.index_cast %add3A_771 : i32 to index
        %swap3A_794 = arith.constant 32 : index
        %swap3A_795 = tpu.vector_load %arg16[%swap3A_793, %swap3A_794] {strides = array<i32>} : memref<128x64xf32, #tpu.memory_space<vmem>>, vector<16xf32>,
        tpu.vector_store %arg16[%swap3A_793, %swap3A_794], %mul3A_792 {strides = array<i32>} : memref<128x64xf32, #tpu.memory_space<vmem>>, vector<16xf32>,
        %get3A_796 = arith.index_cast %add3A_771 : i32 to index
        %get3A_797 = arith.constant 48 : index
        %get3A_798 = tpu.vector_load %arg14[%get3A_796, %get3A_797] {strides = array<i32>} : memref<128x64xf32, #tpu.memory_space<vmem>>, vector<16xf32>,
        %mul3A_799 = vector.broadcast %squeeze3A_767 : f32 to vector<16xf32>
        %mul3A_800 = arith.mulf %get3A_798, %mul3A_799 : vector<16xf32>
        %swap3A_801 = arith.index_cast %add3A_771 : i32 to index
        %swap3A_802 = arith.constant 48 : index
        %swap3A_803 = tpu.vector_load %arg16[%swap3A_801, %swap3A_802] {strides = array<i32>} : memref<128x64xf32, #tpu.memory_space<vmem>>, vector<16xf32>,
        tpu.vector_store %arg16[%swap3A_801, %swap3A_802], %mul3A_800 {strides = array<i32>} : memref<128x64xf32, #tpu.memory_space<vmem>>, vector<16xf32>,
        %slice3A_804 = vector.extract_strided_slice %get3A_539 {offsets = [7], sizes = [1], strides = [1]} : vector<16xf32> to vector<1xf32>
        %squeeze3A_805 = vector.extract %slice3A_804[0] : f32 from vector<1xf32>
        %mul3A_806 = arith.constant 16 : i32
        %mul3A_807 = arith.muli %scan3A_534, %mul3A_806 : i32
        %add3A_808 = arith.constant 7 : i32
        %add3A_809 = arith.addi %mul3A_807, %add3A_808 : i32
        %get3A_810 = arith.index_cast %add3A_809 : i32 to index
        %get3A_811 = arith.constant 0 : index
        %get3A_812 = tpu.vector_load %arg14[%get3A_810, %get3A_811] {strides = array<i32>} : memref<128x64xf32, #tpu.memory_space<vmem>>, vector<16xf32>,
        %mul3A_813 = vector.broadcast %squeeze3A_805 : f32 to vector<16xf32>
        %mul3A_814 = arith.mulf %get3A_812, %mul3A_813 : vector<16xf32>
        %swap3A_815 = arith.index_cast %add3A_809 : i32 to index
        %swap3A_816 = arith.constant 0 : index
        %swap3A_817 = tpu.vector_load %arg16[%swap3A_815, %swap3A_816] {strides = array<i32>} : memref<128x64xf32, #tpu.memory_space<vmem>>, vector<16xf32>,
        tpu.vector_store %arg16[%swap3A_815, %swap3A_816], %mul3A_814 {strides = array<i32>} : memref<128x64xf32, #tpu.memory_space<vmem>>, vector<16xf32>,
        %get3A_818 = arith.index_cast %add3A_809 : i32 to index
        %get3A_819 = arith.constant 16 : index
        %get3A_820 = tpu.vector_load %arg14[%get3A_818, %get3A_819] {strides = array<i32>} : memref<128x64xf32, #tpu.memory_space<vmem>>, vector<16xf32>,
        %mul3A_821 = vector.broadcast %squeeze3A_805 : f32 to vector<16xf32>
        %mul3A_822 = arith.mulf %get3A_820, %mul3A_821 : vector<16xf32>
        %swap3A_823 = arith.index_cast %add3A_809 : i32 to index
        %swap3A_824 = arith.constant 16 : index
        %swap3A_825 = tpu.vector_load %arg16[%swap3A_823, %swap3A_824] {strides = array<i32>} : memref<128x64xf32, #tpu.memory_space<vmem>>, vector<16xf32>,
        tpu.vector_store %arg16[%swap3A_823, %swap3A_824], %mul3A_822 {strides = array<i32>} : memref<128x64xf32, #tpu.memory_space<vmem>>, vector<16xf32>,
        %get3A_826 = arith.index_cast %add3A_809 : i32 to index
        %get3A_827 = arith.constant 32 : index
        %get3A_828 = tpu.vector_load %arg14[%get3A_826, %get3A_827] {strides = array<i32>} : memref<128x64xf32, #tpu.memory_space<vmem>>, vector<16xf32>,
        %mul3A_829 = vector.broadcast %squeeze3A_805 : f32 to vector<16xf32>
        %mul3A_830 = arith.mulf %get3A_828, %mul3A_829 : vector<16xf32>
        %swap3A_831 = arith.index_cast %add3A_809 : i32 to index
        %swap3A_832 = arith.constant 32 : index
        %swap3A_833 = tpu.vector_load %arg16[%swap3A_831, %swap3A_832] {strides = array<i32>} : memref<128x64xf32, #tpu.memory_space<vmem>>, vector<16xf32>,
        tpu.vector_store %arg16[%swap3A_831, %swap3A_832], %mul3A_830 {strides = array<i32>} : memref<128x64xf32, #tpu.memory_space<vmem>>, vector<16xf32>,
        %get3A_834 = arith.index_cast %add3A_809 : i32 to index
        %get3A_835 = arith.constant 48 : index
        %get3A_836 = tpu.vector_load %arg14[%get3A_834, %get3A_835] {strides = array<i32>} : memref<128x64xf32, #tpu.memory_space<vmem>>, vector<16xf32>,
        %mul3A_837 = vector.broadcast %squeeze3A_805 : f32 to vector<16xf32>
        %mul3A_838 = arith.mulf %get3A_836, %mul3A_837 : vector<16xf32>
        %swap3A_839 = arith.index_cast %add3A_809 : i32 to index
        %swap3A_840 = arith.constant 48 : index
        %swap3A_841 = tpu.vector_load %arg16[%swap3A_839, %swap3A_840] {strides = array<i32>} : memref<128x64xf32, #tpu.memory_space<vmem>>, vector<16xf32>,
        tpu.vector_store %arg16[%swap3A_839, %swap3A_840], %mul3A_838 {strides = array<i32>} : memref<128x64xf32, #tpu.memory_space<vmem>>, vector<16xf32>,
        %slice3A_842 = vector.extract_strided_slice %get3A_539 {offsets = [8], sizes = [1], strides = [1]} : vector<16xf32> to vector<1xf32>
        %squeeze3A_843 = vector.extract %slice3A_842[0] : f32 from vector<1xf32>
        %mul3A_844 = arith.constant 16 : i32
        %mul3A_845 = arith.muli %scan3A_534, %mul3A_844 : i32
        %add3A_846 = arith.constant 8 : i32
        %add3A_847 = arith.addi %mul3A_845, %add3A_846 : i32
        %get3A_848 = arith.index_cast %add3A_847 : i32 to index
        %get3A_849 = arith.constant 0 : index
        %get3A_850 = tpu.vector_load %arg14[%get3A_848, %get3A_849] {strides = array<i32>} : memref<128x64xf32, #tpu.memory_space<vmem>>, vector<16xf32>,
        %mul3A_851 = vector.broadcast %squeeze3A_843 : f32 to vector<16xf32>
        %mul3A_852 = arith.mulf %get3A_850, %mul3A_851 : vector<16xf32>
        %swap3A_853 = arith.index_cast %add3A_847 : i32 to index
        %swap3A_854 = arith.constant 0 : index
        %swap3A_855 = tpu.vector_load %arg16[%swap3A_853, %swap3A_854] {strides = array<i32>} : memref<128x64xf32, #tpu.memory_space<vmem>>, vector<16xf32>,
        tpu.vector_store %arg16[%swap3A_853, %swap3A_854], %mul3A_852 {strides = array<i32>} : memref<128x64xf32, #tpu.memory_space<vmem>>, vector<16xf32>,
        %get3A_856 = arith.index_cast %add3A_847 : i32 to index
        %get3A_857 = arith.constant 16 : index
        %get3A_858 = tpu.vector_load %arg14[%get3A_856, %get3A_857] {strides = array<i32>} : memref<128x64xf32, #tpu.memory_space<vmem>>, vector<16xf32>,
        %mul3A_859 = vector.broadcast %squeeze3A_843 : f32 to vector<16xf32>
        %mul3A_860 = arith.mulf %get3A_858, %mul3A_859 : vector<16xf32>
        %swap3A_861 = arith.index_cast %add3A_847 : i32 to index
        %swap3A_862 = arith.constant 16 : index
        %swap3A_863 = tpu.vector_load %arg16[%swap3A_861, %swap3A_862] {strides = array<i32>} : memref<128x64xf32, #tpu.memory_space<vmem>>, vector<16xf32>,
        tpu.vector_store %arg16[%swap3A_861, %swap3A_862], %mul3A_860 {strides = array<i32>} : memref<128x64xf32, #tpu.memory_space<vmem>>, vector<16xf32>,
        %get3A_864 = arith.index_cast %add3A_847 : i32 to index
        %get3A_865 = arith.constant 32 : index
        %get3A_866 = tpu.vector_load %arg14[%get3A_864, %get3A_865] {strides = array<i32>} : memref<128x64xf32, #tpu.memory_space<vmem>>, vector<16xf32>,
        %mul3A_867 = vector.broadcast %squeeze3A_843 : f32 to vector<16xf32>
        %mul3A_868 = arith.mulf %get3A_866, %mul3A_867 : vector<16xf32>
        %swap3A_869 = arith.index_cast %add3A_847 : i32 to index
        %swap3A_870 = arith.constant 32 : index
        %swap3A_871 = tpu.vector_load %arg16[%swap3A_869, %swap3A_870] {strides = array<i32>} : memref<128x64xf32, #tpu.memory_space<vmem>>, vector<16xf32>,
        tpu.vector_store %arg16[%swap3A_869, %swap3A_870], %mul3A_868 {strides = array<i32>} : memref<128x64xf32, #tpu.memory_space<vmem>>, vector<16xf32>,
        %get3A_872 = arith.index_cast %add3A_847 : i32 to index
        %get3A_873 = arith.constant 48 : index
        %get3A_874 = tpu.vector_load %arg14[%get3A_872, %get3A_873] {strides = array<i32>} : memref<128x64xf32, #tpu.memory_space<vmem>>, vector<16xf32>,
        %mul3A_875 = vector.broadcast %squeeze3A_843 : f32 to vector<16xf32>
        %mul3A_876 = arith.mulf %get3A_874, %mul3A_875 : vector<16xf32>
        %swap3A_877 = arith.index_cast %add3A_847 : i32 to index
        %swap3A_878 = arith.constant 48 : index
        %swap3A_879 = tpu.vector_load %arg16[%swap3A_877, %swap3A_878] {strides = array<i32>} : memref<128x64xf32, #tpu.memory_space<vmem>>, vector<16xf32>,
        tpu.vector_store %arg16[%swap3A_877, %swap3A_878], %mul3A_876 {strides = array<i32>} : memref<128x64xf32, #tpu.memory_space<vmem>>, vector<16xf32>,
        %slice3A_880 = vector.extract_strided_slice %get3A_539 {offsets = [9], sizes = [1], strides = [1]} : vector<16xf32> to vector<1xf32>
        %squeeze3A_881 = vector.extract %slice3A_880[0] : f32 from vector<1xf32>
        %mul3A_882 = arith.constant 16 : i32
        %mul3A_883 = arith.muli %scan3A_534, %mul3A_882 : i32
        %add3A_884 = arith.constant 9 : i32
        %add3A_885 = arith.addi %mul3A_883, %add3A_884 : i32
        %get3A_886 = arith.index_cast %add3A_885 : i32 to index
        %get3A_887 = arith.constant 0 : index
        %get3A_888 = tpu.vector_load %arg14[%get3A_886, %get3A_887] {strides = array<i32>} : memref<128x64xf32, #tpu.memory_space<vmem>>, vector<16xf32>,
        %mul3A_889 = vector.broadcast %squeeze3A_881 : f32 to vector<16xf32>
        %mul3A_890 = arith.mulf %get3A_888, %mul3A_889 : vector<16xf32>
        %swap3A_891 = arith.index_cast %add3A_885 : i32 to index
        %swap3A_892 = arith.constant 0 : index
        %swap3A_893 = tpu.vector_load %arg16[%swap3A_891, %swap3A_892] {strides = array<i32>} : memref<128x64xf32, #tpu.memory_space<vmem>>, vector<16xf32>,
        tpu.vector_store %arg16[%swap3A_891, %swap3A_892], %mul3A_890 {strides = array<i32>} : memref<128x64xf32, #tpu.memory_space<vmem>>, vector<16xf32>,
        %get3A_894 = arith.index_cast %add3A_885 : i32 to index
        %get3A_895 = arith.constant 16 : index
        %get3A_896 = tpu.vector_load %arg14[%get3A_894, %get3A_895] {strides = array<i32>} : memref<128x64xf32, #tpu.memory_space<vmem>>, vector<16xf32>,
        %mul3A_897 = vector.broadcast %squeeze3A_881 : f32 to vector<16xf32>
        %mul3A_898 = arith.mulf %get3A_896, %mul3A_897 : vector<16xf32>
        %swap3A_899 = arith.index_cast %add3A_885 : i32 to index
        %swap3A_900 = arith.constant 16 : index
        %swap3A_901 = tpu.vector_load %arg16[%swap3A_899, %swap3A_900] {strides = array<i32>} : memref<128x64xf32, #tpu.memory_space<vmem>>, vector<16xf32>,
        tpu.vector_store %arg16[%swap3A_899, %swap3A_900], %mul3A_898 {strides = array<i32>} : memref<128x64xf32, #tpu.memory_space<vmem>>, vector<16xf32>,
        %get3A_902 = arith.index_cast %add3A_885 : i32 to index
        %get3A_903 = arith.constant 32 : index
        %get3A_904 = tpu.vector_load %arg14[%get3A_902, %get3A_903] {strides = array<i32>} : memref<128x64xf32, #tpu.memory_space<vmem>>, vector<16xf32>,
        %mul3A_905 = vector.broadcast %squeeze3A_881 : f32 to vector<16xf32>
        %mul3A_906 = arith.mulf %get3A_904, %mul3A_905 : vector<16xf32>
        %swap3A_907 = arith.index_cast %add3A_885 : i32 to index
        %swap3A_908 = arith.constant 32 : index
        %swap3A_909 = tpu.vector_load %arg16[%swap3A_907, %swap3A_908] {strides = array<i32>} : memref<128x64xf32, #tpu.memory_space<vmem>>, vector<16xf32>,
        tpu.vector_store %arg16[%swap3A_907, %swap3A_908], %mul3A_906 {strides = array<i32>} : memref<128x64xf32, #tpu.memory_space<vmem>>, vector<16xf32>,
        %get3A_910 = arith.index_cast %add3A_885 : i32 to index
        %get3A_911 = arith.constant 48 : index
        %get3A_912 = tpu.vector_load %arg14[%get3A_910, %get3A_911] {strides = array<i32>} : memref<128x64xf32, #tpu.memory_space<vmem>>, vector<16xf32>,
        %mul3A_913 = vector.broadcast %squeeze3A_881 : f32 to vector<16xf32>
        %mul3A_914 = arith.mulf %get3A_912, %mul3A_913 : vector<16xf32>
        %swap3A_915 = arith.index_cast %add3A_885 : i32 to index
        %swap3A_916 = arith.constant 48 : index
        %swap3A_917 = tpu.vector_load %arg16[%swap3A_915, %swap3A_916] {strides = array<i32>} : memref<128x64xf32, #tpu.memory_space<vmem>>, vector<16xf32>,
        tpu.vector_store %arg16[%swap3A_915, %swap3A_916], %mul3A_914 {strides = array<i32>} : memref<128x64xf32, #tpu.memory_space<vmem>>, vector<16xf32>,
        %slice3A_918 = vector.extract_strided_slice %get3A_539 {offsets = [10], sizes = [1], strides = [1]} : vector<16xf32> to vector<1xf32>
        %squeeze3A_919 = vector.extract %slice3A_918[0] : f32 from vector<1xf32>
        %mul3A_920 = arith.constant 16 : i32
        %mul3A_921 = arith.muli %scan3A_534, %mul3A_920 : i32
        %add3A_922 = arith.constant 10 : i32
        %add3A_923 = arith.addi %mul3A_921, %add3A_922 : i32
        %get3A_924 = arith.index_cast %add3A_923 : i32 to index
        %get3A_925 = arith.constant 0 : index
        %get3A_926 = tpu.vector_load %arg14[%get3A_924, %get3A_925] {strides = array<i32>} : memref<128x64xf32, #tpu.memory_space<vmem>>, vector<16xf32>,
        %mul3A_927 = vector.broadcast %squeeze3A_919 : f32 to vector<16xf32>
        %mul3A_928 = arith.mulf %get3A_926, %mul3A_927 : vector<16xf32>
        %swap3A_929 = arith.index_cast %add3A_923 : i32 to index
        %swap3A_930 = arith.constant 0 : index
        %swap3A_931 = tpu.vector_load %arg16[%swap3A_929, %swap3A_930] {strides = array<i32>} : memref<128x64xf32, #tpu.memory_space<vmem>>, vector<16xf32>,
        tpu.vector_store %arg16[%swap3A_929, %swap3A_930], %mul3A_928 {strides = array<i32>} : memref<128x64xf32, #tpu.memory_space<vmem>>, vector<16xf32>,
        %get3A_932 = arith.index_cast %add3A_923 : i32 to index
        %get3A_933 = arith.constant 16 : index
        %get3A_934 = tpu.vector_load %arg14[%get3A_932, %get3A_933] {strides = array<i32>} : memref<128x64xf32, #tpu.memory_space<vmem>>, vector<16xf32>,
        %mul3A_935 = vector.broadcast %squeeze3A_919 : f32 to vector<16xf32>
        %mul3A_936 = arith.mulf %get3A_934, %mul3A_935 : vector<16xf32>
        %swap3A_937 = arith.index_cast %add3A_923 : i32 to index
        %swap3A_938 = arith.constant 16 : index
        %swap3A_939 = tpu.vector_load %arg16[%swap3A_937, %swap3A_938] {strides = array<i32>} : memref<128x64xf32, #tpu.memory_space<vmem>>, vector<16xf32>,
        tpu.vector_store %arg16[%swap3A_937, %swap3A_938], %mul3A_936 {strides = array<i32>} : memref<128x64xf32, #tpu.memory_space<vmem>>, vector<16xf32>,
        %get3A_940 = arith.index_cast %add3A_923 : i32 to index
        %get3A_941 = arith.constant 32 : index
        %get3A_942 = tpu.vector_load %arg14[%get3A_940, %get3A_941] {strides = array<i32>} : memref<128x64xf32, #tpu.memory_space<vmem>>, vector<16xf32>,
        %mul3A_943 = vector.broadcast %squeeze3A_919 : f32 to vector<16xf32>
        %mul3A_944 = arith.mulf %get3A_942, %mul3A_943 : vector<16xf32>
        %swap3A_945 = arith.index_cast %add3A_923 : i32 to index
        %swap3A_946 = arith.constant 32 : index
        %swap3A_947 = tpu.vector_load %arg16[%swap3A_945, %swap3A_946] {strides = array<i32>} : memref<128x64xf32, #tpu.memory_space<vmem>>, vector<16xf32>,
        tpu.vector_store %arg16[%swap3A_945, %swap3A_946], %mul3A_944 {strides = array<i32>} : memref<128x64xf32, #tpu.memory_space<vmem>>, vector<16xf32>,
        %get3A_948 = arith.index_cast %add3A_923 : i32 to index
        %get3A_949 = arith.constant 48 : index
        %get3A_950 = tpu.vector_load %arg14[%get3A_948, %get3A_949] {strides = array<i32>} : memref<128x64xf32, #tpu.memory_space<vmem>>, vector<16xf32>,
        %mul3A_951 = vector.broadcast %squeeze3A_919 : f32 to vector<16xf32>
        %mul3A_952 = arith.mulf %get3A_950, %mul3A_951 : vector<16xf32>
        %swap3A_953 = arith.index_cast %add3A_923 : i32 to index
        %swap3A_954 = arith.constant 48 : index
        %swap3A_955 = tpu.vector_load %arg16[%swap3A_953, %swap3A_954] {strides = array<i32>} : memref<128x64xf32, #tpu.memory_space<vmem>>, vector<16xf32>,
        tpu.vector_store %arg16[%swap3A_953, %swap3A_954], %mul3A_952 {strides = array<i32>} : memref<128x64xf32, #tpu.memory_space<vmem>>, vector<16xf32>,
        %slice3A_956 = vector.extract_strided_slice %get3A_539 {offsets = [11], sizes = [1], strides = [1]} : vector<16xf32> to vector<1xf32>
        %squeeze3A_957 = vector.extract %slice3A_956[0] : f32 from vector<1xf32>
        %mul3A_958 = arith.constant 16 : i32
        %mul3A_959 = arith.muli %scan3A_534, %mul3A_958 : i32
        %add3A_960 = arith.constant 11 : i32
        %add3A_961 = arith.addi %mul3A_959, %add3A_960 : i32
        %get3A_962 = arith.index_cast %add3A_961 : i32 to index
        %get3A_963 = arith.constant 0 : index
        %get3A_964 = tpu.vector_load %arg14[%get3A_962, %get3A_963] {strides = array<i32>} : memref<128x64xf32, #tpu.memory_space<vmem>>, vector<16xf32>,
        %mul3A_965 = vector.broadcast %squeeze3A_957 : f32 to vector<16xf32>
        %mul3A_966 = arith.mulf %get3A_964, %mul3A_965 : vector<16xf32>
        %swap3A_967 = arith.index_cast %add3A_961 : i32 to index
        %swap3A_968 = arith.constant 0 : index
        %swap3A_969 = tpu.vector_load %arg16[%swap3A_967, %swap3A_968] {strides = array<i32>} : memref<128x64xf32, #tpu.memory_space<vmem>>, vector<16xf32>,
        tpu.vector_store %arg16[%swap3A_967, %swap3A_968], %mul3A_966 {strides = array<i32>} : memref<128x64xf32, #tpu.memory_space<vmem>>, vector<16xf32>,
        %get3A_970 = arith.index_cast %add3A_961 : i32 to index
        %get3A_971 = arith.constant 16 : index
        %get3A_972 = tpu.vector_load %arg14[%get3A_970, %get3A_971] {strides = array<i32>} : memref<128x64xf32, #tpu.memory_space<vmem>>, vector<16xf32>,
        %mul3A_973 = vector.broadcast %squeeze3A_957 : f32 to vector<16xf32>
        %mul3A_974 = arith.mulf %get3A_972, %mul3A_973 : vector<16xf32>
        %swap3A_975 = arith.index_cast %add3A_961 : i32 to index
        %swap3A_976 = arith.constant 16 : index
        %swap3A_977 = tpu.vector_load %arg16[%swap3A_975, %swap3A_976] {strides = array<i32>} : memref<128x64xf32, #tpu.memory_space<vmem>>, vector<16xf32>,
        tpu.vector_store %arg16[%swap3A_975, %swap3A_976], %mul3A_974 {strides = array<i32>} : memref<128x64xf32, #tpu.memory_space<vmem>>, vector<16xf32>,
        %get3A_978 = arith.index_cast %add3A_961 : i32 to index
        %get3A_979 = arith.constant 32 : index
        %get3A_980 = tpu.vector_load %arg14[%get3A_978, %get3A_979] {strides = array<i32>} : memref<128x64xf32, #tpu.memory_space<vmem>>, vector<16xf32>,
        %mul3A_981 = vector.broadcast %squeeze3A_957 : f32 to vector<16xf32>
        %mul3A_982 = arith.mulf %get3A_980, %mul3A_981 : vector<16xf32>
        %swap3A_983 = arith.index_cast %add3A_961 : i32 to index
        %swap3A_984 = arith.constant 32 : index
        %swap3A_985 = tpu.vector_load %arg16[%swap3A_983, %swap3A_984] {strides = array<i32>} : memref<128x64xf32, #tpu.memory_space<vmem>>, vector<16xf32>,
        tpu.vector_store %arg16[%swap3A_983, %swap3A_984], %mul3A_982 {strides = array<i32>} : memref<128x64xf32, #tpu.memory_space<vmem>>, vector<16xf32>,
        %get3A_986 = arith.index_cast %add3A_961 : i32 to index
        %get3A_987 = arith.constant 48 : index
        %get3A_988 = tpu.vector_load %arg14[%get3A_986, %get3A_987] {strides = array<i32>} : memref<128x64xf32, #tpu.memory_space<vmem>>, vector<16xf32>,
        %mul3A_989 = vector.broadcast %squeeze3A_957 : f32 to vector<16xf32>
        %mul3A_990 = arith.mulf %get3A_988, %mul3A_989 : vector<16xf32>
        %swap3A_991 = arith.index_cast %add3A_961 : i32 to index
        %swap3A_992 = arith.constant 48 : index
        %swap3A_993 = tpu.vector_load %arg16[%swap3A_991, %swap3A_992] {strides = array<i32>} : memref<128x64xf32, #tpu.memory_space<vmem>>, vector<16xf32>,
        tpu.vector_store %arg16[%swap3A_991, %swap3A_992], %mul3A_990 {strides = array<i32>} : memref<128x64xf32, #tpu.memory_space<vmem>>, vector<16xf32>,
        %slice3A_994 = vector.extract_strided_slice %get3A_539 {offsets = [12], sizes = [1], strides = [1]} : vector<16xf32> to vector<1xf32>
        %squeeze3A_995 = vector.extract %slice3A_994[0] : f32 from vector<1xf32>
        %mul3A_996 = arith.constant 16 : i32
        %mul3A_997 = arith.muli %scan3A_534, %mul3A_996 : i32
        %add3A_998 = arith.constant 12 : i32
        %add3A_999 = arith.addi %mul3A_997, %add3A_998 : i32
        %get3A_1000 = arith.index_cast %add3A_999 : i32 to index
        %get3A_1001 = arith.constant 0 : index
        %get3A_1002 = tpu.vector_load %arg14[%get3A_1000, %get3A_1001] {strides = array<i32>} : memref<128x64xf32, #tpu.memory_space<vmem>>, vector<16xf32>,
        %mul3A_1003 = vector.broadcast %squeeze3A_995 : f32 to vector<16xf32>
        %mul3A_1004 = arith.mulf %get3A_1002, %mul3A_1003 : vector<16xf32>
        %swap3A_1005 = arith.index_cast %add3A_999 : i32 to index
        %swap3A_1006 = arith.constant 0 : index
        %swap3A_1007 = tpu.vector_load %arg16[%swap3A_1005, %swap3A_1006] {strides = array<i32>} : memref<128x64xf32, #tpu.memory_space<vmem>>, vector<16xf32>,
        tpu.vector_store %arg16[%swap3A_1005, %swap3A_1006], %mul3A_1004 {strides = array<i32>} : memref<128x64xf32, #tpu.memory_space<vmem>>, vector<16xf32>,
        %get3A_1008 = arith.index_cast %add3A_999 : i32 to index
        %get3A_1009 = arith.constant 16 : index
        %get3A_1010 = tpu.vector_load %arg14[%get3A_1008, %get3A_1009] {strides = array<i32>} : memref<128x64xf32, #tpu.memory_space<vmem>>, vector<16xf32>,
        %mul3A_1011 = vector.broadcast %squeeze3A_995 : f32 to vector<16xf32>
        %mul3A_1012 = arith.mulf %get3A_1010, %mul3A_1011 : vector<16xf32>
        %swap3A_1013 = arith.index_cast %add3A_999 : i32 to index
        %swap3A_1014 = arith.constant 16 : index
        %swap3A_1015 = tpu.vector_load %arg16[%swap3A_1013, %swap3A_1014] {strides = array<i32>} : memref<128x64xf32, #tpu.memory_space<vmem>>, vector<16xf32>,
        tpu.vector_store %arg16[%swap3A_1013, %swap3A_1014], %mul3A_1012 {strides = array<i32>} : memref<128x64xf32, #tpu.memory_space<vmem>>, vector<16xf32>,
        %get3A_1016 = arith.index_cast %add3A_999 : i32 to index
        %get3A_1017 = arith.constant 32 : index
        %get3A_1018 = tpu.vector_load %arg14[%get3A_1016, %get3A_1017] {strides = array<i32>} : memref<128x64xf32, #tpu.memory_space<vmem>>, vector<16xf32>,
        %mul3A_1019 = vector.broadcast %squeeze3A_995 : f32 to vector<16xf32>
        %mul3A_1020 = arith.mulf %get3A_1018, %mul3A_1019 : vector<16xf32>
        %swap3A_1021 = arith.index_cast %add3A_999 : i32 to index
        %swap3A_1022 = arith.constant 32 : index
        %swap3A_1023 = tpu.vector_load %arg16[%swap3A_1021, %swap3A_1022] {strides = array<i32>} : memref<128x64xf32, #tpu.memory_space<vmem>>, vector<16xf32>,
        tpu.vector_store %arg16[%swap3A_1021, %swap3A_1022], %mul3A_1020 {strides = array<i32>} : memref<128x64xf32, #tpu.memory_space<vmem>>, vector<16xf32>,
        %get3A_1024 = arith.index_cast %add3A_999 : i32 to index
        %get3A_1025 = arith.constant 48 : index
        %get3A_1026 = tpu.vector_load %arg14[%get3A_1024, %get3A_1025] {strides = array<i32>} : memref<128x64xf32, #tpu.memory_space<vmem>>, vector<16xf32>,
        %mul3A_1027 = vector.broadcast %squeeze3A_995 : f32 to vector<16xf32>
        %mul3A_1028 = arith.mulf %get3A_1026, %mul3A_1027 : vector<16xf32>
        %swap3A_1029 = arith.index_cast %add3A_999 : i32 to index
        %swap3A_1030 = arith.constant 48 : index
        %swap3A_1031 = tpu.vector_load %arg16[%swap3A_1029, %swap3A_1030] {strides = array<i32>} : memref<128x64xf32, #tpu.memory_space<vmem>>, vector<16xf32>,
        tpu.vector_store %arg16[%swap3A_1029, %swap3A_1030], %mul3A_1028 {strides = array<i32>} : memref<128x64xf32, #tpu.memory_space<vmem>>, vector<16xf32>,
        %slice3A_1032 = vector.extract_strided_slice %get3A_539 {offsets = [13], sizes = [1], strides = [1]} : vector<16xf32> to vector<1xf32>
        %squeeze3A_1033 = vector.extract %slice3A_1032[0] : f32 from vector<1xf32>
        %mul3A_1034 = arith.constant 16 : i32
        %mul3A_1035 = arith.muli %scan3A_534, %mul3A_1034 : i32
        %add3A_1036 = arith.constant 13 : i32
        %add3A_1037 = arith.addi %mul3A_1035, %add3A_1036 : i32
        %get3A_1038 = arith.index_cast %add3A_1037 : i32 to index
        %get3A_1039 = arith.constant 0 : index
        %get3A_1040 = tpu.vector_load %arg14[%get3A_1038, %get3A_1039] {strides = array<i32>} : memref<128x64xf32, #tpu.memory_space<vmem>>, vector<16xf32>,
        %mul3A_1041 = vector.broadcast %squeeze3A_1033 : f32 to vector<16xf32>
        %mul3A_1042 = arith.mulf %get3A_1040, %mul3A_1041 : vector<16xf32>
        %swap3A_1043 = arith.index_cast %add3A_1037 : i32 to index
        %swap3A_1044 = arith.constant 0 : index
        %swap3A_1045 = tpu.vector_load %arg16[%swap3A_1043, %swap3A_1044] {strides = array<i32>} : memref<128x64xf32, #tpu.memory_space<vmem>>, vector<16xf32>,
        tpu.vector_store %arg16[%swap3A_1043, %swap3A_1044], %mul3A_1042 {strides = array<i32>} : memref<128x64xf32, #tpu.memory_space<vmem>>, vector<16xf32>,
        %get3A_1046 = arith.index_cast %add3A_1037 : i32 to index
        %get3A_1047 = arith.constant 16 : index
        %get3A_1048 = tpu.vector_load %arg14[%get3A_1046, %get3A_1047] {strides = array<i32>} : memref<128x64xf32, #tpu.memory_space<vmem>>, vector<16xf32>,
        %mul3A_1049 = vector.broadcast %squeeze3A_1033 : f32 to vector<16xf32>
        %mul3A_1050 = arith.mulf %get3A_1048, %mul3A_1049 : vector<16xf32>
        %swap3A_1051 = arith.index_cast %add3A_1037 : i32 to index
        %swap3A_1052 = arith.constant 16 : index
        %swap3A_1053 = tpu.vector_load %arg16[%swap3A_1051, %swap3A_1052] {strides = array<i32>} : memref<128x64xf32, #tpu.memory_space<vmem>>, vector<16xf32>,
        tpu.vector_store %arg16[%swap3A_1051, %swap3A_1052], %mul3A_1050 {strides = array<i32>} : memref<128x64xf32, #tpu.memory_space<vmem>>, vector<16xf32>,
        %get3A_1054 = arith.index_cast %add3A_1037 : i32 to index
        %get3A_1055 = arith.constant 32 : index
        %get3A_1056 = tpu.vector_load %arg14[%get3A_1054, %get3A_1055] {strides = array<i32>} : memref<128x64xf32, #tpu.memory_space<vmem>>, vector<16xf32>,
        %mul3A_1057 = vector.broadcast %squeeze3A_1033 : f32 to vector<16xf32>
        %mul3A_1058 = arith.mulf %get3A_1056, %mul3A_1057 : vector<16xf32>
        %swap3A_1059 = arith.index_cast %add3A_1037 : i32 to index
        %swap3A_1060 = arith.constant 32 : index
        %swap3A_1061 = tpu.vector_load %arg16[%swap3A_1059, %swap3A_1060] {strides = array<i32>} : memref<128x64xf32, #tpu.memory_space<vmem>>, vector<16xf32>,
        tpu.vector_store %arg16[%swap3A_1059, %swap3A_1060], %mul3A_1058 {strides = array<i32>} : memref<128x64xf32, #tpu.memory_space<vmem>>, vector<16xf32>,
        %get3A_1062 = arith.index_cast %add3A_1037 : i32 to index
        %get3A_1063 = arith.constant 48 : index
        %get3A_1064 = tpu.vector_load %arg14[%get3A_1062, %get3A_1063] {strides = array<i32>} : memref<128x64xf32, #tpu.memory_space<vmem>>, vector<16xf32>,
        %mul3A_1065 = vector.broadcast %squeeze3A_1033 : f32 to vector<16xf32>
        %mul3A_1066 = arith.mulf %get3A_1064, %mul3A_1065 : vector<16xf32>
        %swap3A_1067 = arith.index_cast %add3A_1037 : i32 to index
        %swap3A_1068 = arith.constant 48 : index
        %swap3A_1069 = tpu.vector_load %arg16[%swap3A_1067, %swap3A_1068] {strides = array<i32>} : memref<128x64xf32, #tpu.memory_space<vmem>>, vector<16xf32>,
        tpu.vector_store %arg16[%swap3A_1067, %swap3A_1068], %mul3A_1066 {strides = array<i32>} : memref<128x64xf32, #tpu.memory_space<vmem>>, vector<16xf32>,
        %slice3A_1070 = vector.extract_strided_slice %get3A_539 {offsets = [14], sizes = [1], strides = [1]} : vector<16xf32> to vector<1xf32>
        %squeeze3A_1071 = vector.extract %slice3A_1070[0] : f32 from vector<1xf32>
        %mul3A_1072 = arith.constant 16 : i32
        %mul3A_1073 = arith.muli %scan3A_534, %mul3A_1072 : i32
        %add3A_1074 = arith.constant 14 : i32
        %add3A_1075 = arith.addi %mul3A_1073, %add3A_1074 : i32
        %get3A_1076 = arith.index_cast %add3A_1075 : i32 to index
        %get3A_1077 = arith.constant 0 : index
        %get3A_1078 = tpu.vector_load %arg14[%get3A_1076, %get3A_1077] {strides = array<i32>} : memref<128x64xf32, #tpu.memory_space<vmem>>, vector<16xf32>,
        %mul3A_1079 = vector.broadcast %squeeze3A_1071 : f32 to vector<16xf32>
        %mul3A_1080 = arith.mulf %get3A_1078, %mul3A_1079 : vector<16xf32>
        %swap3A_1081 = arith.index_cast %add3A_1075 : i32 to index
        %swap3A_1082 = arith.constant 0 : index
        %swap3A_1083 = tpu.vector_load %arg16[%swap3A_1081, %swap3A_1082] {strides = array<i32>} : memref<128x64xf32, #tpu.memory_space<vmem>>, vector<16xf32>,
        tpu.vector_store %arg16[%swap3A_1081, %swap3A_1082], %mul3A_1080 {strides = array<i32>} : memref<128x64xf32, #tpu.memory_space<vmem>>, vector<16xf32>,
        %get3A_1084 = arith.index_cast %add3A_1075 : i32 to index
        %get3A_1085 = arith.constant 16 : index
        %get3A_1086 = tpu.vector_load %arg14[%get3A_1084, %get3A_1085] {strides = array<i32>} : memref<128x64xf32, #tpu.memory_space<vmem>>, vector<16xf32>,
        %mul3A_1087 = vector.broadcast %squeeze3A_1071 : f32 to vector<16xf32>
        %mul3A_1088 = arith.mulf %get3A_1086, %mul3A_1087 : vector<16xf32>
        %swap3A_1089 = arith.index_cast %add3A_1075 : i32 to index
        %swap3A_1090 = arith.constant 16 : index
        %swap3A_1091 = tpu.vector_load %arg16[%swap3A_1089, %swap3A_1090] {strides = array<i32>} : memref<128x64xf32, #tpu.memory_space<vmem>>, vector<16xf32>,
        tpu.vector_store %arg16[%swap3A_1089, %swap3A_1090], %mul3A_1088 {strides = array<i32>} : memref<128x64xf32, #tpu.memory_space<vmem>>, vector<16xf32>,
        %get3A_1092 = arith.index_cast %add3A_1075 : i32 to index
        %get3A_1093 = arith.constant 32 : index
        %get3A_1094 = tpu.vector_load %arg14[%get3A_1092, %get3A_1093] {strides = array<i32>} : memref<128x64xf32, #tpu.memory_space<vmem>>, vector<16xf32>,
        %mul3A_1095 = vector.broadcast %squeeze3A_1071 : f32 to vector<16xf32>
        %mul3A_1096 = arith.mulf %get3A_1094, %mul3A_1095 : vector<16xf32>
        %swap3A_1097 = arith.index_cast %add3A_1075 : i32 to index
        %swap3A_1098 = arith.constant 32 : index
        %swap3A_1099 = tpu.vector_load %arg16[%swap3A_1097, %swap3A_1098] {strides = array<i32>} : memref<128x64xf32, #tpu.memory_space<vmem>>, vector<16xf32>,
        tpu.vector_store %arg16[%swap3A_1097, %swap3A_1098], %mul3A_1096 {strides = array<i32>} : memref<128x64xf32, #tpu.memory_space<vmem>>, vector<16xf32>,
        %get3A_1100 = arith.index_cast %add3A_1075 : i32 to index
        %get3A_1101 = arith.constant 48 : index
        %get3A_1102 = tpu.vector_load %arg14[%get3A_1100, %get3A_1101] {strides = array<i32>} : memref<128x64xf32, #tpu.memory_space<vmem>>, vector<16xf32>,
        %mul3A_1103 = vector.broadcast %squeeze3A_1071 : f32 to vector<16xf32>
        %mul3A_1104 = arith.mulf %get3A_1102, %mul3A_1103 : vector<16xf32>
        %swap3A_1105 = arith.index_cast %add3A_1075 : i32 to index
        %swap3A_1106 = arith.constant 48 : index
        %swap3A_1107 = tpu.vector_load %arg16[%swap3A_1105, %swap3A_1106] {strides = array<i32>} : memref<128x64xf32, #tpu.memory_space<vmem>>, vector<16xf32>,
        tpu.vector_store %arg16[%swap3A_1105, %swap3A_1106], %mul3A_1104 {strides = array<i32>} : memref<128x64xf32, #tpu.memory_space<vmem>>, vector<16xf32>,
        %slice3A_1108 = vector.extract_strided_slice %get3A_539 {offsets = [15], sizes = [1], strides = [1]} : vector<16xf32> to vector<1xf32>
        %squeeze3A_1109 = vector.extract %slice3A_1108[0] : f32 from vector<1xf32>
        %mul3A_1110 = arith.constant 16 : i32
        %mul3A_1111 = arith.muli %scan3A_534, %mul3A_1110 : i32
        %add3A_1112 = arith.constant 15 : i32
        %add3A_1113 = arith.addi %mul3A_1111, %add3A_1112 : i32
        %get3A_1114 = arith.index_cast %add3A_1113 : i32 to index
        %get3A_1115 = arith.constant 0 : index
        %get3A_1116 = tpu.vector_load %arg14[%get3A_1114, %get3A_1115] {strides = array<i32>} : memref<128x64xf32, #tpu.memory_space<vmem>>, vector<16xf32>,
        %mul3A_1117 = vector.broadcast %squeeze3A_1109 : f32 to vector<16xf32>
        %mul3A_1118 = arith.mulf %get3A_1116, %mul3A_1117 : vector<16xf32>
        %swap3A_1119 = arith.index_cast %add3A_1113 : i32 to index
        %swap3A_1120 = arith.constant 0 : index
        %swap3A_1121 = tpu.vector_load %arg16[%swap3A_1119, %swap3A_1120] {strides = array<i32>} : memref<128x64xf32, #tpu.memory_space<vmem>>, vector<16xf32>,
        tpu.vector_store %arg16[%swap3A_1119, %swap3A_1120], %mul3A_1118 {strides = array<i32>} : memref<128x64xf32, #tpu.memory_space<vmem>>, vector<16xf32>,
        %get3A_1122 = arith.index_cast %add3A_1113 : i32 to index
        %get3A_1123 = arith.constant 16 : index
        %get3A_1124 = tpu.vector_load %arg14[%get3A_1122, %get3A_1123] {strides = array<i32>} : memref<128x64xf32, #tpu.memory_space<vmem>>, vector<16xf32>,
        %mul3A_1125 = vector.broadcast %squeeze3A_1109 : f32 to vector<16xf32>
        %mul3A_1126 = arith.mulf %get3A_1124, %mul3A_1125 : vector<16xf32>
        %swap3A_1127 = arith.index_cast %add3A_1113 : i32 to index
        %swap3A_1128 = arith.constant 16 : index
        %swap3A_1129 = tpu.vector_load %arg16[%swap3A_1127, %swap3A_1128] {strides = array<i32>} : memref<128x64xf32, #tpu.memory_space<vmem>>, vector<16xf32>,
        tpu.vector_store %arg16[%swap3A_1127, %swap3A_1128], %mul3A_1126 {strides = array<i32>} : memref<128x64xf32, #tpu.memory_space<vmem>>, vector<16xf32>,
        %get3A_1130 = arith.index_cast %add3A_1113 : i32 to index
        %get3A_1131 = arith.constant 32 : index
        %get3A_1132 = tpu.vector_load %arg14[%get3A_1130, %get3A_1131] {strides = array<i32>} : memref<128x64xf32, #tpu.memory_space<vmem>>, vector<16xf32>,
        %mul3A_1133 = vector.broadcast %squeeze3A_1109 : f32 to vector<16xf32>
        %mul3A_1134 = arith.mulf %get3A_1132, %mul3A_1133 : vector<16xf32>
        %swap3A_1135 = arith.index_cast %add3A_1113 : i32 to index
        %swap3A_1136 = arith.constant 32 : index
        %swap3A_1137 = tpu.vector_load %arg16[%swap3A_1135, %swap3A_1136] {strides = array<i32>} : memref<128x64xf32, #tpu.memory_space<vmem>>, vector<16xf32>,
        tpu.vector_store %arg16[%swap3A_1135, %swap3A_1136], %mul3A_1134 {strides = array<i32>} : memref<128x64xf32, #tpu.memory_space<vmem>>, vector<16xf32>,
        %get3A_1138 = arith.index_cast %add3A_1113 : i32 to index
        %get3A_1139 = arith.constant 48 : index
        %get3A_1140 = tpu.vector_load %arg14[%get3A_1138, %get3A_1139] {strides = array<i32>} : memref<128x64xf32, #tpu.memory_space<vmem>>, vector<16xf32>,
        %mul3A_1141 = vector.broadcast %squeeze3A_1109 : f32 to vector<16xf32>
        %mul3A_1142 = arith.mulf %get3A_1140, %mul3A_1141 : vector<16xf32>
        %swap3A_1143 = arith.index_cast %add3A_1113 : i32 to index
        %swap3A_1144 = arith.constant 48 : index
        %swap3A_1145 = tpu.vector_load %arg16[%swap3A_1143, %swap3A_1144] {strides = array<i32>} : memref<128x64xf32, #tpu.memory_space<vmem>>, vector<16xf32>,
        tpu.vector_store %arg16[%swap3A_1143, %swap3A_1144], %mul3A_1142 {strides = array<i32>} : memref<128x64xf32, #tpu.memory_space<vmem>>, vector<16xf32>,
      }
      %scan3A_372 = arith.constant 8 : i32
      %get3A_373 = arith.index_cast %add3A_164 : i32 to index
      %get3A_374 = arith.constant 0 : index
      %get3A_375 = tpu.vector_load %arg11[%get3A_373, %get3A_374] {strides = array<i32>} : memref<160x128xi32, #tpu.memory_space<vmem>>, vector<16xi32>,
      %sub3A_376 = arith.constant 0 : i32
      %sub3A_377 = vector.broadcast %sub3A_376 : i32 to vector<16xi32>
      %sub3A_378 = arith.subi %get3A_375, %sub3A_377 : vector<16xi32>
      %ge3A_379 = arith.constant 0 : i32
      %ge3A_380 = vector.broadcast %ge3A_379 : i32 to vector<16xi32>
      %ge3A_381 = arith.cmpi sge, %sub3A_378, %ge3A_380 : vector<16xi32>
      %lt3A_382 = arith.constant 5120 : i32
      %lt3A_383 = vector.broadcast %lt3A_382 : i32 to vector<16xi32>
      %lt3A_384 = arith.cmpi slt, %sub3A_378, %lt3A_383 : vector<16xi32>
      %and3A_385 = arith.andi %ge3A_381, %lt3A_384 : vector<16xi1>
      %jit3A_386 = arith.constant 5120 : i32
      %broadcast_in_dim3A_387 = vector.broadcast %jit3A_386 : i32 to vector<16xi32>
      %select_n3A_388 = arith.select %and3A_385, %sub3A_378, %broadcast_in_dim3A_387 : vector<16xi1>, vector<16xi32>
      %swap3A_389 = arith.constant 0 : index
      %swap3A_390 = tpu.vector_load %arg18[%swap3A_389] {strides = array<i32>} : memref<128xi32, #tpu.memory_space<vmem>>, vector<16xi32>,
      tpu.vector_store %arg18[%swap3A_389], %select_n3A_388 {strides = array<i32>} : memref<128xi32, #tpu.memory_space<vmem>>, vector<16xi32>,
      %get3A_391 = arith.index_cast %add3A_164 : i32 to index
      %get3A_392 = arith.constant 16 : index
      %get3A_393 = tpu.vector_load %arg11[%get3A_391, %get3A_392] {strides = array<i32>} : memref<160x128xi32, #tpu.memory_space<vmem>>, vector<16xi32>,
      %sub3A_394 = arith.constant 0 : i32
      %sub3A_395 = vector.broadcast %sub3A_394 : i32 to vector<16xi32>
      %sub3A_396 = arith.subi %get3A_393, %sub3A_395 : vector<16xi32>
      %ge3A_397 = arith.constant 0 : i32
      %ge3A_398 = vector.broadcast %ge3A_397 : i32 to vector<16xi32>
      %ge3A_399 = arith.cmpi sge, %sub3A_396, %ge3A_398 : vector<16xi32>
      %lt3A_400 = arith.constant 5120 : i32
      %lt3A_401 = vector.broadcast %lt3A_400 : i32 to vector<16xi32>
      %lt3A_402 = arith.cmpi slt, %sub3A_396, %lt3A_401 : vector<16xi32>
      %and3A_403 = arith.andi %ge3A_399, %lt3A_402 : vector<16xi1>
      %jit3A_404 = arith.constant 5120 : i32
      %broadcast_in_dim3A_405 = vector.broadcast %jit3A_404 : i32 to vector<16xi32>
      %select_n3A_406 = arith.select %and3A_403, %sub3A_396, %broadcast_in_dim3A_405 : vector<16xi1>, vector<16xi32>
      %swap3A_407 = arith.constant 16 : index
      %swap3A_408 = tpu.vector_load %arg18[%swap3A_407] {strides = array<i32>} : memref<128xi32, #tpu.memory_space<vmem>>, vector<16xi32>,
      tpu.vector_store %arg18[%swap3A_407], %select_n3A_406 {strides = array<i32>} : memref<128xi32, #tpu.memory_space<vmem>>, vector<16xi32>,
      %get3A_409 = arith.index_cast %add3A_164 : i32 to index
      %get3A_410 = arith.constant 32 : index
      %get3A_411 = tpu.vector_load %arg11[%get3A_409, %get3A_410] {strides = array<i32>} : memref<160x128xi32, #tpu.memory_space<vmem>>, vector<16xi32>,
      %sub3A_412 = arith.constant 0 : i32
      %sub3A_413 = vector.broadcast %sub3A_412 : i32 to vector<16xi32>
      %sub3A_414 = arith.subi %get3A_411, %sub3A_413 : vector<16xi32>
      %ge3A_415 = arith.constant 0 : i32
      %ge3A_416 = vector.broadcast %ge3A_415 : i32 to vector<16xi32>
      %ge3A_417 = arith.cmpi sge, %sub3A_414, %ge3A_416 : vector<16xi32>
      %lt3A_418 = arith.constant 5120 : i32
      %lt3A_419 = vector.broadcast %lt3A_418 : i32 to vector<16xi32>
      %lt3A_420 = arith.cmpi slt, %sub3A_414, %lt3A_419 : vector<16xi32>
      %and3A_421 = arith.andi %ge3A_417, %lt3A_420 : vector<16xi1>
      %jit3A_422 = arith.constant 5120 : i32
      %broadcast_in_dim3A_423 = vector.broadcast %jit3A_422 : i32 to vector<16xi32>
      %select_n3A_424 = arith.select %and3A_421, %sub3A_414, %broadcast_in_dim3A_423 : vector<16xi1>, vector<16xi32>
      %swap3A_425 = arith.constant 32 : index
      %swap3A_426 = tpu.vector_load %arg18[%swap3A_425] {strides = array<i32>} : memref<128xi32, #tpu.memory_space<vmem>>, vector<16xi32>,
      tpu.vector_store %arg18[%swap3A_425], %select_n3A_424 {strides = array<i32>} : memref<128xi32, #tpu.memory_space<vmem>>, vector<16xi32>,
      %get3A_427 = arith.index_cast %add3A_164 : i32 to index
      %get3A_428 = arith.constant 48 : index
      %get3A_429 = tpu.vector_load %arg11[%get3A_427, %get3A_428] {strides = array<i32>} : memref<160x128xi32, #tpu.memory_space<vmem>>, vector<16xi32>,
      %sub3A_430 = arith.constant 0 : i32
      %sub3A_431 = vector.broadcast %sub3A_430 : i32 to vector<16xi32>
      %sub3A_432 = arith.subi %get3A_429, %sub3A_431 : vector<16xi32>
      %ge3A_433 = arith.constant 0 : i32
      %ge3A_434 = vector.broadcast %ge3A_433 : i32 to vector<16xi32>
      %ge3A_435 = arith.cmpi sge, %sub3A_432, %ge3A_434 : vector<16xi32>
      %lt3A_436 = arith.constant 5120 : i32
      %lt3A_437 = vector.broadcast %lt3A_436 : i32 to vector<16xi32>
      %lt3A_438 = arith.cmpi slt, %sub3A_432, %lt3A_437 : vector<16xi32>
      %and3A_439 = arith.andi %ge3A_435, %lt3A_438 : vector<16xi1>
      %jit3A_440 = arith.constant 5120 : i32
      %broadcast_in_dim3A_441 = vector.broadcast %jit3A_440 : i32 to vector<16xi32>
      %select_n3A_442 = arith.select %and3A_439, %sub3A_432, %broadcast_in_dim3A_441 : vector<16xi1>, vector<16xi32>
      %swap3A_443 = arith.constant 48 : index
      %swap3A_444 = tpu.vector_load %arg18[%swap3A_443] {strides = array<i32>} : memref<128xi32, #tpu.memory_space<vmem>>, vector<16xi32>,
      tpu.vector_store %arg18[%swap3A_443], %select_n3A_442 {strides = array<i32>} : memref<128xi32, #tpu.memory_space<vmem>>, vector<16xi32>,
      %get3A_445 = arith.index_cast %add3A_164 : i32 to index
      %get3A_446 = arith.constant 64 : index
      %get3A_447 = tpu.vector_load %arg11[%get3A_445, %get3A_446] {strides = array<i32>} : memref<160x128xi32, #tpu.memory_space<vmem>>, vector<16xi32>,
      %sub3A_448 = arith.constant 0 : i32
      %sub3A_449 = vector.broadcast %sub3A_448 : i32 to vector<16xi32>
      %sub3A_450 = arith.subi %get3A_447, %sub3A_449 : vector<16xi32>
      %ge3A_451 = arith.constant 0 : i32
      %ge3A_452 = vector.broadcast %ge3A_451 : i32 to vector<16xi32>
      %ge3A_453 = arith.cmpi sge, %sub3A_450, %ge3A_452 : vector<16xi32>
      %lt3A_454 = arith.constant 5120 : i32
      %lt3A_455 = vector.broadcast %lt3A_454 : i32 to vector<16xi32>
      %lt3A_456 = arith.cmpi slt, %sub3A_450, %lt3A_455 : vector<16xi32>
      %and3A_457 = arith.andi %ge3A_453, %lt3A_456 : vector<16xi1>
      %jit3A_458 = arith.constant 5120 : i32
      %broadcast_in_dim3A_459 = vector.broadcast %jit3A_458 : i32 to vector<16xi32>
      %select_n3A_460 = arith.select %and3A_457, %sub3A_450, %broadcast_in_dim3A_459 : vector<16xi1>, vector<16xi32>
      %swap3A_461 = arith.constant 64 : index
      %swap3A_462 = tpu.vector_load %arg18[%swap3A_461] {strides = array<i32>} : memref<128xi32, #tpu.memory_space<vmem>>, vector<16xi32>,
      tpu.vector_store %arg18[%swap3A_461], %select_n3A_460 {strides = array<i32>} : memref<128xi32, #tpu.memory_space<vmem>>, vector<16xi32>,
      %get3A_463 = arith.index_cast %add3A_164 : i32 to index
      %get3A_464 = arith.constant 80 : index
      %get3A_465 = tpu.vector_load %arg11[%get3A_463, %get3A_464] {strides = array<i32>} : memref<160x128xi32, #tpu.memory_space<vmem>>, vector<16xi32>,
      %sub3A_466 = arith.constant 0 : i32
      %sub3A_467 = vector.broadcast %sub3A_466 : i32 to vector<16xi32>
      %sub3A_468 = arith.subi %get3A_465, %sub3A_467 : vector<16xi32>
      %ge3A_469 = arith.constant 0 : i32
      %ge3A_470 = vector.broadcast %ge3A_469 : i32 to vector<16xi32>
      %ge3A_471 = arith.cmpi sge, %sub3A_468, %ge3A_470 : vector<16xi32>
      %lt3A_472 = arith.constant 5120 : i32
      %lt3A_473 = vector.broadcast %lt3A_472 : i32 to vector<16xi32>
      %lt3A_474 = arith.cmpi slt, %sub3A_468, %lt3A_473 : vector<16xi32>
      %and3A_475 = arith.andi %ge3A_471, %lt3A_474 : vector<16xi1>
      %jit3A_476 = arith.constant 5120 : i32
      %broadcast_in_dim3A_477 = vector.broadcast %jit3A_476 : i32 to vector<16xi32>
      %select_n3A_478 = arith.select %and3A_475, %sub3A_468, %broadcast_in_dim3A_477 : vector<16xi1>, vector<16xi32>
      %swap3A_479 = arith.constant 80 : index
      %swap3A_480 = tpu.vector_load %arg18[%swap3A_479] {strides = array<i32>} : memref<128xi32, #tpu.memory_space<vmem>>, vector<16xi32>,
      tpu.vector_store %arg18[%swap3A_479], %select_n3A_478 {strides = array<i32>} : memref<128xi32, #tpu.memory_space<vmem>>, vector<16xi32>,
      %get3A_481 = arith.index_cast %add3A_164 : i32 to index
      %get3A_482 = arith.constant 96 : index
      %get3A_483 = tpu.vector_load %arg11[%get3A_481, %get3A_482] {strides = array<i32>} : memref<160x128xi32, #tpu.memory_space<vmem>>, vector<16xi32>,
      %sub3A_484 = arith.constant 0 : i32
      %sub3A_485 = vector.broadcast %sub3A_484 : i32 to vector<16xi32>
      %sub3A_486 = arith.subi %get3A_483, %sub3A_485 : vector<16xi32>
      %ge3A_487 = arith.constant 0 : i32
      %ge3A_488 = vector.broadcast %ge3A_487 : i32 to vector<16xi32>
      %ge3A_489 = arith.cmpi sge, %sub3A_486, %ge3A_488 : vector<16xi32>
      %lt3A_490 = arith.constant 5120 : i32
      %lt3A_491 = vector.broadcast %lt3A_490 : i32 to vector<16xi32>
      %lt3A_492 = arith.cmpi slt, %sub3A_486, %lt3A_491 : vector<16xi32>
      %and3A_493 = arith.andi %ge3A_489, %lt3A_492 : vector<16xi1>
      %jit3A_494 = arith.constant 5120 : i32
      %broadcast_in_dim3A_495 = vector.broadcast %jit3A_494 : i32 to vector<16xi32>
      %select_n3A_496 = arith.select %and3A_493, %sub3A_486, %broadcast_in_dim3A_495 : vector<16xi1>, vector<16xi32>
      %swap3A_497 = arith.constant 96 : index
      %swap3A_498 = tpu.vector_load %arg18[%swap3A_497] {strides = array<i32>} : memref<128xi32, #tpu.memory_space<vmem>>, vector<16xi32>,
      tpu.vector_store %arg18[%swap3A_497], %select_n3A_496 {strides = array<i32>} : memref<128xi32, #tpu.memory_space<vmem>>, vector<16xi32>,
      %get3A_499 = arith.index_cast %add3A_164 : i32 to index
      %get3A_500 = arith.constant 112 : index
      %get3A_501 = tpu.vector_load %arg11[%get3A_499, %get3A_500] {strides = array<i32>} : memref<160x128xi32, #tpu.memory_space<vmem>>, vector<16xi32>,
      %sub3A_502 = arith.constant 0 : i32
      %sub3A_503 = vector.broadcast %sub3A_502 : i32 to vector<16xi32>
      %sub3A_504 = arith.subi %get3A_501, %sub3A_503 : vector<16xi32>
      %ge3A_505 = arith.constant 0 : i32
      %ge3A_506 = vector.broadcast %ge3A_505 : i32 to vector<16xi32>
      %ge3A_507 = arith.cmpi sge, %sub3A_504, %ge3A_506 : vector<16xi32>
      %lt3A_508 = arith.constant 5120 : i32
      %lt3A_509 = vector.broadcast %lt3A_508 : i32 to vector<16xi32>
      %lt3A_510 = arith.cmpi slt, %sub3A_504, %lt3A_509 : vector<16xi32>
      %and3A_511 = arith.andi %ge3A_507, %lt3A_510 : vector<16xi1>
      %jit3A_512 = arith.constant 5120 : i32
      %broadcast_in_dim3A_513 = vector.broadcast %jit3A_512 : i32 to vector<16xi32>
      %select_n3A_514 = arith.select %and3A_511, %sub3A_504, %broadcast_in_dim3A_513 : vector<16xi1>, vector<16xi32>
      %swap3A_515 = arith.constant 112 : index
      %swap3A_516 = tpu.vector_load %arg18[%swap3A_515] {strides = array<i32>} : memref<128xi32, #tpu.memory_space<vmem>>, vector<16xi32>,
      tpu.vector_store %arg18[%swap3A_515], %select_n3A_514 {strides = array<i32>} : memref<128xi32, #tpu.memory_space<vmem>>, vector<16xi32>,
      %dma_start3A_517 = arith.constant 0 : i32
      %dma_start3A_518 = arith.constant 0 : i32
      %dma_start3A_519 = tpu.memref_slice %arg21[%dma_start3A_517, %dma_start3A_518] : memref<5248x64xf32, #tpu.memory_space<vmem_shared>> -> memref<5248x64xf32, #tpu.memory_space<vmem_shared>>
      tpu.enqueue_indirect_dma source(%arg16 : memref<128x64xf32, #tpu.memory_space<vmem>>) target(%dma_start3A_519 : memref<5248x64xf32, #tpu.memory_space<vmem_shared>>) offsets(%arg18 : memref<128xi32, #tpu.memory_space<vmem>>) semaphore(%arg27 : memref<!tpu.dma_semaphore, #tpu.memory_space<semaphore_mem>>) {add = true}
      %mul3A_520 = arith.constant 128 : i32
      %mul3A_521 = arith.muli %add3A_164, %mul3A_520 : i32
      %dma_start3A_522 = arith.constant 0 : i32
      %dma_start3A_523 = arith.constant 0 : i32
      %dma_start3A_524 = tpu.memref_slice %arg9[%arg0, %arg1, %dma_start3A_522, %dma_start3A_523] : memref<2x16x20480x64xf32, #tpu.memory_space<hbm>> -> memref<1x1x20480x64xf32, #tpu.memory_space<hbm>>
      %dma_start3A_525 = tpu.memref_squeeze %dma_start3A_524 : memref<1x1x20480x64xf32, #tpu.memory_space<hbm>> -> memref<20480x64xf32, #tpu.memory_space<hbm>>
      %dma_start3A_526 = arith.constant 0 : i32
      %dma_start3A_527 = tpu.memref_slice %dma_start3A_525[%mul3A_521, %dma_start3A_526] : memref<20480x64xf32, #tpu.memory_space<hbm>> -> memref<128x64xf32, #tpu.memory_space<hbm>>
      %dma_start3A_528 = arith.constant 0 : i32
      %dma_start3A_529 = arith.constant 0 : i32
      %dma_start3A_530 = tpu.memref_slice %arg9[%arg0, %arg1, %dma_start3A_528, %dma_start3A_529] : memref<2x16x20480x64xf32, #tpu.memory_space<hbm>> -> memref<1x1x20480x64xf32, #tpu.memory_space<hbm>>
      %dma_start3A_531 = tpu.memref_squeeze %dma_start3A_530 : memref<1x1x20480x64xf32, #tpu.memory_space<hbm>> -> memref<20480x64xf32, #tpu.memory_space<hbm>>
      %dma_start3A_532 = arith.constant 0 : i32
      %dma_start3A_533 = tpu.memref_slice %dma_start3A_531[%mul3A_521, %dma_start3A_532] : memref<20480x64xf32, #tpu.memory_space<hbm>> -> memref<128x64xf32, #tpu.memory_space<hbm>>
      tpu.enqueue_dma source(%arg16 : memref<128x64xf32, #tpu.memory_space<vmem>>) target(%dma_start3A_533 : memref<128x64xf32, #tpu.memory_space<hbm>>) target_semaphore(%arg29 : memref<!tpu.dma_semaphore, #tpu.memory_space<semaphore_mem>>)
    }
    %scan3A_15 = arith.constant 80 : i32
    %dma_wait3A = arith.constant 0 : i32
    %dma_wait3A_16 = arith.constant 0 : i32
    %dma_wait3A_17 = tpu.memref_slice %arg21[%dma_wait3A, %dma_wait3A_16] : memref<5248x64xf32, #tpu.memory_space<vmem_shared>> -> memref<5248x64xf32, #tpu.memory_space<vmem_shared>>
    tpu.wait_indirect_dma semaphore(%arg26 : memref<!tpu.dma_semaphore, #tpu.memory_space<semaphore_mem>>) src(%arg15 : memref<128x64xf32, #tpu.memory_space<vmem>>) dst(%dma_wait3A_17 : memref<5248x64xf32, #tpu.memory_space<vmem_shared>>)
    %dma_wait3A_18 = arith.constant 0 : i32
    %dma_wait3A_19 = arith.constant 0 : i32
    %dma_wait3A_20 = tpu.memref_slice %arg9[%arg0, %arg1, %dma_wait3A_18, %dma_wait3A_19] : memref<2x16x20480x64xf32, #tpu.memory_space<hbm>> -> memref<1x1x20480x64xf32, #tpu.memory_space<hbm>>
    %dma_wait3A_21 = tpu.memref_squeeze %dma_wait3A_20 : memref<1x1x20480x64xf32, #tpu.memory_space<hbm>> -> memref<20480x64xf32, #tpu.memory_space<hbm>>
    %dma_wait3A_22 = arith.constant 20224 : i32
    %dma_wait3A_23 = arith.constant 0 : i32
    %dma_wait3A_24 = tpu.memref_slice %dma_wait3A_21[%dma_wait3A_22, %dma_wait3A_23] : memref<20480x64xf32, #tpu.memory_space<hbm>> -> memref<128x64xf32, #tpu.memory_space<hbm>>
    %dma_wait3A_25 = arith.constant 0 : i32
    %dma_wait3A_26 = arith.constant 0 : i32
    %dma_wait3A_27 = tpu.memref_slice %arg9[%arg0, %arg1, %dma_wait3A_25, %dma_wait3A_26] : memref<2x16x20480x64xf32, #tpu.memory_space<hbm>> -> memref<1x1x20480x64xf32, #tpu.memory_space<hbm>>
    %dma_wait3A_28 = tpu.memref_squeeze %dma_wait3A_27 : memref<1x1x20480x64xf32, #tpu.memory_space<hbm>> -> memref<20480x64xf32, #tpu.memory_space<hbm>>
    %dma_wait3A_29 = arith.constant 20224 : i32
    %dma_wait3A_30 = arith.constant 0 : i32
    %dma_wait3A_31 = tpu.memref_slice %dma_wait3A_28[%dma_wait3A_29, %dma_wait3A_30] : memref<20480x64xf32, #tpu.memory_space<hbm>> -> memref<128x64xf32, #tpu.memory_space<hbm>>
    tpu.wait_dma2 semaphore(%arg28 : memref<!tpu.dma_semaphore, #tpu.memory_space<semaphore_mem>>) src(%arg15 : memref<128x64xf32, #tpu.memory_space<vmem>>) dst(%dma_wait3A_31 : memref<128x64xf32, #tpu.memory_space<hbm>>)
    %dma_wait3A_32 = arith.constant 0 : i32
    %dma_wait3A_33 = arith.constant 0 : i32
    %dma_wait3A_34 = tpu.memref_slice %arg21[%dma_wait3A_32, %dma_wait3A_33] : memref<5248x64xf32, #tpu.memory_space<vmem_shared>> -> memref<5248x64xf32, #tpu.memory_space<vmem_shared>>
    tpu.wait_indirect_dma semaphore(%arg27 : memref<!tpu.dma_semaphore, #tpu.memory_space<semaphore_mem>>) src(%arg16 : memref<128x64xf32, #tpu.memory_space<vmem>>) dst(%dma_wait3A_34 : memref<5248x64xf32, #tpu.memory_space<vmem_shared>>)
    %dma_wait3A_35 = arith.constant 0 : i32
    %dma_wait3A_36 = arith.constant 0 : i32
    %dma_wait3A_37 = tpu.memref_slice %arg9[%arg0, %arg1, %dma_wait3A_35, %dma_wait3A_36] : memref<2x16x20480x64xf32, #tpu.memory_space<hbm>> -> memref<1x1x20480x64xf32, #tpu.memory_space<hbm>>
    %dma_wait3A_38 = tpu.memref_squeeze %dma_wait3A_37 : memref<1x1x20480x64xf32, #tpu.memory_space<hbm>> -> memref<20480x64xf32, #tpu.memory_space<hbm>>
    %dma_wait3A_39 = arith.constant 20352 : i32
    %dma_wait3A_40 = arith.constant 0 : i32
    %dma_wait3A_41 = tpu.memref_slice %dma_wait3A_38[%dma_wait3A_39, %dma_wait3A_40] : memref<20480x64xf32, #tpu.memory_space<hbm>> -> memref<128x64xf32, #tpu.memory_space<hbm>>
    %dma_wait3A_42 = arith.constant 0 : i32
    %dma_wait3A_43 = arith.constant 0 : i32
    %dma_wait3A_44 = tpu.memref_slice %arg9[%arg0, %arg1, %dma_wait3A_42, %dma_wait3A_43] : memref<2x16x20480x64xf32, #tpu.memory_space<hbm>> -> memref<1x1x20480x64xf32, #tpu.memory_space<hbm>>
    %dma_wait3A_45 = tpu.memref_squeeze %dma_wait3A_44 : memref<1x1x20480x64xf32, #tpu.memory_space<hbm>> -> memref<20480x64xf32, #tpu.memory_space<hbm>>
    %dma_wait3A_46 = arith.constant 20352 : i32
    %dma_wait3A_47 = arith.constant 0 : i32
    %dma_wait3A_48 = tpu.memref_slice %dma_wait3A_45[%dma_wait3A_46, %dma_wait3A_47] : memref<20480x64xf32, #tpu.memory_space<hbm>> -> memref<128x64xf32, #tpu.memory_space<hbm>>
    tpu.wait_dma2 semaphore(%arg29 : memref<!tpu.dma_semaphore, #tpu.memory_space<semaphore_mem>>) src(%arg16 : memref<128x64xf32, #tpu.memory_space<vmem>>) dst(%dma_wait3A_48 : memref<128x64xf32, #tpu.memory_space<hbm>>)
    %barrier3A_49 = arith.constant 0 : index
    tpu.barrier barrier_id(%barrier3A_49)
    %mul3A_50 = arith.constant 320 : i32
    %mul3A_51 = arith.muli %arg1, %mul3A_50 : i32
    %mul3A_52 = arith.constant 320 : i32
    %mul3A_53 = arith.muli %arg1, %mul3A_52 : i32
    %add3A = arith.constant 0 : i32
    %add3A_54 = arith.addi %add3A, %mul3A_53 : i32
    %eq3A = arith.constant 0 : i32
    %eq3A_55 = arith.cmpi eq, %arg0, %eq3A : i32
    %convert_element_type3A = arith.extui %eq3A_55 : i1 to i32
    %cond3A = arith.constant 0 : i32
    %cond3A_56 = arith.cmpi ne, %convert_element_type3A, %cond3A : i32
    scf.if %cond3A_56 {
      "tpu.region"() ({
        %run_scoped3A = tpu.sem_alloc : memref<!tpu.dma_semaphore, #tpu.memory_space<semaphore_mem>>
        %dma_start3A_158 = arith.constant 0 : i32
        %dma_start3A_159 = tpu.memref_slice %arg7[%add3A_54, %dma_start3A_158] : memref<10240x64xf32, #tpu.memory_space<hbm>> -> memref<320x64xf32, #tpu.memory_space<hbm>>
        %dma_start3A_160 = arith.constant 0 : i32
        %dma_start3A_161 = tpu.memref_slice %arg21[%mul3A_51, %dma_start3A_160] : memref<5248x64xf32, #tpu.memory_space<vmem_shared>> -> memref<320x64xf32, #tpu.memory_space<vmem_shared>>
        tpu.enqueue_dma source(%dma_start3A_161 : memref<320x64xf32, #tpu.memory_space<vmem_shared>>) target(%dma_start3A_159 : memref<320x64xf32, #tpu.memory_space<hbm>>) target_semaphore(%run_scoped3A : memref<!tpu.dma_semaphore, #tpu.memory_space<semaphore_mem>>)
        %dma_wait3A_162 = arith.constant 0 : i32
        %dma_wait3A_163 = tpu.memref_slice %arg7[%add3A_54, %dma_wait3A_162] : memref<10240x64xf32, #tpu.memory_space<hbm>> -> memref<320x64xf32, #tpu.memory_space<hbm>>
        %dma_wait3A_164 = arith.constant 0 : i32
        %dma_wait3A_165 = tpu.memref_slice %arg21[%mul3A_51, %dma_wait3A_164] : memref<5248x64xf32, #tpu.memory_space<vmem_shared>> -> memref<320x64xf32, #tpu.memory_space<vmem_shared>>
        tpu.wait_dma2 semaphore(%run_scoped3A : memref<!tpu.dma_semaphore, #tpu.memory_space<semaphore_mem>>) src(%dma_wait3A_165 : memref<320x64xf32, #tpu.memory_space<vmem_shared>>) dst(%dma_wait3A_163 : memref<320x64xf32, #tpu.memory_space<hbm>>)
        tpu.yield
      }) : () -> ()
    } else {
    }
    %eq3A_57 = arith.constant 1 : i32
    %eq3A_58 = arith.cmpi eq, %arg0, %eq3A_57 : i32
    %convert_element_type3A_59 = arith.extui %eq3A_58 : i1 to i32
    %cond3A_60 = arith.constant 0 : i32
    %cond3A_61 = arith.cmpi ne, %convert_element_type3A_59, %cond3A_60 : i32
    scf.if %cond3A_61 {
      "tpu.region"() ({
        %run_scoped3A = tpu.sem_alloc : memref<!tpu.dma_semaphore, #tpu.memory_space<semaphore_mem>>
        %dma_start3A_158 = arith.constant 0 : i32
        %dma_start3A_159 = tpu.memref_slice %arg8[%add3A_54, %dma_start3A_158] : memref<10240x64xf32, #tpu.memory_space<hbm>> -> memref<320x64xf32, #tpu.memory_space<hbm>>
        %dma_start3A_160 = arith.constant 0 : i32
        %dma_start3A_161 = tpu.memref_slice %arg21[%mul3A_51, %dma_start3A_160] : memref<5248x64xf32, #tpu.memory_space<vmem_shared>> -> memref<320x64xf32, #tpu.memory_space<vmem_shared>>
        tpu.enqueue_dma source(%dma_start3A_161 : memref<320x64xf32, #tpu.memory_space<vmem_shared>>) target(%dma_start3A_159 : memref<320x64xf32, #tpu.memory_space<hbm>>) target_semaphore(%run_scoped3A : memref<!tpu.dma_semaphore, #tpu.memory_space<semaphore_mem>>)
        %dma_wait3A_162 = arith.constant 0 : i32
        %dma_wait3A_163 = tpu.memref_slice %arg8[%add3A_54, %dma_wait3A_162] : memref<10240x64xf32, #tpu.memory_space<hbm>> -> memref<320x64xf32, #tpu.memory_space<hbm>>
        %dma_wait3A_164 = arith.constant 0 : i32
        %dma_wait3A_165 = tpu.memref_slice %arg21[%mul3A_51, %dma_wait3A_164] : memref<5248x64xf32, #tpu.memory_space<vmem_shared>> -> memref<320x64xf32, #tpu.memory_space<vmem_shared>>
        tpu.wait_dma2 semaphore(%run_scoped3A : memref<!tpu.dma_semaphore, #tpu.memory_space<semaphore_mem>>) src(%dma_wait3A_165 : memref<320x64xf32, #tpu.memory_space<vmem_shared>>) dst(%dma_wait3A_163 : memref<320x64xf32, #tpu.memory_space<hbm>>)
        tpu.yield
      }) : () -> ()
    } else {
    }
    %barrier3A_62 = arith.constant 0 : index
    tpu.barrier barrier_id(%barrier3A_62)
    %mul3A_63 = arith.constant 328 : i32
    %mul3A_64 = arith.muli %arg1, %mul3A_63 : i32
    "tpu.region"() ({
      %run_scoped3A = tpu.sem_alloc : memref<!tpu.dma_semaphore, #tpu.memory_space<semaphore_mem>>
      %dma_start3A_158 = arith.constant 0 : i32
      %dma_start3A_159 = tpu.memref_slice %arg21[%mul3A_64, %dma_start3A_158] : memref<5248x64xf32, #tpu.memory_space<vmem_shared>> -> memref<328x64xf32, #tpu.memory_space<vmem_shared>>
      %dma_start3A_160 = arith.constant 0 : i32
      %dma_start3A_161 = tpu.memref_slice %arg6[%mul3A_64, %dma_start3A_160] : memref<10240x64xf32, #tpu.memory_space<hbm>> -> memref<328x64xf32, #tpu.memory_space<hbm>>
      tpu.enqueue_dma source(%dma_start3A_161 : memref<328x64xf32, #tpu.memory_space<hbm>>) target(%dma_start3A_159 : memref<328x64xf32, #tpu.memory_space<vmem_shared>>) target_semaphore(%run_scoped3A : memref<!tpu.dma_semaphore, #tpu.memory_space<semaphore_mem>>)
      %dma_wait3A_162 = arith.constant 0 : i32
      %dma_wait3A_163 = tpu.memref_slice %arg21[%mul3A_64, %dma_wait3A_162] : memref<5248x64xf32, #tpu.memory_space<vmem_shared>> -> memref<328x64xf32, #tpu.memory_space<vmem_shared>>
      %dma_wait3A_164 = arith.constant 0 : i32
      %dma_wait3A_165 = tpu.memref_slice %arg6[%mul3A_64, %dma_wait3A_164] : memref<10240x64xf32, #tpu.memory_space<hbm>> -> memref<328x64xf32, #tpu.memory_space<hbm>>
      tpu.wait_dma2 semaphore(%run_scoped3A : memref<!tpu.dma_semaphore, #tpu.memory_space<semaphore_mem>>) src(%dma_wait3A_165 : memref<328x64xf32, #tpu.memory_space<hbm>>) dst(%dma_wait3A_163 : memref<328x64xf32, #tpu.memory_space<vmem_shared>>)
      tpu.yield
    }) : () -> ()
    %barrier3A_65 = arith.constant 0 : index
    tpu.barrier barrier_id(%barrier3A_65)
    %dma_start3A_66 = arith.constant 0 : i32
    %dma_start3A_67 = arith.constant 0 : i32
    %dma_start3A_68 = tpu.memref_slice %arg9[%arg0, %arg1, %dma_start3A_66, %dma_start3A_67] : memref<2x16x20480x64xf32, #tpu.memory_space<hbm>> -> memref<1x1x20480x64xf32, #tpu.memory_space<hbm>>
    %dma_start3A_69 = tpu.memref_squeeze %dma_start3A_68 : memref<1x1x20480x64xf32, #tpu.memory_space<hbm>> -> memref<20480x64xf32, #tpu.memory_space<hbm>>
    %dma_start3A_70 = arith.constant 0 : i32
    %dma_start3A_71 = arith.constant 0 : i32
    %dma_start3A_72 = tpu.memref_slice %dma_start3A_69[%dma_start3A_70, %dma_start3A_71] : memref<20480x64xf32, #tpu.memory_space<hbm>> -> memref<128x64xf32, #tpu.memory_space<hbm>>
    %dma_start3A_73 = arith.constant 0 : i32
    %dma_start3A_74 = arith.constant 0 : i32
    %dma_start3A_75 = tpu.memref_slice %arg9[%arg0, %arg1, %dma_start3A_73, %dma_start3A_74] : memref<2x16x20480x64xf32, #tpu.memory_space<hbm>> -> memref<1x1x20480x64xf32, #tpu.memory_space<hbm>>
    %dma_start3A_76 = tpu.memref_squeeze %dma_start3A_75 : memref<1x1x20480x64xf32, #tpu.memory_space<hbm>> -> memref<20480x64xf32, #tpu.memory_space<hbm>>
    %dma_start3A_77 = arith.constant 0 : i32
    %dma_start3A_78 = arith.constant 0 : i32
    %dma_start3A_79 = tpu.memref_slice %dma_start3A_76[%dma_start3A_77, %dma_start3A_78] : memref<20480x64xf32, #tpu.memory_space<hbm>> -> memref<128x64xf32, #tpu.memory_space<hbm>>
    tpu.enqueue_dma source(%dma_start3A_79 : memref<128x64xf32, #tpu.memory_space<hbm>>) target(%arg15 : memref<128x64xf32, #tpu.memory_space<vmem>>) target_semaphore(%arg22 : memref<!tpu.dma_semaphore, #tpu.memory_space<semaphore_mem>>)
    %dma_start3A_80 = arith.constant 0 : i32
    %dma_start3A_81 = arith.constant 0 : i32
    %dma_start3A_82 = tpu.memref_slice %arg9[%arg0, %arg1, %dma_start3A_80, %dma_start3A_81] : memref<2x16x20480x64xf32, #tpu.memory_space<hbm>> -> memref<1x1x20480x64xf32, #tpu.memory_space<hbm>>
    %dma_start3A_83 = tpu.memref_squeeze %dma_start3A_82 : memref<1x1x20480x64xf32, #tpu.memory_space<hbm>> -> memref<20480x64xf32, #tpu.memory_space<hbm>>
    %dma_start3A_84 = arith.constant 128 : i32
    %dma_start3A_85 = arith.constant 0 : i32
    %dma_start3A_86 = tpu.memref_slice %dma_start3A_83[%dma_start3A_84, %dma_start3A_85] : memref<20480x64xf32, #tpu.memory_space<hbm>> -> memref<128x64xf32, #tpu.memory_space<hbm>>
    %dma_start3A_87 = arith.constant 0 : i32
    %dma_start3A_88 = arith.constant 0 : i32
    %dma_start3A_89 = tpu.memref_slice %arg9[%arg0, %arg1, %dma_start3A_87, %dma_start3A_88] : memref<2x16x20480x64xf32, #tpu.memory_space<hbm>> -> memref<1x1x20480x64xf32, #tpu.memory_space<hbm>>
    %dma_start3A_90 = tpu.memref_squeeze %dma_start3A_89 : memref<1x1x20480x64xf32, #tpu.memory_space<hbm>> -> memref<20480x64xf32, #tpu.memory_space<hbm>>
    %dma_start3A_91 = arith.constant 128 : i32
    %dma_start3A_92 = arith.constant 0 : i32
    %dma_start3A_93 = tpu.memref_slice %dma_start3A_90[%dma_start3A_91, %dma_start3A_92] : memref<20480x64xf32, #tpu.memory_space<hbm>> -> memref<128x64xf32, #tpu.memory_space<hbm>>
    tpu.enqueue_dma source(%dma_start3A_93 : memref<128x64xf32, #tpu.memory_space<hbm>>) target(%arg16 : memref<128x64xf32, #tpu.memory_space<vmem>>) target_semaphore(%arg23 : memref<!tpu.dma_semaphore, #tpu.memory_space<semaphore_mem>>)
    %dma_start3A_94 = arith.constant 0 : i32
    %dma_start3A_95 = arith.constant 0 : i32
    %dma_start3A_96 = tpu.memref_slice %arg9[%arg0, %arg1, %dma_start3A_94, %dma_start3A_95] : memref<2x16x20480x64xf32, #tpu.memory_space<hbm>> -> memref<1x1x20480x64xf32, #tpu.memory_space<hbm>>
    %dma_start3A_97 = tpu.memref_squeeze %dma_start3A_96 : memref<1x1x20480x64xf32, #tpu.memory_space<hbm>> -> memref<20480x64xf32, #tpu.memory_space<hbm>>
    %dma_start3A_98 = arith.constant 256 : i32
    %dma_start3A_99 = arith.constant 0 : i32
    %dma_start3A_100 = tpu.memref_slice %dma_start3A_97[%dma_start3A_98, %dma_start3A_99] : memref<20480x64xf32, #tpu.memory_space<hbm>> -> memref<128x64xf32, #tpu.memory_space<hbm>>
    %dma_start3A_101 = arith.constant 0 : i32
    %dma_start3A_102 = arith.constant 0 : i32
    %dma_start3A_103 = tpu.memref_slice %arg9[%arg0, %arg1, %dma_start3A_101, %dma_start3A_102] : memref<2x16x20480x64xf32, #tpu.memory_space<hbm>> -> memref<1x1x20480x64xf32, #tpu.memory_space<hbm>>
    %dma_start3A_104 = tpu.memref_squeeze %dma_start3A_103 : memref<1x1x20480x64xf32, #tpu.memory_space<hbm>> -> memref<20480x64xf32, #tpu.memory_space<hbm>>
    %dma_start3A_105 = arith.constant 256 : i32
    %dma_start3A_106 = arith.constant 0 : i32
    %dma_start3A_107 = tpu.memref_slice %dma_start3A_104[%dma_start3A_105, %dma_start3A_106] : memref<20480x64xf32, #tpu.memory_space<hbm>> -> memref<128x64xf32, #tpu.memory_space<hbm>>
    tpu.enqueue_dma source(%dma_start3A_107 : memref<128x64xf32, #tpu.memory_space<hbm>>) target(%arg13 : memref<128x64xf32, #tpu.memory_space<vmem>>) target_semaphore(%arg24 : memref<!tpu.dma_semaphore, #tpu.memory_space<semaphore_mem>>)
    %dma_start3A_108 = arith.constant 0 : i32
    %dma_start3A_109 = arith.constant 0 : i32
    %dma_start3A_110 = tpu.memref_slice %arg9[%arg0, %arg1, %dma_start3A_108, %dma_start3A_109] : memref<2x16x20480x64xf32, #tpu.memory_space<hbm>> -> memref<1x1x20480x64xf32, #tpu.memory_space<hbm>>
    %dma_start3A_111 = tpu.memref_squeeze %dma_start3A_110 : memref<1x1x20480x64xf32, #tpu.memory_space<hbm>> -> memref<20480x64xf32, #tpu.memory_space<hbm>>
    %dma_start3A_112 = arith.constant 384 : i32
    %dma_start3A_113 = arith.constant 0 : i32
    %dma_start3A_114 = tpu.memref_slice %dma_start3A_111[%dma_start3A_112, %dma_start3A_113] : memref<20480x64xf32, #tpu.memory_space<hbm>> -> memref<128x64xf32, #tpu.memory_space<hbm>>
    %dma_start3A_115 = arith.constant 0 : i32
    %dma_start3A_116 = arith.constant 0 : i32
    %dma_start3A_117 = tpu.memref_slice %arg9[%arg0, %arg1, %dma_start3A_115, %dma_start3A_116] : memref<2x16x20480x64xf32, #tpu.memory_space<hbm>> -> memref<1x1x20480x64xf32, #tpu.memory_space<hbm>>
    %dma_start3A_118 = tpu.memref_squeeze %dma_start3A_117 : memref<1x1x20480x64xf32, #tpu.memory_space<hbm>> -> memref<20480x64xf32, #tpu.memory_space<hbm>>
    %dma_start3A_119 = arith.constant 384 : i32
    %dma_start3A_120 = arith.constant 0 : i32
    %dma_start3A_121 = tpu.memref_slice %dma_start3A_118[%dma_start3A_119, %dma_start3A_120] : memref<20480x64xf32, #tpu.memory_space<hbm>> -> memref<128x64xf32, #tpu.memory_space<hbm>>
    tpu.enqueue_dma source(%dma_start3A_121 : memref<128x64xf32, #tpu.memory_space<hbm>>) target(%arg14 : memref<128x64xf32, #tpu.memory_space<vmem>>) target_semaphore(%arg25 : memref<!tpu.dma_semaphore, #tpu.memory_space<semaphore_mem>>)
    %scan3A_122 = arith.constant 0 : i32
    %scan3A_123 = arith.constant 0 : i32
    %scan3A_124 = arith.constant 40 : i32
    %scan3A_125 = arith.addi %scan3A_123, %scan3A_124 : i32
    %scan3A_126 = arith.constant 1 : i32
    scf.for %scan3A_158 = %scan3A_123 to %scan3A_125 step %scan3A_126  : i32 {
      %mul3A_159 = arith.constant 4 : i32
      %mul3A_160 = arith.muli %mul3A_159, %scan3A_158 : i32
      %gt3A = arith.constant 0 : i32
      %gt3A_161 = arith.cmpi sgt, %scan3A_158, %gt3A : i32
      %convert_element_type3A_162 = arith.extui %gt3A_161 : i1 to i32
      %cond3A_163 = arith.constant 0 : i32
      %cond3A_164 = arith.cmpi ne, %convert_element_type3A_162, %cond3A_163 : i32
      scf.if %cond3A_164 {
        %dma_wait3A_816 = arith.constant 0 : i32
        %dma_wait3A_817 = arith.constant 0 : i32
        %dma_wait3A_818 = tpu.memref_slice %arg21[%dma_wait3A_816, %dma_wait3A_817] : memref<5248x64xf32, #tpu.memory_space<vmem_shared>> -> memref<5248x64xf32, #tpu.memory_space<vmem_shared>>
        tpu.wait_indirect_dma semaphore(%arg26 : memref<!tpu.dma_semaphore, #tpu.memory_space<semaphore_mem>>) src(%arg15 : memref<128x64xf32, #tpu.memory_space<vmem>>) dst(%dma_wait3A_818 : memref<5248x64xf32, #tpu.memory_space<vmem_shared>>)
        %add3A_819 = arith.constant 0 : i32
        %add3A_820 = arith.addi %mul3A_160, %add3A_819 : i32
        %mul3A_821 = arith.constant 128 : i32
        %mul3A_822 = arith.muli %add3A_820, %mul3A_821 : i32
        %dma_start3A_823 = arith.constant 0 : i32
        %dma_start3A_824 = arith.constant 0 : i32
        %dma_start3A_825 = tpu.memref_slice %arg9[%arg0, %arg1, %dma_start3A_823, %dma_start3A_824] : memref<2x16x20480x64xf32, #tpu.memory_space<hbm>> -> memref<1x1x20480x64xf32, #tpu.memory_space<hbm>>
        %dma_start3A_826 = tpu.memref_squeeze %dma_start3A_825 : memref<1x1x20480x64xf32, #tpu.memory_space<hbm>> -> memref<20480x64xf32, #tpu.memory_space<hbm>>
        %dma_start3A_827 = arith.constant 0 : i32
        %dma_start3A_828 = tpu.memref_slice %dma_start3A_826[%mul3A_822, %dma_start3A_827] : memref<20480x64xf32, #tpu.memory_space<hbm>> -> memref<128x64xf32, #tpu.memory_space<hbm>>
        %dma_start3A_829 = arith.constant 0 : i32
        %dma_start3A_830 = arith.constant 0 : i32
        %dma_start3A_831 = tpu.memref_slice %arg9[%arg0, %arg1, %dma_start3A_829, %dma_start3A_830] : memref<2x16x20480x64xf32, #tpu.memory_space<hbm>> -> memref<1x1x20480x64xf32, #tpu.memory_space<hbm>>
        %dma_start3A_832 = tpu.memref_squeeze %dma_start3A_831 : memref<1x1x20480x64xf32, #tpu.memory_space<hbm>> -> memref<20480x64xf32, #tpu.memory_space<hbm>>
        %dma_start3A_833 = arith.constant 0 : i32
        %dma_start3A_834 = tpu.memref_slice %dma_start3A_832[%mul3A_822, %dma_start3A_833] : memref<20480x64xf32, #tpu.memory_space<hbm>> -> memref<128x64xf32, #tpu.memory_space<hbm>>
        tpu.enqueue_dma source(%dma_start3A_834 : memref<128x64xf32, #tpu.memory_space<hbm>>) target(%arg15 : memref<128x64xf32, #tpu.memory_space<vmem>>) target_semaphore(%arg22 : memref<!tpu.dma_semaphore, #tpu.memory_space<semaphore_mem>>)
        %dma_wait3A_835 = arith.constant 0 : i32
        %dma_wait3A_836 = arith.constant 0 : i32
        %dma_wait3A_837 = tpu.memref_slice %arg21[%dma_wait3A_835, %dma_wait3A_836] : memref<5248x64xf32, #tpu.memory_space<vmem_shared>> -> memref<5248x64xf32, #tpu.memory_space<vmem_shared>>
        tpu.wait_indirect_dma semaphore(%arg27 : memref<!tpu.dma_semaphore, #tpu.memory_space<semaphore_mem>>) src(%arg16 : memref<128x64xf32, #tpu.memory_space<vmem>>) dst(%dma_wait3A_837 : memref<5248x64xf32, #tpu.memory_space<vmem_shared>>)
        %add3A_838 = arith.constant 1 : i32
        %add3A_839 = arith.addi %mul3A_160, %add3A_838 : i32
        %mul3A_840 = arith.constant 128 : i32
        %mul3A_841 = arith.muli %add3A_839, %mul3A_840 : i32
        %dma_start3A_842 = arith.constant 0 : i32
        %dma_start3A_843 = arith.constant 0 : i32
        %dma_start3A_844 = tpu.memref_slice %arg9[%arg0, %arg1, %dma_start3A_842, %dma_start3A_843] : memref<2x16x20480x64xf32, #tpu.memory_space<hbm>> -> memref<1x1x20480x64xf32, #tpu.memory_space<hbm>>
        %dma_start3A_845 = tpu.memref_squeeze %dma_start3A_844 : memref<1x1x20480x64xf32, #tpu.memory_space<hbm>> -> memref<20480x64xf32, #tpu.memory_space<hbm>>
        %dma_start3A_846 = arith.constant 0 : i32
        %dma_start3A_847 = tpu.memref_slice %dma_start3A_845[%mul3A_841, %dma_start3A_846] : memref<20480x64xf32, #tpu.memory_space<hbm>> -> memref<128x64xf32, #tpu.memory_space<hbm>>
        %dma_start3A_848 = arith.constant 0 : i32
        %dma_start3A_849 = arith.constant 0 : i32
        %dma_start3A_850 = tpu.memref_slice %arg9[%arg0, %arg1, %dma_start3A_848, %dma_start3A_849] : memref<2x16x20480x64xf32, #tpu.memory_space<hbm>> -> memref<1x1x20480x64xf32, #tpu.memory_space<hbm>>
        %dma_start3A_851 = tpu.memref_squeeze %dma_start3A_850 : memref<1x1x20480x64xf32, #tpu.memory_space<hbm>> -> memref<20480x64xf32, #tpu.memory_space<hbm>>
        %dma_start3A_852 = arith.constant 0 : i32
        %dma_start3A_853 = tpu.memref_slice %dma_start3A_851[%mul3A_841, %dma_start3A_852] : memref<20480x64xf32, #tpu.memory_space<hbm>> -> memref<128x64xf32, #tpu.memory_space<hbm>>
        tpu.enqueue_dma source(%dma_start3A_853 : memref<128x64xf32, #tpu.memory_space<hbm>>) target(%arg16 : memref<128x64xf32, #tpu.memory_space<vmem>>) target_semaphore(%arg23 : memref<!tpu.dma_semaphore, #tpu.memory_space<semaphore_mem>>)
        %dma_wait3A_854 = arith.constant 0 : i32
        %dma_wait3A_855 = arith.constant 0 : i32
        %dma_wait3A_856 = tpu.memref_slice %arg21[%dma_wait3A_854, %dma_wait3A_855] : memref<5248x64xf32, #tpu.memory_space<vmem_shared>> -> memref<5248x64xf32, #tpu.memory_space<vmem_shared>>
        tpu.wait_indirect_dma semaphore(%arg28 : memref<!tpu.dma_semaphore, #tpu.memory_space<semaphore_mem>>) src(%arg13 : memref<128x64xf32, #tpu.memory_space<vmem>>) dst(%dma_wait3A_856 : memref<5248x64xf32, #tpu.memory_space<vmem_shared>>)
        %add3A_857 = arith.constant 2 : i32
        %add3A_858 = arith.addi %mul3A_160, %add3A_857 : i32
        %mul3A_859 = arith.constant 128 : i32
        %mul3A_860 = arith.muli %add3A_858, %mul3A_859 : i32
        %dma_start3A_861 = arith.constant 0 : i32
        %dma_start3A_862 = arith.constant 0 : i32
        %dma_start3A_863 = tpu.memref_slice %arg9[%arg0, %arg1, %dma_start3A_861, %dma_start3A_862] : memref<2x16x20480x64xf32, #tpu.memory_space<hbm>> -> memref<1x1x20480x64xf32, #tpu.memory_space<hbm>>
        %dma_start3A_864 = tpu.memref_squeeze %dma_start3A_863 : memref<1x1x20480x64xf32, #tpu.memory_space<hbm>> -> memref<20480x64xf32, #tpu.memory_space<hbm>>
        %dma_start3A_865 = arith.constant 0 : i32
        %dma_start3A_866 = tpu.memref_slice %dma_start3A_864[%mul3A_860, %dma_start3A_865] : memref<20480x64xf32, #tpu.memory_space<hbm>> -> memref<128x64xf32, #tpu.memory_space<hbm>>
        %dma_start3A_867 = arith.constant 0 : i32
        %dma_start3A_868 = arith.constant 0 : i32
        %dma_start3A_869 = tpu.memref_slice %arg9[%arg0, %arg1, %dma_start3A_867, %dma_start3A_868] : memref<2x16x20480x64xf32, #tpu.memory_space<hbm>> -> memref<1x1x20480x64xf32, #tpu.memory_space<hbm>>
        %dma_start3A_870 = tpu.memref_squeeze %dma_start3A_869 : memref<1x1x20480x64xf32, #tpu.memory_space<hbm>> -> memref<20480x64xf32, #tpu.memory_space<hbm>>
        %dma_start3A_871 = arith.constant 0 : i32
        %dma_start3A_872 = tpu.memref_slice %dma_start3A_870[%mul3A_860, %dma_start3A_871] : memref<20480x64xf32, #tpu.memory_space<hbm>> -> memref<128x64xf32, #tpu.memory_space<hbm>>
        tpu.enqueue_dma source(%dma_start3A_872 : memref<128x64xf32, #tpu.memory_space<hbm>>) target(%arg13 : memref<128x64xf32, #tpu.memory_space<vmem>>) target_semaphore(%arg24 : memref<!tpu.dma_semaphore, #tpu.memory_space<semaphore_mem>>)
        %dma_wait3A_873 = arith.constant 0 : i32
        %dma_wait3A_874 = arith.constant 0 : i32
        %dma_wait3A_875 = tpu.memref_slice %arg21[%dma_wait3A_873, %dma_wait3A_874] : memref<5248x64xf32, #tpu.memory_space<vmem_shared>> -> memref<5248x64xf32, #tpu.memory_space<vmem_shared>>
        tpu.wait_indirect_dma semaphore(%arg29 : memref<!tpu.dma_semaphore, #tpu.memory_space<semaphore_mem>>) src(%arg14 : memref<128x64xf32, #tpu.memory_space<vmem>>) dst(%dma_wait3A_875 : memref<5248x64xf32, #tpu.memory_space<vmem_shared>>)
        %add3A_876 = arith.constant 3 : i32
        %add3A_877 = arith.addi %mul3A_160, %add3A_876 : i32
        %mul3A_878 = arith.constant 128 : i32
        %mul3A_879 = arith.muli %add3A_877, %mul3A_878 : i32
        %dma_start3A_880 = arith.constant 0 : i32
        %dma_start3A_881 = arith.constant 0 : i32
        %dma_start3A_882 = tpu.memref_slice %arg9[%arg0, %arg1, %dma_start3A_880, %dma_start3A_881] : memref<2x16x20480x64xf32, #tpu.memory_space<hbm>> -> memref<1x1x20480x64xf32, #tpu.memory_space<hbm>>
        %dma_start3A_883 = tpu.memref_squeeze %dma_start3A_882 : memref<1x1x20480x64xf32, #tpu.memory_space<hbm>> -> memref<20480x64xf32, #tpu.memory_space<hbm>>
        %dma_start3A_884 = arith.constant 0 : i32
        %dma_start3A_885 = tpu.memref_slice %dma_start3A_883[%mul3A_879, %dma_start3A_884] : memref<20480x64xf32, #tpu.memory_space<hbm>> -> memref<128x64xf32, #tpu.memory_space<hbm>>
        %dma_start3A_886 = arith.constant 0 : i32
        %dma_start3A_887 = arith.constant 0 : i32
        %dma_start3A_888 = tpu.memref_slice %arg9[%arg0, %arg1, %dma_start3A_886, %dma_start3A_887] : memref<2x16x20480x64xf32, #tpu.memory_space<hbm>> -> memref<1x1x20480x64xf32, #tpu.memory_space<hbm>>
        %dma_start3A_889 = tpu.memref_squeeze %dma_start3A_888 : memref<1x1x20480x64xf32, #tpu.memory_space<hbm>> -> memref<20480x64xf32, #tpu.memory_space<hbm>>
        %dma_start3A_890 = arith.constant 0 : i32
        %dma_start3A_891 = tpu.memref_slice %dma_start3A_889[%mul3A_879, %dma_start3A_890] : memref<20480x64xf32, #tpu.memory_space<hbm>> -> memref<128x64xf32, #tpu.memory_space<hbm>>
        tpu.enqueue_dma source(%dma_start3A_891 : memref<128x64xf32, #tpu.memory_space<hbm>>) target(%arg14 : memref<128x64xf32, #tpu.memory_space<vmem>>) target_semaphore(%arg25 : memref<!tpu.dma_semaphore, #tpu.memory_space<semaphore_mem>>)
      } else {
      }
      %add3A_165 = arith.constant 0 : i32
      %add3A_166 = arith.addi %mul3A_160, %add3A_165 : i32
      %mul3A_167 = arith.constant 128 : i32
      %mul3A_168 = arith.muli %add3A_166, %mul3A_167 : i32
      %dma_wait3A_169 = arith.constant 0 : i32
      %dma_wait3A_170 = arith.constant 0 : i32
      %dma_wait3A_171 = tpu.memref_slice %arg9[%arg0, %arg1, %dma_wait3A_169, %dma_wait3A_170] : memref<2x16x20480x64xf32, #tpu.memory_space<hbm>> -> memref<1x1x20480x64xf32, #tpu.memory_space<hbm>>
      %dma_wait3A_172 = tpu.memref_squeeze %dma_wait3A_171 : memref<1x1x20480x64xf32, #tpu.memory_space<hbm>> -> memref<20480x64xf32, #tpu.memory_space<hbm>>
      %dma_wait3A_173 = arith.constant 0 : i32
      %dma_wait3A_174 = tpu.memref_slice %dma_wait3A_172[%mul3A_168, %dma_wait3A_173] : memref<20480x64xf32, #tpu.memory_space<hbm>> -> memref<128x64xf32, #tpu.memory_space<hbm>>
      %dma_wait3A_175 = arith.constant 0 : i32
      %dma_wait3A_176 = arith.constant 0 : i32
      %dma_wait3A_177 = tpu.memref_slice %arg9[%arg0, %arg1, %dma_wait3A_175, %dma_wait3A_176] : memref<2x16x20480x64xf32, #tpu.memory_space<hbm>> -> memref<1x1x20480x64xf32, #tpu.memory_space<hbm>>
      %dma_wait3A_178 = tpu.memref_squeeze %dma_wait3A_177 : memref<1x1x20480x64xf32, #tpu.memory_space<hbm>> -> memref<20480x64xf32, #tpu.memory_space<hbm>>
      %dma_wait3A_179 = arith.constant 0 : i32
      %dma_wait3A_180 = tpu.memref_slice %dma_wait3A_178[%mul3A_168, %dma_wait3A_179] : memref<20480x64xf32, #tpu.memory_space<hbm>> -> memref<128x64xf32, #tpu.memory_space<hbm>>
      tpu.wait_dma2 semaphore(%arg22 : memref<!tpu.dma_semaphore, #tpu.memory_space<semaphore_mem>>) src(%dma_wait3A_180 : memref<128x64xf32, #tpu.memory_space<hbm>>) dst(%arg15 : memref<128x64xf32, #tpu.memory_space<vmem>>)
      %add3A_181 = arith.constant 0 : i32
      %add3A_182 = arith.addi %mul3A_160, %add3A_181 : i32
      %get3A = arith.index_cast %add3A_182 : i32 to index
      %get3A_183 = arith.constant 0 : index
      %get3A_184 = tpu.vector_load %arg11[%get3A, %get3A_183] {strides = array<i32>} : memref<160x128xi32, #tpu.memory_space<vmem>>, vector<16xi32>,
      %sub3A = arith.constant 5120 : i32
      %sub3A_185 = vector.broadcast %sub3A : i32 to vector<16xi32>
      %sub3A_186 = arith.subi %get3A_184, %sub3A_185 : vector<16xi32>
      %ge3A = arith.constant 0 : i32
      %ge3A_187 = vector.broadcast %ge3A : i32 to vector<16xi32>
      %ge3A_188 = arith.cmpi sge, %sub3A_186, %ge3A_187 : vector<16xi32>
      %lt3A = arith.constant 5120 : i32
      %lt3A_189 = vector.broadcast %lt3A : i32 to vector<16xi32>
      %lt3A_190 = arith.cmpi slt, %sub3A_186, %lt3A_189 : vector<16xi32>
      %and3A = arith.andi %ge3A_188, %lt3A_190 : vector<16xi1>
      %jit3A = arith.constant 5120 : i32
      %broadcast_in_dim3A = vector.broadcast %jit3A : i32 to vector<16xi32>
      %select_n3A = arith.select %and3A, %sub3A_186, %broadcast_in_dim3A : vector<16xi1>, vector<16xi32>
      %swap3A = arith.constant 0 : index
      %swap3A_191 = tpu.vector_load %arg17[%swap3A] {strides = array<i32>} : memref<128xi32, #tpu.memory_space<vmem>>, vector<16xi32>,
      tpu.vector_store %arg17[%swap3A], %select_n3A {strides = array<i32>} : memref<128xi32, #tpu.memory_space<vmem>>, vector<16xi32>,
      %get3A_192 = arith.index_cast %add3A_182 : i32 to index
      %get3A_193 = arith.constant 16 : index
      %get3A_194 = tpu.vector_load %arg11[%get3A_192, %get3A_193] {strides = array<i32>} : memref<160x128xi32, #tpu.memory_space<vmem>>, vector<16xi32>,
      %sub3A_195 = arith.constant 5120 : i32
      %sub3A_196 = vector.broadcast %sub3A_195 : i32 to vector<16xi32>
      %sub3A_197 = arith.subi %get3A_194, %sub3A_196 : vector<16xi32>
      %ge3A_198 = arith.constant 0 : i32
      %ge3A_199 = vector.broadcast %ge3A_198 : i32 to vector<16xi32>
      %ge3A_200 = arith.cmpi sge, %sub3A_197, %ge3A_199 : vector<16xi32>
      %lt3A_201 = arith.constant 5120 : i32
      %lt3A_202 = vector.broadcast %lt3A_201 : i32 to vector<16xi32>
      %lt3A_203 = arith.cmpi slt, %sub3A_197, %lt3A_202 : vector<16xi32>
      %and3A_204 = arith.andi %ge3A_200, %lt3A_203 : vector<16xi1>
      %jit3A_205 = arith.constant 5120 : i32
      %broadcast_in_dim3A_206 = vector.broadcast %jit3A_205 : i32 to vector<16xi32>
      %select_n3A_207 = arith.select %and3A_204, %sub3A_197, %broadcast_in_dim3A_206 : vector<16xi1>, vector<16xi32>
      %swap3A_208 = arith.constant 16 : index
      %swap3A_209 = tpu.vector_load %arg17[%swap3A_208] {strides = array<i32>} : memref<128xi32, #tpu.memory_space<vmem>>, vector<16xi32>,
      tpu.vector_store %arg17[%swap3A_208], %select_n3A_207 {strides = array<i32>} : memref<128xi32, #tpu.memory_space<vmem>>, vector<16xi32>,
      %get3A_210 = arith.index_cast %add3A_182 : i32 to index
      %get3A_211 = arith.constant 32 : index
      %get3A_212 = tpu.vector_load %arg11[%get3A_210, %get3A_211] {strides = array<i32>} : memref<160x128xi32, #tpu.memory_space<vmem>>, vector<16xi32>,
      %sub3A_213 = arith.constant 5120 : i32
      %sub3A_214 = vector.broadcast %sub3A_213 : i32 to vector<16xi32>
      %sub3A_215 = arith.subi %get3A_212, %sub3A_214 : vector<16xi32>
      %ge3A_216 = arith.constant 0 : i32
      %ge3A_217 = vector.broadcast %ge3A_216 : i32 to vector<16xi32>
      %ge3A_218 = arith.cmpi sge, %sub3A_215, %ge3A_217 : vector<16xi32>
      %lt3A_219 = arith.constant 5120 : i32
      %lt3A_220 = vector.broadcast %lt3A_219 : i32 to vector<16xi32>
      %lt3A_221 = arith.cmpi slt, %sub3A_215, %lt3A_220 : vector<16xi32>
      %and3A_222 = arith.andi %ge3A_218, %lt3A_221 : vector<16xi1>
      %jit3A_223 = arith.constant 5120 : i32
      %broadcast_in_dim3A_224 = vector.broadcast %jit3A_223 : i32 to vector<16xi32>
      %select_n3A_225 = arith.select %and3A_222, %sub3A_215, %broadcast_in_dim3A_224 : vector<16xi1>, vector<16xi32>
      %swap3A_226 = arith.constant 32 : index
      %swap3A_227 = tpu.vector_load %arg17[%swap3A_226] {strides = array<i32>} : memref<128xi32, #tpu.memory_space<vmem>>, vector<16xi32>,
      tpu.vector_store %arg17[%swap3A_226], %select_n3A_225 {strides = array<i32>} : memref<128xi32, #tpu.memory_space<vmem>>, vector<16xi32>,
      %get3A_228 = arith.index_cast %add3A_182 : i32 to index
      %get3A_229 = arith.constant 48 : index
      %get3A_230 = tpu.vector_load %arg11[%get3A_228, %get3A_229] {strides = array<i32>} : memref<160x128xi32, #tpu.memory_space<vmem>>, vector<16xi32>,
      %sub3A_231 = arith.constant 5120 : i32
      %sub3A_232 = vector.broadcast %sub3A_231 : i32 to vector<16xi32>
      %sub3A_233 = arith.subi %get3A_230, %sub3A_232 : vector<16xi32>
      %ge3A_234 = arith.constant 0 : i32
      %ge3A_235 = vector.broadcast %ge3A_234 : i32 to vector<16xi32>
      %ge3A_236 = arith.cmpi sge, %sub3A_233, %ge3A_235 : vector<16xi32>
      %lt3A_237 = arith.constant 5120 : i32
      %lt3A_238 = vector.broadcast %lt3A_237 : i32 to vector<16xi32>
      %lt3A_239 = arith.cmpi slt, %sub3A_233, %lt3A_238 : vector<16xi32>
      %and3A_240 = arith.andi %ge3A_236, %lt3A_239 : vector<16xi1>
      %jit3A_241 = arith.constant 5120 : i32
      %broadcast_in_dim3A_242 = vector.broadcast %jit3A_241 : i32 to vector<16xi32>
      %select_n3A_243 = arith.select %and3A_240, %sub3A_233, %broadcast_in_dim3A_242 : vector<16xi1>, vector<16xi32>
      %swap3A_244 = arith.constant 48 : index
      %swap3A_245 = tpu.vector_load %arg17[%swap3A_244] {strides = array<i32>} : memref<128xi32, #tpu.memory_space<vmem>>, vector<16xi32>,
      tpu.vector_store %arg17[%swap3A_244], %select_n3A_243 {strides = array<i32>} : memref<128xi32, #tpu.memory_space<vmem>>, vector<16xi32>,
      %get3A_246 = arith.index_cast %add3A_182 : i32 to index
      %get3A_247 = arith.constant 64 : index
      %get3A_248 = tpu.vector_load %arg11[%get3A_246, %get3A_247] {strides = array<i32>} : memref<160x128xi32, #tpu.memory_space<vmem>>, vector<16xi32>,
      %sub3A_249 = arith.constant 5120 : i32
      %sub3A_250 = vector.broadcast %sub3A_249 : i32 to vector<16xi32>
      %sub3A_251 = arith.subi %get3A_248, %sub3A_250 : vector<16xi32>
      %ge3A_252 = arith.constant 0 : i32
      %ge3A_253 = vector.broadcast %ge3A_252 : i32 to vector<16xi32>
      %ge3A_254 = arith.cmpi sge, %sub3A_251, %ge3A_253 : vector<16xi32>
      %lt3A_255 = arith.constant 5120 : i32
      %lt3A_256 = vector.broadcast %lt3A_255 : i32 to vector<16xi32>
      %lt3A_257 = arith.cmpi slt, %sub3A_251, %lt3A_256 : vector<16xi32>
      %and3A_258 = arith.andi %ge3A_254, %lt3A_257 : vector<16xi1>
      %jit3A_259 = arith.constant 5120 : i32
      %broadcast_in_dim3A_260 = vector.broadcast %jit3A_259 : i32 to vector<16xi32>
      %select_n3A_261 = arith.select %and3A_258, %sub3A_251, %broadcast_in_dim3A_260 : vector<16xi1>, vector<16xi32>
      %swap3A_262 = arith.constant 64 : index
      %swap3A_263 = tpu.vector_load %arg17[%swap3A_262] {strides = array<i32>} : memref<128xi32, #tpu.memory_space<vmem>>, vector<16xi32>,
      tpu.vector_store %arg17[%swap3A_262], %select_n3A_261 {strides = array<i32>} : memref<128xi32, #tpu.memory_space<vmem>>, vector<16xi32>,
      %get3A_264 = arith.index_cast %add3A_182 : i32 to index
      %get3A_265 = arith.constant 80 : index
      %get3A_266 = tpu.vector_load %arg11[%get3A_264, %get3A_265] {strides = array<i32>} : memref<160x128xi32, #tpu.memory_space<vmem>>, vector<16xi32>,
      %sub3A_267 = arith.constant 5120 : i32
      %sub3A_268 = vector.broadcast %sub3A_267 : i32 to vector<16xi32>
      %sub3A_269 = arith.subi %get3A_266, %sub3A_268 : vector<16xi32>
      %ge3A_270 = arith.constant 0 : i32
      %ge3A_271 = vector.broadcast %ge3A_270 : i32 to vector<16xi32>
      %ge3A_272 = arith.cmpi sge, %sub3A_269, %ge3A_271 : vector<16xi32>
      %lt3A_273 = arith.constant 5120 : i32
      %lt3A_274 = vector.broadcast %lt3A_273 : i32 to vector<16xi32>
      %lt3A_275 = arith.cmpi slt, %sub3A_269, %lt3A_274 : vector<16xi32>
      %and3A_276 = arith.andi %ge3A_272, %lt3A_275 : vector<16xi1>
      %jit3A_277 = arith.constant 5120 : i32
      %broadcast_in_dim3A_278 = vector.broadcast %jit3A_277 : i32 to vector<16xi32>
      %select_n3A_279 = arith.select %and3A_276, %sub3A_269, %broadcast_in_dim3A_278 : vector<16xi1>, vector<16xi32>
      %swap3A_280 = arith.constant 80 : index
      %swap3A_281 = tpu.vector_load %arg17[%swap3A_280] {strides = array<i32>} : memref<128xi32, #tpu.memory_space<vmem>>, vector<16xi32>,
      tpu.vector_store %arg17[%swap3A_280], %select_n3A_279 {strides = array<i32>} : memref<128xi32, #tpu.memory_space<vmem>>, vector<16xi32>,
      %get3A_282 = arith.index_cast %add3A_182 : i32 to index
      %get3A_283 = arith.constant 96 : index
      %get3A_284 = tpu.vector_load %arg11[%get3A_282, %get3A_283] {strides = array<i32>} : memref<160x128xi32, #tpu.memory_space<vmem>>, vector<16xi32>,
      %sub3A_285 = arith.constant 5120 : i32
      %sub3A_286 = vector.broadcast %sub3A_285 : i32 to vector<16xi32>
      %sub3A_287 = arith.subi %get3A_284, %sub3A_286 : vector<16xi32>
      %ge3A_288 = arith.constant 0 : i32
      %ge3A_289 = vector.broadcast %ge3A_288 : i32 to vector<16xi32>
      %ge3A_290 = arith.cmpi sge, %sub3A_287, %ge3A_289 : vector<16xi32>
      %lt3A_291 = arith.constant 5120 : i32
      %lt3A_292 = vector.broadcast %lt3A_291 : i32 to vector<16xi32>
      %lt3A_293 = arith.cmpi slt, %sub3A_287, %lt3A_292 : vector<16xi32>
      %and3A_294 = arith.andi %ge3A_290, %lt3A_293 : vector<16xi1>
      %jit3A_295 = arith.constant 5120 : i32
      %broadcast_in_dim3A_296 = vector.broadcast %jit3A_295 : i32 to vector<16xi32>
      %select_n3A_297 = arith.select %and3A_294, %sub3A_287, %broadcast_in_dim3A_296 : vector<16xi1>, vector<16xi32>
      %swap3A_298 = arith.constant 96 : index
      %swap3A_299 = tpu.vector_load %arg17[%swap3A_298] {strides = array<i32>} : memref<128xi32, #tpu.memory_space<vmem>>, vector<16xi32>,
      tpu.vector_store %arg17[%swap3A_298], %select_n3A_297 {strides = array<i32>} : memref<128xi32, #tpu.memory_space<vmem>>, vector<16xi32>,
      %get3A_300 = arith.index_cast %add3A_182 : i32 to index
      %get3A_301 = arith.constant 112 : index
      %get3A_302 = tpu.vector_load %arg11[%get3A_300, %get3A_301] {strides = array<i32>} : memref<160x128xi32, #tpu.memory_space<vmem>>, vector<16xi32>,
      %sub3A_303 = arith.constant 5120 : i32
      %sub3A_304 = vector.broadcast %sub3A_303 : i32 to vector<16xi32>
      %sub3A_305 = arith.subi %get3A_302, %sub3A_304 : vector<16xi32>
      %ge3A_306 = arith.constant 0 : i32
      %ge3A_307 = vector.broadcast %ge3A_306 : i32 to vector<16xi32>
      %ge3A_308 = arith.cmpi sge, %sub3A_305, %ge3A_307 : vector<16xi32>
      %lt3A_309 = arith.constant 5120 : i32
      %lt3A_310 = vector.broadcast %lt3A_309 : i32 to vector<16xi32>
      %lt3A_311 = arith.cmpi slt, %sub3A_305, %lt3A_310 : vector<16xi32>
      %and3A_312 = arith.andi %ge3A_308, %lt3A_311 : vector<16xi1>
      %jit3A_313 = arith.constant 5120 : i32
      %broadcast_in_dim3A_314 = vector.broadcast %jit3A_313 : i32 to vector<16xi32>
      %select_n3A_315 = arith.select %and3A_312, %sub3A_305, %broadcast_in_dim3A_314 : vector<16xi1>, vector<16xi32>
      %swap3A_316 = arith.constant 112 : index
      %swap3A_317 = tpu.vector_load %arg17[%swap3A_316] {strides = array<i32>} : memref<128xi32, #tpu.memory_space<vmem>>, vector<16xi32>,
      tpu.vector_store %arg17[%swap3A_316], %select_n3A_315 {strides = array<i32>} : memref<128xi32, #tpu.memory_space<vmem>>, vector<16xi32>,
      %dma_start3A_318 = arith.constant 0 : i32
      %dma_start3A_319 = arith.constant 0 : i32
      %dma_start3A_320 = tpu.memref_slice %arg21[%dma_start3A_318, %dma_start3A_319] : memref<5248x64xf32, #tpu.memory_space<vmem_shared>> -> memref<5248x64xf32, #tpu.memory_space<vmem_shared>>
      tpu.enqueue_indirect_dma source(%arg15 : memref<128x64xf32, #tpu.memory_space<vmem>>) target(%dma_start3A_320 : memref<5248x64xf32, #tpu.memory_space<vmem_shared>>) offsets(%arg17 : memref<128xi32, #tpu.memory_space<vmem>>) semaphore(%arg26 : memref<!tpu.dma_semaphore, #tpu.memory_space<semaphore_mem>>) {add = true}
      %add3A_321 = arith.constant 1 : i32
      %add3A_322 = arith.addi %mul3A_160, %add3A_321 : i32
      %mul3A_323 = arith.constant 128 : i32
      %mul3A_324 = arith.muli %add3A_322, %mul3A_323 : i32
      %dma_wait3A_325 = arith.constant 0 : i32
      %dma_wait3A_326 = arith.constant 0 : i32
      %dma_wait3A_327 = tpu.memref_slice %arg9[%arg0, %arg1, %dma_wait3A_325, %dma_wait3A_326] : memref<2x16x20480x64xf32, #tpu.memory_space<hbm>> -> memref<1x1x20480x64xf32, #tpu.memory_space<hbm>>
      %dma_wait3A_328 = tpu.memref_squeeze %dma_wait3A_327 : memref<1x1x20480x64xf32, #tpu.memory_space<hbm>> -> memref<20480x64xf32, #tpu.memory_space<hbm>>
      %dma_wait3A_329 = arith.constant 0 : i32
      %dma_wait3A_330 = tpu.memref_slice %dma_wait3A_328[%mul3A_324, %dma_wait3A_329] : memref<20480x64xf32, #tpu.memory_space<hbm>> -> memref<128x64xf32, #tpu.memory_space<hbm>>
      %dma_wait3A_331 = arith.constant 0 : i32
      %dma_wait3A_332 = arith.constant 0 : i32
      %dma_wait3A_333 = tpu.memref_slice %arg9[%arg0, %arg1, %dma_wait3A_331, %dma_wait3A_332] : memref<2x16x20480x64xf32, #tpu.memory_space<hbm>> -> memref<1x1x20480x64xf32, #tpu.memory_space<hbm>>
      %dma_wait3A_334 = tpu.memref_squeeze %dma_wait3A_333 : memref<1x1x20480x64xf32, #tpu.memory_space<hbm>> -> memref<20480x64xf32, #tpu.memory_space<hbm>>
      %dma_wait3A_335 = arith.constant 0 : i32
      %dma_wait3A_336 = tpu.memref_slice %dma_wait3A_334[%mul3A_324, %dma_wait3A_335] : memref<20480x64xf32, #tpu.memory_space<hbm>> -> memref<128x64xf32, #tpu.memory_space<hbm>>
      tpu.wait_dma2 semaphore(%arg23 : memref<!tpu.dma_semaphore, #tpu.memory_space<semaphore_mem>>) src(%dma_wait3A_336 : memref<128x64xf32, #tpu.memory_space<hbm>>) dst(%arg16 : memref<128x64xf32, #tpu.memory_space<vmem>>)
      %add3A_337 = arith.constant 1 : i32
      %add3A_338 = arith.addi %mul3A_160, %add3A_337 : i32
      %get3A_339 = arith.index_cast %add3A_338 : i32 to index
      %get3A_340 = arith.constant 0 : index
      %get3A_341 = tpu.vector_load %arg11[%get3A_339, %get3A_340] {strides = array<i32>} : memref<160x128xi32, #tpu.memory_space<vmem>>, vector<16xi32>,
      %sub3A_342 = arith.constant 5120 : i32
      %sub3A_343 = vector.broadcast %sub3A_342 : i32 to vector<16xi32>
      %sub3A_344 = arith.subi %get3A_341, %sub3A_343 : vector<16xi32>
      %ge3A_345 = arith.constant 0 : i32
      %ge3A_346 = vector.broadcast %ge3A_345 : i32 to vector<16xi32>
      %ge3A_347 = arith.cmpi sge, %sub3A_344, %ge3A_346 : vector<16xi32>
      %lt3A_348 = arith.constant 5120 : i32
      %lt3A_349 = vector.broadcast %lt3A_348 : i32 to vector<16xi32>
      %lt3A_350 = arith.cmpi slt, %sub3A_344, %lt3A_349 : vector<16xi32>
      %and3A_351 = arith.andi %ge3A_347, %lt3A_350 : vector<16xi1>
      %jit3A_352 = arith.constant 5120 : i32
      %broadcast_in_dim3A_353 = vector.broadcast %jit3A_352 : i32 to vector<16xi32>
      %select_n3A_354 = arith.select %and3A_351, %sub3A_344, %broadcast_in_dim3A_353 : vector<16xi1>, vector<16xi32>
      %swap3A_355 = arith.constant 0 : index
      %swap3A_356 = tpu.vector_load %arg18[%swap3A_355] {strides = array<i32>} : memref<128xi32, #tpu.memory_space<vmem>>, vector<16xi32>,
      tpu.vector_store %arg18[%swap3A_355], %select_n3A_354 {strides = array<i32>} : memref<128xi32, #tpu.memory_space<vmem>>, vector<16xi32>,
      %get3A_357 = arith.index_cast %add3A_338 : i32 to index
      %get3A_358 = arith.constant 16 : index
      %get3A_359 = tpu.vector_load %arg11[%get3A_357, %get3A_358] {strides = array<i32>} : memref<160x128xi32, #tpu.memory_space<vmem>>, vector<16xi32>,
      %sub3A_360 = arith.constant 5120 : i32
      %sub3A_361 = vector.broadcast %sub3A_360 : i32 to vector<16xi32>
      %sub3A_362 = arith.subi %get3A_359, %sub3A_361 : vector<16xi32>
      %ge3A_363 = arith.constant 0 : i32
      %ge3A_364 = vector.broadcast %ge3A_363 : i32 to vector<16xi32>
      %ge3A_365 = arith.cmpi sge, %sub3A_362, %ge3A_364 : vector<16xi32>
      %lt3A_366 = arith.constant 5120 : i32
      %lt3A_367 = vector.broadcast %lt3A_366 : i32 to vector<16xi32>
      %lt3A_368 = arith.cmpi slt, %sub3A_362, %lt3A_367 : vector<16xi32>
      %and3A_369 = arith.andi %ge3A_365, %lt3A_368 : vector<16xi1>
      %jit3A_370 = arith.constant 5120 : i32
      %broadcast_in_dim3A_371 = vector.broadcast %jit3A_370 : i32 to vector<16xi32>
      %select_n3A_372 = arith.select %and3A_369, %sub3A_362, %broadcast_in_dim3A_371 : vector<16xi1>, vector<16xi32>
      %swap3A_373 = arith.constant 16 : index
      %swap3A_374 = tpu.vector_load %arg18[%swap3A_373] {strides = array<i32>} : memref<128xi32, #tpu.memory_space<vmem>>, vector<16xi32>,
      tpu.vector_store %arg18[%swap3A_373], %select_n3A_372 {strides = array<i32>} : memref<128xi32, #tpu.memory_space<vmem>>, vector<16xi32>,
      %get3A_375 = arith.index_cast %add3A_338 : i32 to index
      %get3A_376 = arith.constant 32 : index
      %get3A_377 = tpu.vector_load %arg11[%get3A_375, %get3A_376] {strides = array<i32>} : memref<160x128xi32, #tpu.memory_space<vmem>>, vector<16xi32>,
      %sub3A_378 = arith.constant 5120 : i32
      %sub3A_379 = vector.broadcast %sub3A_378 : i32 to vector<16xi32>
      %sub3A_380 = arith.subi %get3A_377, %sub3A_379 : vector<16xi32>
      %ge3A_381 = arith.constant 0 : i32
      %ge3A_382 = vector.broadcast %ge3A_381 : i32 to vector<16xi32>
      %ge3A_383 = arith.cmpi sge, %sub3A_380, %ge3A_382 : vector<16xi32>
      %lt3A_384 = arith.constant 5120 : i32
      %lt3A_385 = vector.broadcast %lt3A_384 : i32 to vector<16xi32>
      %lt3A_386 = arith.cmpi slt, %sub3A_380, %lt3A_385 : vector<16xi32>
      %and3A_387 = arith.andi %ge3A_383, %lt3A_386 : vector<16xi1>
      %jit3A_388 = arith.constant 5120 : i32
      %broadcast_in_dim3A_389 = vector.broadcast %jit3A_388 : i32 to vector<16xi32>
      %select_n3A_390 = arith.select %and3A_387, %sub3A_380, %broadcast_in_dim3A_389 : vector<16xi1>, vector<16xi32>
      %swap3A_391 = arith.constant 32 : index
      %swap3A_392 = tpu.vector_load %arg18[%swap3A_391] {strides = array<i32>} : memref<128xi32, #tpu.memory_space<vmem>>, vector<16xi32>,
      tpu.vector_store %arg18[%swap3A_391], %select_n3A_390 {strides = array<i32>} : memref<128xi32, #tpu.memory_space<vmem>>, vector<16xi32>,
      %get3A_393 = arith.index_cast %add3A_338 : i32 to index
      %get3A_394 = arith.constant 48 : index
      %get3A_395 = tpu.vector_load %arg11[%get3A_393, %get3A_394] {strides = array<i32>} : memref<160x128xi32, #tpu.memory_space<vmem>>, vector<16xi32>,
      %sub3A_396 = arith.constant 5120 : i32
      %sub3A_397 = vector.broadcast %sub3A_396 : i32 to vector<16xi32>
      %sub3A_398 = arith.subi %get3A_395, %sub3A_397 : vector<16xi32>
      %ge3A_399 = arith.constant 0 : i32
      %ge3A_400 = vector.broadcast %ge3A_399 : i32 to vector<16xi32>
      %ge3A_401 = arith.cmpi sge, %sub3A_398, %ge3A_400 : vector<16xi32>
      %lt3A_402 = arith.constant 5120 : i32
      %lt3A_403 = vector.broadcast %lt3A_402 : i32 to vector<16xi32>
      %lt3A_404 = arith.cmpi slt, %sub3A_398, %lt3A_403 : vector<16xi32>
      %and3A_405 = arith.andi %ge3A_401, %lt3A_404 : vector<16xi1>
      %jit3A_406 = arith.constant 5120 : i32
      %broadcast_in_dim3A_407 = vector.broadcast %jit3A_406 : i32 to vector<16xi32>
      %select_n3A_408 = arith.select %and3A_405, %sub3A_398, %broadcast_in_dim3A_407 : vector<16xi1>, vector<16xi32>
      %swap3A_409 = arith.constant 48 : index
      %swap3A_410 = tpu.vector_load %arg18[%swap3A_409] {strides = array<i32>} : memref<128xi32, #tpu.memory_space<vmem>>, vector<16xi32>,
      tpu.vector_store %arg18[%swap3A_409], %select_n3A_408 {strides = array<i32>} : memref<128xi32, #tpu.memory_space<vmem>>, vector<16xi32>,
      %get3A_411 = arith.index_cast %add3A_338 : i32 to index
      %get3A_412 = arith.constant 64 : index
      %get3A_413 = tpu.vector_load %arg11[%get3A_411, %get3A_412] {strides = array<i32>} : memref<160x128xi32, #tpu.memory_space<vmem>>, vector<16xi32>,
      %sub3A_414 = arith.constant 5120 : i32
      %sub3A_415 = vector.broadcast %sub3A_414 : i32 to vector<16xi32>
      %sub3A_416 = arith.subi %get3A_413, %sub3A_415 : vector<16xi32>
      %ge3A_417 = arith.constant 0 : i32
      %ge3A_418 = vector.broadcast %ge3A_417 : i32 to vector<16xi32>
      %ge3A_419 = arith.cmpi sge, %sub3A_416, %ge3A_418 : vector<16xi32>
      %lt3A_420 = arith.constant 5120 : i32
      %lt3A_421 = vector.broadcast %lt3A_420 : i32 to vector<16xi32>
      %lt3A_422 = arith.cmpi slt, %sub3A_416, %lt3A_421 : vector<16xi32>
      %and3A_423 = arith.andi %ge3A_419, %lt3A_422 : vector<16xi1>
      %jit3A_424 = arith.constant 5120 : i32
      %broadcast_in_dim3A_425 = vector.broadcast %jit3A_424 : i32 to vector<16xi32>
      %select_n3A_426 = arith.select %and3A_423, %sub3A_416, %broadcast_in_dim3A_425 : vector<16xi1>, vector<16xi32>
      %swap3A_427 = arith.constant 64 : index
      %swap3A_428 = tpu.vector_load %arg18[%swap3A_427] {strides = array<i32>} : memref<128xi32, #tpu.memory_space<vmem>>, vector<16xi32>,
      tpu.vector_store %arg18[%swap3A_427], %select_n3A_426 {strides = array<i32>} : memref<128xi32, #tpu.memory_space<vmem>>, vector<16xi32>,
      %get3A_429 = arith.index_cast %add3A_338 : i32 to index
      %get3A_430 = arith.constant 80 : index
      %get3A_431 = tpu.vector_load %arg11[%get3A_429, %get3A_430] {strides = array<i32>} : memref<160x128xi32, #tpu.memory_space<vmem>>, vector<16xi32>,
      %sub3A_432 = arith.constant 5120 : i32
      %sub3A_433 = vector.broadcast %sub3A_432 : i32 to vector<16xi32>
      %sub3A_434 = arith.subi %get3A_431, %sub3A_433 : vector<16xi32>
      %ge3A_435 = arith.constant 0 : i32
      %ge3A_436 = vector.broadcast %ge3A_435 : i32 to vector<16xi32>
      %ge3A_437 = arith.cmpi sge, %sub3A_434, %ge3A_436 : vector<16xi32>
      %lt3A_438 = arith.constant 5120 : i32
      %lt3A_439 = vector.broadcast %lt3A_438 : i32 to vector<16xi32>
      %lt3A_440 = arith.cmpi slt, %sub3A_434, %lt3A_439 : vector<16xi32>
      %and3A_441 = arith.andi %ge3A_437, %lt3A_440 : vector<16xi1>
      %jit3A_442 = arith.constant 5120 : i32
      %broadcast_in_dim3A_443 = vector.broadcast %jit3A_442 : i32 to vector<16xi32>
      %select_n3A_444 = arith.select %and3A_441, %sub3A_434, %broadcast_in_dim3A_443 : vector<16xi1>, vector<16xi32>
      %swap3A_445 = arith.constant 80 : index
      %swap3A_446 = tpu.vector_load %arg18[%swap3A_445] {strides = array<i32>} : memref<128xi32, #tpu.memory_space<vmem>>, vector<16xi32>,
      tpu.vector_store %arg18[%swap3A_445], %select_n3A_444 {strides = array<i32>} : memref<128xi32, #tpu.memory_space<vmem>>, vector<16xi32>,
      %get3A_447 = arith.index_cast %add3A_338 : i32 to index
      %get3A_448 = arith.constant 96 : index
      %get3A_449 = tpu.vector_load %arg11[%get3A_447, %get3A_448] {strides = array<i32>} : memref<160x128xi32, #tpu.memory_space<vmem>>, vector<16xi32>,
      %sub3A_450 = arith.constant 5120 : i32
      %sub3A_451 = vector.broadcast %sub3A_450 : i32 to vector<16xi32>
      %sub3A_452 = arith.subi %get3A_449, %sub3A_451 : vector<16xi32>
      %ge3A_453 = arith.constant 0 : i32
      %ge3A_454 = vector.broadcast %ge3A_453 : i32 to vector<16xi32>
      %ge3A_455 = arith.cmpi sge, %sub3A_452, %ge3A_454 : vector<16xi32>
      %lt3A_456 = arith.constant 5120 : i32
      %lt3A_457 = vector.broadcast %lt3A_456 : i32 to vector<16xi32>
      %lt3A_458 = arith.cmpi slt, %sub3A_452, %lt3A_457 : vector<16xi32>
      %and3A_459 = arith.andi %ge3A_455, %lt3A_458 : vector<16xi1>
      %jit3A_460 = arith.constant 5120 : i32
      %broadcast_in_dim3A_461 = vector.broadcast %jit3A_460 : i32 to vector<16xi32>
      %select_n3A_462 = arith.select %and3A_459, %sub3A_452, %broadcast_in_dim3A_461 : vector<16xi1>, vector<16xi32>
      %swap3A_463 = arith.constant 96 : index
      %swap3A_464 = tpu.vector_load %arg18[%swap3A_463] {strides = array<i32>} : memref<128xi32, #tpu.memory_space<vmem>>, vector<16xi32>,
      tpu.vector_store %arg18[%swap3A_463], %select_n3A_462 {strides = array<i32>} : memref<128xi32, #tpu.memory_space<vmem>>, vector<16xi32>,
      %get3A_465 = arith.index_cast %add3A_338 : i32 to index
      %get3A_466 = arith.constant 112 : index
      %get3A_467 = tpu.vector_load %arg11[%get3A_465, %get3A_466] {strides = array<i32>} : memref<160x128xi32, #tpu.memory_space<vmem>>, vector<16xi32>,
      %sub3A_468 = arith.constant 5120 : i32
      %sub3A_469 = vector.broadcast %sub3A_468 : i32 to vector<16xi32>
      %sub3A_470 = arith.subi %get3A_467, %sub3A_469 : vector<16xi32>
      %ge3A_471 = arith.constant 0 : i32
      %ge3A_472 = vector.broadcast %ge3A_471 : i32 to vector<16xi32>
      %ge3A_473 = arith.cmpi sge, %sub3A_470, %ge3A_472 : vector<16xi32>
      %lt3A_474 = arith.constant 5120 : i32
      %lt3A_475 = vector.broadcast %lt3A_474 : i32 to vector<16xi32>
      %lt3A_476 = arith.cmpi slt, %sub3A_470, %lt3A_475 : vector<16xi32>
      %and3A_477 = arith.andi %ge3A_473, %lt3A_476 : vector<16xi1>
      %jit3A_478 = arith.constant 5120 : i32
      %broadcast_in_dim3A_479 = vector.broadcast %jit3A_478 : i32 to vector<16xi32>
      %select_n3A_480 = arith.select %and3A_477, %sub3A_470, %broadcast_in_dim3A_479 : vector<16xi1>, vector<16xi32>
      %swap3A_481 = arith.constant 112 : index
      %swap3A_482 = tpu.vector_load %arg18[%swap3A_481] {strides = array<i32>} : memref<128xi32, #tpu.memory_space<vmem>>, vector<16xi32>,
      tpu.vector_store %arg18[%swap3A_481], %select_n3A_480 {strides = array<i32>} : memref<128xi32, #tpu.memory_space<vmem>>, vector<16xi32>,
      %dma_start3A_483 = arith.constant 0 : i32
      %dma_start3A_484 = arith.constant 0 : i32
      %dma_start3A_485 = tpu.memref_slice %arg21[%dma_start3A_483, %dma_start3A_484] : memref<5248x64xf32, #tpu.memory_space<vmem_shared>> -> memref<5248x64xf32, #tpu.memory_space<vmem_shared>>
      tpu.enqueue_indirect_dma source(%arg16 : memref<128x64xf32, #tpu.memory_space<vmem>>) target(%dma_start3A_485 : memref<5248x64xf32, #tpu.memory_space<vmem_shared>>) offsets(%arg18 : memref<128xi32, #tpu.memory_space<vmem>>) semaphore(%arg27 : memref<!tpu.dma_semaphore, #tpu.memory_space<semaphore_mem>>) {add = true}
      %add3A_486 = arith.constant 2 : i32
      %add3A_487 = arith.addi %mul3A_160, %add3A_486 : i32
      %mul3A_488 = arith.constant 128 : i32
      %mul3A_489 = arith.muli %add3A_487, %mul3A_488 : i32
      %dma_wait3A_490 = arith.constant 0 : i32
      %dma_wait3A_491 = arith.constant 0 : i32
      %dma_wait3A_492 = tpu.memref_slice %arg9[%arg0, %arg1, %dma_wait3A_490, %dma_wait3A_491] : memref<2x16x20480x64xf32, #tpu.memory_space<hbm>> -> memref<1x1x20480x64xf32, #tpu.memory_space<hbm>>
      %dma_wait3A_493 = tpu.memref_squeeze %dma_wait3A_492 : memref<1x1x20480x64xf32, #tpu.memory_space<hbm>> -> memref<20480x64xf32, #tpu.memory_space<hbm>>
      %dma_wait3A_494 = arith.constant 0 : i32
      %dma_wait3A_495 = tpu.memref_slice %dma_wait3A_493[%mul3A_489, %dma_wait3A_494] : memref<20480x64xf32, #tpu.memory_space<hbm>> -> memref<128x64xf32, #tpu.memory_space<hbm>>
      %dma_wait3A_496 = arith.constant 0 : i32
      %dma_wait3A_497 = arith.constant 0 : i32
      %dma_wait3A_498 = tpu.memref_slice %arg9[%arg0, %arg1, %dma_wait3A_496, %dma_wait3A_497] : memref<2x16x20480x64xf32, #tpu.memory_space<hbm>> -> memref<1x1x20480x64xf32, #tpu.memory_space<hbm>>
      %dma_wait3A_499 = tpu.memref_squeeze %dma_wait3A_498 : memref<1x1x20480x64xf32, #tpu.memory_space<hbm>> -> memref<20480x64xf32, #tpu.memory_space<hbm>>
      %dma_wait3A_500 = arith.constant 0 : i32
      %dma_wait3A_501 = tpu.memref_slice %dma_wait3A_499[%mul3A_489, %dma_wait3A_500] : memref<20480x64xf32, #tpu.memory_space<hbm>> -> memref<128x64xf32, #tpu.memory_space<hbm>>
      tpu.wait_dma2 semaphore(%arg24 : memref<!tpu.dma_semaphore, #tpu.memory_space<semaphore_mem>>) src(%dma_wait3A_501 : memref<128x64xf32, #tpu.memory_space<hbm>>) dst(%arg13 : memref<128x64xf32, #tpu.memory_space<vmem>>)
      %add3A_502 = arith.constant 2 : i32
      %add3A_503 = arith.addi %mul3A_160, %add3A_502 : i32
      %get3A_504 = arith.index_cast %add3A_503 : i32 to index
      %get3A_505 = arith.constant 0 : index
      %get3A_506 = tpu.vector_load %arg11[%get3A_504, %get3A_505] {strides = array<i32>} : memref<160x128xi32, #tpu.memory_space<vmem>>, vector<16xi32>,
      %sub3A_507 = arith.constant 5120 : i32
      %sub3A_508 = vector.broadcast %sub3A_507 : i32 to vector<16xi32>
      %sub3A_509 = arith.subi %get3A_506, %sub3A_508 : vector<16xi32>
      %ge3A_510 = arith.constant 0 : i32
      %ge3A_511 = vector.broadcast %ge3A_510 : i32 to vector<16xi32>
      %ge3A_512 = arith.cmpi sge, %sub3A_509, %ge3A_511 : vector<16xi32>
      %lt3A_513 = arith.constant 5120 : i32
      %lt3A_514 = vector.broadcast %lt3A_513 : i32 to vector<16xi32>
      %lt3A_515 = arith.cmpi slt, %sub3A_509, %lt3A_514 : vector<16xi32>
      %and3A_516 = arith.andi %ge3A_512, %lt3A_515 : vector<16xi1>
      %jit3A_517 = arith.constant 5120 : i32
      %broadcast_in_dim3A_518 = vector.broadcast %jit3A_517 : i32 to vector<16xi32>
      %select_n3A_519 = arith.select %and3A_516, %sub3A_509, %broadcast_in_dim3A_518 : vector<16xi1>, vector<16xi32>
      %swap3A_520 = arith.constant 0 : index
      %swap3A_521 = tpu.vector_load %arg19[%swap3A_520] {strides = array<i32>} : memref<128xi32, #tpu.memory_space<vmem>>, vector<16xi32>,
      tpu.vector_store %arg19[%swap3A_520], %select_n3A_519 {strides = array<i32>} : memref<128xi32, #tpu.memory_space<vmem>>, vector<16xi32>,
      %get3A_522 = arith.index_cast %add3A_503 : i32 to index
      %get3A_523 = arith.constant 16 : index
      %get3A_524 = tpu.vector_load %arg11[%get3A_522, %get3A_523] {strides = array<i32>} : memref<160x128xi32, #tpu.memory_space<vmem>>, vector<16xi32>,
      %sub3A_525 = arith.constant 5120 : i32
      %sub3A_526 = vector.broadcast %sub3A_525 : i32 to vector<16xi32>
      %sub3A_527 = arith.subi %get3A_524, %sub3A_526 : vector<16xi32>
      %ge3A_528 = arith.constant 0 : i32
      %ge3A_529 = vector.broadcast %ge3A_528 : i32 to vector<16xi32>
      %ge3A_530 = arith.cmpi sge, %sub3A_527, %ge3A_529 : vector<16xi32>
      %lt3A_531 = arith.constant 5120 : i32
      %lt3A_532 = vector.broadcast %lt3A_531 : i32 to vector<16xi32>
      %lt3A_533 = arith.cmpi slt, %sub3A_527, %lt3A_532 : vector<16xi32>
      %and3A_534 = arith.andi %ge3A_530, %lt3A_533 : vector<16xi1>
      %jit3A_535 = arith.constant 5120 : i32
      %broadcast_in_dim3A_536 = vector.broadcast %jit3A_535 : i32 to vector<16xi32>
      %select_n3A_537 = arith.select %and3A_534, %sub3A_527, %broadcast_in_dim3A_536 : vector<16xi1>, vector<16xi32>
      %swap3A_538 = arith.constant 16 : index
      %swap3A_539 = tpu.vector_load %arg19[%swap3A_538] {strides = array<i32>} : memref<128xi32, #tpu.memory_space<vmem>>, vector<16xi32>,
      tpu.vector_store %arg19[%swap3A_538], %select_n3A_537 {strides = array<i32>} : memref<128xi32, #tpu.memory_space<vmem>>, vector<16xi32>,
      %get3A_540 = arith.index_cast %add3A_503 : i32 to index
      %get3A_541 = arith.constant 32 : index
      %get3A_542 = tpu.vector_load %arg11[%get3A_540, %get3A_541] {strides = array<i32>} : memref<160x128xi32, #tpu.memory_space<vmem>>, vector<16xi32>,
      %sub3A_543 = arith.constant 5120 : i32
      %sub3A_544 = vector.broadcast %sub3A_543 : i32 to vector<16xi32>
      %sub3A_545 = arith.subi %get3A_542, %sub3A_544 : vector<16xi32>
      %ge3A_546 = arith.constant 0 : i32
      %ge3A_547 = vector.broadcast %ge3A_546 : i32 to vector<16xi32>
      %ge3A_548 = arith.cmpi sge, %sub3A_545, %ge3A_547 : vector<16xi32>
      %lt3A_549 = arith.constant 5120 : i32
      %lt3A_550 = vector.broadcast %lt3A_549 : i32 to vector<16xi32>
      %lt3A_551 = arith.cmpi slt, %sub3A_545, %lt3A_550 : vector<16xi32>
      %and3A_552 = arith.andi %ge3A_548, %lt3A_551 : vector<16xi1>
      %jit3A_553 = arith.constant 5120 : i32
      %broadcast_in_dim3A_554 = vector.broadcast %jit3A_553 : i32 to vector<16xi32>
      %select_n3A_555 = arith.select %and3A_552, %sub3A_545, %broadcast_in_dim3A_554 : vector<16xi1>, vector<16xi32>
      %swap3A_556 = arith.constant 32 : index
      %swap3A_557 = tpu.vector_load %arg19[%swap3A_556] {strides = array<i32>} : memref<128xi32, #tpu.memory_space<vmem>>, vector<16xi32>,
      tpu.vector_store %arg19[%swap3A_556], %select_n3A_555 {strides = array<i32>} : memref<128xi32, #tpu.memory_space<vmem>>, vector<16xi32>,
      %get3A_558 = arith.index_cast %add3A_503 : i32 to index
      %get3A_559 = arith.constant 48 : index
      %get3A_560 = tpu.vector_load %arg11[%get3A_558, %get3A_559] {strides = array<i32>} : memref<160x128xi32, #tpu.memory_space<vmem>>, vector<16xi32>,
      %sub3A_561 = arith.constant 5120 : i32
      %sub3A_562 = vector.broadcast %sub3A_561 : i32 to vector<16xi32>
      %sub3A_563 = arith.subi %get3A_560, %sub3A_562 : vector<16xi32>
      %ge3A_564 = arith.constant 0 : i32
      %ge3A_565 = vector.broadcast %ge3A_564 : i32 to vector<16xi32>
      %ge3A_566 = arith.cmpi sge, %sub3A_563, %ge3A_565 : vector<16xi32>
      %lt3A_567 = arith.constant 5120 : i32
      %lt3A_568 = vector.broadcast %lt3A_567 : i32 to vector<16xi32>
      %lt3A_569 = arith.cmpi slt, %sub3A_563, %lt3A_568 : vector<16xi32>
      %and3A_570 = arith.andi %ge3A_566, %lt3A_569 : vector<16xi1>
      %jit3A_571 = arith.constant 5120 : i32
      %broadcast_in_dim3A_572 = vector.broadcast %jit3A_571 : i32 to vector<16xi32>
      %select_n3A_573 = arith.select %and3A_570, %sub3A_563, %broadcast_in_dim3A_572 : vector<16xi1>, vector<16xi32>
      %swap3A_574 = arith.constant 48 : index
      %swap3A_575 = tpu.vector_load %arg19[%swap3A_574] {strides = array<i32>} : memref<128xi32, #tpu.memory_space<vmem>>, vector<16xi32>,
      tpu.vector_store %arg19[%swap3A_574], %select_n3A_573 {strides = array<i32>} : memref<128xi32, #tpu.memory_space<vmem>>, vector<16xi32>,
      %get3A_576 = arith.index_cast %add3A_503 : i32 to index
      %get3A_577 = arith.constant 64 : index
      %get3A_578 = tpu.vector_load %arg11[%get3A_576, %get3A_577] {strides = array<i32>} : memref<160x128xi32, #tpu.memory_space<vmem>>, vector<16xi32>,
      %sub3A_579 = arith.constant 5120 : i32
      %sub3A_580 = vector.broadcast %sub3A_579 : i32 to vector<16xi32>
      %sub3A_581 = arith.subi %get3A_578, %sub3A_580 : vector<16xi32>
      %ge3A_582 = arith.constant 0 : i32
      %ge3A_583 = vector.broadcast %ge3A_582 : i32 to vector<16xi32>
      %ge3A_584 = arith.cmpi sge, %sub3A_581, %ge3A_583 : vector<16xi32>
      %lt3A_585 = arith.constant 5120 : i32
      %lt3A_586 = vector.broadcast %lt3A_585 : i32 to vector<16xi32>
      %lt3A_587 = arith.cmpi slt, %sub3A_581, %lt3A_586 : vector<16xi32>
      %and3A_588 = arith.andi %ge3A_584, %lt3A_587 : vector<16xi1>
      %jit3A_589 = arith.constant 5120 : i32
      %broadcast_in_dim3A_590 = vector.broadcast %jit3A_589 : i32 to vector<16xi32>
      %select_n3A_591 = arith.select %and3A_588, %sub3A_581, %broadcast_in_dim3A_590 : vector<16xi1>, vector<16xi32>
      %swap3A_592 = arith.constant 64 : index
      %swap3A_593 = tpu.vector_load %arg19[%swap3A_592] {strides = array<i32>} : memref<128xi32, #tpu.memory_space<vmem>>, vector<16xi32>,
      tpu.vector_store %arg19[%swap3A_592], %select_n3A_591 {strides = array<i32>} : memref<128xi32, #tpu.memory_space<vmem>>, vector<16xi32>,
      %get3A_594 = arith.index_cast %add3A_503 : i32 to index
      %get3A_595 = arith.constant 80 : index
      %get3A_596 = tpu.vector_load %arg11[%get3A_594, %get3A_595] {strides = array<i32>} : memref<160x128xi32, #tpu.memory_space<vmem>>, vector<16xi32>,
      %sub3A_597 = arith.constant 5120 : i32
      %sub3A_598 = vector.broadcast %sub3A_597 : i32 to vector<16xi32>
      %sub3A_599 = arith.subi %get3A_596, %sub3A_598 : vector<16xi32>
      %ge3A_600 = arith.constant 0 : i32
      %ge3A_601 = vector.broadcast %ge3A_600 : i32 to vector<16xi32>
      %ge3A_602 = arith.cmpi sge, %sub3A_599, %ge3A_601 : vector<16xi32>
      %lt3A_603 = arith.constant 5120 : i32
      %lt3A_604 = vector.broadcast %lt3A_603 : i32 to vector<16xi32>
      %lt3A_605 = arith.cmpi slt, %sub3A_599, %lt3A_604 : vector<16xi32>
      %and3A_606 = arith.andi %ge3A_602, %lt3A_605 : vector<16xi1>
      %jit3A_607 = arith.constant 5120 : i32
      %broadcast_in_dim3A_608 = vector.broadcast %jit3A_607 : i32 to vector<16xi32>
      %select_n3A_609 = arith.select %and3A_606, %sub3A_599, %broadcast_in_dim3A_608 : vector<16xi1>, vector<16xi32>
      %swap3A_610 = arith.constant 80 : index
      %swap3A_611 = tpu.vector_load %arg19[%swap3A_610] {strides = array<i32>} : memref<128xi32, #tpu.memory_space<vmem>>, vector<16xi32>,
      tpu.vector_store %arg19[%swap3A_610], %select_n3A_609 {strides = array<i32>} : memref<128xi32, #tpu.memory_space<vmem>>, vector<16xi32>,
      %get3A_612 = arith.index_cast %add3A_503 : i32 to index
      %get3A_613 = arith.constant 96 : index
      %get3A_614 = tpu.vector_load %arg11[%get3A_612, %get3A_613] {strides = array<i32>} : memref<160x128xi32, #tpu.memory_space<vmem>>, vector<16xi32>,
      %sub3A_615 = arith.constant 5120 : i32
      %sub3A_616 = vector.broadcast %sub3A_615 : i32 to vector<16xi32>
      %sub3A_617 = arith.subi %get3A_614, %sub3A_616 : vector<16xi32>
      %ge3A_618 = arith.constant 0 : i32
      %ge3A_619 = vector.broadcast %ge3A_618 : i32 to vector<16xi32>
      %ge3A_620 = arith.cmpi sge, %sub3A_617, %ge3A_619 : vector<16xi32>
      %lt3A_621 = arith.constant 5120 : i32
      %lt3A_622 = vector.broadcast %lt3A_621 : i32 to vector<16xi32>
      %lt3A_623 = arith.cmpi slt, %sub3A_617, %lt3A_622 : vector<16xi32>
      %and3A_624 = arith.andi %ge3A_620, %lt3A_623 : vector<16xi1>
      %jit3A_625 = arith.constant 5120 : i32
      %broadcast_in_dim3A_626 = vector.broadcast %jit3A_625 : i32 to vector<16xi32>
      %select_n3A_627 = arith.select %and3A_624, %sub3A_617, %broadcast_in_dim3A_626 : vector<16xi1>, vector<16xi32>
      %swap3A_628 = arith.constant 96 : index
      %swap3A_629 = tpu.vector_load %arg19[%swap3A_628] {strides = array<i32>} : memref<128xi32, #tpu.memory_space<vmem>>, vector<16xi32>,
      tpu.vector_store %arg19[%swap3A_628], %select_n3A_627 {strides = array<i32>} : memref<128xi32, #tpu.memory_space<vmem>>, vector<16xi32>,
      %get3A_630 = arith.index_cast %add3A_503 : i32 to index
      %get3A_631 = arith.constant 112 : index
      %get3A_632 = tpu.vector_load %arg11[%get3A_630, %get3A_631] {strides = array<i32>} : memref<160x128xi32, #tpu.memory_space<vmem>>, vector<16xi32>,
      %sub3A_633 = arith.constant 5120 : i32
      %sub3A_634 = vector.broadcast %sub3A_633 : i32 to vector<16xi32>
      %sub3A_635 = arith.subi %get3A_632, %sub3A_634 : vector<16xi32>
      %ge3A_636 = arith.constant 0 : i32
      %ge3A_637 = vector.broadcast %ge3A_636 : i32 to vector<16xi32>
      %ge3A_638 = arith.cmpi sge, %sub3A_635, %ge3A_637 : vector<16xi32>
      %lt3A_639 = arith.constant 5120 : i32
      %lt3A_640 = vector.broadcast %lt3A_639 : i32 to vector<16xi32>
      %lt3A_641 = arith.cmpi slt, %sub3A_635, %lt3A_640 : vector<16xi32>
      %and3A_642 = arith.andi %ge3A_638, %lt3A_641 : vector<16xi1>
      %jit3A_643 = arith.constant 5120 : i32
      %broadcast_in_dim3A_644 = vector.broadcast %jit3A_643 : i32 to vector<16xi32>
      %select_n3A_645 = arith.select %and3A_642, %sub3A_635, %broadcast_in_dim3A_644 : vector<16xi1>, vector<16xi32>
      %swap3A_646 = arith.constant 112 : index
      %swap3A_647 = tpu.vector_load %arg19[%swap3A_646] {strides = array<i32>} : memref<128xi32, #tpu.memory_space<vmem>>, vector<16xi32>,
      tpu.vector_store %arg19[%swap3A_646], %select_n3A_645 {strides = array<i32>} : memref<128xi32, #tpu.memory_space<vmem>>, vector<16xi32>,
      %dma_start3A_648 = arith.constant 0 : i32
      %dma_start3A_649 = arith.constant 0 : i32
      %dma_start3A_650 = tpu.memref_slice %arg21[%dma_start3A_648, %dma_start3A_649] : memref<5248x64xf32, #tpu.memory_space<vmem_shared>> -> memref<5248x64xf32, #tpu.memory_space<vmem_shared>>
      tpu.enqueue_indirect_dma source(%arg13 : memref<128x64xf32, #tpu.memory_space<vmem>>) target(%dma_start3A_650 : memref<5248x64xf32, #tpu.memory_space<vmem_shared>>) offsets(%arg19 : memref<128xi32, #tpu.memory_space<vmem>>) semaphore(%arg28 : memref<!tpu.dma_semaphore, #tpu.memory_space<semaphore_mem>>) {add = true}
      %add3A_651 = arith.constant 3 : i32
      %add3A_652 = arith.addi %mul3A_160, %add3A_651 : i32
      %mul3A_653 = arith.constant 128 : i32
      %mul3A_654 = arith.muli %add3A_652, %mul3A_653 : i32
      %dma_wait3A_655 = arith.constant 0 : i32
      %dma_wait3A_656 = arith.constant 0 : i32
      %dma_wait3A_657 = tpu.memref_slice %arg9[%arg0, %arg1, %dma_wait3A_655, %dma_wait3A_656] : memref<2x16x20480x64xf32, #tpu.memory_space<hbm>> -> memref<1x1x20480x64xf32, #tpu.memory_space<hbm>>
      %dma_wait3A_658 = tpu.memref_squeeze %dma_wait3A_657 : memref<1x1x20480x64xf32, #tpu.memory_space<hbm>> -> memref<20480x64xf32, #tpu.memory_space<hbm>>
      %dma_wait3A_659 = arith.constant 0 : i32
      %dma_wait3A_660 = tpu.memref_slice %dma_wait3A_658[%mul3A_654, %dma_wait3A_659] : memref<20480x64xf32, #tpu.memory_space<hbm>> -> memref<128x64xf32, #tpu.memory_space<hbm>>
      %dma_wait3A_661 = arith.constant 0 : i32
      %dma_wait3A_662 = arith.constant 0 : i32
      %dma_wait3A_663 = tpu.memref_slice %arg9[%arg0, %arg1, %dma_wait3A_661, %dma_wait3A_662] : memref<2x16x20480x64xf32, #tpu.memory_space<hbm>> -> memref<1x1x20480x64xf32, #tpu.memory_space<hbm>>
      %dma_wait3A_664 = tpu.memref_squeeze %dma_wait3A_663 : memref<1x1x20480x64xf32, #tpu.memory_space<hbm>> -> memref<20480x64xf32, #tpu.memory_space<hbm>>
      %dma_wait3A_665 = arith.constant 0 : i32
      %dma_wait3A_666 = tpu.memref_slice %dma_wait3A_664[%mul3A_654, %dma_wait3A_665] : memref<20480x64xf32, #tpu.memory_space<hbm>> -> memref<128x64xf32, #tpu.memory_space<hbm>>
      tpu.wait_dma2 semaphore(%arg25 : memref<!tpu.dma_semaphore, #tpu.memory_space<semaphore_mem>>) src(%dma_wait3A_666 : memref<128x64xf32, #tpu.memory_space<hbm>>) dst(%arg14 : memref<128x64xf32, #tpu.memory_space<vmem>>)
      %add3A_667 = arith.constant 3 : i32
      %add3A_668 = arith.addi %mul3A_160, %add3A_667 : i32
      %get3A_669 = arith.index_cast %add3A_668 : i32 to index
      %get3A_670 = arith.constant 0 : index
      %get3A_671 = tpu.vector_load %arg11[%get3A_669, %get3A_670] {strides = array<i32>} : memref<160x128xi32, #tpu.memory_space<vmem>>, vector<16xi32>,
      %sub3A_672 = arith.constant 5120 : i32
      %sub3A_673 = vector.broadcast %sub3A_672 : i32 to vector<16xi32>
      %sub3A_674 = arith.subi %get3A_671, %sub3A_673 : vector<16xi32>
      %ge3A_675 = arith.constant 0 : i32
      %ge3A_676 = vector.broadcast %ge3A_675 : i32 to vector<16xi32>
      %ge3A_677 = arith.cmpi sge, %sub3A_674, %ge3A_676 : vector<16xi32>
      %lt3A_678 = arith.constant 5120 : i32
      %lt3A_679 = vector.broadcast %lt3A_678 : i32 to vector<16xi32>
      %lt3A_680 = arith.cmpi slt, %sub3A_674, %lt3A_679 : vector<16xi32>
      %and3A_681 = arith.andi %ge3A_677, %lt3A_680 : vector<16xi1>
      %jit3A_682 = arith.constant 5120 : i32
      %broadcast_in_dim3A_683 = vector.broadcast %jit3A_682 : i32 to vector<16xi32>
      %select_n3A_684 = arith.select %and3A_681, %sub3A_674, %broadcast_in_dim3A_683 : vector<16xi1>, vector<16xi32>
      %swap3A_685 = arith.constant 0 : index
      %swap3A_686 = tpu.vector_load %arg20[%swap3A_685] {strides = array<i32>} : memref<128xi32, #tpu.memory_space<vmem>>, vector<16xi32>,
      tpu.vector_store %arg20[%swap3A_685], %select_n3A_684 {strides = array<i32>} : memref<128xi32, #tpu.memory_space<vmem>>, vector<16xi32>,
      %get3A_687 = arith.index_cast %add3A_668 : i32 to index
      %get3A_688 = arith.constant 16 : index
      %get3A_689 = tpu.vector_load %arg11[%get3A_687, %get3A_688] {strides = array<i32>} : memref<160x128xi32, #tpu.memory_space<vmem>>, vector<16xi32>,
      %sub3A_690 = arith.constant 5120 : i32
      %sub3A_691 = vector.broadcast %sub3A_690 : i32 to vector<16xi32>
      %sub3A_692 = arith.subi %get3A_689, %sub3A_691 : vector<16xi32>
      %ge3A_693 = arith.constant 0 : i32
      %ge3A_694 = vector.broadcast %ge3A_693 : i32 to vector<16xi32>
      %ge3A_695 = arith.cmpi sge, %sub3A_692, %ge3A_694 : vector<16xi32>
      %lt3A_696 = arith.constant 5120 : i32
      %lt3A_697 = vector.broadcast %lt3A_696 : i32 to vector<16xi32>
      %lt3A_698 = arith.cmpi slt, %sub3A_692, %lt3A_697 : vector<16xi32>
      %and3A_699 = arith.andi %ge3A_695, %lt3A_698 : vector<16xi1>
      %jit3A_700 = arith.constant 5120 : i32
      %broadcast_in_dim3A_701 = vector.broadcast %jit3A_700 : i32 to vector<16xi32>
      %select_n3A_702 = arith.select %and3A_699, %sub3A_692, %broadcast_in_dim3A_701 : vector<16xi1>, vector<16xi32>
      %swap3A_703 = arith.constant 16 : index
      %swap3A_704 = tpu.vector_load %arg20[%swap3A_703] {strides = array<i32>} : memref<128xi32, #tpu.memory_space<vmem>>, vector<16xi32>,
      tpu.vector_store %arg20[%swap3A_703], %select_n3A_702 {strides = array<i32>} : memref<128xi32, #tpu.memory_space<vmem>>, vector<16xi32>,
      %get3A_705 = arith.index_cast %add3A_668 : i32 to index
      %get3A_706 = arith.constant 32 : index
      %get3A_707 = tpu.vector_load %arg11[%get3A_705, %get3A_706] {strides = array<i32>} : memref<160x128xi32, #tpu.memory_space<vmem>>, vector<16xi32>,
      %sub3A_708 = arith.constant 5120 : i32
      %sub3A_709 = vector.broadcast %sub3A_708 : i32 to vector<16xi32>
      %sub3A_710 = arith.subi %get3A_707, %sub3A_709 : vector<16xi32>
      %ge3A_711 = arith.constant 0 : i32
      %ge3A_712 = vector.broadcast %ge3A_711 : i32 to vector<16xi32>
      %ge3A_713 = arith.cmpi sge, %sub3A_710, %ge3A_712 : vector<16xi32>
      %lt3A_714 = arith.constant 5120 : i32
      %lt3A_715 = vector.broadcast %lt3A_714 : i32 to vector<16xi32>
      %lt3A_716 = arith.cmpi slt, %sub3A_710, %lt3A_715 : vector<16xi32>
      %and3A_717 = arith.andi %ge3A_713, %lt3A_716 : vector<16xi1>
      %jit3A_718 = arith.constant 5120 : i32
      %broadcast_in_dim3A_719 = vector.broadcast %jit3A_718 : i32 to vector<16xi32>
      %select_n3A_720 = arith.select %and3A_717, %sub3A_710, %broadcast_in_dim3A_719 : vector<16xi1>, vector<16xi32>
      %swap3A_721 = arith.constant 32 : index
      %swap3A_722 = tpu.vector_load %arg20[%swap3A_721] {strides = array<i32>} : memref<128xi32, #tpu.memory_space<vmem>>, vector<16xi32>,
      tpu.vector_store %arg20[%swap3A_721], %select_n3A_720 {strides = array<i32>} : memref<128xi32, #tpu.memory_space<vmem>>, vector<16xi32>,
      %get3A_723 = arith.index_cast %add3A_668 : i32 to index
      %get3A_724 = arith.constant 48 : index
      %get3A_725 = tpu.vector_load %arg11[%get3A_723, %get3A_724] {strides = array<i32>} : memref<160x128xi32, #tpu.memory_space<vmem>>, vector<16xi32>,
      %sub3A_726 = arith.constant 5120 : i32
      %sub3A_727 = vector.broadcast %sub3A_726 : i32 to vector<16xi32>
      %sub3A_728 = arith.subi %get3A_725, %sub3A_727 : vector<16xi32>
      %ge3A_729 = arith.constant 0 : i32
      %ge3A_730 = vector.broadcast %ge3A_729 : i32 to vector<16xi32>
      %ge3A_731 = arith.cmpi sge, %sub3A_728, %ge3A_730 : vector<16xi32>
      %lt3A_732 = arith.constant 5120 : i32
      %lt3A_733 = vector.broadcast %lt3A_732 : i32 to vector<16xi32>
      %lt3A_734 = arith.cmpi slt, %sub3A_728, %lt3A_733 : vector<16xi32>
      %and3A_735 = arith.andi %ge3A_731, %lt3A_734 : vector<16xi1>
      %jit3A_736 = arith.constant 5120 : i32
      %broadcast_in_dim3A_737 = vector.broadcast %jit3A_736 : i32 to vector<16xi32>
      %select_n3A_738 = arith.select %and3A_735, %sub3A_728, %broadcast_in_dim3A_737 : vector<16xi1>, vector<16xi32>
      %swap3A_739 = arith.constant 48 : index
      %swap3A_740 = tpu.vector_load %arg20[%swap3A_739] {strides = array<i32>} : memref<128xi32, #tpu.memory_space<vmem>>, vector<16xi32>,
      tpu.vector_store %arg20[%swap3A_739], %select_n3A_738 {strides = array<i32>} : memref<128xi32, #tpu.memory_space<vmem>>, vector<16xi32>,
      %get3A_741 = arith.index_cast %add3A_668 : i32 to index
      %get3A_742 = arith.constant 64 : index
      %get3A_743 = tpu.vector_load %arg11[%get3A_741, %get3A_742] {strides = array<i32>} : memref<160x128xi32, #tpu.memory_space<vmem>>, vector<16xi32>,
      %sub3A_744 = arith.constant 5120 : i32
      %sub3A_745 = vector.broadcast %sub3A_744 : i32 to vector<16xi32>
      %sub3A_746 = arith.subi %get3A_743, %sub3A_745 : vector<16xi32>
      %ge3A_747 = arith.constant 0 : i32
      %ge3A_748 = vector.broadcast %ge3A_747 : i32 to vector<16xi32>
      %ge3A_749 = arith.cmpi sge, %sub3A_746, %ge3A_748 : vector<16xi32>
      %lt3A_750 = arith.constant 5120 : i32
      %lt3A_751 = vector.broadcast %lt3A_750 : i32 to vector<16xi32>
      %lt3A_752 = arith.cmpi slt, %sub3A_746, %lt3A_751 : vector<16xi32>
      %and3A_753 = arith.andi %ge3A_749, %lt3A_752 : vector<16xi1>
      %jit3A_754 = arith.constant 5120 : i32
      %broadcast_in_dim3A_755 = vector.broadcast %jit3A_754 : i32 to vector<16xi32>
      %select_n3A_756 = arith.select %and3A_753, %sub3A_746, %broadcast_in_dim3A_755 : vector<16xi1>, vector<16xi32>
      %swap3A_757 = arith.constant 64 : index
      %swap3A_758 = tpu.vector_load %arg20[%swap3A_757] {strides = array<i32>} : memref<128xi32, #tpu.memory_space<vmem>>, vector<16xi32>,
      tpu.vector_store %arg20[%swap3A_757], %select_n3A_756 {strides = array<i32>} : memref<128xi32, #tpu.memory_space<vmem>>, vector<16xi32>,
      %get3A_759 = arith.index_cast %add3A_668 : i32 to index
      %get3A_760 = arith.constant 80 : index
      %get3A_761 = tpu.vector_load %arg11[%get3A_759, %get3A_760] {strides = array<i32>} : memref<160x128xi32, #tpu.memory_space<vmem>>, vector<16xi32>,
      %sub3A_762 = arith.constant 5120 : i32
      %sub3A_763 = vector.broadcast %sub3A_762 : i32 to vector<16xi32>
      %sub3A_764 = arith.subi %get3A_761, %sub3A_763 : vector<16xi32>
      %ge3A_765 = arith.constant 0 : i32
      %ge3A_766 = vector.broadcast %ge3A_765 : i32 to vector<16xi32>
      %ge3A_767 = arith.cmpi sge, %sub3A_764, %ge3A_766 : vector<16xi32>
      %lt3A_768 = arith.constant 5120 : i32
      %lt3A_769 = vector.broadcast %lt3A_768 : i32 to vector<16xi32>
      %lt3A_770 = arith.cmpi slt, %sub3A_764, %lt3A_769 : vector<16xi32>
      %and3A_771 = arith.andi %ge3A_767, %lt3A_770 : vector<16xi1>
      %jit3A_772 = arith.constant 5120 : i32
      %broadcast_in_dim3A_773 = vector.broadcast %jit3A_772 : i32 to vector<16xi32>
      %select_n3A_774 = arith.select %and3A_771, %sub3A_764, %broadcast_in_dim3A_773 : vector<16xi1>, vector<16xi32>
      %swap3A_775 = arith.constant 80 : index
      %swap3A_776 = tpu.vector_load %arg20[%swap3A_775] {strides = array<i32>} : memref<128xi32, #tpu.memory_space<vmem>>, vector<16xi32>,
      tpu.vector_store %arg20[%swap3A_775], %select_n3A_774 {strides = array<i32>} : memref<128xi32, #tpu.memory_space<vmem>>, vector<16xi32>,
      %get3A_777 = arith.index_cast %add3A_668 : i32 to index
      %get3A_778 = arith.constant 96 : index
      %get3A_779 = tpu.vector_load %arg11[%get3A_777, %get3A_778] {strides = array<i32>} : memref<160x128xi32, #tpu.memory_space<vmem>>, vector<16xi32>,
      %sub3A_780 = arith.constant 5120 : i32
      %sub3A_781 = vector.broadcast %sub3A_780 : i32 to vector<16xi32>
      %sub3A_782 = arith.subi %get3A_779, %sub3A_781 : vector<16xi32>
      %ge3A_783 = arith.constant 0 : i32
      %ge3A_784 = vector.broadcast %ge3A_783 : i32 to vector<16xi32>
      %ge3A_785 = arith.cmpi sge, %sub3A_782, %ge3A_784 : vector<16xi32>
      %lt3A_786 = arith.constant 5120 : i32
      %lt3A_787 = vector.broadcast %lt3A_786 : i32 to vector<16xi32>
      %lt3A_788 = arith.cmpi slt, %sub3A_782, %lt3A_787 : vector<16xi32>
      %and3A_789 = arith.andi %ge3A_785, %lt3A_788 : vector<16xi1>
      %jit3A_790 = arith.constant 5120 : i32
      %broadcast_in_dim3A_791 = vector.broadcast %jit3A_790 : i32 to vector<16xi32>
      %select_n3A_792 = arith.select %and3A_789, %sub3A_782, %broadcast_in_dim3A_791 : vector<16xi1>, vector<16xi32>
      %swap3A_793 = arith.constant 96 : index
      %swap3A_794 = tpu.vector_load %arg20[%swap3A_793] {strides = array<i32>} : memref<128xi32, #tpu.memory_space<vmem>>, vector<16xi32>,
      tpu.vector_store %arg20[%swap3A_793], %select_n3A_792 {strides = array<i32>} : memref<128xi32, #tpu.memory_space<vmem>>, vector<16xi32>,
      %get3A_795 = arith.index_cast %add3A_668 : i32 to index
      %get3A_796 = arith.constant 112 : index
      %get3A_797 = tpu.vector_load %arg11[%get3A_795, %get3A_796] {strides = array<i32>} : memref<160x128xi32, #tpu.memory_space<vmem>>, vector<16xi32>,
      %sub3A_798 = arith.constant 5120 : i32
      %sub3A_799 = vector.broadcast %sub3A_798 : i32 to vector<16xi32>
      %sub3A_800 = arith.subi %get3A_797, %sub3A_799 : vector<16xi32>
      %ge3A_801 = arith.constant 0 : i32
      %ge3A_802 = vector.broadcast %ge3A_801 : i32 to vector<16xi32>
      %ge3A_803 = arith.cmpi sge, %sub3A_800, %ge3A_802 : vector<16xi32>
      %lt3A_804 = arith.constant 5120 : i32
      %lt3A_805 = vector.broadcast %lt3A_804 : i32 to vector<16xi32>
      %lt3A_806 = arith.cmpi slt, %sub3A_800, %lt3A_805 : vector<16xi32>
      %and3A_807 = arith.andi %ge3A_803, %lt3A_806 : vector<16xi1>
      %jit3A_808 = arith.constant 5120 : i32
      %broadcast_in_dim3A_809 = vector.broadcast %jit3A_808 : i32 to vector<16xi32>
      %select_n3A_810 = arith.select %and3A_807, %sub3A_800, %broadcast_in_dim3A_809 : vector<16xi1>, vector<16xi32>
      %swap3A_811 = arith.constant 112 : index
      %swap3A_812 = tpu.vector_load %arg20[%swap3A_811] {strides = array<i32>} : memref<128xi32, #tpu.memory_space<vmem>>, vector<16xi32>,
      tpu.vector_store %arg20[%swap3A_811], %select_n3A_810 {strides = array<i32>} : memref<128xi32, #tpu.memory_space<vmem>>, vector<16xi32>,
      %dma_start3A_813 = arith.constant 0 : i32
      %dma_start3A_814 = arith.constant 0 : i32
      %dma_start3A_815 = tpu.memref_slice %arg21[%dma_start3A_813, %dma_start3A_814] : memref<5248x64xf32, #tpu.memory_space<vmem_shared>> -> memref<5248x64xf32, #tpu.memory_space<vmem_shared>>
      tpu.enqueue_indirect_dma source(%arg14 : memref<128x64xf32, #tpu.memory_space<vmem>>) target(%dma_start3A_815 : memref<5248x64xf32, #tpu.memory_space<vmem_shared>>) offsets(%arg20 : memref<128xi32, #tpu.memory_space<vmem>>) semaphore(%arg29 : memref<!tpu.dma_semaphore, #tpu.memory_space<semaphore_mem>>) {add = true}
    }
    %scan3A_127 = arith.constant 40 : i32
    %dma_wait3A_128 = arith.constant 0 : i32
    %dma_wait3A_129 = arith.constant 0 : i32
    %dma_wait3A_130 = tpu.memref_slice %arg21[%dma_wait3A_128, %dma_wait3A_129] : memref<5248x64xf32, #tpu.memory_space<vmem_shared>> -> memref<5248x64xf32, #tpu.memory_space<vmem_shared>>
    tpu.wait_indirect_dma semaphore(%arg26 : memref<!tpu.dma_semaphore, #tpu.memory_space<semaphore_mem>>) src(%arg15 : memref<128x64xf32, #tpu.memory_space<vmem>>) dst(%dma_wait3A_130 : memref<5248x64xf32, #tpu.memory_space<vmem_shared>>)
    %dma_wait3A_131 = arith.constant 0 : i32
    %dma_wait3A_132 = arith.constant 0 : i32
    %dma_wait3A_133 = tpu.memref_slice %arg21[%dma_wait3A_131, %dma_wait3A_132] : memref<5248x64xf32, #tpu.memory_space<vmem_shared>> -> memref<5248x64xf32, #tpu.memory_space<vmem_shared>>
    tpu.wait_indirect_dma semaphore(%arg27 : memref<!tpu.dma_semaphore, #tpu.memory_space<semaphore_mem>>) src(%arg16 : memref<128x64xf32, #tpu.memory_space<vmem>>) dst(%dma_wait3A_133 : memref<5248x64xf32, #tpu.memory_space<vmem_shared>>)
    %dma_wait3A_134 = arith.constant 0 : i32
    %dma_wait3A_135 = arith.constant 0 : i32
    %dma_wait3A_136 = tpu.memref_slice %arg21[%dma_wait3A_134, %dma_wait3A_135] : memref<5248x64xf32, #tpu.memory_space<vmem_shared>> -> memref<5248x64xf32, #tpu.memory_space<vmem_shared>>
    tpu.wait_indirect_dma semaphore(%arg28 : memref<!tpu.dma_semaphore, #tpu.memory_space<semaphore_mem>>) src(%arg13 : memref<128x64xf32, #tpu.memory_space<vmem>>) dst(%dma_wait3A_136 : memref<5248x64xf32, #tpu.memory_space<vmem_shared>>)
    %dma_wait3A_137 = arith.constant 0 : i32
    %dma_wait3A_138 = arith.constant 0 : i32
    %dma_wait3A_139 = tpu.memref_slice %arg21[%dma_wait3A_137, %dma_wait3A_138] : memref<5248x64xf32, #tpu.memory_space<vmem_shared>> -> memref<5248x64xf32, #tpu.memory_space<vmem_shared>>
    tpu.wait_indirect_dma semaphore(%arg29 : memref<!tpu.dma_semaphore, #tpu.memory_space<semaphore_mem>>) src(%arg14 : memref<128x64xf32, #tpu.memory_space<vmem>>) dst(%dma_wait3A_139 : memref<5248x64xf32, #tpu.memory_space<vmem_shared>>)
    %barrier3A_140 = arith.constant 0 : index
    tpu.barrier barrier_id(%barrier3A_140)
    %mul3A_141 = arith.constant 320 : i32
    %mul3A_142 = arith.muli %arg1, %mul3A_141 : i32
    %mul3A_143 = arith.constant 320 : i32
    %mul3A_144 = arith.muli %arg1, %mul3A_143 : i32
    %add3A_145 = arith.constant 5120 : i32
    %add3A_146 = arith.addi %add3A_145, %mul3A_144 : i32
    %eq3A_147 = arith.constant 0 : i32
    %eq3A_148 = arith.cmpi eq, %arg0, %eq3A_147 : i32
    %convert_element_type3A_149 = arith.extui %eq3A_148 : i1 to i32
    %cond3A_150 = arith.constant 0 : i32
    %cond3A_151 = arith.cmpi ne, %convert_element_type3A_149, %cond3A_150 : i32
    scf.if %cond3A_151 {
      "tpu.region"() ({
        %run_scoped3A = tpu.sem_alloc : memref<!tpu.dma_semaphore, #tpu.memory_space<semaphore_mem>>
        %dma_start3A_158 = arith.constant 0 : i32
        %dma_start3A_159 = tpu.memref_slice %arg7[%add3A_146, %dma_start3A_158] : memref<10240x64xf32, #tpu.memory_space<hbm>> -> memref<320x64xf32, #tpu.memory_space<hbm>>
        %dma_start3A_160 = arith.constant 0 : i32
        %dma_start3A_161 = tpu.memref_slice %arg21[%mul3A_142, %dma_start3A_160] : memref<5248x64xf32, #tpu.memory_space<vmem_shared>> -> memref<320x64xf32, #tpu.memory_space<vmem_shared>>
        tpu.enqueue_dma source(%dma_start3A_161 : memref<320x64xf32, #tpu.memory_space<vmem_shared>>) target(%dma_start3A_159 : memref<320x64xf32, #tpu.memory_space<hbm>>) target_semaphore(%run_scoped3A : memref<!tpu.dma_semaphore, #tpu.memory_space<semaphore_mem>>)
        %dma_wait3A_162 = arith.constant 0 : i32
        %dma_wait3A_163 = tpu.memref_slice %arg7[%add3A_146, %dma_wait3A_162] : memref<10240x64xf32, #tpu.memory_space<hbm>> -> memref<320x64xf32, #tpu.memory_space<hbm>>
        %dma_wait3A_164 = arith.constant 0 : i32
        %dma_wait3A_165 = tpu.memref_slice %arg21[%mul3A_142, %dma_wait3A_164] : memref<5248x64xf32, #tpu.memory_space<vmem_shared>> -> memref<320x64xf32, #tpu.memory_space<vmem_shared>>
        tpu.wait_dma2 semaphore(%run_scoped3A : memref<!tpu.dma_semaphore, #tpu.memory_space<semaphore_mem>>) src(%dma_wait3A_165 : memref<320x64xf32, #tpu.memory_space<vmem_shared>>) dst(%dma_wait3A_163 : memref<320x64xf32, #tpu.memory_space<hbm>>)
        tpu.yield
      }) : () -> ()
    } else {
    }
    %eq3A_152 = arith.constant 1 : i32
    %eq3A_153 = arith.cmpi eq, %arg0, %eq3A_152 : i32
    %convert_element_type3A_154 = arith.extui %eq3A_153 : i1 to i32
    %cond3A_155 = arith.constant 0 : i32
    %cond3A_156 = arith.cmpi ne, %convert_element_type3A_154, %cond3A_155 : i32
    scf.if %cond3A_156 {
      "tpu.region"() ({
        %run_scoped3A = tpu.sem_alloc : memref<!tpu.dma_semaphore, #tpu.memory_space<semaphore_mem>>
        %dma_start3A_158 = arith.constant 0 : i32
        %dma_start3A_159 = tpu.memref_slice %arg8[%add3A_146, %dma_start3A_158] : memref<10240x64xf32, #tpu.memory_space<hbm>> -> memref<320x64xf32, #tpu.memory_space<hbm>>
        %dma_start3A_160 = arith.constant 0 : i32
        %dma_start3A_161 = tpu.memref_slice %arg21[%mul3A_142, %dma_start3A_160] : memref<5248x64xf32, #tpu.memory_space<vmem_shared>> -> memref<320x64xf32, #tpu.memory_space<vmem_shared>>
        tpu.enqueue_dma source(%dma_start3A_161 : memref<320x64xf32, #tpu.memory_space<vmem_shared>>) target(%dma_start3A_159 : memref<320x64xf32, #tpu.memory_space<hbm>>) target_semaphore(%run_scoped3A : memref<!tpu.dma_semaphore, #tpu.memory_space<semaphore_mem>>)
        %dma_wait3A_162 = arith.constant 0 : i32
        %dma_wait3A_163 = tpu.memref_slice %arg8[%add3A_146, %dma_wait3A_162] : memref<10240x64xf32, #tpu.memory_space<hbm>> -> memref<320x64xf32, #tpu.memory_space<hbm>>
        %dma_wait3A_164 = arith.constant 0 : i32
        %dma_wait3A_165 = tpu.memref_slice %arg21[%mul3A_142, %dma_wait3A_164] : memref<5248x64xf32, #tpu.memory_space<vmem_shared>> -> memref<320x64xf32, #tpu.memory_space<vmem_shared>>
        tpu.wait_dma2 semaphore(%run_scoped3A : memref<!tpu.dma_semaphore, #tpu.memory_space<semaphore_mem>>) src(%dma_wait3A_165 : memref<320x64xf32, #tpu.memory_space<vmem_shared>>) dst(%dma_wait3A_163 : memref<320x64xf32, #tpu.memory_space<hbm>>)
        tpu.yield
      }) : () -> ()
    } else {
    }
    %barrier3A_157 = arith.constant 0 : index
    tpu.barrier barrier_id(%barrier3A_157)
    return
  }
}

module attributes {stable_mosaic.version = 14 : i64} {
  func.func @_tc_combine_body(%arg0: i32, %arg1: memref<32x256xf32, #tpu.memory_space<vmem>>, %arg2: memref<32x256xf32, #tpu.memory_space<vmem>>, %arg3: memref<32x256xf32, #tpu.memory_space<vmem>>, %arg4: memref<32x256xf32, #tpu.memory_space<vmem>>, %arg5: memref<32x256xf32, #tpu.memory_space<vmem>>, %arg6: memref<1x1x256xf32, #tpu.memory_space<vmem>>, %arg7: memref<1x1x256xf32, #tpu.memory_space<vmem>>, %arg8: memref<1x1x256xf32, #tpu.memory_space<vmem>>) attributes {dimension_semantics = [#tpu.dimension_semantics<arbitrary>], iteration_bounds = array<i64: 40>, scalar_prefetch = 0 : i64, scratch_operands = 0 : i64, tpu.core_type = #tpu.core_type<tc>, window_params = [{transform_indices = @transform_0, window_bounds = array<i64: 32, 256>}, {transform_indices = @transform_1, window_bounds = array<i64: 32, 256>}, {transform_indices = @transform_2, window_bounds = array<i64: 32, 256>}, {transform_indices = @transform_3, window_bounds = array<i64: 32, 256>}, {transform_indices = @transform_4, window_bounds = array<i64: 32, 256>}, {transform_indices = @transform_5, window_bounds = array<i64: 1, 1, 256>}, {transform_indices = @transform_6, window_bounds = array<i64: 1, 1, 256>}, {transform_indices = @transform_7, window_bounds = array<i64: 1, 1, 256>}]} {
    %get3A = arith.constant 0 : index
    %get3A_0 = arith.constant 0 : index
    %get3A_1 = vector.load %arg1[%get3A, %get3A_0] : memref<32x256xf32, #tpu.memory_space<vmem>>, vector<32x256xf32>
    %reduce_sum3A = arith.constant dense<0.000000e+00> : vector<256xf32>
    %reduce_sum3A_2 = vector.multi_reduction <add>, %get3A_1, %reduce_sum3A [0] : vector<32x256xf32> to vector<256xf32>
    %broadcast_in_dim3A = vector.shape_cast %reduce_sum3A_2 : vector<256xf32> to vector<1x256xf32>
    %add3A = arith.constant 1.000000e+00 : f32
    %add3A_3 = vector.broadcast %add3A : f32 to vector<1x256xf32>
    %add3A_4 = arith.addf %add3A_3, %broadcast_in_dim3A : vector<1x256xf32>
    %rsqrt3A = math.rsqrt %add3A_4 : vector<1x256xf32>
    %swap3A = arith.constant 0 : index
    %swap3A_5 = arith.constant 0 : index
    %swap3A_6 = arith.constant 0 : index
    %swap3A_7 = vector.load %arg6[%swap3A, %swap3A_5, %swap3A_6] : memref<1x1x256xf32, #tpu.memory_space<vmem>>, vector<1x1x256xf32>
    %swap3A_8 = vector.shape_cast %swap3A_7 : vector<1x1x256xf32> to vector<1x256xf32>
    %swap3A_9 = vector.shape_cast %rsqrt3A : vector<1x256xf32> to vector<1x1x256xf32>
    tpu.vector_store %arg6[%swap3A, %swap3A_5, %swap3A_6], %swap3A_9 {strides = array<i32>} : memref<1x1x256xf32, #tpu.memory_space<vmem>>, vector<1x1x256xf32>,
    %get3A_10 = arith.constant 0 : index
    %get3A_11 = arith.constant 0 : index
    %get3A_12 = vector.load %arg2[%get3A_10, %get3A_11] : memref<32x256xf32, #tpu.memory_space<vmem>>, vector<1x256xf32>
    %get3A_13 = arith.constant 0 : index
    %get3A_14 = arith.constant 0 : index
    %get3A_15 = vector.load %arg3[%get3A_13, %get3A_14] : memref<32x256xf32, #tpu.memory_space<vmem>>, vector<1x256xf32>
    %get3A_16 = arith.constant 1 : index
    %get3A_17 = arith.constant 0 : index
    %get3A_18 = vector.load %arg2[%get3A_16, %get3A_17] : memref<32x256xf32, #tpu.memory_space<vmem>>, vector<1x256xf32>
    %gt3A = arith.cmpf ogt, %get3A_18, %get3A_12 : vector<1x256xf32>
    %get3A_19 = arith.constant 1 : index
    %get3A_20 = arith.constant 0 : index
    %get3A_21 = vector.load %arg2[%get3A_19, %get3A_20] : memref<32x256xf32, #tpu.memory_space<vmem>>, vector<1x256xf32>
    %select_n3A = arith.select %gt3A, %get3A_21, %get3A_12 : vector<1x256xi1>, vector<1x256xf32>
    %get3A_22 = arith.constant 1 : index
    %get3A_23 = arith.constant 0 : index
    %get3A_24 = vector.load %arg3[%get3A_22, %get3A_23] : memref<32x256xf32, #tpu.memory_space<vmem>>, vector<1x256xf32>
    %select_n3A_25 = arith.select %gt3A, %get3A_24, %get3A_15 : vector<1x256xi1>, vector<1x256xf32>
    %get3A_26 = arith.constant 2 : index
    %get3A_27 = arith.constant 0 : index
    %get3A_28 = vector.load %arg2[%get3A_26, %get3A_27] : memref<32x256xf32, #tpu.memory_space<vmem>>, vector<1x256xf32>
    %gt3A_29 = arith.cmpf ogt, %get3A_28, %select_n3A : vector<1x256xf32>
    %get3A_30 = arith.constant 2 : index
    %get3A_31 = arith.constant 0 : index
    %get3A_32 = vector.load %arg2[%get3A_30, %get3A_31] : memref<32x256xf32, #tpu.memory_space<vmem>>, vector<1x256xf32>
    %select_n3A_33 = arith.select %gt3A_29, %get3A_32, %select_n3A : vector<1x256xi1>, vector<1x256xf32>
    %get3A_34 = arith.constant 2 : index
    %get3A_35 = arith.constant 0 : index
    %get3A_36 = vector.load %arg3[%get3A_34, %get3A_35] : memref<32x256xf32, #tpu.memory_space<vmem>>, vector<1x256xf32>
    %select_n3A_37 = arith.select %gt3A_29, %get3A_36, %select_n3A_25 : vector<1x256xi1>, vector<1x256xf32>
    %get3A_38 = arith.constant 3 : index
    %get3A_39 = arith.constant 0 : index
    %get3A_40 = vector.load %arg2[%get3A_38, %get3A_39] : memref<32x256xf32, #tpu.memory_space<vmem>>, vector<1x256xf32>
    %gt3A_41 = arith.cmpf ogt, %get3A_40, %select_n3A_33 : vector<1x256xf32>
    %get3A_42 = arith.constant 3 : index
    %get3A_43 = arith.constant 0 : index
    %get3A_44 = vector.load %arg2[%get3A_42, %get3A_43] : memref<32x256xf32, #tpu.memory_space<vmem>>, vector<1x256xf32>
    %select_n3A_45 = arith.select %gt3A_41, %get3A_44, %select_n3A_33 : vector<1x256xi1>, vector<1x256xf32>
    %get3A_46 = arith.constant 3 : index
    %get3A_47 = arith.constant 0 : index
    %get3A_48 = vector.load %arg3[%get3A_46, %get3A_47] : memref<32x256xf32, #tpu.memory_space<vmem>>, vector<1x256xf32>
    %select_n3A_49 = arith.select %gt3A_41, %get3A_48, %select_n3A_37 : vector<1x256xi1>, vector<1x256xf32>
    %get3A_50 = arith.constant 4 : index
    %get3A_51 = arith.constant 0 : index
    %get3A_52 = vector.load %arg2[%get3A_50, %get3A_51] : memref<32x256xf32, #tpu.memory_space<vmem>>, vector<1x256xf32>
    %gt3A_53 = arith.cmpf ogt, %get3A_52, %select_n3A_45 : vector<1x256xf32>
    %get3A_54 = arith.constant 4 : index
    %get3A_55 = arith.constant 0 : index
    %get3A_56 = vector.load %arg2[%get3A_54, %get3A_55] : memref<32x256xf32, #tpu.memory_space<vmem>>, vector<1x256xf32>
    %select_n3A_57 = arith.select %gt3A_53, %get3A_56, %select_n3A_45 : vector<1x256xi1>, vector<1x256xf32>
    %get3A_58 = arith.constant 4 : index
    %get3A_59 = arith.constant 0 : index
    %get3A_60 = vector.load %arg3[%get3A_58, %get3A_59] : memref<32x256xf32, #tpu.memory_space<vmem>>, vector<1x256xf32>
    %select_n3A_61 = arith.select %gt3A_53, %get3A_60, %select_n3A_49 : vector<1x256xi1>, vector<1x256xf32>
    %get3A_62 = arith.constant 5 : index
    %get3A_63 = arith.constant 0 : index
    %get3A_64 = vector.load %arg2[%get3A_62, %get3A_63] : memref<32x256xf32, #tpu.memory_space<vmem>>, vector<1x256xf32>
    %gt3A_65 = arith.cmpf ogt, %get3A_64, %select_n3A_57 : vector<1x256xf32>
    %get3A_66 = arith.constant 5 : index
    %get3A_67 = arith.constant 0 : index
    %get3A_68 = vector.load %arg2[%get3A_66, %get3A_67] : memref<32x256xf32, #tpu.memory_space<vmem>>, vector<1x256xf32>
    %select_n3A_69 = arith.select %gt3A_65, %get3A_68, %select_n3A_57 : vector<1x256xi1>, vector<1x256xf32>
    %get3A_70 = arith.constant 5 : index
    %get3A_71 = arith.constant 0 : index
    %get3A_72 = vector.load %arg3[%get3A_70, %get3A_71] : memref<32x256xf32, #tpu.memory_space<vmem>>, vector<1x256xf32>
    %select_n3A_73 = arith.select %gt3A_65, %get3A_72, %select_n3A_61 : vector<1x256xi1>, vector<1x256xf32>
    %get3A_74 = arith.constant 6 : index
    %get3A_75 = arith.constant 0 : index
    %get3A_76 = vector.load %arg2[%get3A_74, %get3A_75] : memref<32x256xf32, #tpu.memory_space<vmem>>, vector<1x256xf32>
    %gt3A_77 = arith.cmpf ogt, %get3A_76, %select_n3A_69 : vector<1x256xf32>
    %get3A_78 = arith.constant 6 : index
    %get3A_79 = arith.constant 0 : index
    %get3A_80 = vector.load %arg2[%get3A_78, %get3A_79] : memref<32x256xf32, #tpu.memory_space<vmem>>, vector<1x256xf32>
    %select_n3A_81 = arith.select %gt3A_77, %get3A_80, %select_n3A_69 : vector<1x256xi1>, vector<1x256xf32>
    %get3A_82 = arith.constant 6 : index
    %get3A_83 = arith.constant 0 : index
    %get3A_84 = vector.load %arg3[%get3A_82, %get3A_83] : memref<32x256xf32, #tpu.memory_space<vmem>>, vector<1x256xf32>
    %select_n3A_85 = arith.select %gt3A_77, %get3A_84, %select_n3A_73 : vector<1x256xi1>, vector<1x256xf32>
    %get3A_86 = arith.constant 7 : index
    %get3A_87 = arith.constant 0 : index
    %get3A_88 = vector.load %arg2[%get3A_86, %get3A_87] : memref<32x256xf32, #tpu.memory_space<vmem>>, vector<1x256xf32>
    %gt3A_89 = arith.cmpf ogt, %get3A_88, %select_n3A_81 : vector<1x256xf32>
    %get3A_90 = arith.constant 7 : index
    %get3A_91 = arith.constant 0 : index
    %get3A_92 = vector.load %arg2[%get3A_90, %get3A_91] : memref<32x256xf32, #tpu.memory_space<vmem>>, vector<1x256xf32>
    %select_n3A_93 = arith.select %gt3A_89, %get3A_92, %select_n3A_81 : vector<1x256xi1>, vector<1x256xf32>
    %get3A_94 = arith.constant 7 : index
    %get3A_95 = arith.constant 0 : index
    %get3A_96 = vector.load %arg3[%get3A_94, %get3A_95] : memref<32x256xf32, #tpu.memory_space<vmem>>, vector<1x256xf32>
    %select_n3A_97 = arith.select %gt3A_89, %get3A_96, %select_n3A_85 : vector<1x256xi1>, vector<1x256xf32>
    %get3A_98 = arith.constant 8 : index
    %get3A_99 = arith.constant 0 : index
    %get3A_100 = vector.load %arg2[%get3A_98, %get3A_99] : memref<32x256xf32, #tpu.memory_space<vmem>>, vector<1x256xf32>
    %gt3A_101 = arith.cmpf ogt, %get3A_100, %select_n3A_93 : vector<1x256xf32>
    %get3A_102 = arith.constant 8 : index
    %get3A_103 = arith.constant 0 : index
    %get3A_104 = vector.load %arg2[%get3A_102, %get3A_103] : memref<32x256xf32, #tpu.memory_space<vmem>>, vector<1x256xf32>
    %select_n3A_105 = arith.select %gt3A_101, %get3A_104, %select_n3A_93 : vector<1x256xi1>, vector<1x256xf32>
    %get3A_106 = arith.constant 8 : index
    %get3A_107 = arith.constant 0 : index
    %get3A_108 = vector.load %arg3[%get3A_106, %get3A_107] : memref<32x256xf32, #tpu.memory_space<vmem>>, vector<1x256xf32>
    %select_n3A_109 = arith.select %gt3A_101, %get3A_108, %select_n3A_97 : vector<1x256xi1>, vector<1x256xf32>
    %get3A_110 = arith.constant 9 : index
    %get3A_111 = arith.constant 0 : index
    %get3A_112 = vector.load %arg2[%get3A_110, %get3A_111] : memref<32x256xf32, #tpu.memory_space<vmem>>, vector<1x256xf32>
    %gt3A_113 = arith.cmpf ogt, %get3A_112, %select_n3A_105 : vector<1x256xf32>
    %get3A_114 = arith.constant 9 : index
    %get3A_115 = arith.constant 0 : index
    %get3A_116 = vector.load %arg2[%get3A_114, %get3A_115] : memref<32x256xf32, #tpu.memory_space<vmem>>, vector<1x256xf32>
    %select_n3A_117 = arith.select %gt3A_113, %get3A_116, %select_n3A_105 : vector<1x256xi1>, vector<1x256xf32>
    %get3A_118 = arith.constant 9 : index
    %get3A_119 = arith.constant 0 : index
    %get3A_120 = vector.load %arg3[%get3A_118, %get3A_119] : memref<32x256xf32, #tpu.memory_space<vmem>>, vector<1x256xf32>
    %select_n3A_121 = arith.select %gt3A_113, %get3A_120, %select_n3A_109 : vector<1x256xi1>, vector<1x256xf32>
    %get3A_122 = arith.constant 10 : index
    %get3A_123 = arith.constant 0 : index
    %get3A_124 = vector.load %arg2[%get3A_122, %get3A_123] : memref<32x256xf32, #tpu.memory_space<vmem>>, vector<1x256xf32>
    %gt3A_125 = arith.cmpf ogt, %get3A_124, %select_n3A_117 : vector<1x256xf32>
    %get3A_126 = arith.constant 10 : index
    %get3A_127 = arith.constant 0 : index
    %get3A_128 = vector.load %arg2[%get3A_126, %get3A_127] : memref<32x256xf32, #tpu.memory_space<vmem>>, vector<1x256xf32>
    %select_n3A_129 = arith.select %gt3A_125, %get3A_128, %select_n3A_117 : vector<1x256xi1>, vector<1x256xf32>
    %get3A_130 = arith.constant 10 : index
    %get3A_131 = arith.constant 0 : index
    %get3A_132 = vector.load %arg3[%get3A_130, %get3A_131] : memref<32x256xf32, #tpu.memory_space<vmem>>, vector<1x256xf32>
    %select_n3A_133 = arith.select %gt3A_125, %get3A_132, %select_n3A_121 : vector<1x256xi1>, vector<1x256xf32>
    %get3A_134 = arith.constant 11 : index
    %get3A_135 = arith.constant 0 : index
    %get3A_136 = vector.load %arg2[%get3A_134, %get3A_135] : memref<32x256xf32, #tpu.memory_space<vmem>>, vector<1x256xf32>
    %gt3A_137 = arith.cmpf ogt, %get3A_136, %select_n3A_129 : vector<1x256xf32>
    %get3A_138 = arith.constant 11 : index
    %get3A_139 = arith.constant 0 : index
    %get3A_140 = vector.load %arg2[%get3A_138, %get3A_139] : memref<32x256xf32, #tpu.memory_space<vmem>>, vector<1x256xf32>
    %select_n3A_141 = arith.select %gt3A_137, %get3A_140, %select_n3A_129 : vector<1x256xi1>, vector<1x256xf32>
    %get3A_142 = arith.constant 11 : index
    %get3A_143 = arith.constant 0 : index
    %get3A_144 = vector.load %arg3[%get3A_142, %get3A_143] : memref<32x256xf32, #tpu.memory_space<vmem>>, vector<1x256xf32>
    %select_n3A_145 = arith.select %gt3A_137, %get3A_144, %select_n3A_133 : vector<1x256xi1>, vector<1x256xf32>
    %get3A_146 = arith.constant 12 : index
    %get3A_147 = arith.constant 0 : index
    %get3A_148 = vector.load %arg2[%get3A_146, %get3A_147] : memref<32x256xf32, #tpu.memory_space<vmem>>, vector<1x256xf32>
    %gt3A_149 = arith.cmpf ogt, %get3A_148, %select_n3A_141 : vector<1x256xf32>
    %get3A_150 = arith.constant 12 : index
    %get3A_151 = arith.constant 0 : index
    %get3A_152 = vector.load %arg2[%get3A_150, %get3A_151] : memref<32x256xf32, #tpu.memory_space<vmem>>, vector<1x256xf32>
    %select_n3A_153 = arith.select %gt3A_149, %get3A_152, %select_n3A_141 : vector<1x256xi1>, vector<1x256xf32>
    %get3A_154 = arith.constant 12 : index
    %get3A_155 = arith.constant 0 : index
    %get3A_156 = vector.load %arg3[%get3A_154, %get3A_155] : memref<32x256xf32, #tpu.memory_space<vmem>>, vector<1x256xf32>
    %select_n3A_157 = arith.select %gt3A_149, %get3A_156, %select_n3A_145 : vector<1x256xi1>, vector<1x256xf32>
    %get3A_158 = arith.constant 13 : index
    %get3A_159 = arith.constant 0 : index
    %get3A_160 = vector.load %arg2[%get3A_158, %get3A_159] : memref<32x256xf32, #tpu.memory_space<vmem>>, vector<1x256xf32>
    %gt3A_161 = arith.cmpf ogt, %get3A_160, %select_n3A_153 : vector<1x256xf32>
    %get3A_162 = arith.constant 13 : index
    %get3A_163 = arith.constant 0 : index
    %get3A_164 = vector.load %arg2[%get3A_162, %get3A_163] : memref<32x256xf32, #tpu.memory_space<vmem>>, vector<1x256xf32>
    %select_n3A_165 = arith.select %gt3A_161, %get3A_164, %select_n3A_153 : vector<1x256xi1>, vector<1x256xf32>
    %get3A_166 = arith.constant 13 : index
    %get3A_167 = arith.constant 0 : index
    %get3A_168 = vector.load %arg3[%get3A_166, %get3A_167] : memref<32x256xf32, #tpu.memory_space<vmem>>, vector<1x256xf32>
    %select_n3A_169 = arith.select %gt3A_161, %get3A_168, %select_n3A_157 : vector<1x256xi1>, vector<1x256xf32>
    %get3A_170 = arith.constant 14 : index
    %get3A_171 = arith.constant 0 : index
    %get3A_172 = vector.load %arg2[%get3A_170, %get3A_171] : memref<32x256xf32, #tpu.memory_space<vmem>>, vector<1x256xf32>
    %gt3A_173 = arith.cmpf ogt, %get3A_172, %select_n3A_165 : vector<1x256xf32>
    %get3A_174 = arith.constant 14 : index
    %get3A_175 = arith.constant 0 : index
    %get3A_176 = vector.load %arg2[%get3A_174, %get3A_175] : memref<32x256xf32, #tpu.memory_space<vmem>>, vector<1x256xf32>
    %select_n3A_177 = arith.select %gt3A_173, %get3A_176, %select_n3A_165 : vector<1x256xi1>, vector<1x256xf32>
    %get3A_178 = arith.constant 14 : index
    %get3A_179 = arith.constant 0 : index
    %get3A_180 = vector.load %arg3[%get3A_178, %get3A_179] : memref<32x256xf32, #tpu.memory_space<vmem>>, vector<1x256xf32>
    %select_n3A_181 = arith.select %gt3A_173, %get3A_180, %select_n3A_169 : vector<1x256xi1>, vector<1x256xf32>
    %get3A_182 = arith.constant 15 : index
    %get3A_183 = arith.constant 0 : index
    %get3A_184 = vector.load %arg2[%get3A_182, %get3A_183] : memref<32x256xf32, #tpu.memory_space<vmem>>, vector<1x256xf32>
    %gt3A_185 = arith.cmpf ogt, %get3A_184, %select_n3A_177 : vector<1x256xf32>
    %get3A_186 = arith.constant 15 : index
    %get3A_187 = arith.constant 0 : index
    %get3A_188 = vector.load %arg2[%get3A_186, %get3A_187] : memref<32x256xf32, #tpu.memory_space<vmem>>, vector<1x256xf32>
    %select_n3A_189 = arith.select %gt3A_185, %get3A_188, %select_n3A_177 : vector<1x256xi1>, vector<1x256xf32>
    %get3A_190 = arith.constant 15 : index
    %get3A_191 = arith.constant 0 : index
    %get3A_192 = vector.load %arg3[%get3A_190, %get3A_191] : memref<32x256xf32, #tpu.memory_space<vmem>>, vector<1x256xf32>
    %select_n3A_193 = arith.select %gt3A_185, %get3A_192, %select_n3A_181 : vector<1x256xi1>, vector<1x256xf32>
    %get3A_194 = arith.constant 16 : index
    %get3A_195 = arith.constant 0 : index
    %get3A_196 = vector.load %arg2[%get3A_194, %get3A_195] : memref<32x256xf32, #tpu.memory_space<vmem>>, vector<1x256xf32>
    %gt3A_197 = arith.cmpf ogt, %get3A_196, %select_n3A_189 : vector<1x256xf32>
    %get3A_198 = arith.constant 16 : index
    %get3A_199 = arith.constant 0 : index
    %get3A_200 = vector.load %arg2[%get3A_198, %get3A_199] : memref<32x256xf32, #tpu.memory_space<vmem>>, vector<1x256xf32>
    %select_n3A_201 = arith.select %gt3A_197, %get3A_200, %select_n3A_189 : vector<1x256xi1>, vector<1x256xf32>
    %get3A_202 = arith.constant 16 : index
    %get3A_203 = arith.constant 0 : index
    %get3A_204 = vector.load %arg3[%get3A_202, %get3A_203] : memref<32x256xf32, #tpu.memory_space<vmem>>, vector<1x256xf32>
    %select_n3A_205 = arith.select %gt3A_197, %get3A_204, %select_n3A_193 : vector<1x256xi1>, vector<1x256xf32>
    %get3A_206 = arith.constant 17 : index
    %get3A_207 = arith.constant 0 : index
    %get3A_208 = vector.load %arg2[%get3A_206, %get3A_207] : memref<32x256xf32, #tpu.memory_space<vmem>>, vector<1x256xf32>
    %gt3A_209 = arith.cmpf ogt, %get3A_208, %select_n3A_201 : vector<1x256xf32>
    %get3A_210 = arith.constant 17 : index
    %get3A_211 = arith.constant 0 : index
    %get3A_212 = vector.load %arg2[%get3A_210, %get3A_211] : memref<32x256xf32, #tpu.memory_space<vmem>>, vector<1x256xf32>
    %select_n3A_213 = arith.select %gt3A_209, %get3A_212, %select_n3A_201 : vector<1x256xi1>, vector<1x256xf32>
    %get3A_214 = arith.constant 17 : index
    %get3A_215 = arith.constant 0 : index
    %get3A_216 = vector.load %arg3[%get3A_214, %get3A_215] : memref<32x256xf32, #tpu.memory_space<vmem>>, vector<1x256xf32>
    %select_n3A_217 = arith.select %gt3A_209, %get3A_216, %select_n3A_205 : vector<1x256xi1>, vector<1x256xf32>
    %get3A_218 = arith.constant 18 : index
    %get3A_219 = arith.constant 0 : index
    %get3A_220 = vector.load %arg2[%get3A_218, %get3A_219] : memref<32x256xf32, #tpu.memory_space<vmem>>, vector<1x256xf32>
    %gt3A_221 = arith.cmpf ogt, %get3A_220, %select_n3A_213 : vector<1x256xf32>
    %get3A_222 = arith.constant 18 : index
    %get3A_223 = arith.constant 0 : index
    %get3A_224 = vector.load %arg2[%get3A_222, %get3A_223] : memref<32x256xf32, #tpu.memory_space<vmem>>, vector<1x256xf32>
    %select_n3A_225 = arith.select %gt3A_221, %get3A_224, %select_n3A_213 : vector<1x256xi1>, vector<1x256xf32>
    %get3A_226 = arith.constant 18 : index
    %get3A_227 = arith.constant 0 : index
    %get3A_228 = vector.load %arg3[%get3A_226, %get3A_227] : memref<32x256xf32, #tpu.memory_space<vmem>>, vector<1x256xf32>
    %select_n3A_229 = arith.select %gt3A_221, %get3A_228, %select_n3A_217 : vector<1x256xi1>, vector<1x256xf32>
    %get3A_230 = arith.constant 19 : index
    %get3A_231 = arith.constant 0 : index
    %get3A_232 = vector.load %arg2[%get3A_230, %get3A_231] : memref<32x256xf32, #tpu.memory_space<vmem>>, vector<1x256xf32>
    %gt3A_233 = arith.cmpf ogt, %get3A_232, %select_n3A_225 : vector<1x256xf32>
    %get3A_234 = arith.constant 19 : index
    %get3A_235 = arith.constant 0 : index
    %get3A_236 = vector.load %arg2[%get3A_234, %get3A_235] : memref<32x256xf32, #tpu.memory_space<vmem>>, vector<1x256xf32>
    %select_n3A_237 = arith.select %gt3A_233, %get3A_236, %select_n3A_225 : vector<1x256xi1>, vector<1x256xf32>
    %get3A_238 = arith.constant 19 : index
    %get3A_239 = arith.constant 0 : index
    %get3A_240 = vector.load %arg3[%get3A_238, %get3A_239] : memref<32x256xf32, #tpu.memory_space<vmem>>, vector<1x256xf32>
    %select_n3A_241 = arith.select %gt3A_233, %get3A_240, %select_n3A_229 : vector<1x256xi1>, vector<1x256xf32>
    %get3A_242 = arith.constant 20 : index
    %get3A_243 = arith.constant 0 : index
    %get3A_244 = vector.load %arg2[%get3A_242, %get3A_243] : memref<32x256xf32, #tpu.memory_space<vmem>>, vector<1x256xf32>
    %gt3A_245 = arith.cmpf ogt, %get3A_244, %select_n3A_237 : vector<1x256xf32>
    %get3A_246 = arith.constant 20 : index
    %get3A_247 = arith.constant 0 : index
    %get3A_248 = vector.load %arg2[%get3A_246, %get3A_247] : memref<32x256xf32, #tpu.memory_space<vmem>>, vector<1x256xf32>
    %select_n3A_249 = arith.select %gt3A_245, %get3A_248, %select_n3A_237 : vector<1x256xi1>, vector<1x256xf32>
    %get3A_250 = arith.constant 20 : index
    %get3A_251 = arith.constant 0 : index
    %get3A_252 = vector.load %arg3[%get3A_250, %get3A_251] : memref<32x256xf32, #tpu.memory_space<vmem>>, vector<1x256xf32>
    %select_n3A_253 = arith.select %gt3A_245, %get3A_252, %select_n3A_241 : vector<1x256xi1>, vector<1x256xf32>
    %get3A_254 = arith.constant 21 : index
    %get3A_255 = arith.constant 0 : index
    %get3A_256 = vector.load %arg2[%get3A_254, %get3A_255] : memref<32x256xf32, #tpu.memory_space<vmem>>, vector<1x256xf32>
    %gt3A_257 = arith.cmpf ogt, %get3A_256, %select_n3A_249 : vector<1x256xf32>
    %get3A_258 = arith.constant 21 : index
    %get3A_259 = arith.constant 0 : index
    %get3A_260 = vector.load %arg2[%get3A_258, %get3A_259] : memref<32x256xf32, #tpu.memory_space<vmem>>, vector<1x256xf32>
    %select_n3A_261 = arith.select %gt3A_257, %get3A_260, %select_n3A_249 : vector<1x256xi1>, vector<1x256xf32>
    %get3A_262 = arith.constant 21 : index
    %get3A_263 = arith.constant 0 : index
    %get3A_264 = vector.load %arg3[%get3A_262, %get3A_263] : memref<32x256xf32, #tpu.memory_space<vmem>>, vector<1x256xf32>
    %select_n3A_265 = arith.select %gt3A_257, %get3A_264, %select_n3A_253 : vector<1x256xi1>, vector<1x256xf32>
    %get3A_266 = arith.constant 22 : index
    %get3A_267 = arith.constant 0 : index
    %get3A_268 = vector.load %arg2[%get3A_266, %get3A_267] : memref<32x256xf32, #tpu.memory_space<vmem>>, vector<1x256xf32>
    %gt3A_269 = arith.cmpf ogt, %get3A_268, %select_n3A_261 : vector<1x256xf32>
    %get3A_270 = arith.constant 22 : index
    %get3A_271 = arith.constant 0 : index
    %get3A_272 = vector.load %arg2[%get3A_270, %get3A_271] : memref<32x256xf32, #tpu.memory_space<vmem>>, vector<1x256xf32>
    %select_n3A_273 = arith.select %gt3A_269, %get3A_272, %select_n3A_261 : vector<1x256xi1>, vector<1x256xf32>
    %get3A_274 = arith.constant 22 : index
    %get3A_275 = arith.constant 0 : index
    %get3A_276 = vector.load %arg3[%get3A_274, %get3A_275] : memref<32x256xf32, #tpu.memory_space<vmem>>, vector<1x256xf32>
    %select_n3A_277 = arith.select %gt3A_269, %get3A_276, %select_n3A_265 : vector<1x256xi1>, vector<1x256xf32>
    %get3A_278 = arith.constant 23 : index
    %get3A_279 = arith.constant 0 : index
    %get3A_280 = vector.load %arg2[%get3A_278, %get3A_279] : memref<32x256xf32, #tpu.memory_space<vmem>>, vector<1x256xf32>
    %gt3A_281 = arith.cmpf ogt, %get3A_280, %select_n3A_273 : vector<1x256xf32>
    %get3A_282 = arith.constant 23 : index
    %get3A_283 = arith.constant 0 : index
    %get3A_284 = vector.load %arg2[%get3A_282, %get3A_283] : memref<32x256xf32, #tpu.memory_space<vmem>>, vector<1x256xf32>
    %select_n3A_285 = arith.select %gt3A_281, %get3A_284, %select_n3A_273 : vector<1x256xi1>, vector<1x256xf32>
    %get3A_286 = arith.constant 23 : index
    %get3A_287 = arith.constant 0 : index
    %get3A_288 = vector.load %arg3[%get3A_286, %get3A_287] : memref<32x256xf32, #tpu.memory_space<vmem>>, vector<1x256xf32>
    %select_n3A_289 = arith.select %gt3A_281, %get3A_288, %select_n3A_277 : vector<1x256xi1>, vector<1x256xf32>
    %get3A_290 = arith.constant 24 : index
    %get3A_291 = arith.constant 0 : index
    %get3A_292 = vector.load %arg2[%get3A_290, %get3A_291] : memref<32x256xf32, #tpu.memory_space<vmem>>, vector<1x256xf32>
    %gt3A_293 = arith.cmpf ogt, %get3A_292, %select_n3A_285 : vector<1x256xf32>
    %get3A_294 = arith.constant 24 : index
    %get3A_295 = arith.constant 0 : index
    %get3A_296 = vector.load %arg2[%get3A_294, %get3A_295] : memref<32x256xf32, #tpu.memory_space<vmem>>, vector<1x256xf32>
    %select_n3A_297 = arith.select %gt3A_293, %get3A_296, %select_n3A_285 : vector<1x256xi1>, vector<1x256xf32>
    %get3A_298 = arith.constant 24 : index
    %get3A_299 = arith.constant 0 : index
    %get3A_300 = vector.load %arg3[%get3A_298, %get3A_299] : memref<32x256xf32, #tpu.memory_space<vmem>>, vector<1x256xf32>
    %select_n3A_301 = arith.select %gt3A_293, %get3A_300, %select_n3A_289 : vector<1x256xi1>, vector<1x256xf32>
    %get3A_302 = arith.constant 25 : index
    %get3A_303 = arith.constant 0 : index
    %get3A_304 = vector.load %arg2[%get3A_302, %get3A_303] : memref<32x256xf32, #tpu.memory_space<vmem>>, vector<1x256xf32>
    %gt3A_305 = arith.cmpf ogt, %get3A_304, %select_n3A_297 : vector<1x256xf32>
    %get3A_306 = arith.constant 25 : index
    %get3A_307 = arith.constant 0 : index
    %get3A_308 = vector.load %arg2[%get3A_306, %get3A_307] : memref<32x256xf32, #tpu.memory_space<vmem>>, vector<1x256xf32>
    %select_n3A_309 = arith.select %gt3A_305, %get3A_308, %select_n3A_297 : vector<1x256xi1>, vector<1x256xf32>
    %get3A_310 = arith.constant 25 : index
    %get3A_311 = arith.constant 0 : index
    %get3A_312 = vector.load %arg3[%get3A_310, %get3A_311] : memref<32x256xf32, #tpu.memory_space<vmem>>, vector<1x256xf32>
    %select_n3A_313 = arith.select %gt3A_305, %get3A_312, %select_n3A_301 : vector<1x256xi1>, vector<1x256xf32>
    %get3A_314 = arith.constant 26 : index
    %get3A_315 = arith.constant 0 : index
    %get3A_316 = vector.load %arg2[%get3A_314, %get3A_315] : memref<32x256xf32, #tpu.memory_space<vmem>>, vector<1x256xf32>
    %gt3A_317 = arith.cmpf ogt, %get3A_316, %select_n3A_309 : vector<1x256xf32>
    %get3A_318 = arith.constant 26 : index
    %get3A_319 = arith.constant 0 : index
    %get3A_320 = vector.load %arg2[%get3A_318, %get3A_319] : memref<32x256xf32, #tpu.memory_space<vmem>>, vector<1x256xf32>
    %select_n3A_321 = arith.select %gt3A_317, %get3A_320, %select_n3A_309 : vector<1x256xi1>, vector<1x256xf32>
    %get3A_322 = arith.constant 26 : index
    %get3A_323 = arith.constant 0 : index
    %get3A_324 = vector.load %arg3[%get3A_322, %get3A_323] : memref<32x256xf32, #tpu.memory_space<vmem>>, vector<1x256xf32>
    %select_n3A_325 = arith.select %gt3A_317, %get3A_324, %select_n3A_313 : vector<1x256xi1>, vector<1x256xf32>
    %get3A_326 = arith.constant 27 : index
    %get3A_327 = arith.constant 0 : index
    %get3A_328 = vector.load %arg2[%get3A_326, %get3A_327] : memref<32x256xf32, #tpu.memory_space<vmem>>, vector<1x256xf32>
    %gt3A_329 = arith.cmpf ogt, %get3A_328, %select_n3A_321 : vector<1x256xf32>
    %get3A_330 = arith.constant 27 : index
    %get3A_331 = arith.constant 0 : index
    %get3A_332 = vector.load %arg2[%get3A_330, %get3A_331] : memref<32x256xf32, #tpu.memory_space<vmem>>, vector<1x256xf32>
    %select_n3A_333 = arith.select %gt3A_329, %get3A_332, %select_n3A_321 : vector<1x256xi1>, vector<1x256xf32>
    %get3A_334 = arith.constant 27 : index
    %get3A_335 = arith.constant 0 : index
    %get3A_336 = vector.load %arg3[%get3A_334, %get3A_335] : memref<32x256xf32, #tpu.memory_space<vmem>>, vector<1x256xf32>
    %select_n3A_337 = arith.select %gt3A_329, %get3A_336, %select_n3A_325 : vector<1x256xi1>, vector<1x256xf32>
    %get3A_338 = arith.constant 28 : index
    %get3A_339 = arith.constant 0 : index
    %get3A_340 = vector.load %arg2[%get3A_338, %get3A_339] : memref<32x256xf32, #tpu.memory_space<vmem>>, vector<1x256xf32>
    %gt3A_341 = arith.cmpf ogt, %get3A_340, %select_n3A_333 : vector<1x256xf32>
    %get3A_342 = arith.constant 28 : index
    %get3A_343 = arith.constant 0 : index
    %get3A_344 = vector.load %arg2[%get3A_342, %get3A_343] : memref<32x256xf32, #tpu.memory_space<vmem>>, vector<1x256xf32>
    %select_n3A_345 = arith.select %gt3A_341, %get3A_344, %select_n3A_333 : vector<1x256xi1>, vector<1x256xf32>
    %get3A_346 = arith.constant 28 : index
    %get3A_347 = arith.constant 0 : index
    %get3A_348 = vector.load %arg3[%get3A_346, %get3A_347] : memref<32x256xf32, #tpu.memory_space<vmem>>, vector<1x256xf32>
    %select_n3A_349 = arith.select %gt3A_341, %get3A_348, %select_n3A_337 : vector<1x256xi1>, vector<1x256xf32>
    %get3A_350 = arith.constant 29 : index
    %get3A_351 = arith.constant 0 : index
    %get3A_352 = vector.load %arg2[%get3A_350, %get3A_351] : memref<32x256xf32, #tpu.memory_space<vmem>>, vector<1x256xf32>
    %gt3A_353 = arith.cmpf ogt, %get3A_352, %select_n3A_345 : vector<1x256xf32>
    %get3A_354 = arith.constant 29 : index
    %get3A_355 = arith.constant 0 : index
    %get3A_356 = vector.load %arg2[%get3A_354, %get3A_355] : memref<32x256xf32, #tpu.memory_space<vmem>>, vector<1x256xf32>
    %select_n3A_357 = arith.select %gt3A_353, %get3A_356, %select_n3A_345 : vector<1x256xi1>, vector<1x256xf32>
    %get3A_358 = arith.constant 29 : index
    %get3A_359 = arith.constant 0 : index
    %get3A_360 = vector.load %arg3[%get3A_358, %get3A_359] : memref<32x256xf32, #tpu.memory_space<vmem>>, vector<1x256xf32>
    %select_n3A_361 = arith.select %gt3A_353, %get3A_360, %select_n3A_349 : vector<1x256xi1>, vector<1x256xf32>
    %get3A_362 = arith.constant 30 : index
    %get3A_363 = arith.constant 0 : index
    %get3A_364 = vector.load %arg2[%get3A_362, %get3A_363] : memref<32x256xf32, #tpu.memory_space<vmem>>, vector<1x256xf32>
    %gt3A_365 = arith.cmpf ogt, %get3A_364, %select_n3A_357 : vector<1x256xf32>
    %get3A_366 = arith.constant 30 : index
    %get3A_367 = arith.constant 0 : index
    %get3A_368 = vector.load %arg2[%get3A_366, %get3A_367] : memref<32x256xf32, #tpu.memory_space<vmem>>, vector<1x256xf32>
    %select_n3A_369 = arith.select %gt3A_365, %get3A_368, %select_n3A_357 : vector<1x256xi1>, vector<1x256xf32>
    %get3A_370 = arith.constant 30 : index
    %get3A_371 = arith.constant 0 : index
    %get3A_372 = vector.load %arg3[%get3A_370, %get3A_371] : memref<32x256xf32, #tpu.memory_space<vmem>>, vector<1x256xf32>
    %select_n3A_373 = arith.select %gt3A_365, %get3A_372, %select_n3A_361 : vector<1x256xi1>, vector<1x256xf32>
    %get3A_374 = arith.constant 31 : index
    %get3A_375 = arith.constant 0 : index
    %get3A_376 = vector.load %arg2[%get3A_374, %get3A_375] : memref<32x256xf32, #tpu.memory_space<vmem>>, vector<1x256xf32>
    %gt3A_377 = arith.cmpf ogt, %get3A_376, %select_n3A_369 : vector<1x256xf32>
    %get3A_378 = arith.constant 31 : index
    %get3A_379 = arith.constant 0 : index
    %get3A_380 = vector.load %arg3[%get3A_378, %get3A_379] : memref<32x256xf32, #tpu.memory_space<vmem>>, vector<1x256xf32>
    %select_n3A_381 = arith.select %gt3A_377, %get3A_380, %select_n3A_373 : vector<1x256xi1>, vector<1x256xf32>
    %swap3A_382 = arith.constant 0 : index
    %swap3A_383 = arith.constant 0 : index
    %swap3A_384 = arith.constant 0 : index
    %swap3A_385 = vector.load %arg7[%swap3A_382, %swap3A_383, %swap3A_384] : memref<1x1x256xf32, #tpu.memory_space<vmem>>, vector<1x1x256xf32>
    %swap3A_386 = vector.shape_cast %swap3A_385 : vector<1x1x256xf32> to vector<1x256xf32>
    %swap3A_387 = vector.shape_cast %select_n3A_381 : vector<1x256xf32> to vector<1x1x256xf32>
    tpu.vector_store %arg7[%swap3A_382, %swap3A_383, %swap3A_384], %swap3A_387 {strides = array<i32>} : memref<1x1x256xf32, #tpu.memory_space<vmem>>, vector<1x1x256xf32>,
    %get3A_388 = arith.constant 0 : index
    %get3A_389 = arith.constant 0 : index
    %get3A_390 = vector.load %arg4[%get3A_388, %get3A_389] : memref<32x256xf32, #tpu.memory_space<vmem>>, vector<1x256xf32>
    %get3A_391 = arith.constant 0 : index
    %get3A_392 = arith.constant 0 : index
    %get3A_393 = vector.load %arg5[%get3A_391, %get3A_392] : memref<32x256xf32, #tpu.memory_space<vmem>>, vector<1x256xf32>
    %get3A_394 = arith.constant 1 : index
    %get3A_395 = arith.constant 0 : index
    %get3A_396 = vector.load %arg4[%get3A_394, %get3A_395] : memref<32x256xf32, #tpu.memory_space<vmem>>, vector<1x256xf32>
    %gt3A_397 = arith.cmpf ogt, %get3A_396, %get3A_390 : vector<1x256xf32>
    %get3A_398 = arith.constant 1 : index
    %get3A_399 = arith.constant 0 : index
    %get3A_400 = vector.load %arg4[%get3A_398, %get3A_399] : memref<32x256xf32, #tpu.memory_space<vmem>>, vector<1x256xf32>
    %select_n3A_401 = arith.select %gt3A_397, %get3A_400, %get3A_390 : vector<1x256xi1>, vector<1x256xf32>
    %get3A_402 = arith.constant 1 : index
    %get3A_403 = arith.constant 0 : index
    %get3A_404 = vector.load %arg5[%get3A_402, %get3A_403] : memref<32x256xf32, #tpu.memory_space<vmem>>, vector<1x256xf32>
    %select_n3A_405 = arith.select %gt3A_397, %get3A_404, %get3A_393 : vector<1x256xi1>, vector<1x256xf32>
    %get3A_406 = arith.constant 2 : index
    %get3A_407 = arith.constant 0 : index
    %get3A_408 = vector.load %arg4[%get3A_406, %get3A_407] : memref<32x256xf32, #tpu.memory_space<vmem>>, vector<1x256xf32>
    %gt3A_409 = arith.cmpf ogt, %get3A_408, %select_n3A_401 : vector<1x256xf32>
    %get3A_410 = arith.constant 2 : index
    %get3A_411 = arith.constant 0 : index
    %get3A_412 = vector.load %arg4[%get3A_410, %get3A_411] : memref<32x256xf32, #tpu.memory_space<vmem>>, vector<1x256xf32>
    %select_n3A_413 = arith.select %gt3A_409, %get3A_412, %select_n3A_401 : vector<1x256xi1>, vector<1x256xf32>
    %get3A_414 = arith.constant 2 : index
    %get3A_415 = arith.constant 0 : index
    %get3A_416 = vector.load %arg5[%get3A_414, %get3A_415] : memref<32x256xf32, #tpu.memory_space<vmem>>, vector<1x256xf32>
    %select_n3A_417 = arith.select %gt3A_409, %get3A_416, %select_n3A_405 : vector<1x256xi1>, vector<1x256xf32>
    %get3A_418 = arith.constant 3 : index
    %get3A_419 = arith.constant 0 : index
    %get3A_420 = vector.load %arg4[%get3A_418, %get3A_419] : memref<32x256xf32, #tpu.memory_space<vmem>>, vector<1x256xf32>
    %gt3A_421 = arith.cmpf ogt, %get3A_420, %select_n3A_413 : vector<1x256xf32>
    %get3A_422 = arith.constant 3 : index
    %get3A_423 = arith.constant 0 : index
    %get3A_424 = vector.load %arg4[%get3A_422, %get3A_423] : memref<32x256xf32, #tpu.memory_space<vmem>>, vector<1x256xf32>
    %select_n3A_425 = arith.select %gt3A_421, %get3A_424, %select_n3A_413 : vector<1x256xi1>, vector<1x256xf32>
    %get3A_426 = arith.constant 3 : index
    %get3A_427 = arith.constant 0 : index
    %get3A_428 = vector.load %arg5[%get3A_426, %get3A_427] : memref<32x256xf32, #tpu.memory_space<vmem>>, vector<1x256xf32>
    %select_n3A_429 = arith.select %gt3A_421, %get3A_428, %select_n3A_417 : vector<1x256xi1>, vector<1x256xf32>
    %get3A_430 = arith.constant 4 : index
    %get3A_431 = arith.constant 0 : index
    %get3A_432 = vector.load %arg4[%get3A_430, %get3A_431] : memref<32x256xf32, #tpu.memory_space<vmem>>, vector<1x256xf32>
    %gt3A_433 = arith.cmpf ogt, %get3A_432, %select_n3A_425 : vector<1x256xf32>
    %get3A_434 = arith.constant 4 : index
    %get3A_435 = arith.constant 0 : index
    %get3A_436 = vector.load %arg4[%get3A_434, %get3A_435] : memref<32x256xf32, #tpu.memory_space<vmem>>, vector<1x256xf32>
    %select_n3A_437 = arith.select %gt3A_433, %get3A_436, %select_n3A_425 : vector<1x256xi1>, vector<1x256xf32>
    %get3A_438 = arith.constant 4 : index
    %get3A_439 = arith.constant 0 : index
    %get3A_440 = vector.load %arg5[%get3A_438, %get3A_439] : memref<32x256xf32, #tpu.memory_space<vmem>>, vector<1x256xf32>
    %select_n3A_441 = arith.select %gt3A_433, %get3A_440, %select_n3A_429 : vector<1x256xi1>, vector<1x256xf32>
    %get3A_442 = arith.constant 5 : index
    %get3A_443 = arith.constant 0 : index
    %get3A_444 = vector.load %arg4[%get3A_442, %get3A_443] : memref<32x256xf32, #tpu.memory_space<vmem>>, vector<1x256xf32>
    %gt3A_445 = arith.cmpf ogt, %get3A_444, %select_n3A_437 : vector<1x256xf32>
    %get3A_446 = arith.constant 5 : index
    %get3A_447 = arith.constant 0 : index
    %get3A_448 = vector.load %arg4[%get3A_446, %get3A_447] : memref<32x256xf32, #tpu.memory_space<vmem>>, vector<1x256xf32>
    %select_n3A_449 = arith.select %gt3A_445, %get3A_448, %select_n3A_437 : vector<1x256xi1>, vector<1x256xf32>
    %get3A_450 = arith.constant 5 : index
    %get3A_451 = arith.constant 0 : index
    %get3A_452 = vector.load %arg5[%get3A_450, %get3A_451] : memref<32x256xf32, #tpu.memory_space<vmem>>, vector<1x256xf32>
    %select_n3A_453 = arith.select %gt3A_445, %get3A_452, %select_n3A_441 : vector<1x256xi1>, vector<1x256xf32>
    %get3A_454 = arith.constant 6 : index
    %get3A_455 = arith.constant 0 : index
    %get3A_456 = vector.load %arg4[%get3A_454, %get3A_455] : memref<32x256xf32, #tpu.memory_space<vmem>>, vector<1x256xf32>
    %gt3A_457 = arith.cmpf ogt, %get3A_456, %select_n3A_449 : vector<1x256xf32>
    %get3A_458 = arith.constant 6 : index
    %get3A_459 = arith.constant 0 : index
    %get3A_460 = vector.load %arg4[%get3A_458, %get3A_459] : memref<32x256xf32, #tpu.memory_space<vmem>>, vector<1x256xf32>
    %select_n3A_461 = arith.select %gt3A_457, %get3A_460, %select_n3A_449 : vector<1x256xi1>, vector<1x256xf32>
    %get3A_462 = arith.constant 6 : index
    %get3A_463 = arith.constant 0 : index
    %get3A_464 = vector.load %arg5[%get3A_462, %get3A_463] : memref<32x256xf32, #tpu.memory_space<vmem>>, vector<1x256xf32>
    %select_n3A_465 = arith.select %gt3A_457, %get3A_464, %select_n3A_453 : vector<1x256xi1>, vector<1x256xf32>
    %get3A_466 = arith.constant 7 : index
    %get3A_467 = arith.constant 0 : index
    %get3A_468 = vector.load %arg4[%get3A_466, %get3A_467] : memref<32x256xf32, #tpu.memory_space<vmem>>, vector<1x256xf32>
    %gt3A_469 = arith.cmpf ogt, %get3A_468, %select_n3A_461 : vector<1x256xf32>
    %get3A_470 = arith.constant 7 : index
    %get3A_471 = arith.constant 0 : index
    %get3A_472 = vector.load %arg4[%get3A_470, %get3A_471] : memref<32x256xf32, #tpu.memory_space<vmem>>, vector<1x256xf32>
    %select_n3A_473 = arith.select %gt3A_469, %get3A_472, %select_n3A_461 : vector<1x256xi1>, vector<1x256xf32>
    %get3A_474 = arith.constant 7 : index
    %get3A_475 = arith.constant 0 : index
    %get3A_476 = vector.load %arg5[%get3A_474, %get3A_475] : memref<32x256xf32, #tpu.memory_space<vmem>>, vector<1x256xf32>
    %select_n3A_477 = arith.select %gt3A_469, %get3A_476, %select_n3A_465 : vector<1x256xi1>, vector<1x256xf32>
    %get3A_478 = arith.constant 8 : index
    %get3A_479 = arith.constant 0 : index
    %get3A_480 = vector.load %arg4[%get3A_478, %get3A_479] : memref<32x256xf32, #tpu.memory_space<vmem>>, vector<1x256xf32>
    %gt3A_481 = arith.cmpf ogt, %get3A_480, %select_n3A_473 : vector<1x256xf32>
    %get3A_482 = arith.constant 8 : index
    %get3A_483 = arith.constant 0 : index
    %get3A_484 = vector.load %arg4[%get3A_482, %get3A_483] : memref<32x256xf32, #tpu.memory_space<vmem>>, vector<1x256xf32>
    %select_n3A_485 = arith.select %gt3A_481, %get3A_484, %select_n3A_473 : vector<1x256xi1>, vector<1x256xf32>
    %get3A_486 = arith.constant 8 : index
    %get3A_487 = arith.constant 0 : index
    %get3A_488 = vector.load %arg5[%get3A_486, %get3A_487] : memref<32x256xf32, #tpu.memory_space<vmem>>, vector<1x256xf32>
    %select_n3A_489 = arith.select %gt3A_481, %get3A_488, %select_n3A_477 : vector<1x256xi1>, vector<1x256xf32>
    %get3A_490 = arith.constant 9 : index
    %get3A_491 = arith.constant 0 : index
    %get3A_492 = vector.load %arg4[%get3A_490, %get3A_491] : memref<32x256xf32, #tpu.memory_space<vmem>>, vector<1x256xf32>
    %gt3A_493 = arith.cmpf ogt, %get3A_492, %select_n3A_485 : vector<1x256xf32>
    %get3A_494 = arith.constant 9 : index
    %get3A_495 = arith.constant 0 : index
    %get3A_496 = vector.load %arg4[%get3A_494, %get3A_495] : memref<32x256xf32, #tpu.memory_space<vmem>>, vector<1x256xf32>
    %select_n3A_497 = arith.select %gt3A_493, %get3A_496, %select_n3A_485 : vector<1x256xi1>, vector<1x256xf32>
    %get3A_498 = arith.constant 9 : index
    %get3A_499 = arith.constant 0 : index
    %get3A_500 = vector.load %arg5[%get3A_498, %get3A_499] : memref<32x256xf32, #tpu.memory_space<vmem>>, vector<1x256xf32>
    %select_n3A_501 = arith.select %gt3A_493, %get3A_500, %select_n3A_489 : vector<1x256xi1>, vector<1x256xf32>
    %get3A_502 = arith.constant 10 : index
    %get3A_503 = arith.constant 0 : index
    %get3A_504 = vector.load %arg4[%get3A_502, %get3A_503] : memref<32x256xf32, #tpu.memory_space<vmem>>, vector<1x256xf32>
    %gt3A_505 = arith.cmpf ogt, %get3A_504, %select_n3A_497 : vector<1x256xf32>
    %get3A_506 = arith.constant 10 : index
    %get3A_507 = arith.constant 0 : index
    %get3A_508 = vector.load %arg4[%get3A_506, %get3A_507] : memref<32x256xf32, #tpu.memory_space<vmem>>, vector<1x256xf32>
    %select_n3A_509 = arith.select %gt3A_505, %get3A_508, %select_n3A_497 : vector<1x256xi1>, vector<1x256xf32>
    %get3A_510 = arith.constant 10 : index
    %get3A_511 = arith.constant 0 : index
    %get3A_512 = vector.load %arg5[%get3A_510, %get3A_511] : memref<32x256xf32, #tpu.memory_space<vmem>>, vector<1x256xf32>
    %select_n3A_513 = arith.select %gt3A_505, %get3A_512, %select_n3A_501 : vector<1x256xi1>, vector<1x256xf32>
    %get3A_514 = arith.constant 11 : index
    %get3A_515 = arith.constant 0 : index
    %get3A_516 = vector.load %arg4[%get3A_514, %get3A_515] : memref<32x256xf32, #tpu.memory_space<vmem>>, vector<1x256xf32>
    %gt3A_517 = arith.cmpf ogt, %get3A_516, %select_n3A_509 : vector<1x256xf32>
    %get3A_518 = arith.constant 11 : index
    %get3A_519 = arith.constant 0 : index
    %get3A_520 = vector.load %arg4[%get3A_518, %get3A_519] : memref<32x256xf32, #tpu.memory_space<vmem>>, vector<1x256xf32>
    %select_n3A_521 = arith.select %gt3A_517, %get3A_520, %select_n3A_509 : vector<1x256xi1>, vector<1x256xf32>
    %get3A_522 = arith.constant 11 : index
    %get3A_523 = arith.constant 0 : index
    %get3A_524 = vector.load %arg5[%get3A_522, %get3A_523] : memref<32x256xf32, #tpu.memory_space<vmem>>, vector<1x256xf32>
    %select_n3A_525 = arith.select %gt3A_517, %get3A_524, %select_n3A_513 : vector<1x256xi1>, vector<1x256xf32>
    %get3A_526 = arith.constant 12 : index
    %get3A_527 = arith.constant 0 : index
    %get3A_528 = vector.load %arg4[%get3A_526, %get3A_527] : memref<32x256xf32, #tpu.memory_space<vmem>>, vector<1x256xf32>
    %gt3A_529 = arith.cmpf ogt, %get3A_528, %select_n3A_521 : vector<1x256xf32>
    %get3A_530 = arith.constant 12 : index
    %get3A_531 = arith.constant 0 : index
    %get3A_532 = vector.load %arg4[%get3A_530, %get3A_531] : memref<32x256xf32, #tpu.memory_space<vmem>>, vector<1x256xf32>
    %select_n3A_533 = arith.select %gt3A_529, %get3A_532, %select_n3A_521 : vector<1x256xi1>, vector<1x256xf32>
    %get3A_534 = arith.constant 12 : index
    %get3A_535 = arith.constant 0 : index
    %get3A_536 = vector.load %arg5[%get3A_534, %get3A_535] : memref<32x256xf32, #tpu.memory_space<vmem>>, vector<1x256xf32>
    %select_n3A_537 = arith.select %gt3A_529, %get3A_536, %select_n3A_525 : vector<1x256xi1>, vector<1x256xf32>
    %get3A_538 = arith.constant 13 : index
    %get3A_539 = arith.constant 0 : index
    %get3A_540 = vector.load %arg4[%get3A_538, %get3A_539] : memref<32x256xf32, #tpu.memory_space<vmem>>, vector<1x256xf32>
    %gt3A_541 = arith.cmpf ogt, %get3A_540, %select_n3A_533 : vector<1x256xf32>
    %get3A_542 = arith.constant 13 : index
    %get3A_543 = arith.constant 0 : index
    %get3A_544 = vector.load %arg4[%get3A_542, %get3A_543] : memref<32x256xf32, #tpu.memory_space<vmem>>, vector<1x256xf32>
    %select_n3A_545 = arith.select %gt3A_541, %get3A_544, %select_n3A_533 : vector<1x256xi1>, vector<1x256xf32>
    %get3A_546 = arith.constant 13 : index
    %get3A_547 = arith.constant 0 : index
    %get3A_548 = vector.load %arg5[%get3A_546, %get3A_547] : memref<32x256xf32, #tpu.memory_space<vmem>>, vector<1x256xf32>
    %select_n3A_549 = arith.select %gt3A_541, %get3A_548, %select_n3A_537 : vector<1x256xi1>, vector<1x256xf32>
    %get3A_550 = arith.constant 14 : index
    %get3A_551 = arith.constant 0 : index
    %get3A_552 = vector.load %arg4[%get3A_550, %get3A_551] : memref<32x256xf32, #tpu.memory_space<vmem>>, vector<1x256xf32>
    %gt3A_553 = arith.cmpf ogt, %get3A_552, %select_n3A_545 : vector<1x256xf32>
    %get3A_554 = arith.constant 14 : index
    %get3A_555 = arith.constant 0 : index
    %get3A_556 = vector.load %arg4[%get3A_554, %get3A_555] : memref<32x256xf32, #tpu.memory_space<vmem>>, vector<1x256xf32>
    %select_n3A_557 = arith.select %gt3A_553, %get3A_556, %select_n3A_545 : vector<1x256xi1>, vector<1x256xf32>
    %get3A_558 = arith.constant 14 : index
    %get3A_559 = arith.constant 0 : index
    %get3A_560 = vector.load %arg5[%get3A_558, %get3A_559] : memref<32x256xf32, #tpu.memory_space<vmem>>, vector<1x256xf32>
    %select_n3A_561 = arith.select %gt3A_553, %get3A_560, %select_n3A_549 : vector<1x256xi1>, vector<1x256xf32>
    %get3A_562 = arith.constant 15 : index
    %get3A_563 = arith.constant 0 : index
    %get3A_564 = vector.load %arg4[%get3A_562, %get3A_563] : memref<32x256xf32, #tpu.memory_space<vmem>>, vector<1x256xf32>
    %gt3A_565 = arith.cmpf ogt, %get3A_564, %select_n3A_557 : vector<1x256xf32>
    %get3A_566 = arith.constant 15 : index
    %get3A_567 = arith.constant 0 : index
    %get3A_568 = vector.load %arg4[%get3A_566, %get3A_567] : memref<32x256xf32, #tpu.memory_space<vmem>>, vector<1x256xf32>
    %select_n3A_569 = arith.select %gt3A_565, %get3A_568, %select_n3A_557 : vector<1x256xi1>, vector<1x256xf32>
    %get3A_570 = arith.constant 15 : index
    %get3A_571 = arith.constant 0 : index
    %get3A_572 = vector.load %arg5[%get3A_570, %get3A_571] : memref<32x256xf32, #tpu.memory_space<vmem>>, vector<1x256xf32>
    %select_n3A_573 = arith.select %gt3A_565, %get3A_572, %select_n3A_561 : vector<1x256xi1>, vector<1x256xf32>
    %get3A_574 = arith.constant 16 : index
    %get3A_575 = arith.constant 0 : index
    %get3A_576 = vector.load %arg4[%get3A_574, %get3A_575] : memref<32x256xf32, #tpu.memory_space<vmem>>, vector<1x256xf32>
    %gt3A_577 = arith.cmpf ogt, %get3A_576, %select_n3A_569 : vector<1x256xf32>
    %get3A_578 = arith.constant 16 : index
    %get3A_579 = arith.constant 0 : index
    %get3A_580 = vector.load %arg4[%get3A_578, %get3A_579] : memref<32x256xf32, #tpu.memory_space<vmem>>, vector<1x256xf32>
    %select_n3A_581 = arith.select %gt3A_577, %get3A_580, %select_n3A_569 : vector<1x256xi1>, vector<1x256xf32>
    %get3A_582 = arith.constant 16 : index
    %get3A_583 = arith.constant 0 : index
    %get3A_584 = vector.load %arg5[%get3A_582, %get3A_583] : memref<32x256xf32, #tpu.memory_space<vmem>>, vector<1x256xf32>
    %select_n3A_585 = arith.select %gt3A_577, %get3A_584, %select_n3A_573 : vector<1x256xi1>, vector<1x256xf32>
    %get3A_586 = arith.constant 17 : index
    %get3A_587 = arith.constant 0 : index
    %get3A_588 = vector.load %arg4[%get3A_586, %get3A_587] : memref<32x256xf32, #tpu.memory_space<vmem>>, vector<1x256xf32>
    %gt3A_589 = arith.cmpf ogt, %get3A_588, %select_n3A_581 : vector<1x256xf32>
    %get3A_590 = arith.constant 17 : index
    %get3A_591 = arith.constant 0 : index
    %get3A_592 = vector.load %arg4[%get3A_590, %get3A_591] : memref<32x256xf32, #tpu.memory_space<vmem>>, vector<1x256xf32>
    %select_n3A_593 = arith.select %gt3A_589, %get3A_592, %select_n3A_581 : vector<1x256xi1>, vector<1x256xf32>
    %get3A_594 = arith.constant 17 : index
    %get3A_595 = arith.constant 0 : index
    %get3A_596 = vector.load %arg5[%get3A_594, %get3A_595] : memref<32x256xf32, #tpu.memory_space<vmem>>, vector<1x256xf32>
    %select_n3A_597 = arith.select %gt3A_589, %get3A_596, %select_n3A_585 : vector<1x256xi1>, vector<1x256xf32>
    %get3A_598 = arith.constant 18 : index
    %get3A_599 = arith.constant 0 : index
    %get3A_600 = vector.load %arg4[%get3A_598, %get3A_599] : memref<32x256xf32, #tpu.memory_space<vmem>>, vector<1x256xf32>
    %gt3A_601 = arith.cmpf ogt, %get3A_600, %select_n3A_593 : vector<1x256xf32>
    %get3A_602 = arith.constant 18 : index
    %get3A_603 = arith.constant 0 : index
    %get3A_604 = vector.load %arg4[%get3A_602, %get3A_603] : memref<32x256xf32, #tpu.memory_space<vmem>>, vector<1x256xf32>
    %select_n3A_605 = arith.select %gt3A_601, %get3A_604, %select_n3A_593 : vector<1x256xi1>, vector<1x256xf32>
    %get3A_606 = arith.constant 18 : index
    %get3A_607 = arith.constant 0 : index
    %get3A_608 = vector.load %arg5[%get3A_606, %get3A_607] : memref<32x256xf32, #tpu.memory_space<vmem>>, vector<1x256xf32>
    %select_n3A_609 = arith.select %gt3A_601, %get3A_608, %select_n3A_597 : vector<1x256xi1>, vector<1x256xf32>
    %get3A_610 = arith.constant 19 : index
    %get3A_611 = arith.constant 0 : index
    %get3A_612 = vector.load %arg4[%get3A_610, %get3A_611] : memref<32x256xf32, #tpu.memory_space<vmem>>, vector<1x256xf32>
    %gt3A_613 = arith.cmpf ogt, %get3A_612, %select_n3A_605 : vector<1x256xf32>
    %get3A_614 = arith.constant 19 : index
    %get3A_615 = arith.constant 0 : index
    %get3A_616 = vector.load %arg4[%get3A_614, %get3A_615] : memref<32x256xf32, #tpu.memory_space<vmem>>, vector<1x256xf32>
    %select_n3A_617 = arith.select %gt3A_613, %get3A_616, %select_n3A_605 : vector<1x256xi1>, vector<1x256xf32>
    %get3A_618 = arith.constant 19 : index
    %get3A_619 = arith.constant 0 : index
    %get3A_620 = vector.load %arg5[%get3A_618, %get3A_619] : memref<32x256xf32, #tpu.memory_space<vmem>>, vector<1x256xf32>
    %select_n3A_621 = arith.select %gt3A_613, %get3A_620, %select_n3A_609 : vector<1x256xi1>, vector<1x256xf32>
    %get3A_622 = arith.constant 20 : index
    %get3A_623 = arith.constant 0 : index
    %get3A_624 = vector.load %arg4[%get3A_622, %get3A_623] : memref<32x256xf32, #tpu.memory_space<vmem>>, vector<1x256xf32>
    %gt3A_625 = arith.cmpf ogt, %get3A_624, %select_n3A_617 : vector<1x256xf32>
    %get3A_626 = arith.constant 20 : index
    %get3A_627 = arith.constant 0 : index
    %get3A_628 = vector.load %arg4[%get3A_626, %get3A_627] : memref<32x256xf32, #tpu.memory_space<vmem>>, vector<1x256xf32>
    %select_n3A_629 = arith.select %gt3A_625, %get3A_628, %select_n3A_617 : vector<1x256xi1>, vector<1x256xf32>
    %get3A_630 = arith.constant 20 : index
    %get3A_631 = arith.constant 0 : index
    %get3A_632 = vector.load %arg5[%get3A_630, %get3A_631] : memref<32x256xf32, #tpu.memory_space<vmem>>, vector<1x256xf32>
    %select_n3A_633 = arith.select %gt3A_625, %get3A_632, %select_n3A_621 : vector<1x256xi1>, vector<1x256xf32>
    %get3A_634 = arith.constant 21 : index
    %get3A_635 = arith.constant 0 : index
    %get3A_636 = vector.load %arg4[%get3A_634, %get3A_635] : memref<32x256xf32, #tpu.memory_space<vmem>>, vector<1x256xf32>
    %gt3A_637 = arith.cmpf ogt, %get3A_636, %select_n3A_629 : vector<1x256xf32>
    %get3A_638 = arith.constant 21 : index
    %get3A_639 = arith.constant 0 : index
    %get3A_640 = vector.load %arg4[%get3A_638, %get3A_639] : memref<32x256xf32, #tpu.memory_space<vmem>>, vector<1x256xf32>
    %select_n3A_641 = arith.select %gt3A_637, %get3A_640, %select_n3A_629 : vector<1x256xi1>, vector<1x256xf32>
    %get3A_642 = arith.constant 21 : index
    %get3A_643 = arith.constant 0 : index
    %get3A_644 = vector.load %arg5[%get3A_642, %get3A_643] : memref<32x256xf32, #tpu.memory_space<vmem>>, vector<1x256xf32>
    %select_n3A_645 = arith.select %gt3A_637, %get3A_644, %select_n3A_633 : vector<1x256xi1>, vector<1x256xf32>
    %get3A_646 = arith.constant 22 : index
    %get3A_647 = arith.constant 0 : index
    %get3A_648 = vector.load %arg4[%get3A_646, %get3A_647] : memref<32x256xf32, #tpu.memory_space<vmem>>, vector<1x256xf32>
    %gt3A_649 = arith.cmpf ogt, %get3A_648, %select_n3A_641 : vector<1x256xf32>
    %get3A_650 = arith.constant 22 : index
    %get3A_651 = arith.constant 0 : index
    %get3A_652 = vector.load %arg4[%get3A_650, %get3A_651] : memref<32x256xf32, #tpu.memory_space<vmem>>, vector<1x256xf32>
    %select_n3A_653 = arith.select %gt3A_649, %get3A_652, %select_n3A_641 : vector<1x256xi1>, vector<1x256xf32>
    %get3A_654 = arith.constant 22 : index
    %get3A_655 = arith.constant 0 : index
    %get3A_656 = vector.load %arg5[%get3A_654, %get3A_655] : memref<32x256xf32, #tpu.memory_space<vmem>>, vector<1x256xf32>
    %select_n3A_657 = arith.select %gt3A_649, %get3A_656, %select_n3A_645 : vector<1x256xi1>, vector<1x256xf32>
    %get3A_658 = arith.constant 23 : index
    %get3A_659 = arith.constant 0 : index
    %get3A_660 = vector.load %arg4[%get3A_658, %get3A_659] : memref<32x256xf32, #tpu.memory_space<vmem>>, vector<1x256xf32>
    %gt3A_661 = arith.cmpf ogt, %get3A_660, %select_n3A_653 : vector<1x256xf32>
    %get3A_662 = arith.constant 23 : index
    %get3A_663 = arith.constant 0 : index
    %get3A_664 = vector.load %arg4[%get3A_662, %get3A_663] : memref<32x256xf32, #tpu.memory_space<vmem>>, vector<1x256xf32>
    %select_n3A_665 = arith.select %gt3A_661, %get3A_664, %select_n3A_653 : vector<1x256xi1>, vector<1x256xf32>
    %get3A_666 = arith.constant 23 : index
    %get3A_667 = arith.constant 0 : index
    %get3A_668 = vector.load %arg5[%get3A_666, %get3A_667] : memref<32x256xf32, #tpu.memory_space<vmem>>, vector<1x256xf32>
    %select_n3A_669 = arith.select %gt3A_661, %get3A_668, %select_n3A_657 : vector<1x256xi1>, vector<1x256xf32>
    %get3A_670 = arith.constant 24 : index
    %get3A_671 = arith.constant 0 : index
    %get3A_672 = vector.load %arg4[%get3A_670, %get3A_671] : memref<32x256xf32, #tpu.memory_space<vmem>>, vector<1x256xf32>
    %gt3A_673 = arith.cmpf ogt, %get3A_672, %select_n3A_665 : vector<1x256xf32>
    %get3A_674 = arith.constant 24 : index
    %get3A_675 = arith.constant 0 : index
    %get3A_676 = vector.load %arg4[%get3A_674, %get3A_675] : memref<32x256xf32, #tpu.memory_space<vmem>>, vector<1x256xf32>
    %select_n3A_677 = arith.select %gt3A_673, %get3A_676, %select_n3A_665 : vector<1x256xi1>, vector<1x256xf32>
    %get3A_678 = arith.constant 24 : index
    %get3A_679 = arith.constant 0 : index
    %get3A_680 = vector.load %arg5[%get3A_678, %get3A_679] : memref<32x256xf32, #tpu.memory_space<vmem>>, vector<1x256xf32>
    %select_n3A_681 = arith.select %gt3A_673, %get3A_680, %select_n3A_669 : vector<1x256xi1>, vector<1x256xf32>
    %get3A_682 = arith.constant 25 : index
    %get3A_683 = arith.constant 0 : index
    %get3A_684 = vector.load %arg4[%get3A_682, %get3A_683] : memref<32x256xf32, #tpu.memory_space<vmem>>, vector<1x256xf32>
    %gt3A_685 = arith.cmpf ogt, %get3A_684, %select_n3A_677 : vector<1x256xf32>
    %get3A_686 = arith.constant 25 : index
    %get3A_687 = arith.constant 0 : index
    %get3A_688 = vector.load %arg4[%get3A_686, %get3A_687] : memref<32x256xf32, #tpu.memory_space<vmem>>, vector<1x256xf32>
    %select_n3A_689 = arith.select %gt3A_685, %get3A_688, %select_n3A_677 : vector<1x256xi1>, vector<1x256xf32>
    %get3A_690 = arith.constant 25 : index
    %get3A_691 = arith.constant 0 : index
    %get3A_692 = vector.load %arg5[%get3A_690, %get3A_691] : memref<32x256xf32, #tpu.memory_space<vmem>>, vector<1x256xf32>
    %select_n3A_693 = arith.select %gt3A_685, %get3A_692, %select_n3A_681 : vector<1x256xi1>, vector<1x256xf32>
    %get3A_694 = arith.constant 26 : index
    %get3A_695 = arith.constant 0 : index
    %get3A_696 = vector.load %arg4[%get3A_694, %get3A_695] : memref<32x256xf32, #tpu.memory_space<vmem>>, vector<1x256xf32>
    %gt3A_697 = arith.cmpf ogt, %get3A_696, %select_n3A_689 : vector<1x256xf32>
    %get3A_698 = arith.constant 26 : index
    %get3A_699 = arith.constant 0 : index
    %get3A_700 = vector.load %arg4[%get3A_698, %get3A_699] : memref<32x256xf32, #tpu.memory_space<vmem>>, vector<1x256xf32>
    %select_n3A_701 = arith.select %gt3A_697, %get3A_700, %select_n3A_689 : vector<1x256xi1>, vector<1x256xf32>
    %get3A_702 = arith.constant 26 : index
    %get3A_703 = arith.constant 0 : index
    %get3A_704 = vector.load %arg5[%get3A_702, %get3A_703] : memref<32x256xf32, #tpu.memory_space<vmem>>, vector<1x256xf32>
    %select_n3A_705 = arith.select %gt3A_697, %get3A_704, %select_n3A_693 : vector<1x256xi1>, vector<1x256xf32>
    %get3A_706 = arith.constant 27 : index
    %get3A_707 = arith.constant 0 : index
    %get3A_708 = vector.load %arg4[%get3A_706, %get3A_707] : memref<32x256xf32, #tpu.memory_space<vmem>>, vector<1x256xf32>
    %gt3A_709 = arith.cmpf ogt, %get3A_708, %select_n3A_701 : vector<1x256xf32>
    %get3A_710 = arith.constant 27 : index
    %get3A_711 = arith.constant 0 : index
    %get3A_712 = vector.load %arg4[%get3A_710, %get3A_711] : memref<32x256xf32, #tpu.memory_space<vmem>>, vector<1x256xf32>
    %select_n3A_713 = arith.select %gt3A_709, %get3A_712, %select_n3A_701 : vector<1x256xi1>, vector<1x256xf32>
    %get3A_714 = arith.constant 27 : index
    %get3A_715 = arith.constant 0 : index
    %get3A_716 = vector.load %arg5[%get3A_714, %get3A_715] : memref<32x256xf32, #tpu.memory_space<vmem>>, vector<1x256xf32>
    %select_n3A_717 = arith.select %gt3A_709, %get3A_716, %select_n3A_705 : vector<1x256xi1>, vector<1x256xf32>
    %get3A_718 = arith.constant 28 : index
    %get3A_719 = arith.constant 0 : index
    %get3A_720 = vector.load %arg4[%get3A_718, %get3A_719] : memref<32x256xf32, #tpu.memory_space<vmem>>, vector<1x256xf32>
    %gt3A_721 = arith.cmpf ogt, %get3A_720, %select_n3A_713 : vector<1x256xf32>
    %get3A_722 = arith.constant 28 : index
    %get3A_723 = arith.constant 0 : index
    %get3A_724 = vector.load %arg4[%get3A_722, %get3A_723] : memref<32x256xf32, #tpu.memory_space<vmem>>, vector<1x256xf32>
    %select_n3A_725 = arith.select %gt3A_721, %get3A_724, %select_n3A_713 : vector<1x256xi1>, vector<1x256xf32>
    %get3A_726 = arith.constant 28 : index
    %get3A_727 = arith.constant 0 : index
    %get3A_728 = vector.load %arg5[%get3A_726, %get3A_727] : memref<32x256xf32, #tpu.memory_space<vmem>>, vector<1x256xf32>
    %select_n3A_729 = arith.select %gt3A_721, %get3A_728, %select_n3A_717 : vector<1x256xi1>, vector<1x256xf32>
    %get3A_730 = arith.constant 29 : index
    %get3A_731 = arith.constant 0 : index
    %get3A_732 = vector.load %arg4[%get3A_730, %get3A_731] : memref<32x256xf32, #tpu.memory_space<vmem>>, vector<1x256xf32>
    %gt3A_733 = arith.cmpf ogt, %get3A_732, %select_n3A_725 : vector<1x256xf32>
    %get3A_734 = arith.constant 29 : index
    %get3A_735 = arith.constant 0 : index
    %get3A_736 = vector.load %arg4[%get3A_734, %get3A_735] : memref<32x256xf32, #tpu.memory_space<vmem>>, vector<1x256xf32>
    %select_n3A_737 = arith.select %gt3A_733, %get3A_736, %select_n3A_725 : vector<1x256xi1>, vector<1x256xf32>
    %get3A_738 = arith.constant 29 : index
    %get3A_739 = arith.constant 0 : index
    %get3A_740 = vector.load %arg5[%get3A_738, %get3A_739] : memref<32x256xf32, #tpu.memory_space<vmem>>, vector<1x256xf32>
    %select_n3A_741 = arith.select %gt3A_733, %get3A_740, %select_n3A_729 : vector<1x256xi1>, vector<1x256xf32>
    %get3A_742 = arith.constant 30 : index
    %get3A_743 = arith.constant 0 : index
    %get3A_744 = vector.load %arg4[%get3A_742, %get3A_743] : memref<32x256xf32, #tpu.memory_space<vmem>>, vector<1x256xf32>
    %gt3A_745 = arith.cmpf ogt, %get3A_744, %select_n3A_737 : vector<1x256xf32>
    %get3A_746 = arith.constant 30 : index
    %get3A_747 = arith.constant 0 : index
    %get3A_748 = vector.load %arg4[%get3A_746, %get3A_747] : memref<32x256xf32, #tpu.memory_space<vmem>>, vector<1x256xf32>
    %select_n3A_749 = arith.select %gt3A_745, %get3A_748, %select_n3A_737 : vector<1x256xi1>, vector<1x256xf32>
    %get3A_750 = arith.constant 30 : index
    %get3A_751 = arith.constant 0 : index
    %get3A_752 = vector.load %arg5[%get3A_750, %get3A_751] : memref<32x256xf32, #tpu.memory_space<vmem>>, vector<1x256xf32>
    %select_n3A_753 = arith.select %gt3A_745, %get3A_752, %select_n3A_741 : vector<1x256xi1>, vector<1x256xf32>
    %get3A_754 = arith.constant 31 : index
    %get3A_755 = arith.constant 0 : index
    %get3A_756 = vector.load %arg4[%get3A_754, %get3A_755] : memref<32x256xf32, #tpu.memory_space<vmem>>, vector<1x256xf32>
    %gt3A_757 = arith.cmpf ogt, %get3A_756, %select_n3A_749 : vector<1x256xf32>
    %get3A_758 = arith.constant 31 : index
    %get3A_759 = arith.constant 0 : index
    %get3A_760 = vector.load %arg5[%get3A_758, %get3A_759] : memref<32x256xf32, #tpu.memory_space<vmem>>, vector<1x256xf32>
    %select_n3A_761 = arith.select %gt3A_757, %get3A_760, %select_n3A_753 : vector<1x256xi1>, vector<1x256xf32>
    %swap3A_762 = arith.constant 0 : index
    %swap3A_763 = arith.constant 0 : index
    %swap3A_764 = arith.constant 0 : index
    %swap3A_765 = vector.load %arg8[%swap3A_762, %swap3A_763, %swap3A_764] : memref<1x1x256xf32, #tpu.memory_space<vmem>>, vector<1x1x256xf32>
    %swap3A_766 = vector.shape_cast %swap3A_765 : vector<1x1x256xf32> to vector<1x256xf32>
    %swap3A_767 = vector.shape_cast %select_n3A_761 : vector<1x256xf32> to vector<1x1x256xf32>
    tpu.vector_store %arg8[%swap3A_762, %swap3A_763, %swap3A_764], %swap3A_767 {strides = array<i32>} : memref<1x1x256xf32, #tpu.memory_space<vmem>>, vector<1x1x256xf32>,
    return
  }
  func.func @transform_0(%arg0: i32) -> (i32, i32) {
    %c0_i32 = arith.constant 0 : i32
    %c0_i32_0 = arith.constant 0 : i32
    return %c0_i32, %arg0 : i32, i32
  }
  func.func @transform_1(%arg0: i32) -> (i32, i32) {
    %c0_i32 = arith.constant 0 : i32
    %c0_i32_0 = arith.constant 0 : i32
    return %c0_i32, %arg0 : i32, i32
  }
  func.func @transform_2(%arg0: i32) -> (i32, i32) {
    %c0_i32 = arith.constant 0 : i32
    %c0_i32_0 = arith.constant 0 : i32
    return %c0_i32, %arg0 : i32, i32
  }
  func.func @transform_3(%arg0: i32) -> (i32, i32) {
    %c0_i32 = arith.constant 0 : i32
    %c0_i32_0 = arith.constant 0 : i32
    return %c0_i32, %arg0 : i32, i32
  }
  func.func @transform_4(%arg0: i32) -> (i32, i32) {
    %c0_i32 = arith.constant 0 : i32
    %c0_i32_0 = arith.constant 0 : i32
    return %c0_i32, %arg0 : i32, i32
  }
  func.func @transform_5(%arg0: i32) -> (i32, i32, i32) {
    %c0_i32 = arith.constant 0 : i32
    %c0_i32_0 = arith.constant 0 : i32
    %c0_i32_1 = arith.constant 0 : i32
    return %arg0, %c0_i32, %c0_i32_0 : i32, i32, i32
  }
  func.func @transform_6(%arg0: i32) -> (i32, i32, i32) {
    %c0_i32 = arith.constant 0 : i32
    %c0_i32_0 = arith.constant 0 : i32
    %c0_i32_1 = arith.constant 0 : i32
    return %arg0, %c0_i32, %c0_i32_0 : i32, i32, i32
  }
  func.func @transform_7(%arg0: i32) -> (i32, i32, i32) {
    %c0_i32 = arith.constant 0 : i32
    %c0_i32_0 = arith.constant 0 : i32
    %c0_i32_1 = arith.constant 0 : i32
    return %arg0, %c0_i32, %c0_i32_0 : i32, i32, i32
  }
}

module attributes {stable_mosaic.version = 14 : i64} {
  func.func @_tc_front_body(%arg0: i32, %arg1: memref<256x128xf32, #tpu.memory_space<vmem>>, %arg2: memref<128x128xf32, #tpu.memory_space<vmem>>, %arg3: memref<1x128xf32, #tpu.memory_space<vmem>>, %arg4: memref<1x128xf32, #tpu.memory_space<vmem>>, %arg5: memref<1x128xf32, #tpu.memory_space<vmem>>, %arg6: memref<128x128xf32, #tpu.memory_space<vmem>>, %arg7: memref<256x1xf32, #tpu.memory_space<vmem>>, %arg8: memref<256x1xf32, #tpu.memory_space<vmem>>, %arg9: memref<256x1xf32, #tpu.memory_space<vmem>>, %arg10: memref<256x128xf32, #tpu.memory_space<vmem>>, %arg11: memref<2x256x64xf32, #tpu.memory_space<vmem>>) attributes {dimension_semantics = [#tpu.dimension_semantics<arbitrary>], iteration_bounds = array<i64: 40>, scalar_prefetch = 0 : i64, scratch_operands = 0 : i64, tpu.core_type = #tpu.core_type<tc>, window_params = [{transform_indices = @transform_0, window_bounds = array<i64: 256, 128>}, {pipeline_mode = #tpu.pipeline_mode<synchronous>, transform_indices = @transform_1, window_bounds = array<i64: 128, 128>}, {pipeline_mode = #tpu.pipeline_mode<synchronous>, transform_indices = @transform_2, window_bounds = array<i64: 1, 128>}, {pipeline_mode = #tpu.pipeline_mode<synchronous>, transform_indices = @transform_3, window_bounds = array<i64: 1, 128>}, {pipeline_mode = #tpu.pipeline_mode<synchronous>, transform_indices = @transform_4, window_bounds = array<i64: 1, 128>}, {pipeline_mode = #tpu.pipeline_mode<synchronous>, transform_indices = @transform_5, window_bounds = array<i64: 128, 128>}, {transform_indices = @transform_6, window_bounds = array<i64: 256, 1>}, {transform_indices = @transform_7, window_bounds = array<i64: 256, 1>}, {transform_indices = @transform_8, window_bounds = array<i64: 256, 1>}, {transform_indices = @transform_9, window_bounds = array<i64: 256, 128>}, {transform_indices = @transform_10, window_bounds = array<i64: 2, 256, 64>}]} {
    %get3A = arith.constant 0 : index
    %get3A_0 = arith.constant 0 : index
    %get3A_1 = vector.load %arg1[%get3A, %get3A_0] : memref<256x128xf32, #tpu.memory_space<vmem>>, vector<256x128xf32>
    %get3A_2 = arith.constant 0 : index
    %get3A_3 = arith.constant 0 : index
    %get3A_4 = vector.load %arg2[%get3A_2, %get3A_3] : memref<128x128xf32, #tpu.memory_space<vmem>>, vector<128x128xf32>
    %dot_general3A = arith.constant dense<0.000000e+00> : vector<256x128xf32>
    %dot_general3A_5 = tpu.matmul %get3A_1, %get3A_4, %dot_general3A {dimension_numbers = #tpu.dot_dimension_numbers<[1], [0], [0], [1], [0, 0, 1, 1], [], []>, transpose_lhs_hint = false} : vector<256x128xf32>, vector<128x128xf32>, vector<256x128xf32> -> vector<256x128xf32>
    %get3A_6 = arith.constant 0 : index
    %get3A_7 = arith.constant 0 : index
    %get3A_8 = vector.load %arg3[%get3A_6, %get3A_7] : memref<1x128xf32, #tpu.memory_space<vmem>>, vector<1x128xf32>
    %add3A = vector.broadcast %get3A_8 : vector<1x128xf32> to vector<256x128xf32>
    %add3A_9 = arith.addf %dot_general3A_5, %add3A : vector<256x128xf32>
    %get3A_10 = arith.constant 0 : index
    %get3A_11 = arith.constant 0 : index
    %get3A_12 = vector.load %arg7[%get3A_10, %get3A_11] : memref<256x1xf32, #tpu.memory_space<vmem>>, vector<256x1xf32>
    %get3A_13 = arith.constant 0 : index
    %get3A_14 = arith.constant 0 : index
    %get3A_15 = vector.load %arg8[%get3A_13, %get3A_14] : memref<256x1xf32, #tpu.memory_space<vmem>>, vector<256x1xf32>
    %get3A_16 = arith.constant 0 : index
    %get3A_17 = arith.constant 0 : index
    %get3A_18 = vector.load %arg4[%get3A_16, %get3A_17] : memref<1x128xf32, #tpu.memory_space<vmem>>, vector<1x128xf32>
    %mul3A = vector.broadcast %get3A_12 : vector<256x1xf32> to vector<256x128xf32>
    %mul3A_19 = vector.broadcast %get3A_18 : vector<1x128xf32> to vector<256x128xf32>
    %mul3A_20 = arith.mulf %mul3A, %mul3A_19 : vector<256x128xf32>
    %add3A_21 = arith.addf %add3A_9, %mul3A_20 : vector<256x128xf32>
    %get3A_22 = arith.constant 0 : index
    %get3A_23 = arith.constant 0 : index
    %get3A_24 = vector.load %arg5[%get3A_22, %get3A_23] : memref<1x128xf32, #tpu.memory_space<vmem>>, vector<1x128xf32>
    %add3A_25 = vector.broadcast %get3A_24 : vector<1x128xf32> to vector<256x128xf32>
    %add3A_26 = arith.addf %add3A_21, %add3A_25 : vector<256x128xf32>
    %max3A = arith.constant 0.000000e+00 : f32
    %max3A_27 = vector.broadcast %max3A : f32 to vector<256x128xf32>
    %max3A_28 = arith.maximumf %add3A_26, %max3A_27 : vector<256x128xf32>
    %get3A_29 = arith.constant 0 : index
    %get3A_30 = arith.constant 0 : index
    %get3A_31 = vector.load %arg4[%get3A_29, %get3A_30] : memref<1x128xf32, #tpu.memory_space<vmem>>, vector<1x128xf32>
    %mul3A_32 = vector.broadcast %get3A_15 : vector<256x1xf32> to vector<256x128xf32>
    %mul3A_33 = vector.broadcast %get3A_31 : vector<1x128xf32> to vector<256x128xf32>
    %mul3A_34 = arith.mulf %mul3A_32, %mul3A_33 : vector<256x128xf32>
    %add3A_35 = arith.addf %add3A_9, %mul3A_34 : vector<256x128xf32>
    %get3A_36 = arith.constant 0 : index
    %get3A_37 = arith.constant 0 : index
    %get3A_38 = vector.load %arg5[%get3A_36, %get3A_37] : memref<1x128xf32, #tpu.memory_space<vmem>>, vector<1x128xf32>
    %add3A_39 = vector.broadcast %get3A_38 : vector<1x128xf32> to vector<256x128xf32>
    %add3A_40 = arith.addf %add3A_35, %add3A_39 : vector<256x128xf32>
    %max3A_41 = arith.constant 0.000000e+00 : f32
    %max3A_42 = vector.broadcast %max3A_41 : f32 to vector<256x128xf32>
    %max3A_43 = arith.maximumf %add3A_40, %max3A_42 : vector<256x128xf32>
    %ge3A = arith.constant 0.000000e+00 : f32
    %ge3A_44 = vector.broadcast %ge3A : f32 to vector<256x1xf32>
    %ge3A_45 = arith.cmpf oge, %get3A_12, %ge3A_44 : vector<256x1xf32>
    %ge3A_46 = arith.constant 0.000000e+00 : f32
    %ge3A_47 = vector.broadcast %ge3A_46 : f32 to vector<256x1xf32>
    %ge3A_48 = arith.cmpf oge, %get3A_15, %ge3A_47 : vector<256x1xf32>
    %broadcast_in_dim3A = vector.shape_cast %ge3A_48 : vector<256x1xi1> to vector<256x1xi1>
    %broadcast_in_dim3A_49 = vector.broadcast %broadcast_in_dim3A : vector<256x1xi1> to vector<256x128xi1>
    %select_n3A = arith.select %broadcast_in_dim3A_49, %max3A_43, %add3A_9 : vector<256x128xi1>, vector<256x128xf32>
    %broadcast_in_dim3A_50 = vector.shape_cast %ge3A_45 : vector<256x1xi1> to vector<256x1xi1>
    %broadcast_in_dim3A_51 = vector.broadcast %broadcast_in_dim3A_50 : vector<256x1xi1> to vector<256x128xi1>
    %select_n3A_52 = arith.select %broadcast_in_dim3A_51, %max3A_28, %select_n3A : vector<256x128xi1>, vector<256x128xf32>
    %get3A_53 = arith.constant 0 : index
    %get3A_54 = arith.constant 0 : index
    %get3A_55 = vector.load %arg6[%get3A_53, %get3A_54] : memref<128x128xf32, #tpu.memory_space<vmem>>, vector<128x128xf32>
    %dot_general3A_56 = arith.constant dense<0.000000e+00> : vector<256x128xf32>
    %dot_general3A_57 = tpu.matmul %select_n3A_52, %get3A_55, %dot_general3A_56 {dimension_numbers = #tpu.dot_dimension_numbers<[1], [0], [0], [1], [0, 0, 1, 1], [], []>, transpose_lhs_hint = false} : vector<256x128xf32>, vector<128x128xf32>, vector<256x128xf32> -> vector<256x128xf32>
    %swap3A = arith.constant 0 : index
    %swap3A_58 = arith.constant 0 : index
    %swap3A_59 = vector.load %arg10[%swap3A, %swap3A_58] : memref<256x128xf32, #tpu.memory_space<vmem>>, vector<256x128xf32>
    tpu.vector_store %arg10[%swap3A, %swap3A_58], %dot_general3A_57 {strides = array<i32>} : memref<256x128xf32, #tpu.memory_space<vmem>>, vector<256x128xf32>,
    %get3A_60 = arith.constant 0 : index
    %get3A_61 = arith.constant 0 : index
    %get3A_62 = vector.load %arg9[%get3A_60, %get3A_61] : memref<256x1xf32, #tpu.memory_space<vmem>>, vector<256x1xf32>
    %mul3A_63 = vector.broadcast %get3A_62 : vector<256x1xf32> to vector<256x128xf32>
    %mul3A_64 = arith.mulf %mul3A_63, %dot_general3A_57 : vector<256x128xf32>
    %slice3A = vector.extract_strided_slice %mul3A_64 {offsets = [0, 0], sizes = [256, 64], strides = [1, 1]} : vector<256x128xf32> to vector<256x64xf32>
    %swap3A_65 = arith.constant 0 : index
    %swap3A_66 = arith.constant 0 : index
    %swap3A_67 = arith.constant 0 : index
    %swap3A_68 = vector.load %arg11[%swap3A_65, %swap3A_66, %swap3A_67] : memref<2x256x64xf32, #tpu.memory_space<vmem>>, vector<1x256x64xf32>
    %swap3A_69 = vector.shape_cast %swap3A_68 : vector<1x256x64xf32> to vector<256x64xf32>
    %swap3A_70 = vector.shape_cast %slice3A : vector<256x64xf32> to vector<1x256x64xf32>
    tpu.vector_store %arg11[%swap3A_65, %swap3A_66, %swap3A_67], %swap3A_70 {strides = array<i32>} : memref<2x256x64xf32, #tpu.memory_space<vmem>>, vector<1x256x64xf32>,
    %slice3A_71 = vector.extract_strided_slice %mul3A_64 {offsets = [0, 64], sizes = [256, 64], strides = [1, 1]} : vector<256x128xf32> to vector<256x64xf32>
    %swap3A_72 = arith.constant 1 : index
    %swap3A_73 = arith.constant 0 : index
    %swap3A_74 = arith.constant 0 : index
    %swap3A_75 = vector.load %arg11[%swap3A_72, %swap3A_73, %swap3A_74] : memref<2x256x64xf32, #tpu.memory_space<vmem>>, vector<1x256x64xf32>
    %swap3A_76 = vector.shape_cast %swap3A_75 : vector<1x256x64xf32> to vector<256x64xf32>
    %swap3A_77 = vector.shape_cast %slice3A_71 : vector<256x64xf32> to vector<1x256x64xf32>
    tpu.vector_store %arg11[%swap3A_72, %swap3A_73, %swap3A_74], %swap3A_77 {strides = array<i32>} : memref<2x256x64xf32, #tpu.memory_space<vmem>>, vector<1x256x64xf32>,
    return
  }
  func.func @transform_0(%arg0: i32) -> (i32, i32) {
    %c0_i32 = arith.constant 0 : i32
    %c0_i32_0 = arith.constant 0 : i32
    return %arg0, %c0_i32 : i32, i32
  }
  func.func @transform_1(%arg0: i32) -> (i32, i32) {
    %c0_i32 = arith.constant 0 : i32
    %c0_i32_0 = arith.constant 0 : i32
    %c0_i32_1 = arith.constant 0 : i32
    return %c0_i32, %c0_i32_0 : i32, i32
  }
  func.func @transform_2(%arg0: i32) -> (i32, i32) {
    %c0_i32 = arith.constant 0 : i32
    %c0_i32_0 = arith.constant 0 : i32
    %c0_i32_1 = arith.constant 0 : i32
    return %c0_i32, %c0_i32_0 : i32, i32
  }
  func.func @transform_3(%arg0: i32) -> (i32, i32) {
    %c0_i32 = arith.constant 0 : i32
    %c0_i32_0 = arith.constant 0 : i32
    %c0_i32_1 = arith.constant 0 : i32
    return %c0_i32, %c0_i32_0 : i32, i32
  }
  func.func @transform_4(%arg0: i32) -> (i32, i32) {
    %c0_i32 = arith.constant 0 : i32
    %c0_i32_0 = arith.constant 0 : i32
    %c0_i32_1 = arith.constant 0 : i32
    return %c0_i32, %c0_i32_0 : i32, i32
  }
  func.func @transform_5(%arg0: i32) -> (i32, i32) {
    %c0_i32 = arith.constant 0 : i32
    %c0_i32_0 = arith.constant 0 : i32
    %c0_i32_1 = arith.constant 0 : i32
    return %c0_i32, %c0_i32_0 : i32, i32
  }
  func.func @transform_6(%arg0: i32) -> (i32, i32) {
    %c0_i32 = arith.constant 0 : i32
    %c0_i32_0 = arith.constant 0 : i32
    return %arg0, %c0_i32 : i32, i32
  }
  func.func @transform_7(%arg0: i32) -> (i32, i32) {
    %c0_i32 = arith.constant 0 : i32
    %c0_i32_0 = arith.constant 0 : i32
    return %arg0, %c0_i32 : i32, i32
  }
  func.func @transform_8(%arg0: i32) -> (i32, i32) {
    %c0_i32 = arith.constant 0 : i32
    %c0_i32_0 = arith.constant 0 : i32
    return %arg0, %c0_i32 : i32, i32
  }
  func.func @transform_9(%arg0: i32) -> (i32, i32) {
    %c0_i32 = arith.constant 0 : i32
    %c0_i32_0 = arith.constant 0 : i32
    return %arg0, %c0_i32 : i32, i32
  }
  func.func @transform_10(%arg0: i32) -> (i32, i32, i32) {
    %c0_i32 = arith.constant 0 : i32
    %c0_i32_0 = arith.constant 0 : i32
    %c0_i32_1 = arith.constant 0 : i32
    return %c0_i32, %arg0, %c0_i32_0 : i32, i32, i32
  }
}

module attributes {stable_mosaic.version = 14 : i64} {
  func.func @_tc_prebn_body(%arg0: i32, %arg1: memref<256x64xf32, #tpu.memory_space<vmem>>, %arg2: memref<256x64xf32, #tpu.memory_space<vmem>>, %arg3: memref<256x128xf32, #tpu.memory_space<vmem>>, %arg4: memref<256x1xf32, #tpu.memory_space<vmem>>, %arg5: memref<1x128xf32, #tpu.memory_space<vmem>>, %arg6: memref<256x128xf32, #tpu.memory_space<vmem>>, %arg7: memref<1x1x128xf32, #tpu.memory_space<vmem>>, %arg8: memref<1x1x128xf32, #tpu.memory_space<vmem>>) attributes {dimension_semantics = [#tpu.dimension_semantics<arbitrary>], iteration_bounds = array<i64: 40>, scalar_prefetch = 0 : i64, scratch_operands = 0 : i64, tpu.core_type = #tpu.core_type<tc>, window_params = [{transform_indices = @transform_0, window_bounds = array<i64: 256, 64>}, {transform_indices = @transform_1, window_bounds = array<i64: 256, 64>}, {transform_indices = @transform_2, window_bounds = array<i64: 256, 128>}, {transform_indices = @transform_3, window_bounds = array<i64: 256, 1>}, {pipeline_mode = #tpu.pipeline_mode<synchronous>, transform_indices = @transform_4, window_bounds = array<i64: 1, 128>}, {transform_indices = @transform_5, window_bounds = array<i64: 256, 128>}, {transform_indices = @transform_6, window_bounds = array<i64: 1, 1, 128>}, {transform_indices = @transform_7, window_bounds = array<i64: 1, 1, 128>}]} {
    %get3A = arith.constant 0 : index
    %get3A_0 = arith.constant 0 : index
    %get3A_1 = vector.load %arg4[%get3A, %get3A_0] : memref<256x1xf32, #tpu.memory_space<vmem>>, vector<256x1xf32>
    %get3A_2 = arith.constant 0 : index
    %get3A_3 = arith.constant 0 : index
    %get3A_4 = vector.load %arg1[%get3A_2, %get3A_3] : memref<256x64xf32, #tpu.memory_space<vmem>>, vector<256x64xf32>
    %get3A_5 = arith.constant 0 : index
    %get3A_6 = arith.constant 0 : index
    %get3A_7 = vector.load %arg2[%get3A_5, %get3A_6] : memref<256x64xf32, #tpu.memory_space<vmem>>, vector<256x64xf32>
    %concatenate3A = tpu.concatenate %get3A_4, %get3A_7 in 1 : vector<256x64xf32>, vector<256x64xf32> -> vector<256x128xf32>
    %get3A_8 = arith.constant 0 : index
    %get3A_9 = arith.constant 0 : index
    %get3A_10 = vector.load %arg3[%get3A_8, %get3A_9] : memref<256x128xf32, #tpu.memory_space<vmem>>, vector<256x128xf32>
    %mul3A = vector.broadcast %get3A_1 : vector<256x1xf32> to vector<256x128xf32>
    %mul3A_11 = arith.mulf %mul3A, %get3A_10 : vector<256x128xf32>
    %add3A = arith.addf %concatenate3A, %mul3A_11 : vector<256x128xf32>
    %mul3A_12 = vector.broadcast %get3A_1 : vector<256x1xf32> to vector<256x128xf32>
    %mul3A_13 = arith.mulf %mul3A_12, %add3A : vector<256x128xf32>
    %get3A_14 = arith.constant 0 : index
    %get3A_15 = arith.constant 0 : index
    %get3A_16 = vector.load %arg5[%get3A_14, %get3A_15] : memref<1x128xf32, #tpu.memory_space<vmem>>, vector<1x128xf32>
    %add3A_17 = vector.broadcast %get3A_16 : vector<1x128xf32> to vector<256x128xf32>
    %add3A_18 = arith.addf %mul3A_13, %add3A_17 : vector<256x128xf32>
    %swap3A = arith.constant 0 : index
    %swap3A_19 = arith.constant 0 : index
    %swap3A_20 = vector.load %arg6[%swap3A, %swap3A_19] : memref<256x128xf32, #tpu.memory_space<vmem>>, vector<256x128xf32>
    tpu.vector_store %arg6[%swap3A, %swap3A_19], %add3A_18 {strides = array<i32>} : memref<256x128xf32, #tpu.memory_space<vmem>>, vector<256x128xf32>,
    %mul3A_21 = arith.constant 256 : i32
    %mul3A_22 = arith.muli %mul3A_21, %arg0 : i32
    %iota3A = tpu.iota {dimensions = array<i32: 0>} : vector<256x1xi32>
    %add3A_23 = vector.broadcast %mul3A_22 : i32 to vector<256x1xi32>
    %add3A_24 = arith.addi %add3A_23, %iota3A : vector<256x1xi32>
    %lt3A = arith.constant 10000 : i32
    %lt3A_25 = vector.broadcast %lt3A : i32 to vector<256x1xi32>
    %lt3A_26 = arith.cmpi slt, %add3A_24, %lt3A_25 : vector<256x1xi32>
    %jit3A = arith.constant 0.000000e+00 : f32
    %broadcast_in_dim3A = vector.shape_cast %lt3A_26 : vector<256x1xi1> to vector<256x1xi1>
    %broadcast_in_dim3A_27 = vector.broadcast %broadcast_in_dim3A : vector<256x1xi1> to vector<256x128xi1>
    %broadcast_in_dim3A_28 = vector.broadcast %jit3A : f32 to vector<256x128xf32>
    %select_n3A = arith.select %broadcast_in_dim3A_27, %add3A_18, %broadcast_in_dim3A_28 : vector<256x128xi1>, vector<256x128xf32>
    %reduce_sum3A = arith.constant dense<0.000000e+00> : vector<128xf32>
    %reduce_sum3A_29 = vector.multi_reduction <add>, %select_n3A, %reduce_sum3A [0] : vector<256x128xf32> to vector<128xf32>
    %broadcast_in_dim3A_30 = vector.shape_cast %reduce_sum3A_29 : vector<128xf32> to vector<1x128xf32>
    %swap3A_31 = arith.constant 0 : index
    %swap3A_32 = arith.constant 0 : index
    %swap3A_33 = arith.constant 0 : index
    %swap3A_34 = vector.load %arg7[%swap3A_31, %swap3A_32, %swap3A_33] : memref<1x1x128xf32, #tpu.memory_space<vmem>>, vector<1x1x128xf32>
    %swap3A_35 = vector.shape_cast %swap3A_34 : vector<1x1x128xf32> to vector<1x128xf32>
    %swap3A_36 = vector.shape_cast %broadcast_in_dim3A_30 : vector<1x128xf32> to vector<1x1x128xf32>
    tpu.vector_store %arg7[%swap3A_31, %swap3A_32, %swap3A_33], %swap3A_36 {strides = array<i32>} : memref<1x1x128xf32, #tpu.memory_space<vmem>>, vector<1x1x128xf32>,
    %mul3A_37 = arith.mulf %select_n3A, %select_n3A : vector<256x128xf32>
    %reduce_sum3A_38 = arith.constant dense<0.000000e+00> : vector<128xf32>
    %reduce_sum3A_39 = vector.multi_reduction <add>, %mul3A_37, %reduce_sum3A_38 [0] : vector<256x128xf32> to vector<128xf32>
    %broadcast_in_dim3A_40 = vector.shape_cast %reduce_sum3A_39 : vector<128xf32> to vector<1x128xf32>
    %swap3A_41 = arith.constant 0 : index
    %swap3A_42 = arith.constant 0 : index
    %swap3A_43 = arith.constant 0 : index
    %swap3A_44 = vector.load %arg8[%swap3A_41, %swap3A_42, %swap3A_43] : memref<1x1x128xf32, #tpu.memory_space<vmem>>, vector<1x1x128xf32>
    %swap3A_45 = vector.shape_cast %swap3A_44 : vector<1x1x128xf32> to vector<1x128xf32>
    %swap3A_46 = vector.shape_cast %broadcast_in_dim3A_40 : vector<1x128xf32> to vector<1x1x128xf32>
    tpu.vector_store %arg8[%swap3A_41, %swap3A_42, %swap3A_43], %swap3A_46 {strides = array<i32>} : memref<1x1x128xf32, #tpu.memory_space<vmem>>, vector<1x1x128xf32>,
    return
  }
  func.func @transform_0(%arg0: i32) -> (i32, i32) {
    %c0_i32 = arith.constant 0 : i32
    %c0_i32_0 = arith.constant 0 : i32
    return %arg0, %c0_i32 : i32, i32
  }
  func.func @transform_1(%arg0: i32) -> (i32, i32) {
    %c0_i32 = arith.constant 0 : i32
    %c0_i32_0 = arith.constant 0 : i32
    return %arg0, %c0_i32 : i32, i32
  }
  func.func @transform_2(%arg0: i32) -> (i32, i32) {
    %c0_i32 = arith.constant 0 : i32
    %c0_i32_0 = arith.constant 0 : i32
    return %arg0, %c0_i32 : i32, i32
  }
  func.func @transform_3(%arg0: i32) -> (i32, i32) {
    %c0_i32 = arith.constant 0 : i32
    %c0_i32_0 = arith.constant 0 : i32
    return %arg0, %c0_i32 : i32, i32
  }
  func.func @transform_4(%arg0: i32) -> (i32, i32) {
    %c0_i32 = arith.constant 0 : i32
    %c0_i32_0 = arith.constant 0 : i32
    %c0_i32_1 = arith.constant 0 : i32
    return %c0_i32, %c0_i32_0 : i32, i32
  }
  func.func @transform_5(%arg0: i32) -> (i32, i32) {
    %c0_i32 = arith.constant 0 : i32
    %c0_i32_0 = arith.constant 0 : i32
    return %arg0, %c0_i32 : i32, i32
  }
  func.func @transform_6(%arg0: i32) -> (i32, i32, i32) {
    %c0_i32 = arith.constant 0 : i32
    %c0_i32_0 = arith.constant 0 : i32
    %c0_i32_1 = arith.constant 0 : i32
    return %arg0, %c0_i32, %c0_i32_0 : i32, i32, i32
  }
  func.func @transform_7(%arg0: i32) -> (i32, i32, i32) {
    %c0_i32 = arith.constant 0 : i32
    %c0_i32_0 = arith.constant 0 : i32
    %c0_i32_1 = arith.constant 0 : i32
    return %arg0, %c0_i32, %c0_i32_0 : i32, i32, i32
  }
}

module attributes {stable_mosaic.version = 14 : i64} {
  func.func @_tc_bnmm_body(%arg0: i32, %arg1: memref<256x128xf32, #tpu.memory_space<vmem>>, %arg2: memref<40x128xf32, #tpu.memory_space<vmem>>, %arg3: memref<40x128xf32, #tpu.memory_space<vmem>>, %arg4: memref<1x128xf32, #tpu.memory_space<vmem>>, %arg5: memref<1x128xf32, #tpu.memory_space<vmem>>, %arg6: memref<128x128xf32, #tpu.memory_space<vmem>>, %arg7: memref<256x1xf32, #tpu.memory_space<vmem>>, %arg8: memref<1x128xf32, #tpu.memory_space<vmem>>, %arg9: memref<256x128xf32, #tpu.memory_space<vmem>>, %arg10: memref<256x128xf32, #tpu.memory_space<vmem>>, %arg11: memref<2x256x64xf32, #tpu.memory_space<vmem>>) attributes {dimension_semantics = [#tpu.dimension_semantics<arbitrary>], iteration_bounds = array<i64: 40>, scalar_prefetch = 0 : i64, scratch_operands = 0 : i64, tpu.core_type = #tpu.core_type<tc>, window_params = [{transform_indices = @transform_0, window_bounds = array<i64: 256, 128>}, {pipeline_mode = #tpu.pipeline_mode<synchronous>, transform_indices = @transform_1, window_bounds = array<i64: 40, 128>}, {pipeline_mode = #tpu.pipeline_mode<synchronous>, transform_indices = @transform_2, window_bounds = array<i64: 40, 128>}, {pipeline_mode = #tpu.pipeline_mode<synchronous>, transform_indices = @transform_3, window_bounds = array<i64: 1, 128>}, {pipeline_mode = #tpu.pipeline_mode<synchronous>, transform_indices = @transform_4, window_bounds = array<i64: 1, 128>}, {pipeline_mode = #tpu.pipeline_mode<synchronous>, transform_indices = @transform_5, window_bounds = array<i64: 128, 128>}, {transform_indices = @transform_6, window_bounds = array<i64: 256, 1>}, {pipeline_mode = #tpu.pipeline_mode<synchronous>, transform_indices = @transform_7, window_bounds = array<i64: 1, 128>}, {transform_indices = @transform_8, window_bounds = array<i64: 256, 128>}, {transform_indices = @transform_9, window_bounds = array<i64: 256, 128>}, {transform_indices = @transform_10, window_bounds = array<i64: 2, 256, 64>}]} {
    %get3A = arith.constant 0 : index
    %get3A_0 = arith.constant 0 : index
    %get3A_1 = vector.load %arg2[%get3A, %get3A_0] : memref<40x128xf32, #tpu.memory_space<vmem>>, vector<40x128xf32>
    %reduce_sum3A = arith.constant dense<0.000000e+00> : vector<128xf32>
    %reduce_sum3A_2 = vector.multi_reduction <add>, %get3A_1, %reduce_sum3A [0] : vector<40x128xf32> to vector<128xf32>
    %broadcast_in_dim3A = vector.shape_cast %reduce_sum3A_2 : vector<128xf32> to vector<1x128xf32>
    %div3A = arith.constant 1.000000e+04 : f32
    %div3A_3 = vector.broadcast %div3A : f32 to vector<1x128xf32>
    %div3A_4 = arith.divf %broadcast_in_dim3A, %div3A_3 : vector<1x128xf32>
    %get3A_5 = arith.constant 0 : index
    %get3A_6 = arith.constant 0 : index
    %get3A_7 = vector.load %arg3[%get3A_5, %get3A_6] : memref<40x128xf32, #tpu.memory_space<vmem>>, vector<40x128xf32>
    %reduce_sum3A_8 = arith.constant dense<0.000000e+00> : vector<128xf32>
    %reduce_sum3A_9 = vector.multi_reduction <add>, %get3A_7, %reduce_sum3A_8 [0] : vector<40x128xf32> to vector<128xf32>
    %broadcast_in_dim3A_10 = vector.shape_cast %reduce_sum3A_9 : vector<128xf32> to vector<1x128xf32>
    %div3A_11 = arith.constant 1.000000e+04 : f32
    %div3A_12 = vector.broadcast %div3A_11 : f32 to vector<1x128xf32>
    %div3A_13 = arith.divf %broadcast_in_dim3A_10, %div3A_12 : vector<1x128xf32>
    %mul3A = arith.mulf %div3A_4, %div3A_4 : vector<1x128xf32>
    %sub3A = arith.subf %div3A_13, %mul3A : vector<1x128xf32>
    %get3A_14 = arith.constant 0 : index
    %get3A_15 = arith.constant 0 : index
    %get3A_16 = vector.load %arg4[%get3A_14, %get3A_15] : memref<1x128xf32, #tpu.memory_space<vmem>>, vector<1x128xf32>
    %get3A_17 = arith.constant 0 : index
    %get3A_18 = arith.constant 0 : index
    %get3A_19 = vector.load %arg1[%get3A_17, %get3A_18] : memref<256x128xf32, #tpu.memory_space<vmem>>, vector<256x128xf32>
    %sub3A_20 = vector.broadcast %div3A_4 : vector<1x128xf32> to vector<256x128xf32>
    %sub3A_21 = arith.subf %get3A_19, %sub3A_20 : vector<256x128xf32>
    %mul3A_22 = vector.broadcast %get3A_16 : vector<1x128xf32> to vector<256x128xf32>
    %mul3A_23 = arith.mulf %mul3A_22, %sub3A_21 : vector<256x128xf32>
    %add3A = arith.constant 9.99999974E-6 : f32
    %add3A_24 = vector.broadcast %add3A : f32 to vector<1x128xf32>
    %add3A_25 = arith.addf %sub3A, %add3A_24 : vector<1x128xf32>
    %rsqrt3A = math.rsqrt %add3A_25 : vector<1x128xf32>
    %mul3A_26 = vector.broadcast %rsqrt3A : vector<1x128xf32> to vector<256x128xf32>
    %mul3A_27 = arith.mulf %mul3A_23, %mul3A_26 : vector<256x128xf32>
    %get3A_28 = arith.constant 0 : index
    %get3A_29 = arith.constant 0 : index
    %get3A_30 = vector.load %arg5[%get3A_28, %get3A_29] : memref<1x128xf32, #tpu.memory_space<vmem>>, vector<1x128xf32>
    %add3A_31 = vector.broadcast %get3A_30 : vector<1x128xf32> to vector<256x128xf32>
    %add3A_32 = arith.addf %mul3A_27, %add3A_31 : vector<256x128xf32>
    %get3A_33 = arith.constant 0 : index
    %get3A_34 = arith.constant 0 : index
    %get3A_35 = vector.load %arg8[%get3A_33, %get3A_34] : memref<1x128xf32, #tpu.memory_space<vmem>>, vector<1x128xf32>
    %gt3A = arith.constant 0.000000e+00 : f32
    %gt3A_36 = vector.broadcast %gt3A : f32 to vector<1x128xf32>
    %gt3A_37 = arith.cmpf ogt, %get3A_35, %gt3A_36 : vector<1x128xf32>
    %max3A = arith.constant 0.000000e+00 : f32
    %max3A_38 = vector.broadcast %max3A : f32 to vector<256x128xf32>
    %max3A_39 = arith.maximumf %add3A_32, %max3A_38 : vector<256x128xf32>
    %broadcast_in_dim3A_40 = vector.shape_cast %gt3A_37 : vector<1x128xi1> to vector<1x128xi1>
    %broadcast_in_dim3A_41 = vector.broadcast %broadcast_in_dim3A_40 : vector<1x128xi1> to vector<256x128xi1>
    %select_n3A = arith.select %broadcast_in_dim3A_41, %max3A_39, %add3A_32 : vector<256x128xi1>, vector<256x128xf32>
    %swap3A = arith.constant 0 : index
    %swap3A_42 = arith.constant 0 : index
    %swap3A_43 = vector.load %arg9[%swap3A, %swap3A_42] : memref<256x128xf32, #tpu.memory_space<vmem>>, vector<256x128xf32>
    tpu.vector_store %arg9[%swap3A, %swap3A_42], %select_n3A {strides = array<i32>} : memref<256x128xf32, #tpu.memory_space<vmem>>, vector<256x128xf32>,
    %get3A_44 = arith.constant 0 : index
    %get3A_45 = arith.constant 0 : index
    %get3A_46 = vector.load %arg6[%get3A_44, %get3A_45] : memref<128x128xf32, #tpu.memory_space<vmem>>, vector<128x128xf32>
    %dot_general3A = arith.constant dense<0.000000e+00> : vector<256x128xf32>
    %dot_general3A_47 = tpu.matmul %select_n3A, %get3A_46, %dot_general3A {dimension_numbers = #tpu.dot_dimension_numbers<[1], [0], [0], [1], [0, 0, 1, 1], [], []>, transpose_lhs_hint = false} : vector<256x128xf32>, vector<128x128xf32>, vector<256x128xf32> -> vector<256x128xf32>
    %swap3A_48 = arith.constant 0 : index
    %swap3A_49 = arith.constant 0 : index
    %swap3A_50 = vector.load %arg10[%swap3A_48, %swap3A_49] : memref<256x128xf32, #tpu.memory_space<vmem>>, vector<256x128xf32>
    tpu.vector_store %arg10[%swap3A_48, %swap3A_49], %dot_general3A_47 {strides = array<i32>} : memref<256x128xf32, #tpu.memory_space<vmem>>, vector<256x128xf32>,
    %get3A_51 = arith.constant 0 : index
    %get3A_52 = arith.constant 0 : index
    %get3A_53 = vector.load %arg7[%get3A_51, %get3A_52] : memref<256x1xf32, #tpu.memory_space<vmem>>, vector<256x1xf32>
    %mul3A_54 = vector.broadcast %get3A_53 : vector<256x1xf32> to vector<256x128xf32>
    %mul3A_55 = arith.mulf %mul3A_54, %dot_general3A_47 : vector<256x128xf32>
    %slice3A = vector.extract_strided_slice %mul3A_55 {offsets = [0, 0], sizes = [256, 64], strides = [1, 1]} : vector<256x128xf32> to vector<256x64xf32>
    %swap3A_56 = arith.constant 0 : index
    %swap3A_57 = arith.constant 0 : index
    %swap3A_58 = arith.constant 0 : index
    %swap3A_59 = vector.load %arg11[%swap3A_56, %swap3A_57, %swap3A_58] : memref<2x256x64xf32, #tpu.memory_space<vmem>>, vector<1x256x64xf32>
    %swap3A_60 = vector.shape_cast %swap3A_59 : vector<1x256x64xf32> to vector<256x64xf32>
    %swap3A_61 = vector.shape_cast %slice3A : vector<256x64xf32> to vector<1x256x64xf32>
    tpu.vector_store %arg11[%swap3A_56, %swap3A_57, %swap3A_58], %swap3A_61 {strides = array<i32>} : memref<2x256x64xf32, #tpu.memory_space<vmem>>, vector<1x256x64xf32>,
    %slice3A_62 = vector.extract_strided_slice %mul3A_55 {offsets = [0, 64], sizes = [256, 64], strides = [1, 1]} : vector<256x128xf32> to vector<256x64xf32>
    %swap3A_63 = arith.constant 1 : index
    %swap3A_64 = arith.constant 0 : index
    %swap3A_65 = arith.constant 0 : index
    %swap3A_66 = vector.load %arg11[%swap3A_63, %swap3A_64, %swap3A_65] : memref<2x256x64xf32, #tpu.memory_space<vmem>>, vector<1x256x64xf32>
    %swap3A_67 = vector.shape_cast %swap3A_66 : vector<1x256x64xf32> to vector<256x64xf32>
    %swap3A_68 = vector.shape_cast %slice3A_62 : vector<256x64xf32> to vector<1x256x64xf32>
    tpu.vector_store %arg11[%swap3A_63, %swap3A_64, %swap3A_65], %swap3A_68 {strides = array<i32>} : memref<2x256x64xf32, #tpu.memory_space<vmem>>, vector<1x256x64xf32>,
    return
  }
  func.func @transform_0(%arg0: i32) -> (i32, i32) {
    %c0_i32 = arith.constant 0 : i32
    %c0_i32_0 = arith.constant 0 : i32
    return %arg0, %c0_i32 : i32, i32
  }
  func.func @transform_1(%arg0: i32) -> (i32, i32) {
    %c0_i32 = arith.constant 0 : i32
    %c0_i32_0 = arith.constant 0 : i32
    %c0_i32_1 = arith.constant 0 : i32
    return %c0_i32, %c0_i32_0 : i32, i32
  }
  func.func @transform_2(%arg0: i32) -> (i32, i32) {
    %c0_i32 = arith.constant 0 : i32
    %c0_i32_0 = arith.constant 0 : i32
    %c0_i32_1 = arith.constant 0 : i32
    return %c0_i32, %c0_i32_0 : i32, i32
  }
  func.func @transform_3(%arg0: i32) -> (i32, i32) {
    %c0_i32 = arith.constant 0 : i32
    %c0_i32_0 = arith.constant 0 : i32
    %c0_i32_1 = arith.constant 0 : i32
    return %c0_i32, %c0_i32_0 : i32, i32
  }
  func.func @transform_4(%arg0: i32) -> (i32, i32) {
    %c0_i32 = arith.constant 0 : i32
    %c0_i32_0 = arith.constant 0 : i32
    %c0_i32_1 = arith.constant 0 : i32
    return %c0_i32, %c0_i32_0 : i32, i32
  }
  func.func @transform_5(%arg0: i32) -> (i32, i32) {
    %c0_i32 = arith.constant 0 : i32
    %c0_i32_0 = arith.constant 0 : i32
    %c0_i32_1 = arith.constant 0 : i32
    return %c0_i32, %c0_i32_0 : i32, i32
  }
  func.func @transform_6(%arg0: i32) -> (i32, i32) {
    %c0_i32 = arith.constant 0 : i32
    %c0_i32_0 = arith.constant 0 : i32
    return %arg0, %c0_i32 : i32, i32
  }
  func.func @transform_7(%arg0: i32) -> (i32, i32) {
    %c0_i32 = arith.constant 0 : i32
    %c0_i32_0 = arith.constant 0 : i32
    %c0_i32_1 = arith.constant 0 : i32
    return %c0_i32, %c0_i32_0 : i32, i32
  }
  func.func @transform_8(%arg0: i32) -> (i32, i32) {
    %c0_i32 = arith.constant 0 : i32
    %c0_i32_0 = arith.constant 0 : i32
    return %arg0, %c0_i32 : i32, i32
  }
  func.func @transform_9(%arg0: i32) -> (i32, i32) {
    %c0_i32 = arith.constant 0 : i32
    %c0_i32_0 = arith.constant 0 : i32
    return %arg0, %c0_i32 : i32, i32
  }
  func.func @transform_10(%arg0: i32) -> (i32, i32, i32) {
    %c0_i32 = arith.constant 0 : i32
    %c0_i32_0 = arith.constant 0 : i32
    %c0_i32_1 = arith.constant 0 : i32
    return %c0_i32, %arg0, %c0_i32_0 : i32, i32, i32
  }
}

</mosaic_0001>

<sc_bundles>
// kernel: body.11.cloned.1.call-start
scs
__scs_entry_jumppad:
0x0: {  	(pc) =	sbr.rel $0x88, $3  }
0x1: {  	(tag) =	ssettag $0x0;
	lr =	simm.s32 $0x1  }
0x2: {  	[smem:$0x3F92] =	sst lr;
	_ =	strace $0xD0000000  }
0x3: {  	_ = 	snop  }
0x4: {  	_ = 	snop  }
0x5: {  	_ = 	snop  }
0x6: {  	_ = 	snop  }
0x7: {  	_ = 	snop  }
__scs_overlays_trampoline_lowered:
0x8: {  	[smem:$0x3FA1] =	sst s0  }
0x9: {  	[smem:$0x3FA2] =	sst s1  }
0xa: {  	[smem:$0x3FA3] =	sst s2  }
0xb: {  	[smem:$0x3FA4] =	sst s3  }
0xc: {  	[smem:$0x3FA5] =	sst s4  }
0xd: {  	[smem:$0x3FA6] =	sst s5  }
0xe: {  	[smem:$0x3FA7] =	sst s6  }
0xf: {  	[smem:$0x3FA8] =	sst s7  }
0x10: {  	[smem:$0x3FA9] =	sst s8  }
0x11: {  	[smem:$0x3FAA] =	sst s9;
	s0 =	simm.s32 @!p0 $0x0  }
0x12: {  	s1 =	sld [smem:$0x3F90];
	s0 =	simm.s32 @p0 $0x1  }
0x13: {  	[smem:$0x3FAB] =	sst s0;
	s0 =	simm.s32 @!p1 $0x0  }
0x14: {  	s2 =	sld [smem:$0x3F8F];
	s0 =	simm.s32 @p1 $0x1  }
0x15: {  	[smem:$0x3FAC] =	sst s0;
	s0 =	simm.s32 @!p2 $0x0  }
0x16: {  	s3 =	sld [smem:$0x3FDB];
	s0 =	simm.s32 @p2 $0x1  }
0x17: {  	s4 =	simm.s32 $0x1BF5;
	[smem:$0x3FAE] =	sst s0  }
0x18: {  	s0 =	sld [smem:$0x3F91];
	_ =	swait.ge [sflag:s4], $0x0  }
0x19: {  	s7 =	sld [smem:$0x3F92]  }
0x1a: {  	s8 =	sadd.s32 $0xFFFFE003, lr  }
0x1b: {  	s9 =	sadd.s32 $0xFFFFFEF7, lr;
	s5 =	simm.s32 $0xFFFFFFFF;
	p2 =	slt.u32 s8, $0xFFFFF086  }
0x1c: {  	p1 =	slt.u32 s9, $0xF7A;
	s5 =	simm.s32 @!p2 $0x0  }
0x1d: {  	s5 =	simm.s32 @p1 $0x1;
	p0 =	seq.s32 s7, s2  }
0x1e: {  	s7 =	smul.u32 @!p0 $0xF7A, s2;
	p2 =	seq.s32 @!p0 s5, $0x0  }
0x1f: {  	s9 =	smul.u32 $0xF7A, s1;
	s8 =	simm.s32 @!p0 $0x1BF5;
	p2 =	por !p2, p0  }
0x20: {  	[sflag:s8] =	ssyncset.s32 @!p0 $0xFFFFF086;
	s6 =	sadd.s32 @!p0 s3, s7;
	s7 =	simm.s32 @!p0 $0x108  }
0x21: {  	s3 =	sadd.s32 s3, s9;
	s6 =	sadd.s32 @!p0 $0x88, s6;
	s7 =	simm.s32 @p2 $0x1082  }
0x22: {  	[simem:s7], [sflag:s8] =	dma.local @!p0 [hbm:s6], $0xF7A  }
0x23: {  	s9 =	sor.u32 $0xD0000000, s2;
	s6 =	simm.s32 $0x108;
	_ =	swait.ge @!p0 [sflag:s8], $0x0  }
0x24: {  	s3 =	sadd.s32 $0x88, s3;
	s6 =	simm.s32 @!p1 $0x1082;
	[sflag:s4] =	ssyncset.s32 $0xFFFFF086  }
0x25: {  	[simem:s6], [sflag:s4] =	dma.local [hbm:s3], $0xF7A  }
0x26: {  	[smem:$0x3F92] =	sst s1;
	(tag) =	ssettag s2;
	_ =	strace s9  }
0x27: {  	s1 =	sld [smem:$0x3FA2]  }
0x28: {  	s2 =	sld [smem:$0x3FA3]  }
0x29: {  	s4 =	sld [smem:$0x3FA5]  }
0x2a: {  	p0 =	seq.s32 s5, $0x0;
	s5 =	sld [smem:$0x3FA6]  }
0x2b: {  	s6 =	sld [smem:$0x3FA7]  }
0x2c: {  	s7 =	sld [smem:$0x3FA8]  }
0x2d: {  	s3 =	simm.s32 $0x108;
	s8 =	sld [smem:$0x3FA9]  }
0x2e: {  	s3 =	simm.s32 @!p0 $0x1082;
	s9 =	sld [smem:$0x3FAA]  }
0x2f: {  	lr =	sadd.s32 s0, s3;
	s0 =	sld [smem:$0x3FA1]  }
0x30: {  	s3 =	sld [smem:$0x3FA4]  }
0x31: {  	[smem:$0x3FAD] =	sst s10  }
0x32: {  	s10 =	sld [smem:$0x3FAB];
	_ =	sdelay $0x3  }
0x33: {  	p0 =	seq.s32 s10, $0x1;
	s10 =	sld [smem:$0x3FAD];
	_ =	sdelay $0x3  }
0x34: {  	[smem:$0x3FAD] =	sst s10  }
0x35: {  	s10 =	sld [smem:$0x3FAC];
	_ =	sdelay $0x3  }
0x36: {  	p1 =	seq.s32 s10, $0x1;
	s10 =	sld [smem:$0x3FAD];
	_ =	sdelay $0x3  }
0x37: {  	[smem:$0x3FAD] =	sst s10  }
0x38: {  	s10 =	sld [smem:$0x3FAE]  }
0x39: {  	_ = 	snop;
	(pc) =	sbr.ind lr, $3  }
0x3a: {  	_ = 	snop  }
0x3b: {  	_ = 	snop  }
0x3c: {  	p2 =	seq.s32 s10, $0x1;
	s10 =	sld [smem:$0x3FAD]  }
0x3d: {  	_ =	shalt  }
0x3e: {  	_ =	shalt  }
0x3f: {  	_ =	shalt  }
0x40: {  	_ =	shalt  }
0x41: {  	_ =	shalt  }
0x42: {  	_ =	shalt  }
0x43: {  	_ =	shalt  }
0x44: {  	_ =	shalt  }
0x45: {  	_ =	shalt  }
0x46: {  	_ =	shalt  }
0x47: {  	_ =	shalt  }
0x48: {  	_ =	shalt  }
0x49: {  	_ =	shalt  }
0x4a: {  	_ =	shalt  }
0x4b: {  	_ =	shalt  }
0x4c: {  	_ =	shalt  }
0x4d: {  	_ =	shalt  }
0x4e: {  	_ =	shalt  }
0x4f: {  	_ =	shalt  }
0x50: {  	_ =	shalt  }
0x51: {  	_ =	shalt  }
0x52: {  	_ =	shalt  }
0x53: {  	_ =	shalt  }
0x54: {  	_ =	shalt  }
0x55: {  	_ =	shalt  }
0x56: {  	_ =	shalt  }
0x57: {  	_ =	shalt  }
0x58: {  	_ =	shalt  }
0x59: {  	_ =	shalt  }
0x5a: {  	_ =	shalt  }
0x5b: {  	_ =	shalt  }
0x5c: {  	_ =	shalt  }
0x5d: {  	_ =	shalt  }
0x5e: {  	_ =	shalt  }
0x5f: {  	_ =	shalt  }
0x60: {  	_ =	shalt  }
0x61: {  	_ =	shalt  }
0x62: {  	_ =	shalt  }
0x63: {  	_ =	shalt  }
0x64: {  	_ =	shalt  }
0x65: {  	_ =	shalt  }
0x66: {  	_ =	shalt  }
0x67: {  	_ =	shalt  }
0x68: {  	_ =	shalt  }
0x69: {  	_ =	shalt  }
0x6a: {  	_ =	shalt  }
0x6b: {  	_ =	shalt  }
0x6c: {  	_ =	shalt  }
0x6d: {  	_ =	shalt  }
0x6e: {  	_ =	shalt  }
0x6f: {  	_ =	shalt  }
0x70: {  	_ =	shalt  }
0x71: {  	_ =	shalt  }
0x72: {  	_ =	shalt  }
0x73: {  	_ =	shalt  }
0x74: {  	_ =	shalt  }
0x75: {  	_ =	shalt  }
0x76: {  	_ =	shalt  }
0x77: {  	_ =	shalt  }
0x78: {  	_ =	shalt  }
0x79: {  	_ =	shalt  }
0x7a: {  	_ =	shalt  }
0x7b: {  	_ =	shalt  }
0x7c: {  	_ =	shalt  }
0x7d: {  	_ =	shalt  }
0x7e: {  	_ =	shalt  }
0x7f: {  	_ =	shalt  }
0x80: {  	_ =	shalt  }
0x81: {  	_ =	shalt  }
0x82: {  	_ =	shalt  }
0x83: {  	_ =	shalt  }
0x84: {  	_ =	shalt  }
0x85: {  	_ =	shalt  }
0x86: {  	_ =	shalt  }
0x87: {  	_ =	shalt  }
.Lfunc_end0:
.L_simem_size_0:
called_computation_lowered:
.L_overlay_start_0:
0x88: {  	s2 =	sld [smem:$0x3FD9]  }
0x89: {  	s3 =	sld [smem:$0x3FFE];
	_ =	sdelay $0x1  }
0x8a: {  	s1 =	srdreg.scid  }
0x8b: {  	s0 =	sand.u32 $0x1, s1  }
0x8c: {  	s17 =	sshll.u32 s0, $0xA;
	s2 =	sadd.s32 s3, s2  }
0x8d: {  	s2 =	sadd.s32 s2, s17  }
0x8e: {  	[smem:$0x3FB9] =	sst s2  }
0x8f: {  	_ = 	snop  }
0x90: {  	s2 =	sld [smem:$0x3FD0];
	(tm) =	ssettm $0x1  }
0x91: {  	s18 =	sld [smem:$0x3FFB];
	_ =	sdelay $0x3  }
0x92: {  	_ =	strace s18  }
0x93: {  	s3 =	sld [smem:$0x3FFC];
	_ =	sdelay $0x3  }
0x94: {  	_ =	strace s3  }
0x95: {  	s3 =	sld [smem:$0x3FFD];
	_ =	sdelay $0x3  }
0x96: {  	_ =	strace s3  }
0x97: {  	_ =	strace $0x8FFFFFFF  }
0x98: {  	s19 =	sld [smem:$0x3FDB];
	_ =	sdelay $0x1  }
0x99: {  	s4 =	simm.s32 $_scs_section_size  }
0x9a: {  	s5 =	simm.s32 $_size__tile_overlayer_lowered;
	s6 =	simm.s32 $_tile_overlayer_lowered  }
0x9b: {  	s22 =	simm.s32 $0x1BFF;
	s21 =	sshll.u32 s6, $0x1;
	s3 =	sadd.s32 s4, s19  }
0x9c: {  	s7 =	simm.s32 $0x0;
	s20 =	sshll.u32 s5, $0x1;
	s5 =	sadd.s32 s21, s3  }
0x9d: {  	[timem:s7], [sflag:s22] =	dma.local [hbm:s5], s20  }
0x9e: {  	_ =	swait.ge [sflag:s22], s20  }
0x9f: {  	s4 =	ssub.s32 $0x0, s20;
	[sflag:s22] =	ssyncset.done $0x0  }
0xa0: {  	[sflag:s22] =	ssyncadd.s32 s4;
	_ =	sdelay $0x1  }
0xa1: {  	s23 =	simm.s32 $0x1B8B  }
0xa2: {  	_ =	swait.ge [sflag:s23], $0x1  }
0xa3: {  	[sflag:s23] =	ssyncset.done $0x0  }
0xa4: {  	s25 =	simm.s32 $0x1B8E;
	s24 =	sld [smem:$0x3FFE];
	[sflag:s23] =	ssyncadd.s32 $0xFFFFFFFF  }
0xa5: {  	s26 =	simm.s32 $execute0_lowered;
	[smem:$0x3FD2] =	sst s25  }
0xa6: {  	s5 =	sshll.u32 s26, $0x1;
	_ =	strace $0x80000049;
	[dreg:$0x1] =	wrdreg $0xFFFFFFFF  }
0xa7: {  	s28 =	simm.s32 $_size_execute0_lowered;
	s3 =	sadd.s32 s3, s5;
	[dreg:$0x0] =	wrdreg $0x0  }
0xa8: {  	s5 =	sshll.u32 s28, $0x1;
	[dreg:$0x2] =	wrdreg s3  }
0xa9: {  	[dreg:$0x3] =	wrdreg s5  }
0xaa: {  	[dreg:$0x4] =	wrdreg $0xC0  }
0xab: {  	_ =	task [dreg:s7], $0x5FFFF  }
0xac: {  	[dreg:$0x1] =	wrdreg $0xFFFFFFFF  }
0xad: {  	[dreg:$0x0] =	wrdreg $0x60  }
0xae: {  	[dreg:$0x2] =	wrdreg s2  }
0xaf: {  	[dreg:$0x3] =	wrdreg s24  }
0xb0: {  	[dreg:$0x4] =	wrdreg $0x172000  }
0xb1: {  	[dreg:$0x5] =	wrdreg $0x9  }
0xb2: {  	_ =	task.clear_ibuf [dreg:s7], $0x6FFFF;
	_ =	strace $0x90000049  }
0xb3: {  	s29 =	simm.s32 $0x9;
	_ =	strace $0x8000004B  }
0xb4: {  	_ =	swait.ge [sflag:s29], $0x1  }
0xb5: {  	[sflag:s29] =	ssyncadd.s32 $0xFFFFFFFF  }
0xb6: {  	_ =	strace $0x9000004B  }
0xb7: {  	_ =	sfence  }
0xb8: {  	s30 =	sld [smem:$0x0];
	_ =	sdelay $0x2  }
0xb9: {  	s31 =	sshll.u32 s1, $0xD;
	s1 =	sshrl.u32 s1, $0x2  }
0xba: {  	s3 =	sand.u32 $0x4000, s31;
	s1 =	sadd.s32 s1, s30  }
0xbb: {  	s0 =	sor.u32 s3, s0;
	s1 =	sshll.u32 s1, $0x11  }
0xbc: {  	s0 =	sor.u32 s1, s0  }
0xbd: {  	s0 =	sadd.s32 $0x8F2B, s0  }
0xbe: {  	[sflag:s0] =	ssyncadd.remote.s32 $0x1  }
0xbf: {  	_ =	sfence.sel $0xFFFF  }
0xc0: {  	[dreg:$0x0] =	wrdreg $0xFFFFFFFF;
	(pc) =	sbr.abs _section_cstart, $3  }
0xc1: {  	[dreg:$0x1] =	wrdreg $0xFFFFFFFF  }
0xc2: {  	_ =	task.clear_ibuf [dreg:s7], $0x2FFFF;
	_ =	strace $0x9FFFFFFF  }
0xc3: {  	(tm) =	ssettm $0x7FFFFFFF  }
tec
execute0_lowered:
.L_overlay_start_1:
0x0: {  	(tag) =	ssettag $0x1  }
0x1: {  	s0 =	rddreg [dreg:$0x0]  }
0x2: {  	s13 =	stileid.u32;
	s1 =	srdreg.scid  }
0x3: {  	s4 =	rddreg [dreg:$0x1];
	s5 =	smul.u32 $0xA00, s13  }
0x4: {  	s2 =	rddreg [dreg:$0x2];
	s3 =	simm.s32 $0x0;
	s7 =	smul.u32 $0x140000, s13  }
0x5: {  	s28 =	simm.s32 $0x8;
	s29 =	simm.s32 $0x17080;
	s8 =	smul.u32 $0x5200, s13  }
0x6: {  	s30 =	simm.s32 $0x15000;
	s14 =	simm.s32 $0x17100;
	s20 =	smul.u32 $0x5000, s13  }
0x7: {  	s1 =	sand.u32 $0x1, s1;
	[smem:$0x7FF] =	sst s3;
	s21 =	smul.u32 $0x14000, s13  }
0x8: {  	s26 =	sshll.u32 s13, $0x6;
	s13 =	simm.s32 $0x9;
	s6 =	smul.u32 $0x1400000, s1  }
0x9: {  	_ =	strace $0x8000004A;
	s10 =	ssub.s32 $0x2, s1;
	s18 =	smul.u32 $0x14000, s1  }
0xa: {  	p0 =	seq.s32 s1, $0x0;
	s1 =	simm.s32 $0x5E1600;
	s9 =	sadd.s32 s5, s4  }
0xb: {  	s16 =	sshrl.u32 s8, $0x3;
	s11 =	sshrl.u32 s10, $0x1;
	s19 =	sadd.s32 s8, s2  }
0xc: {  	s22 =	sshrl.u32 s20, $0x3;
	s1 =	simm.s32 @!p0 $0x5F5600;
	s23 =	sshrl.u32 s21, $0x2  }
0xd: {  	s21 =	simm.s32 $0x17000;
	s6 =	sadd.s32 s7, s6;
	s7 =	sadd.s32 s16, s4  }
0xe: {  	s10 =	ssub.s32 s10, s11;
	s17 =	sadd.s32 $0x5600, s9;
	s12 =	sadd.s32 $0xF600, s9  }
0xf: {  	s9 =	sadd.s32 $0x19600, s9;
	s8 =	sadd.s32 s0, s18;
	s0 =	sadd.s32 s20, s2  }
0x10: {  	s1 =	sadd.s32 s1, s4;
	s18 =	simm.s32 $0xF000;
	[dreg:$0x4] =	wrdreg s17  }
0x11: {  	s20 =	simm.s32 $0x1;
	s6 =	sshrl.u32 s6, $0x3;
	[dreg:$0x5] =	wrdreg s12  }
0x12: {  	[dreg:$0x6] =	wrdreg s9;
	s16 =	sadd.s32 $0x23600, s7;
	s5 =	sadd.s32 s1, s5  }
0x13: {  	s24 =	smax.u32 s10, $0x1;
	s1 =	sadd.s32 s1, s22;
	s17 =	simm.s32 $0x80  }
0x14: {  	s22 =	simm.s32 $0x13000;
	s0 =	sshrl.u32 s0, $0x3;
	[dreg:$0x8] =	wrdreg s24  }
0x15: {  	s6 =	sadd.s32 s6, s4;
	s4 =	sadd.s32 s23, s2;
	[dreg:$0x9] =	wrdreg s1  }
0x16: {  	s25 =	sadd.s32 $0xA000, s5;
	s24 =	sor.u32 $0x1C09, s26;
	[dreg:$0xd] =	wrdreg s0  }
0x17: {  	s23 =	simm.s32 $0x3;
	s26 =	simm.s32 $0x6;
	[dreg:$0x7] =	wrdreg s16  }
0x18: {  	s0 =	simm.s32 $0x2;
	s5 =	simm.s32 $0x17180;
	[dreg:$0xa] =	wrdreg s25  }
0x19: {  	s9 =	sadd.s32 $0xE1600, s6;
	s31 =	sshrl.u32 s4, $0x3;
	[dreg:$0xb] =	wrdreg s24  }
0x1a: {  	s25 =	sshrl.u32 s19, $0x3;
	s19 =	simm.s32 $0x11000;
	[dreg:$0xe] =	wrdreg s31  }
0x1b: {  	s4 =	simm.s32 $0x4;
	s6 =	simm.s32 $0x0;
	[dreg:$0xc] =	wrdreg s25  }
.LBB2_1:
0x1c: {  	s1 =	rddreg [dreg:$0x4]  }
0x1d: {  	[tilespmem:s3], [sflag:$0x9] =	stream.linear.gather [hbm4b:s1+s3], $0x5000, $0x38;
	[tilespmem:$0x1C400] =	vst v63  }
0x1e: {  	_ =	swait.ge [sflag:s13], $0x5000  }
0x1f: {  	[sflag:s13] =	ssyncset.done $0x0  }
0x20: {  	s7 =	simm.s32 $0x5000;
	s15 =	rddreg [dreg:$0x5];
	[sflag:s13] =	ssyncadd.s32 $0xFFFFB000  }
0x21: {  	[tilespmem:s7], [sflag:$0x9] =	stream.linear.gather [hbm4b:s15+s3], $0x5000, $0x38;
	[tilespmem:$0x1C400] =	vst v63  }
0x22: {  	_ =	swait.ge [sflag:s13], $0x5000  }
0x23: {  	[sflag:s13] =	ssyncset.done $0x0  }
0x24: {  	s1 =	simm.s32 $0xA000;
	s31 =	rddreg [dreg:$0x6];
	[sflag:s13] =	ssyncadd.s32 $0xFFFFB000  }
0x25: {  	[tilespmem:s1], [sflag:$0x9] =	stream.linear.gather [hbm4b:s31+s3], $0x5000, $0x38;
	[tilespmem:$0x1C400] =	vst v63  }
0x26: {  	_ =	swait.ge [sflag:s13], $0x5000  }
0x27: {  	[sflag:s13] =	ssyncset.done $0x0  }
0x28: {  	[sflag:s13] =	ssyncadd.s32 $0xFFFFB000  }
0x29: {  	[spmem:s25], [sflag:s24] =	dma.local [hbm:s16], $0xA40  }
0x2a: {  	_ =	swait.ge [sflag:s13], $0xA40  }
0x2b: {  	[sflag:s13] =	ssyncset.done $0x0  }
0x2c: {  	[sflag:s13] =	ssyncadd.s32 $0xFFFFF5C0  }
0x2d: {  	s11 =	simm.s32 $0xA080;
	s12 =	simm.s32 $0x0;
	[bflag:$0x0] =	sbarrier.arrive $0xFFFF  }
0x2e: {  	[tilespmem:s18], [sflag:$0x1] =	stream.indirect.gather [hbm4b:s8+s17], $0x40, s3, s17, $0xb8;
	[tilespmem:$0x1C400] =	vst v63  }
.LBB2_2:
0x2f: {  	s25 =	sshll.u32 s12, $0x8  }
0x30: {  	s24 =	sor.u32 $0x80, s25  }
0x31: {  	[tilespmem:s19], [sflag:$0x3] =	stream.indirect.gather [hbm4b:s8+s17], $0x40, s24, s17, $0xb8;
	[tilespmem:$0x1C400] =	vst v63  }
0x32: {  	_ =	swait.ge [sflag:s20], $0x2000  }
0x33: {  	p0 =	seq.s32 s12, $0x0;
	[sflag:s20] =	ssyncset.done $0x0  }
0x34: {  	s7 =	simm.s32 @!p0 $0x5;
	[sflag:s20] =	ssyncadd.s32 $0xFFFFE000  }
0x35: {  	_ =	swait.ge @!p0 [sflag:s7], $0x2000  }
0x36: {  	[sflag:s7] =	ssyncset.done @!p0 $0x0  }
0x37: {  	[sflag:s7] =	ssyncadd.s32 @!p0 $0xFFFFE000;
	s7 =	simm.s32 @!p0 $0x7  }
0x38: {  	_ =	swait.ge @!p0 [sflag:s7], $0x2000  }
0x39: {  	[sflag:s7] =	ssyncset.done @!p0 $0x0  }
0x3a: {  	s16 =	simm.s32 $0x0;
	[sflag:s7] =	ssyncadd.s32 @!p0 $0xFFFFE000  }
0x3b: {  	v24 =	vld [tilespmem:s16+$0xF000]  }
0x3c: {  	v25 =	vld [tilespmem:s16+$0xF010]  }
0x3d: {  	v23 =	vld [tilespmem:s16+$0xF020]  }
0x3e: {  	v22 =	vld [tilespmem:s16+$0xF030]  }
0x3f: {  	v20 =	vld [tilespmem:s16+$0xF040]  }
0x40: {  	v21 =	vld [tilespmem:s16+$0xF050]  }
0x41: {  	v19 =	vld [tilespmem:s16+$0xF060]  }
0x42: {  	v18 =	vld [tilespmem:s16+$0xF070]  }
0x43: {  	v16 =	vld [tilespmem:s16+$0xF080]  }
0x44: {  	v17 =	vld [tilespmem:s16+$0xF090]  }
0x45: {  	v15 =	vld [tilespmem:s16+$0xF0A0]  }
0x46: {  	v14 =	vld [tilespmem:s16+$0xF0B0]  }
0x47: {  	v12 =	vld [tilespmem:s16+$0xF0C0]  }
0x48: {  	v13 =	vld [tilespmem:s16+$0xF0D0]  }
0x49: {  	v10 =	vld [tilespmem:s16+$0xF0E0]  }
0x4a: {  	v11 =	vld [tilespmem:s16+$0xF0F0]  }
0x4b: {  	v8 =	vld [tilespmem:s16+$0xF100]  }
0x4c: {  	v9 =	vld [tilespmem:s16+$0xF110]  }
0x4d: {  	v7 =	vld [tilespmem:s16+$0xF120]  }
0x4e: {  	v6 =	vld [tilespmem:s16+$0xF130]  }
0x4f: {  	v4 =	vld [tilespmem:s16+$0xF140]  }
0x50: {  	v5 =	vld [tilespmem:s16+$0xF150]  }
0x51: {  	v3 =	vld [tilespmem:s16+$0xF160]  }
0x52: {  	v2 =	vld [tilespmem:s16+$0xF170]  }
0x53: {  	v1 =	vld [tilespmem:s16+$0xF180]  }
0x54: {  	s31 =	simm.s32 $0x1000;
	s10 =	smov.u32 s1;
	s7 =	sshll.u32 s12, $0xA;
	v0 =	vld [tilespmem:s1+$0x0]  }
.LBB2_3:
0x55: {  	p1 =	sne.s32 s31, $0x7000;
	v26 =	vld [tilespmem:s16+$0xF190]  }
0x56: {  	v27 =	vld [tilespmem:s16+$0xF1A0]  }
0x57: {  	v28 =	vld [tilespmem:s16+$0xF1B0]  }
0x58: {  	v29 =	vld [tilespmem:s16+$0xF1C0]  }
0x59: {  	v30 =	vbroadcast v0, $0x0;
	v31 =	vbroadcast v0, $0x1;
	v32 =	vld [tilespmem:s16+$0xF1D0]  }
0x5a: {  	v33 =	vbroadcast v0, $0x2;
	v34 =	vbroadcast v0, $0x3;
	v35 =	vld [tilespmem:s16+$0xF1E0]  }
0x5b: {  	v24 =	vmul.f32 v30, v24;
	v25 =	vmul.f32 v25, v30;
	v36 =	vld [tilespmem:s16+$0xF1F0]  }
0x5c: {  	v23 =	vmul.f32 v23, v30;
	v22 =	vmul.f32 v22, v30;
	v30 =	vld [tilespmem:s16+$0xF200]  }
0x5d: {  	v20 =	vmul.f32 v20, v31;
	v21 =	vmul.f32 v21, v31;
	[tilespmem:s16+$0x13000] =	vst v24;
	v24 =	vld [tilespmem:s16+$0xF210]  }
0x5e: {  	v19 =	vmul.f32 v19, v31;
	v18 =	vmul.f32 v18, v31;
	[tilespmem:s16+$0x13010] =	vst v25;
	v25 =	vld [tilespmem:s16+$0xF220]  }
0x5f: {  	v16 =	vmul.f32 v16, v33;
	v17 =	vmul.f32 v17, v33;
	[tilespmem:s16+$0x13020] =	vst v23;
	v23 =	vld [tilespmem:s16+$0xF230]  }
0x60: {  	v15 =	vmul.f32 v15, v33;
	v14 =	vmul.f32 v14, v33;
	[tilespmem:s16+$0x13030] =	vst v22;
	v22 =	vld [tilespmem:s16+$0xF240]  }
0x61: {  	v12 =	vmul.f32 v12, v34;
	v13 =	vmul.f32 v13, v34;
	[tilespmem:s16+$0x13040] =	vst v20;
	v20 =	vld [tilespmem:s16+$0xF250]  }
0x62: {  	v10 =	vmul.f32 v10, v34;
	v11 =	vmul.f32 v11, v34;
	[tilespmem:s16+$0x13050] =	vst v21;
	v21 =	vld [tilespmem:s16+$0xF260]  }
0x63: {  	v31 =	vbroadcast v0, $0x5;
	[tilespmem:s16+$0x13060] =	vst v19;
	v19 =	vbroadcast v0, $0x4;
	v33 =	vld [tilespmem:s16+$0xF270]  }
0x64: {  	v34 =	vbroadcast v0, $0x7;
	[tilespmem:s16+$0x13070] =	vst v18;
	v18 =	vbroadcast v0, $0x6;
	v37 =	vld [tilespmem:s16+$0xF280]  }
0x65: {  	[tilespmem:s16+$0x13080] =	vst v16;
	v8 =	vmul.f32 v8, v19;
	v9 =	vmul.f32 v9, v19;
	v16 =	vld [tilespmem:s16+$0xF290]  }
0x66: {  	v7 =	vmul.f32 v7, v19;
	v6 =	vmul.f32 v6, v19;
	[tilespmem:s16+$0x13090] =	vst v17;
	v17 =	vld [tilespmem:s16+$0xF2A0]  }
0x67: {  	v4 =	vmul.f32 v4, v31;
	v5 =	vmul.f32 v5, v31;
	[tilespmem:s16+$0x130A0] =	vst v15;
	v15 =	vld [tilespmem:s16+$0xF2B0]  }
0x68: {  	v3 =	vmul.f32 v3, v31;
	v2 =	vmul.f32 v2, v31;
	[tilespmem:s16+$0x130B0] =	vst v14;
	v14 =	vld [tilespmem:s16+$0xF2C0]  }
0x69: {  	v1 =	vmul.f32 v1, v18;
	[tilespmem:s16+$0x130C0] =	vst v12;
	v12 =	vmul.f32 v26, v18;
	v19 =	vld [tilespmem:s16+$0xF2D0]  }
0x6a: {  	[tilespmem:s16+$0x130D0] =	vst v13;
	v13 =	vmul.f32 v27, v18;
	v18 =	vmul.f32 v28, v18;
	v26 =	vld [tilespmem:s16+$0xF2E0]  }
0x6b: {  	v27 =	vmul.f32 v32, v34;
	[tilespmem:s16+$0x130E0] =	vst v10;
	v10 =	vmul.f32 v29, v34;
	v28 =	vld [tilespmem:s16+$0xF2F0]  }
0x6c: {  	v29 =	vmul.f32 v36, v34;
	[tilespmem:s16+$0x130F0] =	vst v11;
	v11 =	vmul.f32 v35, v34;
	v31 =	vld [tilespmem:s16+$0xF300]  }
0x6d: {  	v32 =	vbroadcast v0, $0x9;
	[tilespmem:s16+$0x13100] =	vst v8;
	v8 =	vbroadcast v0, $0x8;
	v34 =	vld [tilespmem:s16+$0xF310]  }
0x6e: {  	v35 =	vbroadcast v0, $0xB;
	[tilespmem:s16+$0x13110] =	vst v9;
	v9 =	vbroadcast v0, $0xA;
	v36 =	vld [tilespmem:s16+$0xF320]  }
0x6f: {  	[tilespmem:s16+$0x13120] =	vst v7;
	v7 =	vmul.f32 v30, v8;
	v24 =	vmul.f32 v24, v8;
	v30 =	vld [tilespmem:s16+$0xF330]  }
0x70: {  	[tilespmem:s16+$0x13130] =	vst v6;
	v6 =	vmul.f32 v25, v8;
	v8 =	vmul.f32 v23, v8;
	v23 =	vld [tilespmem:s16+$0xF340]  }
0x71: {  	v20 =	vmul.f32 v20, v32;
	[tilespmem:s16+$0x13140] =	vst v4;
	v4 =	vmul.f32 v22, v32;
	v22 =	vld [tilespmem:s16+$0xF350]  }
0x72: {  	[tilespmem:s16+$0x13150] =	vst v5;
	v5 =	vmul.f32 v21, v32;
	v21 =	vmul.f32 v33, v32;
	v25 =	vld [tilespmem:s16+$0xF360]  }
0x73: {  	v16 =	vmul.f32 v16, v9;
	[tilespmem:s16+$0x13160] =	vst v3;
	v3 =	vmul.f32 v37, v9;
	v32 =	vld [tilespmem:s16+$0xF370]  }
0x74: {  	[tilespmem:s16+$0x13170] =	vst v2;
	v2 =	vmul.f32 v17, v9;
	v9 =	vmul.f32 v15, v9;
	v15 =	vld [tilespmem:s16+$0xF380]  }
0x75: {  	[tilespmem:s16+$0x13180] =	vst v1;
	v1 =	vmul.f32 v14, v35;
	v14 =	vmul.f32 v19, v35;
	v17 =	vld [tilespmem:s16+$0xF390]  }
0x76: {  	[tilespmem:s16+$0x13190] =	vst v12;
	v12 =	vmul.f32 v26, v35;
	v26 =	vmul.f32 v28, v35;
	v19 =	vld [tilespmem:s16+$0xF3A0]  }
0x77: {  	v28 =	vbroadcast v0, $0xD;
	[tilespmem:s16+$0x131A0] =	vst v13;
	v13 =	vbroadcast v0, $0xC;
	v33 =	vld [tilespmem:s16+$0xF3B0]  }
0x78: {  	[tilespmem:s16+$0x131B0] =	vst v18;
	v18 =	vbroadcast v0, $0xE;
	v35 =	vld [tilespmem:s16+$0xF3C0];
	v0 =	vbroadcast v0, $0xF  }
0x79: {  	[tilespmem:s16+$0x131C0] =	vst v10;
	v10 =	vmul.f32 v31, v13;
	v31 =	vmul.f32 v34, v13;
	v34 =	vld [tilespmem:s16+$0xF3D0]  }
0x7a: {  	[tilespmem:s16+$0x131D0] =	vst v27;
	v27 =	vmul.f32 v36, v13;
	v13 =	vmul.f32 v30, v13;
	v30 =	vld [tilespmem:s16+$0xF3E0]  }
0x7b: {  	v36 =	vmul.f32 v22, v28;
	[tilespmem:s16+$0x131E0] =	vst v11;
	v11 =	vmul.f32 v23, v28;
	v22 =	vld [tilespmem:s16+$0xF3F0]  }
0x7c: {  	[tilespmem:s16+$0x131F0] =	vst v29;
	v29 =	vmul.f32 v25, v28;
	v28 =	vmul.f32 v32, v28  }
0x7d: {  	v32 =	vmul.f32 v17, v18;
	[tilespmem:s16+$0x13200] =	vst v7;
	v7 =	vmul.f32 v15, v18  }
0x7e: {  	v37 =	vmul.f32 v19, v18;
	v33 =	vmul.f32 v33, v18;
	[tilespmem:s16+$0x13210] =	vst v24  }
0x7f: {  	v35 =	vmul.f32 v35, v0;
	v34 =	vmul.f32 v34, v0;
	[tilespmem:s16+$0x13220] =	vst v6  }
0x80: {  	v30 =	vmul.f32 v30, v0;
	[tilespmem:s16+$0x13230] =	vst v8;
	v0 =	vmul.f32 v22, v0  }
0x81: {  	[tilespmem:s16+$0x13240] =	vst v4  }
0x82: {  	[tilespmem:s16+$0x13250] =	vst v20  }
0x83: {  	s15 =	sshra.s32 s31, $0x2;
	[tilespmem:s16+$0x13260] =	vst v5  }
0x84: {  	v24 =	vld [tilespmem:s15+$0xF000];
	[tilespmem:s16+$0x13270] =	vst v21  }
0x85: {  	v25 =	vld [tilespmem:s15+$0xF010];
	[tilespmem:s16+$0x13280] =	vst v3  }
0x86: {  	v23 =	vld [tilespmem:s15+$0xF020];
	[tilespmem:s16+$0x13290] =	vst v16  }
0x87: {  	v22 =	vld [tilespmem:s15+$0xF030];
	[tilespmem:s16+$0x132A0] =	vst v2  }
0x88: {  	v20 =	vld [tilespmem:s15+$0xF040];
	[tilespmem:s16+$0x132B0] =	vst v9  }
0x89: {  	v21 =	vld [tilespmem:s15+$0xF050];
	[tilespmem:s16+$0x132C0] =	vst v1  }
0x8a: {  	v19 =	vld [tilespmem:s15+$0xF060];
	[tilespmem:s16+$0x132D0] =	vst v14  }
0x8b: {  	v18 =	vld [tilespmem:s15+$0xF070];
	[tilespmem:s16+$0x132E0] =	vst v12  }
0x8c: {  	v16 =	vld [tilespmem:s15+$0xF080];
	[tilespmem:s16+$0x132F0] =	vst v26  }
0x8d: {  	v17 =	vld [tilespmem:s15+$0xF090];
	[tilespmem:s16+$0x13300] =	vst v10  }
0x8e: {  	v15 =	vld [tilespmem:s15+$0xF0A0];
	[tilespmem:s16+$0x13310] =	vst v31  }
0x8f: {  	v14 =	vld [tilespmem:s15+$0xF0B0];
	[tilespmem:s16+$0x13320] =	vst v27  }
0x90: {  	v12 =	vld [tilespmem:s15+$0xF0C0];
	[tilespmem:s16+$0x13330] =	vst v13  }
0x91: {  	v13 =	vld [tilespmem:s15+$0xF0D0];
	[tilespmem:s16+$0x13340] =	vst v11  }
0x92: {  	v10 =	vld [tilespmem:s15+$0xF0E0];
	[tilespmem:s16+$0x13350] =	vst v36  }
0x93: {  	v11 =	vld [tilespmem:s15+$0xF0F0];
	[tilespmem:s16+$0x13360] =	vst v29  }
0x94: {  	v8 =	vld [tilespmem:s15+$0xF100];
	[tilespmem:s16+$0x13370] =	vst v28  }
0x95: {  	v9 =	vld [tilespmem:s15+$0xF110];
	[tilespmem:s16+$0x13380] =	vst v7  }
0x96: {  	v7 =	vld [tilespmem:s15+$0xF120];
	[tilespmem:s16+$0x13390] =	vst v32  }
0x97: {  	v6 =	vld [tilespmem:s15+$0xF130];
	[tilespmem:s16+$0x133A0] =	vst v37  }
0x98: {  	v4 =	vld [tilespmem:s15+$0xF140];
	[tilespmem:s16+$0x133B0] =	vst v33  }
.Ltmp0:
0x99: {  	v5 =	vld [tilespmem:s15+$0xF150];
	[tilespmem:s16+$0x133C0] =	vst v35;
	(pc) =	sbr.rel @p1 .LBB2_3-.Ltmp0, $4  }
0x9a: {  	v3 =	vld [tilespmem:s15+$0xF160];
	[tilespmem:s16+$0x133D0] =	vst v34  }
0x9b: {  	v2 =	vld [tilespmem:s15+$0xF170];
	[tilespmem:s16+$0x133E0] =	vst v30  }
0x9c: {  	s10 =	sadd.s32 $0x10, s10;
	v1 =	vld [tilespmem:s15+$0xF180];
	[tilespmem:s16+$0x133F0] =	vst v0;
	s16 =	smov.u32 s15  }
0x9d: {  	s31 =	sadd.s32 $0x1000, s31;
	v0 =	vld [tilespmem:s10+$0x0]  }
0x9e: {  	_ =	sdelay $0x3  }
0x9f: {  	v30 =	vbroadcast v0, $0x0;
	_ =	sdelay $0x1  }
0xa0: {  	v24 =	vmul.f32 v30, v24  }
0xa1: {  	v25 =	vmul.f32 v25, v30  }
0xa2: {  	v35 =	vbroadcast v0, $0x1;
	v23 =	vmul.f32 v23, v30;
	[tilespmem:s16+$0x13000] =	vst v24  }
0xa3: {  	v22 =	vmul.f32 v22, v30;
	[tilespmem:s16+$0x13010] =	vst v25  }
0xa4: {  	v20 =	vmul.f32 v20, v35;
	[tilespmem:s16+$0x13020] =	vst v23  }
0xa5: {  	v21 =	vmul.f32 v21, v35;
	[tilespmem:s16+$0x13030] =	vst v22  }
0xa6: {  	v53 =	vbroadcast v0, $0x2;
	v19 =	vmul.f32 v19, v35;
	[tilespmem:s16+$0x13040] =	vst v20  }
0xa7: {  	v18 =	vmul.f32 v18, v35;
	[tilespmem:s16+$0x13050] =	vst v21  }
0xa8: {  	v16 =	vmul.f32 v16, v53;
	[tilespmem:s16+$0x13060] =	vst v19  }
0xa9: {  	v17 =	vmul.f32 v17, v53;
	[tilespmem:s16+$0x13070] =	vst v18  }
0xaa: {  	v54 =	vbroadcast v0, $0x3;
	v15 =	vmul.f32 v15, v53;
	[tilespmem:s16+$0x13080] =	vst v16  }
0xab: {  	v14 =	vmul.f32 v14, v53;
	[tilespmem:s16+$0x13090] =	vst v17  }
0xac: {  	v12 =	vmul.f32 v12, v54;
	[tilespmem:s16+$0x130A0] =	vst v15  }
0xad: {  	v13 =	vmul.f32 v13, v54;
	[tilespmem:s16+$0x130B0] =	vst v14  }
0xae: {  	v55 =	vbroadcast v0, $0x4;
	v10 =	vmul.f32 v10, v54;
	[tilespmem:s16+$0x130C0] =	vst v12  }
0xaf: {  	v11 =	vmul.f32 v11, v54;
	[tilespmem:s16+$0x130D0] =	vst v13  }
0xb0: {  	v8 =	vmul.f32 v8, v55;
	[tilespmem:s16+$0x130E0] =	vst v10  }
0xb1: {  	v9 =	vmul.f32 v9, v55;
	[tilespmem:s16+$0x130F0] =	vst v11  }
0xb2: {  	v60 =	vbroadcast v0, $0x5;
	v7 =	vmul.f32 v7, v55;
	[tilespmem:s16+$0x13100] =	vst v8  }
0xb3: {  	v6 =	vmul.f32 v6, v55;
	[tilespmem:s16+$0x13110] =	vst v9  }
0xb4: {  	v26 =	vld [tilespmem:s16+$0xF190];
	v4 =	vmul.f32 v4, v60;
	[tilespmem:s16+$0x13120] =	vst v7  }
0xb5: {  	v27 =	vld [tilespmem:s16+$0xF1A0];
	v5 =	vmul.f32 v5, v60;
	[tilespmem:s16+$0x13130] =	vst v6  }
0xb6: {  	v28 =	vld [tilespmem:s16+$0xF1B0];
	v37 =	vbroadcast v0, $0x6;
	v3 =	vmul.f32 v3, v60;
	[tilespmem:s16+$0x13140] =	vst v4  }
0xb7: {  	v29 =	vld [tilespmem:s16+$0xF1C0];
	v2 =	vmul.f32 v2, v60;
	[tilespmem:s16+$0x13150] =	vst v5  }
0xb8: {  	v31 =	vld [tilespmem:s16+$0xF1D0];
	v1 =	vmul.f32 v1, v37;
	[tilespmem:s16+$0x13160] =	vst v3  }
0xb9: {  	v32 =	vld [tilespmem:s16+$0xF1E0];
	v26 =	vmul.f32 v26, v37;
	[tilespmem:s16+$0x13170] =	vst v2  }
0xba: {  	v33 =	vld [tilespmem:s16+$0xF1F0];
	v42 =	vbroadcast v0, $0x7;
	v27 =	vmul.f32 v27, v37;
	[tilespmem:s16+$0x13180] =	vst v1  }
0xbb: {  	v34 =	vld [tilespmem:s16+$0xF200];
	v28 =	vmul.f32 v28, v37;
	[tilespmem:s16+$0x13190] =	vst v26  }
0xbc: {  	v52 =	vld [tilespmem:s16+$0xF210];
	v29 =	vmul.f32 v29, v42;
	[tilespmem:s16+$0x131A0] =	vst v27  }
0xbd: {  	v56 =	vld [tilespmem:s16+$0xF2F0];
	v45 =	vmul.f32 v31, v42;
	[tilespmem:s16+$0x131B0] =	vst v28  }
0xbe: {  	v57 =	vld [tilespmem:s16+$0xF300];
	v48 =	vbroadcast v0, $0x8;
	v47 =	vmul.f32 v32, v42;
	[tilespmem:s16+$0x131C0] =	vst v29  }
0xbf: {  	v58 =	vld [tilespmem:s16+$0xF310];
	v33 =	vmul.f32 v33, v42;
	[tilespmem:s16+$0x131D0] =	vst v45  }
0xc0: {  	v59 =	vld [tilespmem:s16+$0xF320];
	v50 =	vmul.f32 v34, v48;
	v54 =	vbroadcast v0, $0xB;
	[tilespmem:s16+$0x131E0] =	vst v47  }
0xc1: {  	v61 =	vld [tilespmem:s16+$0xF330];
	v55 =	vbroadcast v0, $0xC;
	v24 =	vmul.f32 v52, v48;
	[tilespmem:s16+$0x131F0] =	vst v33  }
0xc2: {  	v62 =	vld [tilespmem:s16+$0xF340];
	[tilespmem:s16+$0x13200] =	vst v50;
	v10 =	vmul.f32 v56, v54  }
0xc3: {  	v63 =	vld [tilespmem:s16+$0xF350];
	v11 =	vmul.f32 v57, v55;
	[tilespmem:s16+$0x13210] =	vst v24  }
0xc4: {  	v36 =	vld [tilespmem:s16+$0xF360];
	v8 =	vmul.f32 v58, v55;
	[tilespmem:s16+$0x132F0] =	vst v10  }
0xc5: {  	v38 =	vld [tilespmem:s16+$0xF370];
	v56 =	vbroadcast v0, $0xD;
	v9 =	vmul.f32 v59, v55;
	[tilespmem:s16+$0x13300] =	vst v11  }
0xc6: {  	v39 =	vld [tilespmem:s16+$0xF380];
	v7 =	vmul.f32 v61, v55;
	[tilespmem:s16+$0x13310] =	vst v8  }
0xc7: {  	v40 =	vld [tilespmem:s16+$0xF390];
	v6 =	vmul.f32 v62, v56;
	[tilespmem:s16+$0x13320] =	vst v9  }
0xc8: {  	v41 =	vld [tilespmem:s16+$0xF3A0];
	v4 =	vmul.f32 v63, v56;
	[tilespmem:s16+$0x13330] =	vst v7  }
0xc9: {  	v43 =	vld [tilespmem:s16+$0xF3B0];
	v57 =	vbroadcast v0, $0xE;
	v5 =	vmul.f32 v36, v56;
	[tilespmem:s16+$0x13340] =	vst v6  }
0xca: {  	v44 =	vld [tilespmem:s16+$0xF3C0];
	v3 =	vmul.f32 v38, v56;
	[tilespmem:s16+$0x13350] =	vst v4  }
0xcb: {  	v46 =	vld [tilespmem:s16+$0xF3D0];
	v2 =	vmul.f32 v39, v57;
	[tilespmem:s16+$0x13360] =	vst v5  }
0xcc: {  	v49 =	vld [tilespmem:s16+$0xF3E0];
	v1 =	vmul.f32 v40, v57;
	[tilespmem:s16+$0x13370] =	vst v3  }
0xcd: {  	v51 =	vld [tilespmem:s16+$0xF3F0];
	v58 =	vbroadcast v0, $0xF;
	v59 =	vmul.f32 v41, v57;
	[tilespmem:s16+$0x13380] =	vst v2  }
0xce: {  	v25 =	vld [tilespmem:s16+$0xF220];
	v60 =	vmul.f32 v43, v57;
	[tilespmem:s16+$0x13390] =	vst v1  }
0xcf: {  	v23 =	vld [tilespmem:s16+$0xF230];
	v61 =	vmul.f32 v44, v58;
	[tilespmem:s16+$0x133A0] =	vst v59  }
0xd0: {  	v22 =	vld [tilespmem:s16+$0xF240];
	v62 =	vmul.f32 v46, v58;
	[tilespmem:s16+$0x133B0] =	vst v60  }
0xd1: {  	v53 =	vbroadcast v0, $0xA;
	v20 =	vld [tilespmem:s16+$0xF250];
	v63 =	vmul.f32 v49, v58;
	[tilespmem:s16+$0x133C0] =	vst v61  }
0xd2: {  	v21 =	vld [tilespmem:s16+$0xF260];
	v52 =	vbroadcast v0, $0x9;
	v0 =	vmul.f32 v51, v58;
	[tilespmem:s16+$0x133D0] =	vst v62  }
0xd3: {  	v19 =	vld [tilespmem:s16+$0xF270];
	[tilespmem:s16+$0x133E0] =	vst v63;
	v25 =	vmul.f32 v25, v48  }
0xd4: {  	v18 =	vld [tilespmem:s16+$0xF280];
	[tilespmem:s16+$0x133F0] =	vst v0;
	v23 =	vmul.f32 v23, v48  }
0xd5: {  	v16 =	vld [tilespmem:s16+$0xF290];
	v22 =	vmul.f32 v22, v52;
	[tilespmem:s16+$0x13220] =	vst v25  }
0xd6: {  	v17 =	vld [tilespmem:s16+$0xF2A0];
	v20 =	vmul.f32 v20, v52;
	[tilespmem:s16+$0x13230] =	vst v23  }
0xd7: {  	v15 =	vld [tilespmem:s16+$0xF2B0];
	v21 =	vmul.f32 v21, v52;
	[tilespmem:s16+$0x13240] =	vst v22  }
0xd8: {  	v14 =	vld [tilespmem:s16+$0xF2C0];
	v19 =	vmul.f32 v19, v52;
	[tilespmem:s16+$0x13250] =	vst v20  }
0xd9: {  	v12 =	vld [tilespmem:s16+$0xF2D0];
	v18 =	vmul.f32 v18, v53;
	[tilespmem:s16+$0x13260] =	vst v21  }
0xda: {  	v13 =	vld [tilespmem:s16+$0xF2E0];
	v16 =	vmul.f32 v16, v53;
	[tilespmem:s16+$0x13270] =	vst v19  }
0xdb: {  	v17 =	vmul.f32 v17, v53;
	[tilespmem:s16+$0x13280] =	vst v18  }
0xdc: {  	v15 =	vmul.f32 v15, v53;
	[tilespmem:s16+$0x13290] =	vst v16  }
0xdd: {  	v14 =	vmul.f32 v14, v54;
	[tilespmem:s16+$0x132A0] =	vst v17  }
0xde: {  	v12 =	vmul.f32 v12, v54;
	[tilespmem:s16+$0x132B0] =	vst v15  }
0xdf: {  	v13 =	vmul.f32 v13, v54;
	[tilespmem:s16+$0x132C0] =	vst v14  }
0xe0: {  	[tilespmem:s16+$0x132D0] =	vst v12  }
0xe1: {  	[tilespmem:s16+$0x132E0] =	vst v13  }
0xe2: {  	v0 =	vld [tilespmem:s25+$0x5000];
	_ =	sdelay $0x4  }
0xe3: {  	v0 =	vmin.u32 v0, $0x1400  }
0xe4: {  	[tilespmem:$0x17000] =	vst v0  }
0xe5: {  	v0 =	vld [tilespmem:s25+$0x5010];
	_ =	sdelay $0x4  }
0xe6: {  	v0 =	vmin.u32 v0, $0x1400  }
0xe7: {  	[tilespmem:$0x17010] =	vst v0  }
0xe8: {  	v0 =	vld [tilespmem:s25+$0x5020];
	_ =	sdelay $0x4  }
0xe9: {  	v0 =	vmin.u32 v0, $0x1400  }
0xea: {  	[tilespmem:$0x17020] =	vst v0  }
0xeb: {  	v0 =	vld [tilespmem:s25+$0x5030];
	_ =	sdelay $0x4  }
0xec: {  	v0 =	vmin.u32 v0, $0x1400  }
0xed: {  	[tilespmem:$0x17030] =	vst v0  }
0xee: {  	v0 =	vld [tilespmem:s25+$0x5040];
	_ =	sdelay $0x4  }
0xef: {  	v0 =	vmin.u32 v0, $0x1400  }
0xf0: {  	[tilespmem:$0x17040] =	vst v0  }
0xf1: {  	v0 =	vld [tilespmem:s25+$0x5050];
	_ =	sdelay $0x4  }
0xf2: {  	v0 =	vmin.u32 v0, $0x1400  }
0xf3: {  	[tilespmem:$0x17050] =	vst v0  }
0xf4: {  	v0 =	vld [tilespmem:s25+$0x5060];
	_ =	sdelay $0x4  }
0xf5: {  	v0 =	vmin.u32 v0, $0x1400  }
0xf6: {  	[tilespmem:$0x17060] =	vst v0  }
0xf7: {  	v0 =	vld [tilespmem:s25+$0x5070];
	_ =	sdelay $0x3  }
0xf8: {  	p1 =	sne.s32 s12, $0x4F  }
.Ltmp1:
0xf9: {  	v0 =	vmin.u32 v0, $0x1400;
	(pc) =	sbr.rel @p1 .LBB2_6-.Ltmp1, $4  }
0xfa: {  	s10 =	sshll.u32 s12, $0xB;
	[tilespmem:$0x17070] =	vst v0  }
0xfb: {  	[spmem:s2] =	stream.indirect.scatter.add.f32 [tilespmem:s22], [sflag:$0x5], $0x40, s21, s17, $0xb8;
	[tilespmem:$0x1C400] =	vst v63  }
0xfc: {  	s10 =	sadd.s32 s10, s9  }
0xfd: {  	[hbm4b:s10+s3] =	stream.linear.scatter [tilespmem:s22], [sflag:$0x7], $0x2000, $0x38;
	[tilespmem:$0x1C400] =	vst v63  }
.Ltmp2:
0xfe: {  	(pc) =	sbr.rel .LBB2_7-.Ltmp2, $4  }
0xff: {  	_ = 	snop  }
0x100: {  	_ =	swait.ge [sflag:s23], $0x2000  }
0x101: {  	[sflag:s23] =	ssyncset.done $0x0  }
0x102: {  	[sflag:s23] =	ssyncadd.s32 $0xFFFFE000  }
.LBB2_6:
0x103: {  	s7 =	sshrl.u32 s7, $0x2  }
.Ltmp3:
0x104: {  	s7 =	sadd.s32 $0x100, s7;
	(pc) =	sbr.rel @p0 .LBB2_8-.Ltmp3, $4  }
0x105: {  	[tilespmem:s18], [sflag:$0x1] =	stream.indirect.gather [hbm4b:s8+s17], $0x40, s7, s17, $0xb8;
	[tilespmem:$0x1C400] =	vst v63  }
0x106: {  	_ =	swait.ge [sflag:s23], $0x2000  }
0x107: {  	[sflag:s23] =	ssyncset.done $0x0  }
0x108: {  	[sflag:s23] =	ssyncadd.s32 $0xFFFFE000  }
.LBB2_7:
0x109: {  	_ =	swait.ge [sflag:s26], $0x2000  }
0x10a: {  	[sflag:s26] =	ssyncset.done $0x0  }
0x10b: {  	[sflag:s26] =	ssyncadd.s32 $0xFFFFE000  }
0x10c: {  	_ =	swait.ge [sflag:s28], $0x2000  }
0x10d: {  	[sflag:s28] =	ssyncset.done $0x0  }
0x10e: {  	[sflag:s28] =	ssyncadd.s32 $0xFFFFE000  }
.LBB2_8:
0x10f: {  	s7 =	simm.s32 $0x0;
	v0 =	vld [tilespmem:s11+$0x0]  }
0x110: {  	v24 =	vld [tilespmem:s7+$0x11000]  }
0x111: {  	v25 =	vld [tilespmem:s7+$0x11010]  }
0x112: {  	v23 =	vld [tilespmem:s7+$0x11020]  }
0x113: {  	v22 =	vld [tilespmem:s7+$0x11030]  }
0x114: {  	v20 =	vld [tilespmem:s7+$0x11040]  }
0x115: {  	v21 =	vld [tilespmem:s7+$0x11050]  }
0x116: {  	v19 =	vld [tilespmem:s7+$0x11060]  }
0x117: {  	v18 =	vld [tilespmem:s7+$0x11070]  }
0x118: {  	v16 =	vld [tilespmem:s7+$0x11080]  }
0x119: {  	v17 =	vld [tilespmem:s7+$0x11090]  }
0x11a: {  	v15 =	vld [tilespmem:s7+$0x110A0]  }
0x11b: {  	v14 =	vld [tilespmem:s7+$0x110B0]  }
0x11c: {  	v12 =	vld [tilespmem:s7+$0x110C0]  }
0x11d: {  	v13 =	vld [tilespmem:s7+$0x110D0]  }
0x11e: {  	v10 =	vld [tilespmem:s7+$0x110E0]  }
0x11f: {  	v11 =	vld [tilespmem:s7+$0x110F0]  }
0x120: {  	v8 =	vld [tilespmem:s7+$0x11100]  }
0x121: {  	v9 =	vld [tilespmem:s7+$0x11110]  }
0x122: {  	v7 =	vld [tilespmem:s7+$0x11120]  }
0x123: {  	v6 =	vld [tilespmem:s7+$0x11130]  }
0x124: {  	v4 =	vld [tilespmem:s7+$0x11140]  }
0x125: {  	v5 =	vld [tilespmem:s7+$0x11150]  }
0x126: {  	v3 =	vld [tilespmem:s7+$0x11160]  }
0x127: {  	v2 =	vld [tilespmem:s7+$0x11170]  }
0x128: {  	s16 =	simm.s32 $0x1000;
	s10 =	smov.u32 s11;
	v1 =	vld [tilespmem:s7+$0x11180]  }
.LBB2_9:
0x129: {  	p0 =	sne.s32 s16, $0x7000;
	v26 =	vld [tilespmem:s7+$0x11190]  }
0x12a: {  	v27 =	vld [tilespmem:s7+$0x111A0]  }
0x12b: {  	v28 =	vld [tilespmem:s7+$0x111B0]  }
0x12c: {  	v29 =	vld [tilespmem:s7+$0x111C0]  }
0x12d: {  	v30 =	vbroadcast v0, $0x0;
	v31 =	vbroadcast v0, $0x1;
	v32 =	vld [tilespmem:s7+$0x111D0]  }
0x12e: {  	v33 =	vbroadcast v0, $0x2;
	v34 =	vbroadcast v0, $0x3;
	v35 =	vld [tilespmem:s7+$0x111E0]  }
0x12f: {  	v24 =	vmul.f32 v30, v24;
	v25 =	vmul.f32 v25, v30;
	v36 =	vld [tilespmem:s7+$0x111F0]  }
0x130: {  	v23 =	vmul.f32 v23, v30;
	v22 =	vmul.f32 v22, v30;
	v30 =	vld [tilespmem:s7+$0x11200]  }
0x131: {  	v20 =	vmul.f32 v20, v31;
	v21 =	vmul.f32 v21, v31;
	[tilespmem:s7+$0x15000] =	vst v24;
	v24 =	vld [tilespmem:s7+$0x11210]  }
0x132: {  	v19 =	vmul.f32 v19, v31;
	v18 =	vmul.f32 v18, v31;
	[tilespmem:s7+$0x15010] =	vst v25;
	v25 =	vld [tilespmem:s7+$0x11220]  }
0x133: {  	v16 =	vmul.f32 v16, v33;
	v17 =	vmul.f32 v17, v33;
	[tilespmem:s7+$0x15020] =	vst v23;
	v23 =	vld [tilespmem:s7+$0x11230]  }
0x134: {  	v15 =	vmul.f32 v15, v33;
	v14 =	vmul.f32 v14, v33;
	[tilespmem:s7+$0x15030] =	vst v22;
	v22 =	vld [tilespmem:s7+$0x11240]  }
0x135: {  	v12 =	vmul.f32 v12, v34;
	v13 =	vmul.f32 v13, v34;
	[tilespmem:s7+$0x15040] =	vst v20;
	v20 =	vld [tilespmem:s7+$0x11250]  }
0x136: {  	v10 =	vmul.f32 v10, v34;
	v11 =	vmul.f32 v11, v34;
	[tilespmem:s7+$0x15050] =	vst v21;
	v21 =	vld [tilespmem:s7+$0x11260]  }
0x137: {  	v31 =	vbroadcast v0, $0x5;
	[tilespmem:s7+$0x15060] =	vst v19;
	v19 =	vbroadcast v0, $0x4;
	v33 =	vld [tilespmem:s7+$0x11270]  }
0x138: {  	v34 =	vbroadcast v0, $0x7;
	[tilespmem:s7+$0x15070] =	vst v18;
	v18 =	vbroadcast v0, $0x6;
	v37 =	vld [tilespmem:s7+$0x11280]  }
0x139: {  	[tilespmem:s7+$0x15080] =	vst v16;
	v8 =	vmul.f32 v8, v19;
	v9 =	vmul.f32 v9, v19;
	v16 =	vld [tilespmem:s7+$0x11290]  }
0x13a: {  	v7 =	vmul.f32 v7, v19;
	v6 =	vmul.f32 v6, v19;
	[tilespmem:s7+$0x15090] =	vst v17;
	v17 =	vld [tilespmem:s7+$0x112A0]  }
0x13b: {  	v4 =	vmul.f32 v4, v31;
	v5 =	vmul.f32 v5, v31;
	[tilespmem:s7+$0x150A0] =	vst v15;
	v15 =	vld [tilespmem:s7+$0x112B0]  }
0x13c: {  	v3 =	vmul.f32 v3, v31;
	v2 =	vmul.f32 v2, v31;
	[tilespmem:s7+$0x150B0] =	vst v14;
	v14 =	vld [tilespmem:s7+$0x112C0]  }
0x13d: {  	v1 =	vmul.f32 v1, v18;
	[tilespmem:s7+$0x150C0] =	vst v12;
	v12 =	vmul.f32 v26, v18;
	v19 =	vld [tilespmem:s7+$0x112D0]  }
0x13e: {  	[tilespmem:s7+$0x150D0] =	vst v13;
	v13 =	vmul.f32 v27, v18;
	v18 =	vmul.f32 v28, v18;
	v26 =	vld [tilespmem:s7+$0x112E0]  }
0x13f: {  	v27 =	vmul.f32 v32, v34;
	[tilespmem:s7+$0x150E0] =	vst v10;
	v10 =	vmul.f32 v29, v34;
	v28 =	vld [tilespmem:s7+$0x112F0]  }
0x140: {  	v29 =	vmul.f32 v36, v34;
	[tilespmem:s7+$0x150F0] =	vst v11;
	v11 =	vmul.f32 v35, v34;
	v31 =	vld [tilespmem:s7+$0x11300]  }
0x141: {  	v32 =	vbroadcast v0, $0x9;
	[tilespmem:s7+$0x15100] =	vst v8;
	v8 =	vbroadcast v0, $0x8;
	v34 =	vld [tilespmem:s7+$0x11310]  }
0x142: {  	v35 =	vbroadcast v0, $0xB;
	[tilespmem:s7+$0x15110] =	vst v9;
	v9 =	vbroadcast v0, $0xA;
	v36 =	vld [tilespmem:s7+$0x11320]  }
0x143: {  	[tilespmem:s7+$0x15120] =	vst v7;
	v7 =	vmul.f32 v30, v8;
	v24 =	vmul.f32 v24, v8;
	v30 =	vld [tilespmem:s7+$0x11330]  }
0x144: {  	[tilespmem:s7+$0x15130] =	vst v6;
	v6 =	vmul.f32 v25, v8;
	v8 =	vmul.f32 v23, v8;
	v23 =	vld [tilespmem:s7+$0x11340]  }
0x145: {  	v20 =	vmul.f32 v20, v32;
	[tilespmem:s7+$0x15140] =	vst v4;
	v4 =	vmul.f32 v22, v32;
	v22 =	vld [tilespmem:s7+$0x11350]  }
0x146: {  	[tilespmem:s7+$0x15150] =	vst v5;
	v5 =	vmul.f32 v21, v32;
	v21 =	vmul.f32 v33, v32;
	v25 =	vld [tilespmem:s7+$0x11360]  }
0x147: {  	v16 =	vmul.f32 v16, v9;
	[tilespmem:s7+$0x15160] =	vst v3;
	v3 =	vmul.f32 v37, v9;
	v32 =	vld [tilespmem:s7+$0x11370]  }
0x148: {  	[tilespmem:s7+$0x15170] =	vst v2;
	v2 =	vmul.f32 v17, v9;
	v9 =	vmul.f32 v15, v9;
	v15 =	vld [tilespmem:s7+$0x11380]  }
0x149: {  	[tilespmem:s7+$0x15180] =	vst v1;
	v1 =	vmul.f32 v14, v35;
	v14 =	vmul.f32 v19, v35;
	v17 =	vld [tilespmem:s7+$0x11390]  }
0x14a: {  	[tilespmem:s7+$0x15190] =	vst v12;
	v12 =	vmul.f32 v26, v35;
	v26 =	vmul.f32 v28, v35;
	v19 =	vld [tilespmem:s7+$0x113A0]  }
0x14b: {  	v28 =	vbroadcast v0, $0xD;
	[tilespmem:s7+$0x151A0] =	vst v13;
	v13 =	vbroadcast v0, $0xC;
	v33 =	vld [tilespmem:s7+$0x113B0]  }
0x14c: {  	[tilespmem:s7+$0x151B0] =	vst v18;
	v18 =	vbroadcast v0, $0xE;
	v35 =	vld [tilespmem:s7+$0x113C0];
	v0 =	vbroadcast v0, $0xF  }
0x14d: {  	[tilespmem:s7+$0x151C0] =	vst v10;
	v10 =	vmul.f32 v31, v13;
	v31 =	vmul.f32 v34, v13;
	v34 =	vld [tilespmem:s7+$0x113D0]  }
0x14e: {  	[tilespmem:s7+$0x151D0] =	vst v27;
	v27 =	vmul.f32 v36, v13;
	v13 =	vmul.f32 v30, v13;
	v30 =	vld [tilespmem:s7+$0x113E0]  }
0x14f: {  	v36 =	vmul.f32 v22, v28;
	[tilespmem:s7+$0x151E0] =	vst v11;
	v11 =	vmul.f32 v23, v28;
	v22 =	vld [tilespmem:s7+$0x113F0]  }
0x150: {  	[tilespmem:s7+$0x151F0] =	vst v29;
	v29 =	vmul.f32 v25, v28;
	v28 =	vmul.f32 v32, v28  }
0x151: {  	v32 =	vmul.f32 v17, v18;
	[tilespmem:s7+$0x15200] =	vst v7;
	v7 =	vmul.f32 v15, v18  }
0x152: {  	v37 =	vmul.f32 v19, v18;
	v33 =	vmul.f32 v33, v18;
	[tilespmem:s7+$0x15210] =	vst v24  }
0x153: {  	v35 =	vmul.f32 v35, v0;
	v34 =	vmul.f32 v34, v0;
	[tilespmem:s7+$0x15220] =	vst v6  }
0x154: {  	v30 =	vmul.f32 v30, v0;
	[tilespmem:s7+$0x15230] =	vst v8;
	v0 =	vmul.f32 v22, v0  }
0x155: {  	[tilespmem:s7+$0x15240] =	vst v4  }
0x156: {  	[tilespmem:s7+$0x15250] =	vst v20  }
0x157: {  	s15 =	sshra.s32 s16, $0x2;
	[tilespmem:s7+$0x15260] =	vst v5  }
0x158: {  	v24 =	vld [tilespmem:s15+$0x11000];
	[tilespmem:s7+$0x15270] =	vst v21  }
0x159: {  	v25 =	vld [tilespmem:s15+$0x11010];
	[tilespmem:s7+$0x15280] =	vst v3  }
0x15a: {  	v23 =	vld [tilespmem:s15+$0x11020];
	[tilespmem:s7+$0x15290] =	vst v16  }
0x15b: {  	v22 =	vld [tilespmem:s15+$0x11030];
	[tilespmem:s7+$0x152A0] =	vst v2  }
0x15c: {  	v20 =	vld [tilespmem:s15+$0x11040];
	[tilespmem:s7+$0x152B0] =	vst v9  }
0x15d: {  	v21 =	vld [tilespmem:s15+$0x11050];
	[tilespmem:s7+$0x152C0] =	vst v1  }
0x15e: {  	v19 =	vld [tilespmem:s15+$0x11060];
	[tilespmem:s7+$0x152D0] =	vst v14  }
0x15f: {  	v18 =	vld [tilespmem:s15+$0x11070];
	[tilespmem:s7+$0x152E0] =	vst v12  }
0x160: {  	v16 =	vld [tilespmem:s15+$0x11080];
	[tilespmem:s7+$0x152F0] =	vst v26  }
0x161: {  	v17 =	vld [tilespmem:s15+$0x11090];
	[tilespmem:s7+$0x15300] =	vst v10  }
0x162: {  	v15 =	vld [tilespmem:s15+$0x110A0];
	[tilespmem:s7+$0x15310] =	vst v31  }
0x163: {  	v14 =	vld [tilespmem:s15+$0x110B0];
	[tilespmem:s7+$0x15320] =	vst v27  }
0x164: {  	v12 =	vld [tilespmem:s15+$0x110C0];
	[tilespmem:s7+$0x15330] =	vst v13  }
0x165: {  	v13 =	vld [tilespmem:s15+$0x110D0];
	[tilespmem:s7+$0x15340] =	vst v11  }
0x166: {  	v10 =	vld [tilespmem:s15+$0x110E0];
	[tilespmem:s7+$0x15350] =	vst v36  }
0x167: {  	v11 =	vld [tilespmem:s15+$0x110F0];
	[tilespmem:s7+$0x15360] =	vst v29  }
0x168: {  	v8 =	vld [tilespmem:s15+$0x11100];
	[tilespmem:s7+$0x15370] =	vst v28  }
0x169: {  	v9 =	vld [tilespmem:s15+$0x11110];
	[tilespmem:s7+$0x15380] =	vst v7  }
0x16a: {  	v7 =	vld [tilespmem:s15+$0x11120];
	[tilespmem:s7+$0x15390] =	vst v32  }
0x16b: {  	v6 =	vld [tilespmem:s15+$0x11130];
	[tilespmem:s7+$0x153A0] =	vst v37  }
0x16c: {  	v4 =	vld [tilespmem:s15+$0x11140];
	[tilespmem:s7+$0x153B0] =	vst v33  }
.Ltmp4:
0x16d: {  	v5 =	vld [tilespmem:s15+$0x11150];
	[tilespmem:s7+$0x153C0] =	vst v35;
	(pc) =	sbr.rel @p0 .LBB2_9-.Ltmp4, $4  }
0x16e: {  	v3 =	vld [tilespmem:s15+$0x11160];
	[tilespmem:s7+$0x153D0] =	vst v34  }
0x16f: {  	v2 =	vld [tilespmem:s15+$0x11170];
	[tilespmem:s7+$0x153E0] =	vst v30  }
0x170: {  	s10 =	sadd.s32 $0x10, s10;
	v1 =	vld [tilespmem:s15+$0x11180];
	[tilespmem:s7+$0x153F0] =	vst v0;
	s7 =	smov.u32 s15  }
0x171: {  	s16 =	sadd.s32 $0x1000, s16;
	v0 =	vld [tilespmem:s10+$0x0]  }
0x172: {  	_ =	sdelay $0x3  }
0x173: {  	v30 =	vbroadcast v0, $0x0;
	_ =	sdelay $0x1  }
0x174: {  	v24 =	vmul.f32 v30, v24  }
0x175: {  	v25 =	vmul.f32 v25, v30  }
0x176: {  	v35 =	vbroadcast v0, $0x1;
	v23 =	vmul.f32 v23, v30;
	[tilespmem:s7+$0x15000] =	vst v24  }
0x177: {  	v22 =	vmul.f32 v22, v30;
	[tilespmem:s7+$0x15010] =	vst v25  }
0x178: {  	v20 =	vmul.f32 v20, v35;
	[tilespmem:s7+$0x15020] =	vst v23  }
0x179: {  	v21 =	vmul.f32 v21, v35;
	[tilespmem:s7+$0x15030] =	vst v22  }
0x17a: {  	v53 =	vbroadcast v0, $0x2;
	v19 =	vmul.f32 v19, v35;
	[tilespmem:s7+$0x15040] =	vst v20  }
0x17b: {  	v18 =	vmul.f32 v18, v35;
	[tilespmem:s7+$0x15050] =	vst v21  }
0x17c: {  	v16 =	vmul.f32 v16, v53;
	[tilespmem:s7+$0x15060] =	vst v19  }
0x17d: {  	v17 =	vmul.f32 v17, v53;
	[tilespmem:s7+$0x15070] =	vst v18  }
0x17e: {  	v54 =	vbroadcast v0, $0x3;
	v15 =	vmul.f32 v15, v53;
	[tilespmem:s7+$0x15080] =	vst v16  }
0x17f: {  	v14 =	vmul.f32 v14, v53;
	[tilespmem:s7+$0x15090] =	vst v17  }
0x180: {  	v12 =	vmul.f32 v12, v54;
	[tilespmem:s7+$0x150A0] =	vst v15  }
0x181: {  	v13 =	vmul.f32 v13, v54;
	[tilespmem:s7+$0x150B0] =	vst v14  }
0x182: {  	v55 =	vbroadcast v0, $0x4;
	v10 =	vmul.f32 v10, v54;
	[tilespmem:s7+$0x150C0] =	vst v12  }
0x183: {  	v11 =	vmul.f32 v11, v54;
	[tilespmem:s7+$0x150D0] =	vst v13  }
0x184: {  	v8 =	vmul.f32 v8, v55;
	[tilespmem:s7+$0x150E0] =	vst v10  }
0x185: {  	v9 =	vmul.f32 v9, v55;
	[tilespmem:s7+$0x150F0] =	vst v11  }
0x186: {  	v60 =	vbroadcast v0, $0x5;
	v7 =	vmul.f32 v7, v55;
	[tilespmem:s7+$0x15100] =	vst v8  }
0x187: {  	v6 =	vmul.f32 v6, v55;
	[tilespmem:s7+$0x15110] =	vst v9  }
0x188: {  	v26 =	vld [tilespmem:s7+$0x11190];
	v4 =	vmul.f32 v4, v60;
	[tilespmem:s7+$0x15120] =	vst v7  }
0x189: {  	v27 =	vld [tilespmem:s7+$0x111A0];
	v5 =	vmul.f32 v5, v60;
	[tilespmem:s7+$0x15130] =	vst v6  }
0x18a: {  	v28 =	vld [tilespmem:s7+$0x111B0];
	v37 =	vbroadcast v0, $0x6;
	v3 =	vmul.f32 v3, v60;
	[tilespmem:s7+$0x15140] =	vst v4  }
0x18b: {  	v29 =	vld [tilespmem:s7+$0x111C0];
	v2 =	vmul.f32 v2, v60;
	[tilespmem:s7+$0x15150] =	vst v5  }
0x18c: {  	v31 =	vld [tilespmem:s7+$0x111D0];
	v1 =	vmul.f32 v1, v37;
	[tilespmem:s7+$0x15160] =	vst v3  }
0x18d: {  	v32 =	vld [tilespmem:s7+$0x111E0];
	v26 =	vmul.f32 v26, v37;
	[tilespmem:s7+$0x15170] =	vst v2  }
0x18e: {  	v33 =	vld [tilespmem:s7+$0x111F0];
	v42 =	vbroadcast v0, $0x7;
	v27 =	vmul.f32 v27, v37;
	[tilespmem:s7+$0x15180] =	vst v1  }
0x18f: {  	v34 =	vld [tilespmem:s7+$0x11200];
	v28 =	vmul.f32 v28, v37;
	[tilespmem:s7+$0x15190] =	vst v26  }
0x190: {  	v52 =	vld [tilespmem:s7+$0x11210];
	v29 =	vmul.f32 v29, v42;
	[tilespmem:s7+$0x151A0] =	vst v27  }
0x191: {  	v56 =	vld [tilespmem:s7+$0x112F0];
	v45 =	vmul.f32 v31, v42;
	[tilespmem:s7+$0x151B0] =	vst v28  }
0x192: {  	v57 =	vld [tilespmem:s7+$0x11300];
	v48 =	vbroadcast v0, $0x8;
	v47 =	vmul.f32 v32, v42;
	[tilespmem:s7+$0x151C0] =	vst v29  }
0x193: {  	v58 =	vld [tilespmem:s7+$0x11310];
	v33 =	vmul.f32 v33, v42;
	[tilespmem:s7+$0x151D0] =	vst v45  }
0x194: {  	v59 =	vld [tilespmem:s7+$0x11320];
	v50 =	vmul.f32 v34, v48;
	v54 =	vbroadcast v0, $0xB;
	[tilespmem:s7+$0x151E0] =	vst v47  }
0x195: {  	v61 =	vld [tilespmem:s7+$0x11330];
	v55 =	vbroadcast v0, $0xC;
	v24 =	vmul.f32 v52, v48;
	[tilespmem:s7+$0x151F0] =	vst v33  }
0x196: {  	v62 =	vld [tilespmem:s7+$0x11340];
	[tilespmem:s7+$0x15200] =	vst v50;
	v10 =	vmul.f32 v56, v54  }
0x197: {  	v63 =	vld [tilespmem:s7+$0x11350];
	v11 =	vmul.f32 v57, v55;
	[tilespmem:s7+$0x15210] =	vst v24  }
0x198: {  	v36 =	vld [tilespmem:s7+$0x11360];
	v8 =	vmul.f32 v58, v55;
	[tilespmem:s7+$0x152F0] =	vst v10  }
0x199: {  	v38 =	vld [tilespmem:s7+$0x11370];
	v56 =	vbroadcast v0, $0xD;
	v9 =	vmul.f32 v59, v55;
	[tilespmem:s7+$0x15300] =	vst v11  }
0x19a: {  	v39 =	vld [tilespmem:s7+$0x11380];
	v7 =	vmul.f32 v61, v55;
	[tilespmem:s7+$0x15310] =	vst v8  }
0x19b: {  	v40 =	vld [tilespmem:s7+$0x11390];
	v6 =	vmul.f32 v62, v56;
	[tilespmem:s7+$0x15320] =	vst v9  }
0x19c: {  	v41 =	vld [tilespmem:s7+$0x113A0];
	v4 =	vmul.f32 v63, v56;
	[tilespmem:s7+$0x15330] =	vst v7  }
0x19d: {  	v43 =	vld [tilespmem:s7+$0x113B0];
	v57 =	vbroadcast v0, $0xE;
	v5 =	vmul.f32 v36, v56;
	[tilespmem:s7+$0x15340] =	vst v6  }
0x19e: {  	v44 =	vld [tilespmem:s7+$0x113C0];
	v3 =	vmul.f32 v38, v56;
	[tilespmem:s7+$0x15350] =	vst v4  }
0x19f: {  	v46 =	vld [tilespmem:s7+$0x113D0];
	v2 =	vmul.f32 v39, v57;
	[tilespmem:s7+$0x15360] =	vst v5  }
0x1a0: {  	v49 =	vld [tilespmem:s7+$0x113E0];
	v1 =	vmul.f32 v40, v57;
	[tilespmem:s7+$0x15370] =	vst v3  }
0x1a1: {  	v51 =	vld [tilespmem:s7+$0x113F0];
	v58 =	vbroadcast v0, $0xF;
	v59 =	vmul.f32 v41, v57;
	[tilespmem:s7+$0x15380] =	vst v2  }
0x1a2: {  	v25 =	vld [tilespmem:s7+$0x11220];
	v60 =	vmul.f32 v43, v57;
	[tilespmem:s7+$0x15390] =	vst v1  }
0x1a3: {  	v23 =	vld [tilespmem:s7+$0x11230];
	v61 =	vmul.f32 v44, v58;
	[tilespmem:s7+$0x153A0] =	vst v59  }
0x1a4: {  	v22 =	vld [tilespmem:s7+$0x11240];
	v62 =	vmul.f32 v46, v58;
	[tilespmem:s7+$0x153B0] =	vst v60  }
0x1a5: {  	v53 =	vbroadcast v0, $0xA;
	v20 =	vld [tilespmem:s7+$0x11250];
	v63 =	vmul.f32 v49, v58;
	[tilespmem:s7+$0x153C0] =	vst v61  }
0x1a6: {  	v21 =	vld [tilespmem:s7+$0x11260];
	v52 =	vbroadcast v0, $0x9;
	v0 =	vmul.f32 v51, v58;
	[tilespmem:s7+$0x153D0] =	vst v62  }
0x1a7: {  	v19 =	vld [tilespmem:s7+$0x11270];
	[tilespmem:s7+$0x153E0] =	vst v63;
	v25 =	vmul.f32 v25, v48  }
0x1a8: {  	v18 =	vld [tilespmem:s7+$0x11280];
	[tilespmem:s7+$0x153F0] =	vst v0;
	v23 =	vmul.f32 v23, v48  }
0x1a9: {  	v16 =	vld [tilespmem:s7+$0x11290];
	v22 =	vmul.f32 v22, v52;
	[tilespmem:s7+$0x15220] =	vst v25  }
0x1aa: {  	v17 =	vld [tilespmem:s7+$0x112A0];
	v20 =	vmul.f32 v20, v52;
	[tilespmem:s7+$0x15230] =	vst v23  }
0x1ab: {  	v15 =	vld [tilespmem:s7+$0x112B0];
	v21 =	vmul.f32 v21, v52;
	[tilespmem:s7+$0x15240] =	vst v22  }
0x1ac: {  	v14 =	vld [tilespmem:s7+$0x112C0];
	v19 =	vmul.f32 v19, v52;
	[tilespmem:s7+$0x15250] =	vst v20  }
0x1ad: {  	v12 =	vld [tilespmem:s7+$0x112D0];
	v18 =	vmul.f32 v18, v53;
	[tilespmem:s7+$0x15260] =	vst v21  }
0x1ae: {  	v13 =	vld [tilespmem:s7+$0x112E0];
	v16 =	vmul.f32 v16, v53;
	[tilespmem:s7+$0x15270] =	vst v19  }
0x1af: {  	v17 =	vmul.f32 v17, v53;
	[tilespmem:s7+$0x15280] =	vst v18  }
0x1b0: {  	v15 =	vmul.f32 v15, v53;
	[tilespmem:s7+$0x15290] =	vst v16  }
0x1b1: {  	v14 =	vmul.f32 v14, v54;
	[tilespmem:s7+$0x152A0] =	vst v17  }
0x1b2: {  	v12 =	vmul.f32 v12, v54;
	[tilespmem:s7+$0x152B0] =	vst v15  }
0x1b3: {  	v13 =	vmul.f32 v13, v54;
	[tilespmem:s7+$0x152C0] =	vst v14  }
0x1b4: {  	[tilespmem:s7+$0x152D0] =	vst v12  }
0x1b5: {  	[tilespmem:s7+$0x152E0] =	vst v13  }
0x1b6: {  	v0 =	vld [tilespmem:s24+$0x5000];
	_ =	sdelay $0x4  }
0x1b7: {  	v0 =	vmin.u32 v0, $0x1400  }
0x1b8: {  	[tilespmem:$0x17080] =	vst v0  }
0x1b9: {  	v0 =	vld [tilespmem:s25+$0x5090];
	_ =	sdelay $0x4  }
0x1ba: {  	v0 =	vmin.u32 v0, $0x1400  }
0x1bb: {  	[tilespmem:$0x17090] =	vst v0  }
0x1bc: {  	v0 =	vld [tilespmem:s25+$0x50A0];
	_ =	sdelay $0x4  }
0x1bd: {  	v0 =	vmin.u32 v0, $0x1400  }
0x1be: {  	[tilespmem:$0x170A0] =	vst v0  }
0x1bf: {  	v0 =	vld [tilespmem:s25+$0x50B0];
	_ =	sdelay $0x4  }
0x1c0: {  	v0 =	vmin.u32 v0, $0x1400  }
0x1c1: {  	[tilespmem:$0x170B0] =	vst v0  }
0x1c2: {  	v0 =	vld [tilespmem:s25+$0x50C0];
	_ =	sdelay $0x4  }
0x1c3: {  	v0 =	vmin.u32 v0, $0x1400  }
0x1c4: {  	[tilespmem:$0x170C0] =	vst v0  }
0x1c5: {  	v0 =	vld [tilespmem:s25+$0x50D0];
	_ =	sdelay $0x4  }
0x1c6: {  	v0 =	vmin.u32 v0, $0x1400  }
0x1c7: {  	[tilespmem:$0x170D0] =	vst v0  }
0x1c8: {  	v0 =	vld [tilespmem:s25+$0x50E0];
	_ =	sdelay $0x4  }
0x1c9: {  	v0 =	vmin.u32 v0, $0x1400  }
0x1ca: {  	[tilespmem:$0x170E0] =	vst v0  }
0x1cb: {  	v0 =	vld [tilespmem:s25+$0x50F0];
	_ =	sdelay $0x2  }
0x1cc: {  	s12 =	sadd.s32 $0x1, s12  }
0x1cd: {  	p0 =	sne.s32 s12, $0x50  }
.Ltmp5:
0x1ce: {  	v0 =	vmin.u32 v0, $0x1400;
	(pc) =	sbr.rel @p0 .LBB2_2-.Ltmp5, $4  }
0x1cf: {  	s31 =	sshll.u32 s24, $0x3;
	[tilespmem:$0x170F0] =	vst v0  }
0x1d0: {  	[spmem:s2] =	stream.indirect.scatter.add.f32 [tilespmem:s30], [sflag:$0x6], $0x40, s29, s17, $0xb8;
	[tilespmem:$0x1C400] =	vst v63  }
0x1d1: {  	s1 =	sadd.s32 $0x100, s1;
	s11 =	sadd.s32 $0x100, s11;
	s7 =	sadd.s32 s31, s9  }
0x1d2: {  	[hbm4b:s7+s3] =	stream.linear.scatter [tilespmem:s30], [sflag:$0x8], $0x2000, $0x38;
	[tilespmem:$0x1C400] =	vst v63  }
0x1d3: {  	s1 =	simm.s32 $0x5  }
0x1d4: {  	_ =	swait.ge [sflag:s1], $0x2000  }
0x1d5: {  	[sflag:s1] =	ssyncset.done $0x0  }
0x1d6: {  	s10 =	simm.s32 $0x7;
	[sflag:s1] =	ssyncadd.s32 $0xFFFFE000  }
0x1d7: {  	_ =	swait.ge [sflag:s10], $0x2000  }
0x1d8: {  	[sflag:s10] =	ssyncset.done $0x0  }
0x1d9: {  	[sflag:s10] =	ssyncadd.s32 $0xFFFFE000  }
0x1da: {  	_ =	swait.ge [sflag:s26], $0x2000  }
0x1db: {  	[sflag:s26] =	ssyncset.done $0x0  }
0x1dc: {  	[sflag:s26] =	ssyncadd.s32 $0xFFFFE000  }
0x1dd: {  	_ =	swait.ge [sflag:s28], $0x2000  }
0x1de: {  	[sflag:s28] =	ssyncset.done $0x0  }
0x1df: {  	[sflag:s28] =	ssyncadd.s32 $0xFFFFE000  }
0x1e0: {  	[bflag:$0x0] =	sbarrier.arrive $0xFFFF  }
0x1e1: {  	s11 =	rddreg [dreg:$0x9]  }
0x1e2: {  	s24 =	rddreg [dreg:$0xb]  }
0x1e3: {  	s7 =	rddreg [dreg:$0xd]  }
0x1e4: {  	[hbm:s11], [sflag:s24] =	dma.local [spmem:s7], $0xA00  }
0x1e5: {  	_ =	swait.ge [sflag:s13], $0xA00  }
0x1e6: {  	[sflag:s13] =	ssyncset.done $0x0  }
0x1e7: {  	[sflag:s13] =	ssyncadd.s32 $0xFFFFF600  }
0x1e8: {  	[bflag:$0x0] =	sbarrier.arrive $0xFFFF  }
0x1e9: {  	s16 =	rddreg [dreg:$0x7]  }
0x1ea: {  	s25 =	rddreg [dreg:$0xc]  }
0x1eb: {  	[spmem:s25], [sflag:s24] =	dma.local [hbm:s16], $0xA40  }
0x1ec: {  	_ =	swait.ge [sflag:s13], $0xA40  }
0x1ed: {  	[sflag:s13] =	ssyncset.done $0x0  }
0x1ee: {  	[sflag:s13] =	ssyncadd.s32 $0xFFFFF5C0  }
0x1ef: {  	s1 =	simm.s32 $0x0;
	[bflag:$0x0] =	sbarrier.arrive $0xFFFF  }
0x1f0: {  	[tilespmem:s22], [sflag:$0x1] =	stream.linear.gather [hbm4b:s9+s1], $0x2000, $0x38;
	[tilespmem:$0x1C400] =	vst v63  }
0x1f1: {  	s12 =	sadd.s32 $0x400, s9  }
0x1f2: {  	[tilespmem:s30], [sflag:$0x2] =	stream.linear.gather [hbm4b:s12+s1], $0x2000, $0x38;
	[tilespmem:$0x1C400] =	vst v63  }
0x1f3: {  	s15 =	sadd.s32 $0x800, s9  }
0x1f4: {  	[tilespmem:s18], [sflag:$0x3] =	stream.linear.gather [hbm4b:s15+s1], $0x2000, $0x38;
	[tilespmem:$0x1C400] =	vst v63  }
0x1f5: {  	s31 =	sadd.s32 $0xC00, s9;
	s7 =	simm.s32 $0x5100  }
0x1f6: {  	[tilespmem:s19], [sflag:$0x4] =	stream.linear.gather [hbm4b:s31+s1], $0x2000, $0x38;
	[tilespmem:$0x1C400] =	vst v63  }
.LBB2_12:
0x1f7: {  	p0 =	seq.s32 s1, $0x0  }
0x1f8: {  	s10 =	simm.s32 @!p0 $0x5  }
0x1f9: {  	_ =	swait.ge @!p0 [sflag:s10], $0x2000  }
0x1fa: {  	s11 =	simm.s32 @!p0 $0x0;
	[sflag:s10] =	ssyncset.done @!p0 $0x0  }
0x1fb: {  	s12 =	simm.s32 @!p0 $0x13000;
	[sflag:s10] =	ssyncadd.s32 @!p0 $0xFFFFE000;
	s10 =	sadd.s32 @!p0 s1, s9  }
0x1fc: {  	[tilespmem:s12], [sflag:$0x1] =	stream.linear.gather @!p0 [hbm4b:s10+s11], $0x2000, $0x38;
	[tilespmem:$0x1C400] =	vst v63  }
0x1fd: {  	s12 =	simm.s32 @!p0 $0x6  }
0x1fe: {  	_ =	swait.ge @!p0 [sflag:s12], $0x2000  }
0x1ff: {  	[sflag:s12] =	ssyncset.done @!p0 $0x0  }
0x200: {  	s15 =	simm.s32 @!p0 $0x15000;
	[sflag:s12] =	ssyncadd.s32 @!p0 $0xFFFFE000;
	s12 =	sadd.s32 @!p0 $0x400, s10  }
0x201: {  	[tilespmem:s15], [sflag:$0x2] =	stream.linear.gather @!p0 [hbm4b:s12+s11], $0x2000, $0x38;
	[tilespmem:$0x1C400] =	vst v63  }
0x202: {  	s12 =	simm.s32 @!p0 $0x7  }
0x203: {  	_ =	swait.ge @!p0 [sflag:s12], $0x2000  }
0x204: {  	[sflag:s12] =	ssyncset.done @!p0 $0x0  }
0x205: {  	s15 =	simm.s32 @!p0 $0xF000;
	[sflag:s12] =	ssyncadd.s32 @!p0 $0xFFFFE000;
	s12 =	sadd.s32 @!p0 $0x800, s10  }
0x206: {  	[tilespmem:s15], [sflag:$0x3] =	stream.linear.gather @!p0 [hbm4b:s12+s11], $0x2000, $0x38;
	[tilespmem:$0x1C400] =	vst v63  }
0x207: {  	s12 =	simm.s32 @!p0 $0x8  }
0x208: {  	_ =	swait.ge @!p0 [sflag:s12], $0x2000  }
0x209: {  	[sflag:s12] =	ssyncset.done @!p0 $0x0  }
0x20a: {  	s10 =	sadd.s32 @!p0 $0xC00, s10;
	[sflag:s12] =	ssyncadd.s32 @!p0 $0xFFFFE000;
	s12 =	simm.s32 @!p0 $0x11000  }
0x20b: {  	[tilespmem:s12], [sflag:$0x4] =	stream.linear.gather @!p0 [hbm4b:s10+s11], $0x2000, $0x38;
	[tilespmem:$0x1C400] =	vst v63  }
0x20c: {  	_ =	swait.ge [sflag:s20], $0x2000  }
0x20d: {  	[sflag:s20] =	ssyncset.done $0x0  }
0x20e: {  	[sflag:s20] =	ssyncadd.s32 $0xFFFFE000  }
0x20f: {  	v0 =	vld [tilespmem:s7+$0xFFFFFF00];
	_ =	sdelay $0x4  }
0x210: {  	v0 =	vadd.s32 $0xFFFFEC00, v0  }
0x211: {  	v0 =	vmin.u32 v0, $0x1400  }
0x212: {  	[tilespmem:$0x17000] =	vst v0  }
0x213: {  	v0 =	vld [tilespmem:s7+$0xFFFFFF10];
	_ =	sdelay $0x4  }
0x214: {  	v0 =	vadd.s32 $0xFFFFEC00, v0  }
0x215: {  	v0 =	vmin.u32 v0, $0x1400  }
0x216: {  	[tilespmem:$0x17010] =	vst v0  }
0x217: {  	v0 =	vld [tilespmem:s7+$0xFFFFFF20];
	_ =	sdelay $0x4  }
0x218: {  	v0 =	vadd.s32 $0xFFFFEC00, v0  }
0x219: {  	v0 =	vmin.u32 v0, $0x1400  }
0x21a: {  	[tilespmem:$0x17020] =	vst v0  }
0x21b: {  	v0 =	vld [tilespmem:s7+$0xFFFFFF30];
	_ =	sdelay $0x4  }
0x21c: {  	v0 =	vadd.s32 $0xFFFFEC00, v0  }
0x21d: {  	v0 =	vmin.u32 v0, $0x1400  }
0x21e: {  	[tilespmem:$0x17030] =	vst v0  }
0x21f: {  	v0 =	vld [tilespmem:s7+$0xFFFFFF40];
	_ =	sdelay $0x4  }
0x220: {  	v0 =	vadd.s32 $0xFFFFEC00, v0  }
0x221: {  	v0 =	vmin.u32 v0, $0x1400  }
0x222: {  	[tilespmem:$0x17040] =	vst v0  }
0x223: {  	v0 =	vld [tilespmem:s7+$0xFFFFFF50];
	_ =	sdelay $0x4  }
0x224: {  	v0 =	vadd.s32 $0xFFFFEC00, v0  }
0x225: {  	v0 =	vmin.u32 v0, $0x1400  }
0x226: {  	[tilespmem:$0x17050] =	vst v0  }
0x227: {  	v0 =	vld [tilespmem:s7+$0xFFFFFF60];
	_ =	sdelay $0x4  }
0x228: {  	v0 =	vadd.s32 $0xFFFFEC00, v0  }
0x229: {  	v0 =	vmin.u32 v0, $0x1400  }
0x22a: {  	[tilespmem:$0x17060] =	vst v0  }
0x22b: {  	v0 =	vld [tilespmem:s7+$0xFFFFFF70];
	_ =	sdelay $0x4  }
0x22c: {  	v0 =	vadd.s32 $0xFFFFEC00, v0  }
0x22d: {  	v0 =	vmin.u32 v0, $0x1400  }
0x22e: {  	[tilespmem:$0x17070] =	vst v0  }
0x22f: {  	[spmem:s2] =	stream.indirect.scatter.add.f32 [tilespmem:s22], [sflag:$0x5], $0x40, s21, s17, $0xb8;
	[tilespmem:$0x1C400] =	vst v63  }
0x230: {  	_ =	swait.ge [sflag:s0], $0x2000  }
0x231: {  	[sflag:s0] =	ssyncset.done $0x0  }
0x232: {  	[sflag:s0] =	ssyncadd.s32 $0xFFFFE000  }
0x233: {  	v61 =	vld [tilespmem:s7+$0xFFFFFF80];
	_ =	sdelay $0x4  }
0x234: {  	v0 =	vadd.s32 $0xFFFFEC00, v61  }
0x235: {  	v0 =	vmin.u32 v0, $0x1400  }
0x236: {  	[tilespmem:$0x17080] =	vst v0  }
0x237: {  	v0 =	vld [tilespmem:s7+$0xFFFFFF90];
	_ =	sdelay $0x4  }
0x238: {  	v0 =	vadd.s32 $0xFFFFEC00, v0  }
0x239: {  	v0 =	vmin.u32 v0, $0x1400  }
0x23a: {  	[tilespmem:$0x17090] =	vst v0  }
0x23b: {  	v0 =	vld [tilespmem:s7+$0xFFFFFFA0];
	_ =	sdelay $0x4  }
0x23c: {  	v0 =	vadd.s32 $0xFFFFEC00, v0  }
0x23d: {  	v0 =	vmin.u32 v0, $0x1400  }
0x23e: {  	[tilespmem:$0x170A0] =	vst v0  }
0x23f: {  	v0 =	vld [tilespmem:s7+$0xFFFFFFB0];
	_ =	sdelay $0x4  }
0x240: {  	v0 =	vadd.s32 $0xFFFFEC00, v0  }
0x241: {  	v0 =	vmin.u32 v0, $0x1400  }
0x242: {  	[tilespmem:$0x170B0] =	vst v0  }
0x243: {  	v0 =	vld [tilespmem:s7+$0xFFFFFFC0];
	_ =	sdelay $0x4  }
0x244: {  	v0 =	vadd.s32 $0xFFFFEC00, v0  }
0x245: {  	v0 =	vmin.u32 v0, $0x1400  }
0x246: {  	[tilespmem:$0x170C0] =	vst v0  }
0x247: {  	v0 =	vld [tilespmem:s7+$0xFFFFFFD0];
	_ =	sdelay $0x4  }
0x248: {  	v0 =	vadd.s32 $0xFFFFEC00, v0  }
0x249: {  	v0 =	vmin.u32 v0, $0x1400  }
0x24a: {  	[tilespmem:$0x170D0] =	vst v0  }
0x24b: {  	v0 =	vld [tilespmem:s7+$0xFFFFFFE0];
	_ =	sdelay $0x4  }
0x24c: {  	v0 =	vadd.s32 $0xFFFFEC00, v0  }
0x24d: {  	v0 =	vmin.u32 v0, $0x1400  }
0x24e: {  	[tilespmem:$0x170E0] =	vst v0  }
0x24f: {  	v0 =	vld [tilespmem:s7+$0xFFFFFFF0];
	_ =	sdelay $0x4  }
0x250: {  	v0 =	vadd.s32 $0xFFFFEC00, v0  }
0x251: {  	v0 =	vmin.u32 v0, $0x1400  }
0x252: {  	[tilespmem:$0x170F0] =	vst v0  }
0x253: {  	[spmem:s2] =	stream.indirect.scatter.add.f32 [tilespmem:s30], [sflag:$0x6], $0x40, s29, s17, $0xb8;
	[tilespmem:$0x1C400] =	vst v63  }
0x254: {  	_ =	swait.ge [sflag:s23], $0x2000  }
0x255: {  	[sflag:s23] =	ssyncset.done $0x0  }
0x256: {  	[sflag:s23] =	ssyncadd.s32 $0xFFFFE000  }
0x257: {  	v62 =	vld [tilespmem:s7+$0x0];
	_ =	sdelay $0x4  }
0x258: {  	v0 =	vadd.s32 $0xFFFFEC00, v62  }
0x259: {  	v0 =	vmin.u32 v0, $0x1400  }
0x25a: {  	[tilespmem:$0x17100] =	vst v0  }
0x25b: {  	v0 =	vld [tilespmem:s7+$0x10];
	_ =	sdelay $0x4  }
0x25c: {  	v0 =	vadd.s32 $0xFFFFEC00, v0  }
0x25d: {  	v0 =	vmin.u32 v0, $0x1400  }
0x25e: {  	[tilespmem:$0x17110] =	vst v0  }
0x25f: {  	v0 =	vld [tilespmem:s7+$0x20];
	_ =	sdelay $0x4  }
0x260: {  	v0 =	vadd.s32 $0xFFFFEC00, v0  }
0x261: {  	v0 =	vmin.u32 v0, $0x1400  }
0x262: {  	[tilespmem:$0x17120] =	vst v0  }
0x263: {  	v0 =	vld [tilespmem:s7+$0x30];
	_ =	sdelay $0x4  }
0x264: {  	v0 =	vadd.s32 $0xFFFFEC00, v0  }
0x265: {  	v0 =	vmin.u32 v0, $0x1400  }
0x266: {  	[tilespmem:$0x17130] =	vst v0  }
0x267: {  	v0 =	vld [tilespmem:s7+$0x40];
	_ =	sdelay $0x4  }
0x268: {  	v0 =	vadd.s32 $0xFFFFEC00, v0  }
0x269: {  	v0 =	vmin.u32 v0, $0x1400  }
0x26a: {  	[tilespmem:$0x17140] =	vst v0  }
0x26b: {  	v0 =	vld [tilespmem:s7+$0x50];
	_ =	sdelay $0x4  }
0x26c: {  	v0 =	vadd.s32 $0xFFFFEC00, v0  }
0x26d: {  	v0 =	vmin.u32 v0, $0x1400  }
0x26e: {  	[tilespmem:$0x17150] =	vst v0  }
0x26f: {  	v0 =	vld [tilespmem:s7+$0x60];
	_ =	sdelay $0x4  }
0x270: {  	v0 =	vadd.s32 $0xFFFFEC00, v0  }
0x271: {  	v0 =	vmin.u32 v0, $0x1400  }
0x272: {  	[tilespmem:$0x17160] =	vst v0  }
0x273: {  	v0 =	vld [tilespmem:s7+$0x70];
	_ =	sdelay $0x4  }
0x274: {  	v0 =	vadd.s32 $0xFFFFEC00, v0  }
0x275: {  	v0 =	vmin.u32 v0, $0x1400  }
0x276: {  	[tilespmem:$0x17170] =	vst v0  }
0x277: {  	[spmem:s2] =	stream.indirect.scatter.add.f32 [tilespmem:s18], [sflag:$0x7], $0x40, s14, s17, $0xb8;
	[tilespmem:$0x1C400] =	vst v63  }
0x278: {  	_ =	swait.ge [sflag:s4], $0x2000  }
0x279: {  	[sflag:s4] =	ssyncset.done $0x0  }
0x27a: {  	[sflag:s4] =	ssyncadd.s32 $0xFFFFE000  }
0x27b: {  	v63 =	vld [tilespmem:s7+$0x80];
	_ =	sdelay $0x4  }
0x27c: {  	v0 =	vadd.s32 $0xFFFFEC00, v63  }
0x27d: {  	v0 =	vmin.u32 v0, $0x1400  }
0x27e: {  	[tilespmem:$0x17180] =	vst v0  }
0x27f: {  	v0 =	vld [tilespmem:s7+$0x90];
	_ =	sdelay $0x4  }
0x280: {  	v0 =	vadd.s32 $0xFFFFEC00, v0  }
0x281: {  	v0 =	vmin.u32 v0, $0x1400  }
0x282: {  	[tilespmem:$0x17190] =	vst v0  }
0x283: {  	v0 =	vld [tilespmem:s7+$0xA0];
	_ =	sdelay $0x4  }
0x284: {  	v0 =	vadd.s32 $0xFFFFEC00, v0  }
0x285: {  	v0 =	vmin.u32 v0, $0x1400  }
0x286: {  	[tilespmem:$0x171A0] =	vst v0  }
0x287: {  	v0 =	vld [tilespmem:s7+$0xB0];
	_ =	sdelay $0x4  }
0x288: {  	v0 =	vadd.s32 $0xFFFFEC00, v0  }
0x289: {  	v0 =	vmin.u32 v0, $0x1400  }
0x28a: {  	[tilespmem:$0x171B0] =	vst v0  }
0x28b: {  	v0 =	vld [tilespmem:s7+$0xC0];
	_ =	sdelay $0x4  }
0x28c: {  	v0 =	vadd.s32 $0xFFFFEC00, v0  }
0x28d: {  	v0 =	vmin.u32 v0, $0x1400  }
0x28e: {  	[tilespmem:$0x171C0] =	vst v0  }
0x28f: {  	v0 =	vld [tilespmem:s7+$0xD0];
	_ =	sdelay $0x4  }
0x290: {  	v0 =	vadd.s32 $0xFFFFEC00, v0  }
0x291: {  	v0 =	vmin.u32 v0, $0x1400  }
0x292: {  	[tilespmem:$0x171D0] =	vst v0  }
0x293: {  	v0 =	vld [tilespmem:s7+$0xE0];
	_ =	sdelay $0x4  }
0x294: {  	v0 =	vadd.s32 $0xFFFFEC00, v0  }
0x295: {  	v0 =	vmin.u32 v0, $0x1400  }
0x296: {  	[tilespmem:$0x171E0] =	vst v0  }
0x297: {  	v0 =	vld [tilespmem:s7+$0xF0];
	_ =	sdelay $0x1  }
0x298: {  	s1 =	sadd.s32 $0x1000, s1  }
0x299: {  	p0 =	sne.s32 s1, $0x28000  }
.Ltmp6:
0x29a: {  	_ = 	snop;
	(pc) =	sbr.rel @p0 .LBB2_12-.Ltmp6, $4  }
0x29b: {  	v0 =	vadd.s32 $0xFFFFEC00, v0  }
0x29c: {  	v0 =	vmin.u32 v0, $0x1400  }
0x29d: {  	s7 =	sadd.s32 $0x200, s7;
	[tilespmem:$0x171F0] =	vst v0  }
0x29e: {  	[spmem:s2] =	stream.indirect.scatter.add.f32 [tilespmem:s19], [sflag:$0x8], $0x40, s5, s17, $0xb8;
	[tilespmem:$0x1C400] =	vst v63  }
0x29f: {  	s1 =	simm.s32 $0x5  }
0x2a0: {  	_ =	swait.ge [sflag:s1], $0x2000  }
0x2a1: {  	[sflag:s1] =	ssyncset.done $0x0  }
0x2a2: {  	[sflag:s1] =	ssyncadd.s32 $0xFFFFE000  }
0x2a3: {  	_ =	swait.ge [sflag:s26], $0x2000  }
0x2a4: {  	[sflag:s26] =	ssyncset.done $0x0  }
0x2a5: {  	s12 =	simm.s32 $0x7;
	[sflag:s26] =	ssyncadd.s32 $0xFFFFE000  }
0x2a6: {  	_ =	swait.ge [sflag:s12], $0x2000  }
0x2a7: {  	[sflag:s12] =	ssyncset.done $0x0  }
0x2a8: {  	[sflag:s12] =	ssyncadd.s32 $0xFFFFE000  }
0x2a9: {  	_ =	swait.ge [sflag:s28], $0x2000  }
0x2aa: {  	[sflag:s28] =	ssyncset.done $0x0  }
0x2ab: {  	[sflag:s28] =	ssyncadd.s32 $0xFFFFE000  }
0x2ac: {  	[bflag:$0x0] =	sbarrier.arrive $0xFFFF  }
0x2ad: {  	s15 =	rddreg [dreg:$0xa]  }
0x2ae: {  	s7 =	rddreg [dreg:$0xe]  }
0x2af: {  	[hbm:s15], [sflag:s24] =	dma.local [spmem:s7], $0xA00  }
0x2b0: {  	_ =	swait.ge [sflag:s13], $0xA00  }
0x2b1: {  	s6 =	sadd.s32 $0x1, s6;
	s31 =	rddreg [dreg:$0x8]  }
0x2b2: {  	p0 =	sne.s32 s6, s31  }
.Ltmp7:
0x2b3: {  	_ = 	snop;
	(pc) =	sbr.rel @p0 .LBB2_1-.Ltmp7, $3  }
0x2b4: {  	[sflag:s13] =	ssyncset.done $0x0  }
0x2b5: {  	[sflag:s13] =	ssyncadd.s32 $0xFFFFF600  }
0x2b6: {  	[bflag:$0x0] =	sbarrier.arrive $0xFFFF;
	_ =	sdelay $0x1  }
0x2b7: {  	_ =	sfence.sel $0x180000  }
0x2b8: {  	[bflag:$0x0] =	sbarrier.arrive $0xFFFF  }
0x2b9: {  	_ =	strace $0x9000004A  }
0x2ba: {  	s0 =	stileid.u32;
	[bflag:$0x2] =	sbarrier.arrive $0xFFFF  }
0x2bb: {  	p0 =	sne.s32 s0, $0x0;
	s0 =	rddreg [dreg:$0x3]  }
0x2bc: {  	s0 =	sadd.s32 @!p0 $0x100000, s0  }
0x2bd: {  	[sflag:s0] =	ssyncadd.tile.s32 @!p0 $0x1;
	_ =	shalt  }
.Lfunc_end2:
_tile_overlayer_lowered:
.L_overlay_start_2:
0x2be: {  	(tag) =	ssettag $0x2  }
0x2bf: {  	s0 =	rddreg [dreg:$0x0];
	s2 =	stileid.u32  }
0x2c0: {  	s1 =	rddreg [dreg:$0x1];
	p0 =	sne.s32 s2, $0x0  }
0x2c1: {  	s3 =	rddreg [dreg:$0x2];
	[bflag:$0x3] =	sbarrier.arrive $0xFFFF;
	s2 =	simm.s32 @!p0 $0x1C09  }
0x2c2: {  	[timem:s3], [sflag:s2] =	dma.local @!p0 [hbm:s0], s1  }
0x2c3: {  	s0 =	simm.s32 @!p0 $0x9  }
0x2c4: {  	_ =	swait.ge @!p0 [sflag:s0], s1  }
0x2c5: {  	s1 =	ssub.s32 @!p0 $0x0, s1;
	[sflag:s0] =	ssyncset.done @!p0 $0x0  }
0x2c6: {  	[sflag:s0] =	ssyncadd.s32 @!p0 s1  }
0x2c7: {  	[bflag:$0x3] =	sbarrier.arrive $0xFFFF  }
0x2c8: {  	_ =	shalt  }

// kernel: kernel.5.cloned.1.call-start
scs
__scs_entry_jumppad:
0x0: {  	(pc) =	sbr.rel $0x88, $3  }
0x1: {  	(tag) =	ssettag $0x0;
	lr =	simm.s32 $0x1  }
0x2: {  	[smem:$0x3F92] =	sst lr;
	_ =	strace $0xD0000000  }
0x3: {  	_ = 	snop  }
0x4: {  	_ = 	snop  }
0x5: {  	_ = 	snop  }
0x6: {  	_ = 	snop  }
0x7: {  	_ = 	snop  }
__scs_overlays_trampoline_lowered:
0x8: {  	[smem:$0x3FA1] =	sst s0  }
0x9: {  	[smem:$0x3FA2] =	sst s1  }
0xa: {  	[smem:$0x3FA3] =	sst s2  }
0xb: {  	[smem:$0x3FA4] =	sst s3  }
0xc: {  	[smem:$0x3FA5] =	sst s4  }
0xd: {  	[smem:$0x3FA6] =	sst s5  }
0xe: {  	[smem:$0x3FA7] =	sst s6  }
0xf: {  	[smem:$0x3FA8] =	sst s7  }
0x10: {  	[smem:$0x3FA9] =	sst s8  }
0x11: {  	[smem:$0x3FAA] =	sst s9;
	s0 =	simm.s32 @!p0 $0x0  }
0x12: {  	s1 =	sld [smem:$0x3F90];
	s0 =	simm.s32 @p0 $0x1  }
0x13: {  	[smem:$0x3FAB] =	sst s0;
	s0 =	simm.s32 @!p1 $0x0  }
0x14: {  	s2 =	sld [smem:$0x3F8F];
	s0 =	simm.s32 @p1 $0x1  }
0x15: {  	[smem:$0x3FAC] =	sst s0;
	s0 =	simm.s32 @!p2 $0x0  }
0x16: {  	s3 =	sld [smem:$0x3FDB];
	s0 =	simm.s32 @p2 $0x1  }
0x17: {  	s4 =	simm.s32 $0x1BF5;
	[smem:$0x3FAE] =	sst s0  }
0x18: {  	s0 =	sld [smem:$0x3F91];
	_ =	swait.ge [sflag:s4], $0x0  }
0x19: {  	s7 =	sld [smem:$0x3F92]  }
0x1a: {  	s8 =	sadd.s32 $0xFFFFE003, lr  }
0x1b: {  	s9 =	sadd.s32 $0xFFFFFEF7, lr;
	s5 =	simm.s32 $0xFFFFFFFF;
	p2 =	slt.u32 s8, $0xFFFFF086  }
0x1c: {  	p1 =	slt.u32 s9, $0xF7A;
	s5 =	simm.s32 @!p2 $0x0  }
0x1d: {  	s5 =	simm.s32 @p1 $0x1;
	p0 =	seq.s32 s7, s2  }
0x1e: {  	s7 =	smul.u32 @!p0 $0xF7A, s2;
	p2 =	seq.s32 @!p0 s5, $0x0  }
0x1f: {  	s9 =	smul.u32 $0xF7A, s1;
	s8 =	simm.s32 @!p0 $0x1BF5;
	p2 =	por !p2, p0  }
0x20: {  	[sflag:s8] =	ssyncset.s32 @!p0 $0xFFFFF086;
	s6 =	sadd.s32 @!p0 s3, s7;
	s7 =	simm.s32 @!p0 $0x108  }
0x21: {  	s3 =	sadd.s32 s3, s9;
	s6 =	sadd.s32 @!p0 $0x88, s6;
	s7 =	simm.s32 @p2 $0x1082  }
0x22: {  	[simem:s7], [sflag:s8] =	dma.local @!p0 [hbm:s6], $0xF7A  }
0x23: {  	s9 =	sor.u32 $0xD0000000, s2;
	s6 =	simm.s32 $0x108;
	_ =	swait.ge @!p0 [sflag:s8], $0x0  }
0x24: {  	s3 =	sadd.s32 $0x88, s3;
	s6 =	simm.s32 @!p1 $0x1082;
	[sflag:s4] =	ssyncset.s32 $0xFFFFF086  }
0x25: {  	[simem:s6], [sflag:s4] =	dma.local [hbm:s3], $0xF7A  }
0x26: {  	[smem:$0x3F92] =	sst s1;
	(tag) =	ssettag s2;
	_ =	strace s9  }
0x27: {  	s1 =	sld [smem:$0x3FA2]  }
0x28: {  	s2 =	sld [smem:$0x3FA3]  }
0x29: {  	s4 =	sld [smem:$0x3FA5]  }
0x2a: {  	p0 =	seq.s32 s5, $0x0;
	s5 =	sld [smem:$0x3FA6]  }
0x2b: {  	s6 =	sld [smem:$0x3FA7]  }
0x2c: {  	s7 =	sld [smem:$0x3FA8]  }
0x2d: {  	s3 =	simm.s32 $0x108;
	s8 =	sld [smem:$0x3FA9]  }
0x2e: {  	s3 =	simm.s32 @!p0 $0x1082;
	s9 =	sld [smem:$0x3FAA]  }
0x2f: {  	lr =	sadd.s32 s0, s3;
	s0 =	sld [smem:$0x3FA1]  }
0x30: {  	s3 =	sld [smem:$0x3FA4]  }
0x31: {  	[smem:$0x3FAD] =	sst s10  }
0x32: {  	s10 =	sld [smem:$0x3FAB];
	_ =	sdelay $0x3  }
0x33: {  	p0 =	seq.s32 s10, $0x1;
	s10 =	sld [smem:$0x3FAD];
	_ =	sdelay $0x3  }
0x34: {  	[smem:$0x3FAD] =	sst s10  }
0x35: {  	s10 =	sld [smem:$0x3FAC];
	_ =	sdelay $0x3  }
0x36: {  	p1 =	seq.s32 s10, $0x1;
	s10 =	sld [smem:$0x3FAD];
	_ =	sdelay $0x3  }
0x37: {  	[smem:$0x3FAD] =	sst s10  }
0x38: {  	s10 =	sld [smem:$0x3FAE]  }
0x39: {  	_ = 	snop;
	(pc) =	sbr.ind lr, $3  }
0x3a: {  	_ = 	snop  }
0x3b: {  	_ = 	snop  }
0x3c: {  	p2 =	seq.s32 s10, $0x1;
	s10 =	sld [smem:$0x3FAD]  }
0x3d: {  	_ =	shalt  }
0x3e: {  	_ =	shalt  }
0x3f: {  	_ =	shalt  }
0x40: {  	_ =	shalt  }
0x41: {  	_ =	shalt  }
0x42: {  	_ =	shalt  }
0x43: {  	_ =	shalt  }
0x44: {  	_ =	shalt  }
0x45: {  	_ =	shalt  }
0x46: {  	_ =	shalt  }
0x47: {  	_ =	shalt  }
0x48: {  	_ =	shalt  }
0x49: {  	_ =	shalt  }
0x4a: {  	_ =	shalt  }
0x4b: {  	_ =	shalt  }
0x4c: {  	_ =	shalt  }
0x4d: {  	_ =	shalt  }
0x4e: {  	_ =	shalt  }
0x4f: {  	_ =	shalt  }
0x50: {  	_ =	shalt  }
0x51: {  	_ =	shalt  }
0x52: {  	_ =	shalt  }
0x53: {  	_ =	shalt  }
0x54: {  	_ =	shalt  }
0x55: {  	_ =	shalt  }
0x56: {  	_ =	shalt  }
0x57: {  	_ =	shalt  }
0x58: {  	_ =	shalt  }
0x59: {  	_ =	shalt  }
0x5a: {  	_ =	shalt  }
0x5b: {  	_ =	shalt  }
0x5c: {  	_ =	shalt  }
0x5d: {  	_ =	shalt  }
0x5e: {  	_ =	shalt  }
0x5f: {  	_ =	shalt  }
0x60: {  	_ =	shalt  }
0x61: {  	_ =	shalt  }
0x62: {  	_ =	shalt  }
0x63: {  	_ =	shalt  }
0x64: {  	_ =	shalt  }
0x65: {  	_ =	shalt  }
0x66: {  	_ =	shalt  }
0x67: {  	_ =	shalt  }
0x68: {  	_ =	shalt  }
0x69: {  	_ =	shalt  }
0x6a: {  	_ =	shalt  }
0x6b: {  	_ =	shalt  }
0x6c: {  	_ =	shalt  }
0x6d: {  	_ =	shalt  }
0x6e: {  	_ =	shalt  }
0x6f: {  	_ =	shalt  }
0x70: {  	_ =	shalt  }
0x71: {  	_ =	shalt  }
0x72: {  	_ =	shalt  }
0x73: {  	_ =	shalt  }
0x74: {  	_ =	shalt  }
0x75: {  	_ =	shalt  }
0x76: {  	_ =	shalt  }
0x77: {  	_ =	shalt  }
0x78: {  	_ =	shalt  }
0x79: {  	_ =	shalt  }
0x7a: {  	_ =	shalt  }
0x7b: {  	_ =	shalt  }
0x7c: {  	_ =	shalt  }
0x7d: {  	_ =	shalt  }
0x7e: {  	_ =	shalt  }
0x7f: {  	_ =	shalt  }
0x80: {  	_ =	shalt  }
0x81: {  	_ =	shalt  }
0x82: {  	_ =	shalt  }
0x83: {  	_ =	shalt  }
0x84: {  	_ =	shalt  }
0x85: {  	_ =	shalt  }
0x86: {  	_ =	shalt  }
0x87: {  	_ =	shalt  }
.Lfunc_end0:
.L_simem_size_0:
called_computation.1_lowered:
.L_overlay_start_0:
0x88: {  	s2 =	sld [smem:$0x3FD9]  }
0x89: {  	s3 =	sld [smem:$0x3FFE];
	_ =	sdelay $0x1  }
0x8a: {  	s1 =	srdreg.scid  }
0x8b: {  	s0 =	sand.u32 $0x1, s1  }
0x8c: {  	s17 =	sshll.u32 s0, $0xA;
	s2 =	sadd.s32 s3, s2  }
0x8d: {  	s2 =	sadd.s32 s2, s17  }
0x8e: {  	[smem:$0x3FB9] =	sst s2  }
0x8f: {  	_ = 	snop  }
0x90: {  	s2 =	sld [smem:$0x3FC7]  }
0x91: {  	s18 =	sld [smem:$0x3FD0];
	(tm) =	ssettm $0x1  }
0x92: {  	s4 =	sld [smem:$0x3FFB];
	_ =	sdelay $0x3  }
0x93: {  	_ =	strace s4  }
0x94: {  	s4 =	sld [smem:$0x3FFC];
	_ =	sdelay $0x3  }
0x95: {  	_ =	strace s4  }
0x96: {  	s4 =	sld [smem:$0x3FFD];
	_ =	sdelay $0x3  }
0x97: {  	_ =	strace s4  }
0x98: {  	_ =	strace $0x8FFFFFFF  }
0x99: {  	s19 =	sld [smem:$0x3FDB];
	_ =	sdelay $0x1  }
0x9a: {  	s5 =	simm.s32 $_scs_section_size  }
0x9b: {  	s6 =	simm.s32 $_size__tile_overlayer_lowered;
	s7 =	simm.s32 $_tile_overlayer_lowered  }
0x9c: {  	s22 =	simm.s32 $0x1BFF;
	s21 =	sshll.u32 s7, $0x1;
	s4 =	sadd.s32 s5, s19  }
0x9d: {  	s8 =	simm.s32 $0x0;
	s20 =	sshll.u32 s6, $0x1;
	s6 =	sadd.s32 s21, s4  }
0x9e: {  	[timem:s8], [sflag:s22] =	dma.local [hbm:s6], s20  }
0x9f: {  	_ =	swait.ge [sflag:s22], s20  }
0xa0: {  	s5 =	ssub.s32 $0x0, s20;
	[sflag:s22] =	ssyncset.done $0x0  }
0xa1: {  	[sflag:s22] =	ssyncadd.s32 s5;
	_ =	sdelay $0x1  }
0xa2: {  	s23 =	simm.s32 $0x1B8B  }
0xa3: {  	_ =	swait.ge [sflag:s23], $0x1  }
0xa4: {  	[sflag:s23] =	ssyncset.done $0x0  }
0xa5: {  	s25 =	simm.s32 $0x1B8E;
	s24 =	sld [smem:$0x3FFE];
	[sflag:s23] =	ssyncadd.s32 $0xFFFFFFFF  }
0xa6: {  	s26 =	simm.s32 $execute0_lowered;
	[smem:$0x3FD2] =	sst s25  }
0xa7: {  	s6 =	sshll.u32 s26, $0x1;
	_ =	strace $0x80000046;
	[dreg:$0x1] =	wrdreg $0xFFFFFFFF  }
0xa8: {  	s28 =	simm.s32 $_size_execute0_lowered;
	s4 =	sadd.s32 s4, s6;
	[dreg:$0x0] =	wrdreg $0x0  }
0xa9: {  	s6 =	sshll.u32 s28, $0x1;
	[dreg:$0x2] =	wrdreg s4  }
0xaa: {  	[dreg:$0x3] =	wrdreg s6  }
0xab: {  	[dreg:$0x4] =	wrdreg $0xC0  }
0xac: {  	_ =	task [dreg:s8], $0x5FFFF  }
0xad: {  	[dreg:$0x1] =	wrdreg $0xFFFFFFFF  }
0xae: {  	[dreg:$0x0] =	wrdreg $0x60  }
0xaf: {  	[dreg:$0x2] =	wrdreg s24  }
0xb0: {  	[dreg:$0x3] =	wrdreg s2  }
0xb1: {  	[dreg:$0x4] =	wrdreg s18  }
0xb2: {  	[dreg:$0x5] =	wrdreg $0x9  }
0xb3: {  	_ =	task.clear_ibuf [dreg:s8], $0x6FFFF;
	_ =	strace $0x90000046  }
0xb4: {  	s29 =	simm.s32 $0x9;
	_ =	strace $0x80000048  }
0xb5: {  	_ =	swait.ge [sflag:s29], $0x1  }
0xb6: {  	[sflag:s29] =	ssyncadd.s32 $0xFFFFFFFF  }
0xb7: {  	_ =	strace $0x90000048  }
0xb8: {  	_ =	sfence  }
0xb9: {  	s30 =	sld [smem:$0x0];
	_ =	sdelay $0x2  }
0xba: {  	s31 =	sshll.u32 s1, $0xD;
	s1 =	sshrl.u32 s1, $0x2  }
0xbb: {  	s3 =	sand.u32 $0x4000, s31;
	s1 =	sadd.s32 s1, s30  }
0xbc: {  	s0 =	sor.u32 s3, s0;
	s1 =	sshll.u32 s1, $0x11  }
0xbd: {  	s0 =	sor.u32 s1, s0  }
0xbe: {  	s0 =	sadd.s32 $0x8F2B, s0  }
0xbf: {  	[sflag:s0] =	ssyncadd.remote.s32 $0x1  }
0xc0: {  	_ =	sfence.sel $0xFFFF  }
0xc1: {  	[dreg:$0x0] =	wrdreg $0xFFFFFFFF;
	(pc) =	sbr.abs _section_cstart, $3  }
0xc2: {  	[dreg:$0x1] =	wrdreg $0xFFFFFFFF  }
0xc3: {  	_ =	task.clear_ibuf [dreg:s8], $0x2FFFF;
	_ =	strace $0x9FFFFFFF  }
0xc4: {  	(tm) =	ssettm $0x7FFFFFFF  }
0xc5: {  	_ =	shalt  }
tec
execute0_lowered:
.L_overlay_start_1:
0x0: {  	(tag) =	ssettag $0x1  }
0x1: {  	s4 =	rddreg [dreg:$0x0]  }
0x2: {  	s6 =	rddreg [dreg:$0x1]  }
0x3: {  	s7 =	rddreg [dreg:$0x2];
	s1 =	simm.s32 $0x0  }
0x4: {  	[smem:$0x7FF] =	sst s1  }
0x5: {  	s0 =	rddreg [dreg:$0x3];
	v0 =	vimm.s32 $0x1;
	_ =	strace $0x80000047  }
0x6: {  	(xrf0) =	vadd.scan.msk.s32 $0xffff, v0;
	_ =	sdelay $0x5  }
0x7: {  	v0, _, _ =	vpop (xrf0)  }
0x8: {  	(v2sf) =	vpush v0, $0xF  }
0x9: {  	vm0 =	vcmask $0x300;
	v0 =	vimm.f32 $1.500000000e+01  }
0xa: {  	v0 =	vsel vm0, $0x0, v0;
	vm0 =	vcmask $0x704  }
0xb: {  	v0 =	vsel vm0, $0x3F800000, v0;
	vm0 =	vcmask $0xB08  }
0xc: {  	v0 =	vsel vm0, $0x40000000, v0;
	vm0 =	vcmask $0xF0C  }
0xd: {  	s3 =	srdreg.scid;
	v0 =	vsel vm0, $0x40400000, v0;
	vm0 =	vcmask $0x1310  }
0xe: {  	s2 =	stileid.u32;
	s13 =	simm.s32 $0x1;
	s14 =	simm.s32 $0x2710;
	v0 =	vsel vm0, $0x40800000, v0;
	vm0 =	vcmask $0x1714  }
0xf: {  	s15 =	simm.s32 $0x4E20;
	s5 =	sand.u32 $0x1, s3;
	s30 =	sshll.u32 s2, $0x1;
	v0 =	vsel vm0, $0x40A00000, v0;
	vm0 =	vcmask $0x1B18  }
0x10: {  	s17 =	simm.s32 $0x9D30;
	s18 =	simm.s32 $0xC530;
	s8 =	sor.u32 s5, s30;
	v0 =	vsel vm0, $0x40C00000, v0;
	vm0 =	vcmask $0x1F1C  }
0x11: {  	s19 =	simm.s32 $0xED30;
	s5 =	ssub.s32 $0x2, s5;
	s3 =	smul.u32 $0x2710, s8;
	v0 =	vsel vm0, $0x40E00000, v0;
	vm0 =	vcmask $0x2320  }
0x12: {  	s20 =	simm.s32 $0x11530;
	s8 =	smul.u32 $0x500, s8;
	s31 =	sshrl.u32 s5, $0x1;
	v0 =	vsel vm0, $0x41000000, v0;
	vm0 =	vcmask $0x2724  }
0x13: {  	s21 =	simm.s32 $0x0;
	s12 =	ssub.s32 s5, s31;
	s9 =	sshrl.u32 s3, $0x3;
	v0 =	vsel vm0, $0x41100000, v0;
	vm0 =	vcmask $0x2B28  }
.Ltmp0:
0x14: {  	s11 =	sadd.s32 s8, s4;
	s7 =	sadd.s32 s7, s8;
	v0 =	vsel vm0, $0x41200000, v0;
	vm0 =	vcmask $0x2F2C;
	(pc) =	sbr.rel .LBB2_1-.Ltmp0, $4  }
0x15: {  	s12 =	smax.u32 s12, $0x1;
	s10 =	sadd.s32 s9, s4;
	s6 =	sadd.s32 s6, s9;
	v1 =	vsel vm0, $0x41300000, v0;
	vm0 =	vcmask $0x3330  }
0x16: {  	v3 =	vimm.s32 $0x0;
	s8 =	sadd.s32 $0x19200, s11;
	s9 =	sadd.s32 $0x23200, s11;
	s4 =	sadd.s32 $0xF400, s10;
	v2 =	vsel vm0, $0x41400000, v1;
	vm0 =	vcmask $0x3734  }
0x17: {  	s5 =	sadd.s32 $0x5600, s10;
	s10 =	sadd.s32 $0x2D200, s11;
	v0 =	vimm.f32 $0.0e+00;
	v2 =	vsel vm0, $0x41500000, v2;
	vm0 =	vcmask $0x3B38;
	s16 =	spop (v2sf)  }
0x18: {  	s11 =	sadd.s32 $0x37200, s11;
	v1 =	vimm.f32 $-1.000000000e+00;
	v2 =	vsel vm0, $0x41600000, v2;
	vm0 =	vmmov $0xffff;
	p0 =	slt.s32 s16, $0x1;
	s16 =	simm.s32 $0x7530  }
.LBB2_9:
0x19: {  	[hbm4b:s7+s1] =	stream.linear.scatter [tilespmem:s16], [sflag:$0x1], $0x2800, $0x38;
	[tilespmem:$0x13D30] =	vst v63  }
0x1a: {  	_ =	swait.ge [sflag:s13], $0x2800  }
0x1b: {  	[sflag:s13] =	ssyncset.done $0x0  }
0x1c: {  	[sflag:s13] =	ssyncadd.s32 $0xFFFFD800  }
0x1d: {  	[hbm4b:s8+s1] =	stream.linear.scatter [tilespmem:s17], [sflag:$0x1], $0x2800, $0x38;
	[tilespmem:$0x13D30] =	vst v63  }
0x1e: {  	_ =	swait.ge [sflag:s13], $0x2800  }
0x1f: {  	[sflag:s13] =	ssyncset.done $0x0  }
0x20: {  	[sflag:s13] =	ssyncadd.s32 $0xFFFFD800  }
0x21: {  	[hbm4b:s9+s1] =	stream.linear.scatter [tilespmem:s18], [sflag:$0x1], $0x2800, $0x38;
	[tilespmem:$0x13D30] =	vst v63  }
0x22: {  	_ =	swait.ge [sflag:s13], $0x2800  }
0x23: {  	[sflag:s13] =	ssyncset.done $0x0  }
0x24: {  	[sflag:s13] =	ssyncadd.s32 $0xFFFFD800  }
0x25: {  	[hbm4b:s10+s1] =	stream.linear.scatter [tilespmem:s19], [sflag:$0x1], $0x2800, $0x38;
	[tilespmem:$0x13D30] =	vst v63  }
0x26: {  	s21 =	sadd.s32 $0x1, s21;
	_ =	swait.ge [sflag:s13], $0x2800  }
0x27: {  	p1 =	sne.s32 s21, s12;
	[sflag:s13] =	ssyncset.done $0x0  }
.Ltmp1:
0x28: {  	[sflag:s13] =	ssyncadd.s32 $0xFFFFD800;
	(pc) =	sbr.rel @!p1 .LBB2_10-.Ltmp1, $4  }
0x29: {  	[hbm4b:s11+s1] =	stream.linear.scatter [tilespmem:s20], [sflag:$0x1], $0x2800, $0x38;
	[tilespmem:$0x13D30] =	vst v63  }
0x2a: {  	_ =	swait.ge [sflag:s13], $0x2800  }
0x2b: {  	[sflag:s13] =	ssyncset.done $0x0  }
0x2c: {  	[sflag:s13] =	ssyncadd.s32 $0xFFFFD800  }
.LBB2_1:
0x2d: {  	[tilespmem:s1], [sflag:$0x1] =	stream.linear.gather [hbm4b:s4+s1], $0x2710, $0x38;
	[tilespmem:$0x13D30] =	vst v63  }
0x2e: {  	_ =	swait.ge [sflag:s13], $0x2710  }
0x2f: {  	[sflag:s13] =	ssyncset.done $0x0  }
0x30: {  	[sflag:s13] =	ssyncadd.s32 $0xFFFFD8F0  }
0x31: {  	[tilespmem:s14], [sflag:$0x1] =	stream.linear.gather [hbm4b:s5+s1], $0x2710, $0x38;
	[tilespmem:$0x13D30] =	vst v63  }
0x32: {  	_ =	swait.ge [sflag:s13], $0x2710  }
0x33: {  	[sflag:s13] =	ssyncset.done $0x0  }
0x34: {  	[sflag:s13] =	ssyncadd.s32 $0xFFFFD8F0  }
0x35: {  	[tilespmem:s15], [sflag:$0x1] =	stream.linear.gather [hbm4b:s6+s1], $0x2710, $0x38;
	[tilespmem:$0x13D30] =	vst v63  }
0x36: {  	_ =	swait.ge [sflag:s13], $0x2710  }
0x37: {  	[sflag:s13] =	ssyncset.done $0x0  }
0x38: {  	s23 =	simm.s32 $0x40;
	s22 =	simm.s32 $0x0;
	[sflag:s13] =	ssyncadd.s32 $0xFFFFD8F0  }
.LBB2_2:
0x39: {  	p1 =	sne.s32 s23, $0x9FC0;
	[tilespmem:s22+$0x11530] =	vst v1;
	s24 =	smov.u32 s23;
	s23 =	sadd.s32 $0x40, s23  }
.Ltmp2:
0x3a: {  	[tilespmem:s22+$0xED30] =	vst v1;
	(pc) =	sbr.rel @p1 .LBB2_2-.Ltmp2, $4  }
0x3b: {  	[tilespmem:s22+$0xC530] =	vst v1  }
0x3c: {  	[tilespmem:s22+$0x7530] =	vst v0  }
0x3d: {  	[tilespmem:s22+$0x9D30] =	vst v1  }
0x3e: {  	s22 =	sshra.s32 s24, $0x2  }
.Ltmp3:
0x3f: {  	[tilespmem:s22+$0x11530] =	vst v1;
	(pc) =	sbr.rel .LBB2_4-.Ltmp3, $4  }
0x40: {  	[tilespmem:s22+$0xED30] =	vst v1  }
0x41: {  	[tilespmem:s22+$0xC530] =	vst v1  }
0x42: {  	[tilespmem:s22+$0x7530] =	vst v0  }
0x43: {  	[tilespmem:s22+$0x9D30] =	vst v1;
	s22 =	simm.s32 $0x0  }
.LBB2_11:
0x44: {  	_ =	sdelay $0x3  }
0x45: {  	v8 =	vld.idx.msk [tilespmem:v7+s17+$0x0], $0xffff;
	_ =	sdelay $0x4  }
0x46: {  	vm1 =	veq.f32 v8, v6;
	_ =	sdelay $0x5  }
0x47: {  	[tilespmem:v7+s18+$0x0] =	vst.idx.msk vm1, v4  }
.LBB2_8:
0x48: {  	_ =	sdelay $0x3  }
0x49: {  	v7 =	vld.idx.msk [tilespmem:v5+s19+$0x0], $0xffff;
	_ =	sdelay $0x4  }
0x4a: {  	s22 =	sadd.s32 $0x1, s22;
	vm1 =	veq.f32 v7, v6  }
0x4b: {  	p1 =	sne.s32 s22, $0x271  }
.Ltmp4:
0x4c: {  	_ = 	snop;
	(pc) =	sbr.rel @!p1 .LBB2_9-.Ltmp4, $2  }
0x4d: {  	_ =	sdelay $0x2  }
0x4e: {  	[tilespmem:v5+s20+$0x0] =	vst.idx.msk vm1, v4  }
.LBB2_4:
0x4f: {  	s23 =	sshll.u32 s22, $0x4  }
0x50: {  	v7 =	vld [tilespmem:s23+$0x2710]  }
0x51: {  	v5 =	vld [tilespmem:s23+$0x0];
	_ =	sdelay $0x1  }
0x52: {  	vm1 =	vmmov vm0;
	v4 =	vld [tilespmem:s23+$0x4E20]  }
.Ltmp5:
0x53: {  	s24 =	sadd.s32 s23, s3;
	(pc) =	sbr.rel @p0 .LBB2_11-.Ltmp5, $3  }
0x54: {  	s24 =	scvt.s32.f32 s24;
	_ =	sdelay $0x1  }
0x55: {  	v6 =	vadd.f32 s24, v2  }
0x56: {  	[tilespmem:v7+s16+$0x0] =	vst.idx.add.f32.msk $0xffff, v4  }
.LBB2_5:
0x57: {  	[tilespmem:v7+s17+$0x0] =	vst.idx.msk vm1, v6  }
0x58: {  	v8 =	vld.idx.msk [tilespmem:v7+s17+$0x0], $0xffff;
	_ =	sdelay $0x4  }
0x59: {  	vm1 =	vlt.f32 v8, v6  }
0x5a: {  	v9 =	vsel vm1, $0x1, v3  }
0x5b: {  	(xrf0) =	vadd.scan.msk.s32 $0xffff, v9;
	_ =	sdelay $0x5  }
0x5c: {  	v9, _, _ =	vpop (xrf0)  }
0x5d: {  	(v2sf) =	vpush v9, $0xF;
	_ =	sdelay $0xe  }
0x5e: {  	s23 =	spop (v2sf)  }
0x5f: {  	p1 =	sgt.s32 s23, $0x0  }
.Ltmp6:
0x60: {  	_ = 	snop;
	(pc) =	sbr.rel @p1 .LBB2_5-.Ltmp6, $1  }
0x61: {  	_ =	sdelay $0x3  }
0x62: {  	vm1 =	veq.f32 v8, v6;
	_ =	sdelay $0x5  }
0x63: {  	[tilespmem:v7+s18+$0x0] =	vst.idx.msk vm1, v4;
	vm1 =	vmmov vm0  }
.LBB2_7:
0x64: {  	[tilespmem:v5+s19+$0x0] =	vst.idx.msk vm1, v6  }
0x65: {  	v7 =	vld.idx.msk [tilespmem:v5+s19+$0x0], $0xffff;
	_ =	sdelay $0x4  }
0x66: {  	vm1 =	vlt.f32 v7, v6  }
0x67: {  	v7 =	vsel vm1, $0x1, v3  }
0x68: {  	(xrf0) =	vadd.scan.msk.s32 $0xffff, v7;
	_ =	sdelay $0x5  }
0x69: {  	v7, _, _ =	vpop (xrf0)  }
0x6a: {  	(v2sf) =	vpush v7, $0xF;
	_ =	sdelay $0xe  }
0x6b: {  	s23 =	spop (v2sf)  }
0x6c: {  	p1 =	sgt.s32 s23, $0x0  }
.Ltmp7:
0x6d: {  	_ = 	snop;
	(pc) =	sbr.rel @p1 .LBB2_7-.Ltmp7, $1  }
0x6e: {  	_ =	sdelay $0x3  }
.Ltmp8:
0x6f: {  	_ = 	snop;
	(pc) =	sbr.rel .LBB2_8-.Ltmp8, $1  }
0x70: {  	_ =	sdelay $0x3  }
.LBB2_10:
0x71: {  	_ =	sfence.sel $0x180000  }
0x72: {  	[bflag:$0x0] =	sbarrier.arrive $0xFFFF  }
0x73: {  	p0 =	sne.s32 s2, $0x0;
	_ =	strace $0x90000047  }
0x74: {  	s0 =	sadd.s32 @!p0 $0x100000, s0;
	[bflag:$0x2] =	sbarrier.arrive $0xFFFF  }
0x75: {  	[sflag:s0] =	ssyncadd.tile.s32 @!p0 $0x1;
	_ =	shalt  }
.Lfunc_end2:
_tile_overlayer_lowered:
.L_overlay_start_2:
0x76: {  	(tag) =	ssettag $0x2  }
0x77: {  	s0 =	rddreg [dreg:$0x0];
	s2 =	stileid.u32  }
0x78: {  	s1 =	rddreg [dreg:$0x1];
	p0 =	sne.s32 s2, $0x0  }
0x79: {  	s3 =	rddreg [dreg:$0x2];
	[bflag:$0x3] =	sbarrier.arrive $0xFFFF;
	s2 =	simm.s32 @!p0 $0x1C01  }
0x7a: {  	[timem:s3], [sflag:s2] =	dma.local @!p0 [hbm:s0], s1  }
0x7b: {  	s0 =	simm.s32 @!p0 $0x1  }
0x7c: {  	_ =	swait.ge @!p0 [sflag:s0], s1  }
0x7d: {  	s1 =	ssub.s32 @!p0 $0x0, s1;
	[sflag:s0] =	ssyncset.done @!p0 $0x0  }
0x7e: {  	[sflag:s0] =	ssyncadd.s32 @!p0 s1  }
0x7f: {  	[bflag:$0x3] =	sbarrier.arrive $0xFFFF  }
0x80: {  	_ =	shalt  }

</sc_bundles>
